<compile_context>
chip_gen: v7x
topology: tpu7x:2x2x1
jax: 0.10.2.dev20260603
libtpu: 0.0.44.dev20260713+nightly
codegen_flags: <defaults>
</compile_context>

<pallas_src>
import numpy as np
import jax
import jax.numpy as jnp
from jax import lax
from jax.experimental import pallas as pl
from jax.experimental.pallas import tpu as pltpu
from jax.experimental.pallas import tpu_sc as plsc

_FREQ_EDGES = np.array([0.001, 0.0014678, 0.0021544, 0.0031623, 0.0046416,
                        0.0068129, 0.01, 0.014678, 0.021544, 0.031623,
                        0.046416, 0.068129, 0.1, 0.14678, 0.21544, 0.31623,
                        0.46416, 0.68129, 1.0, 1.4678, 2.1544, 3.1623,
                        4.6416, 6.8129, 10.0], dtype=np.float32)
_DT_EDGES_F32 = np.sort(1.0 / _FREQ_EDGES).astype(np.float32)

_BIN_A = 2.1573852e-07
_BIN_B = -223.26727
_DT_TABLE = np.full((32,), np.inf, dtype=np.float32)
_DT_TABLE[0] = -np.inf
_DT_TABLE[1:24] = _DT_EDGES_F32[1:24]

_B = 64
_L = 512
_TI = 8
_LP = _L + 16
_NLANE = 16
_HROW = 32
_HSZ = 24 * _HROW
_HSTR = _HSZ + 1
_CHUNKS = _LP // _NLANE


def _sc_body(t_hbm, m_hbm, v_hbm, e_hbm, out_hbm, t_v, m_v, v_v, hist_v,
             tmp_v, e_v):
    pltpu.sync_copy(e_hbm, e_v.at[pl.ds(0, 32)])
    wid = lax.axis_index("s") * 2 + lax.axis_index("c")
    lane = lax.iota(jnp.int32, _NLANE)
    laneoff = lane * _HSTR
    eoff = lane * 33
    e_lo = e_v[pl.ds(0, _NLANE)]
    e_hi = e_v[pl.ds(_NLANE, _NLANE)]
    for l in range(1, _NLANE):
        e_v[pl.ds(l * 33, _NLANE)] = e_lo
        e_v[pl.ds(l * 33 + _NLANE, _NLANE)] = e_hi
    zeros16 = jnp.zeros((_NLANE,), jnp.float32)
    masksf = [(lane >= u).astype(jnp.float32) for u in range(_TI)]

    def lane_sum(vec):
        for sft in (8, 4, 2, 1):
            tmp_v[pl.ds(0, _NLANE)] = vec
            vec = vec + plsc.load_gather(tmp_v, [lane ^ sft])
        return vec

    for ss in range(2):
        b = wid * 2 + ss

        pltpu.sync_copy(t_hbm.at[b], t_v)
        pltpu.sync_copy(m_hbm.at[b], m_v)
        pltpu.sync_copy(v_hbm.at[b], v_v)

        @plsc.parallel_loop(0, (_HSTR * _NLANE + _NLANE - 1) // _NLANE,
                            unroll=8)
        def zero_body(k):
            hist_v[pl.ds(k * _NLANE, _NLANE)] = zeros16

        def stat1(k, carry):
            sv, svm = carry
            vv = v_v[pl.ds(k * _NLANE, _NLANE)]
            mm = m_v[pl.ds(k * _NLANE, _NLANE)]
            return sv + vv, svm + vv * mm
        svl, svml = lax.fori_loop(0, _CHUNKS, stat1, (zeros16, zeros16))
        loc = lane_sum(svml) / lane_sum(svl)

        def stat2(k, acc):
            vv = v_v[pl.ds(k * _NLANE, _NLANE)]
            d = m_v[pl.ds(k * _NLANE, _NLANE)] - loc
            return acc + vv * d * d
        svarl = lax.fori_loop(0, _CHUNKS, stat2, zeros16)
        var = lane_sum(svarl) / lane_sum(svl)

        bits = plsc.bitcast(var, jnp.int32)
        y = plsc.bitcast(jnp.int32(0x5F3759DF) - (bits >> 1), jnp.float32)
        for _ in range(3):
            y = y * (1.5 - 0.5 * var * y * y)
        s8v = 8.0 * y

        @plsc.parallel_loop(0, _CHUNKS, unroll=4)
        def prescale(k, base=None):
            m_v[pl.ds(k * _NLANE, _NLANE)] = (
                m_v[pl.ds(k * _NLANE, _NLANE)] * s8v)

        def outer(it, _):
            i0 = it * _TI
            tis, mis, vis = [], [], []
            for u in range(_TI):
                idx_i = jnp.full((_NLANE,), i0 + u, dtype=jnp.int32)
                tis.append(plsc.load_gather(t_v, [idx_i]))
                mis.append(plsc.load_gather(m_v, [idx_i]))
                vis.append(plsc.load_gather(v_v, [idx_i]))

            def do_chunk(ju, masked):
                tj = t_v[pl.ds(ju, _NLANE)]
                mj = m_v[pl.ds(ju, _NLANE)]
                vj = v_v[pl.ds(ju, _NLANE)]
                for u in range(_TI):
                    dt = tj - tis[u]
                    w = vj * vis[u]
                    if masked and u > 0:
                        w = w * masksf[u]
                    a = jnp.abs(mj - mis[u])
                    dmb = jnp.minimum(a, 23.0).astype(jnp.int32)
                    xf = plsc.bitcast(dt, jnp.int32).astype(jnp.float32)
                    f = xf * _BIN_A + _BIN_B
                    b0 = jnp.clip(f.astype(jnp.int32), 0, 24)
                    low = dt < plsc.load_gather(e_v, [b0 + eoff])
                    dtb = jnp.where(low, b0 - 1, b0)
                    flat = dmb * _HROW + dtb + laneoff
                    plsc.addupdate_scatter(hist_v, [flat], w)

            do_chunk(i0 + 1, True)
            @plsc.parallel_loop(i0 + 1 + _NLANE, _L, step=_NLANE, unroll=2)
            def inner(ju):
                do_chunk(ju, False)

            return 0

        lax.fori_loop(0, _L // _TI, outer, 0)

        @plsc.parallel_loop(0, _HSZ // _NLANE, unroll=2)
        def red(k):
            acc = hist_v[pl.ds(k * _NLANE, _NLANE)]
            for l in range(1, _NLANE):
                acc = acc + hist_v[pl.ds(l * _HSTR + k * _NLANE, _NLANE)]
            hist_v[pl.ds(k * _NLANE, _NLANE)] = acc

        pltpu.sync_copy(hist_v.at[pl.ds(0, _HSZ)], out_hbm.at[b])


_pair_hist = pl.kernel(
    _sc_body,
    out_type=jax.ShapeDtypeStruct((_B, _HSZ), jnp.float32),
    mesh=plsc.VectorSubcoreMesh(core_axis_name="c", subcore_axis_name="s"),
    compiler_params=pltpu.CompilerParams(needs_layout_passes=False),
    scratch_types=[
        pltpu.VMEM((_LP,), jnp.float32),
        pltpu.VMEM((_LP,), jnp.float32),
        pltpu.VMEM((_LP,), jnp.float32),
        pltpu.VMEM((_HSTR * _NLANE + _NLANE,), jnp.float32),
        pltpu.VMEM((128,), jnp.float32),
        pltpu.VMEM((15 * 33 + 32,), jnp.float32),
    ],
)


def _tc_body(h_ref, out_ref, valid_ref):
    h = h_ref[...]
    dtc = jnp.sum(h, axis=1)
    validm = dtc > 0.0
    safe = jnp.where(validm, dtc, 1.0)
    dmg = jnp.where(validm[:, None, :], h / safe[:, None, :], 0.0)
    unc = jnp.where(validm, 1.0 / jnp.sqrt(safe), 0.0)
    unc3 = jnp.broadcast_to(unc[:, None, :], (_B, 24, _HROW))
    out_ref[...] = jnp.concatenate([dmg[:, None], unc3[:, None]], axis=1)
    valid_ref[...] = validm.astype(jnp.float32)


_epilogue = pl.pallas_call(
    _tc_body,
    out_shape=[
        jax.ShapeDtypeStruct((_B, 2, 24, _HROW), jnp.float32),
        jax.ShapeDtypeStruct((_B, _HROW), jnp.float32),
    ],
)


def kernel(light_curve, valid_mask):
    t = light_curve[:, 0, :]
    m = light_curve[:, 1, :]
    pad = jnp.zeros((_B, _LP - _L), jnp.float32)
    tp = jnp.concatenate([t, pad], axis=1)
    mp = jnp.concatenate([m, pad], axis=1)
    vp = jnp.concatenate([valid_mask.astype(jnp.float32), pad], axis=1)

    hist = _pair_hist(tp, mp, vp, jnp.asarray(_DT_TABLE)).reshape(
        _B, 24, _HROW)
    out_pad, valid_f = _epilogue(hist)

    out = out_pad[:, :, :, :24]
    vb = valid_f[:, :24] > 0.0
    valid_mask_dmdt = jnp.broadcast_to(vb[:, None, :], (_B, 24, 24))
    return out, valid_mask_dmdt

# --- scband reference (transcript-rebuilt; emitter-appended) ---
"""Pipeline reference for scband-light-curve-dm-dt-binner-18794776887600 (READ-ONLY COPY).

The authoritative reference and input builder live on the scoring server;
editing this copy changes nothing except your own understanding.
"""

import jax, jax.numpy as jnp
import numpy as np

FREQ_EDGES = np.array([0.001, 0.0014678, 0.0021544, 0.0031623, 0.0046416, 0.0068129, 0.01, 0.014678, 0.021544, 0.031623, 0.046416, 0.068129, 0.1, 0.14678, 0.21544, 0.31623, 0.46416, 0.68129, 1.0, 1.4678, 2.1544, 3.1623, 4.6416, 6.8129, 10.0], dtype=np.float32)
MAG_EDGES = np.array([0.125 * k for k in range(25)], dtype=np.float32)
DT_EDGES = np.sort(1.0 / FREQ_EDGES)
DT_NB = 24
DM_NB = 24


def setup_inputs(seed: int = 0):
    key = jax.random.key(seed)
    k1, k2, k3, k4 = jax.random.split(key, 4)
    B, L = 64, 512
    time = jnp.sort(jax.random.uniform(k1, (B, L), dtype=jnp.float32) * 1000.0, axis=-1)
    mag = jax.random.normal(k2, (B, L), dtype=jnp.float32) * 0.5 + 15.0
    err = jax.random.uniform(k3, (B, L), dtype=jnp.float32) * 0.1
    light_curve = jnp.stack([time, mag, err], axis=-2)
    valid_mask = (jax.random.uniform(k4, (B, L)) > 0.2).astype(jnp.float32)
    return {"light_curve": light_curve, "valid_mask": valid_mask}


def _forward(light_curve, valid_mask):
    dt_edges = jnp.asarray(DT_EDGES)
    dm_edges = jnp.asarray(MAG_EDGES)
    time = light_curve[..., 0, :]
    mag = light_curve[..., 1, :]
    B, L = time.shape
    msum = valid_mask.sum(axis=-1, keepdims=True)
    loc = (mag * valid_mask).sum(axis=-1, keepdims=True) / msum
    scale = jnp.sqrt(((mag - loc) ** 2 * valid_mask).sum(axis=-1, keepdims=True) / msum)
    mag = (mag - loc) / scale
    i, j = jnp.triu_indices(L, k=1)
    dt = time[:, j] - time[:, i]
    dm = jnp.abs(mag[:, j] - mag[:, i])
    dw = valid_mask[:, i] * valid_mask[:, j]
    dt_bin = jnp.clip(jnp.searchsorted(dt_edges, dt, side='right') - 1, 0, DT_NB - 1)
    dm_bin = jnp.clip(jnp.searchsorted(dm_edges, dm, side='right') - 1, 0, DM_NB - 1)
    bins_per = DT_NB * DM_NB
    flat = (dt_bin + dm_bin * DT_NB).ravel()
    batch_idx = jnp.repeat(jnp.arange(B), dt.shape[1])
    flat_global = flat + batch_idx * bins_per
    counts = jnp.zeros(B * bins_per, dtype=dt.dtype).at[flat_global].add(dw.ravel())
    dmdt = counts.reshape(B, DM_NB, DT_NB)
    dt_counts = dmdt.sum(axis=-2, keepdims=True)
    valid = dt_counts > 0
    safe = jnp.where(valid, dt_counts, 1.0)
    dm_given_dt = jnp.where(valid, dmdt / safe, 0.0)
    unc = jnp.broadcast_to(jnp.where(valid, 1.0 / jnp.sqrt(safe), 0.0), dmdt.shape)
    out = jnp.concatenate([dm_given_dt[:, None], unc[:, None]], axis=1)
    valid_mask_dmdt = jnp.broadcast_to(valid, dmdt.shape)
    return out, valid_mask_dmdt


def reference(light_curve, valid_mask):
    return _forward(light_curve, valid_mask)

if __name__ == "__main__":
    import jax
    _d = setup_inputs()
    print(jax.jit(kernel)(*tuple(_d.values())))

</pallas_src>

<mosaic_0001>
#map = affine_map<(d0, d1) -> (0, 0)>
#map1 = affine_map<(d0, d1) -> (0)>
module attributes {stable_mosaic.version = 14 : i64} {
  func.func @_sc_body(%arg0: i32, %arg1: i32, %arg2: memref<64x528xf32, #tpu.memory_space<hbm>>, %arg3: memref<64x528xf32, #tpu.memory_space<hbm>>, %arg4: memref<64x528xf32, #tpu.memory_space<hbm>>, %arg5: memref<32xf32, #tpu.memory_space<hbm>>, %arg6: memref<64x768xf32, #tpu.memory_space<hbm>>, %arg7: memref<528xf32, #tpu.memory_space<vmem>>, %arg8: memref<528xf32, #tpu.memory_space<vmem>>, %arg9: memref<528xf32, #tpu.memory_space<vmem>>, %arg10: memref<12320xf32, #tpu.memory_space<vmem>>, %arg11: memref<128xf32, #tpu.memory_space<vmem>>, %arg12: memref<527xf32, #tpu.memory_space<vmem>>) attributes {dimension_semantics = [#tpu.dimension_semantics<core_parallel>, #tpu.dimension_semantics<subcore_parallel>], iteration_bounds = array<i64: 2, 16>, scalar_prefetch = 0 : i64, scratch_operands = 6 : i64, tpu.core_type = #tpu.core_type<sc_vector_subcore>, window_params = [{transform_indices = #map}, {transform_indices = #map}, {transform_indices = #map}, {transform_indices = #map1}, {transform_indices = #map}]} {
    "tpu.region"() ({
      %run_scoped3A = tpu.sem_alloc : memref<!tpu.dma_semaphore, #tpu.memory_space<semaphore_mem>>
      %dma_start3A = arith.constant 0 : i32
      %dma_start3A_468 = tpu.memref_slice %arg12[%dma_start3A] : memref<527xf32, #tpu.memory_space<vmem>> -> memref<32xf32, #tpu.memory_space<vmem>>
      %dma_start3A_469 = arith.constant 0 : i32
      %dma_start3A_470 = tpu.memref_slice %arg12[%dma_start3A_469] : memref<527xf32, #tpu.memory_space<vmem>> -> memref<32xf32, #tpu.memory_space<vmem>>
      tpu.enqueue_dma source(%arg5 : memref<32xf32, #tpu.memory_space<hbm>>) target(%dma_start3A_470 : memref<32xf32, #tpu.memory_space<vmem>>) target_semaphore(%run_scoped3A : memref<!tpu.dma_semaphore, #tpu.memory_space<semaphore_mem>>)
      %dma_wait3A = arith.constant 0 : i32
      %dma_wait3A_471 = tpu.memref_slice %arg12[%dma_wait3A] : memref<527xf32, #tpu.memory_space<vmem>> -> memref<32xf32, #tpu.memory_space<vmem>>
      %dma_wait3A_472 = arith.constant 0 : i32
      %dma_wait3A_473 = tpu.memref_slice %arg12[%dma_wait3A_472] : memref<527xf32, #tpu.memory_space<vmem>> -> memref<32xf32, #tpu.memory_space<vmem>>
      tpu.wait_dma2 semaphore(%run_scoped3A : memref<!tpu.dma_semaphore, #tpu.memory_space<semaphore_mem>>) src(%arg5 : memref<32xf32, #tpu.memory_space<hbm>>) dst(%dma_wait3A_473 : memref<32xf32, #tpu.memory_space<vmem>>)
      tpu.yield
    }) : () -> ()
    %mul3A = arith.constant 2 : i32
    %mul3A_0 = arith.muli %arg1, %mul3A : i32
    %add3A = arith.addi %mul3A_0, %arg0 : i32
    %iota3A = tpu.iota {dimensions = array<i32: 0>} : vector<16xi32>
    %mul3A_1 = arith.constant 769 : i32
    %mul3A_2 = vector.broadcast %mul3A_1 : i32 to vector<16xi32>
    %mul3A_3 = arith.muli %iota3A, %mul3A_2 : vector<16xi32>
    %mul3A_4 = arith.constant 33 : i32
    %mul3A_5 = vector.broadcast %mul3A_4 : i32 to vector<16xi32>
    %mul3A_6 = arith.muli %iota3A, %mul3A_5 : vector<16xi32>
    %get3A = arith.constant 0 : index
    %get3A_7 = tpu.vector_load %arg12[%get3A] {strides = array<i32>} : memref<527xf32, #tpu.memory_space<vmem>>, vector<16xf32>,
    %get3A_8 = arith.constant 16 : index
    %get3A_9 = tpu.vector_load %arg12[%get3A_8] {strides = array<i32>} : memref<527xf32, #tpu.memory_space<vmem>>, vector<16xf32>,
    %swap3A = arith.constant 33 : index
    %swap3A_10 = tpu.vector_load %arg12[%swap3A] {strides = array<i32>} : memref<527xf32, #tpu.memory_space<vmem>>, vector<16xf32>,
    tpu.vector_store %arg12[%swap3A], %get3A_7 {strides = array<i32>} : memref<527xf32, #tpu.memory_space<vmem>>, vector<16xf32>,
    %swap3A_11 = arith.constant 49 : index
    %swap3A_12 = tpu.vector_load %arg12[%swap3A_11] {strides = array<i32>} : memref<527xf32, #tpu.memory_space<vmem>>, vector<16xf32>,
    tpu.vector_store %arg12[%swap3A_11], %get3A_9 {strides = array<i32>} : memref<527xf32, #tpu.memory_space<vmem>>, vector<16xf32>,
    %swap3A_13 = arith.constant 66 : index
    %swap3A_14 = tpu.vector_load %arg12[%swap3A_13] {strides = array<i32>} : memref<527xf32, #tpu.memory_space<vmem>>, vector<16xf32>,
    tpu.vector_store %arg12[%swap3A_13], %get3A_7 {strides = array<i32>} : memref<527xf32, #tpu.memory_space<vmem>>, vector<16xf32>,
    %swap3A_15 = arith.constant 82 : index
    %swap3A_16 = tpu.vector_load %arg12[%swap3A_15] {strides = array<i32>} : memref<527xf32, #tpu.memory_space<vmem>>, vector<16xf32>,
    tpu.vector_store %arg12[%swap3A_15], %get3A_9 {strides = array<i32>} : memref<527xf32, #tpu.memory_space<vmem>>, vector<16xf32>,
    %swap3A_17 = arith.constant 99 : index
    %swap3A_18 = tpu.vector_load %arg12[%swap3A_17] {strides = array<i32>} : memref<527xf32, #tpu.memory_space<vmem>>, vector<16xf32>,
    tpu.vector_store %arg12[%swap3A_17], %get3A_7 {strides = array<i32>} : memref<527xf32, #tpu.memory_space<vmem>>, vector<16xf32>,
    %swap3A_19 = arith.constant 115 : index
    %swap3A_20 = tpu.vector_load %arg12[%swap3A_19] {strides = array<i32>} : memref<527xf32, #tpu.memory_space<vmem>>, vector<16xf32>,
    tpu.vector_store %arg12[%swap3A_19], %get3A_9 {strides = array<i32>} : memref<527xf32, #tpu.memory_space<vmem>>, vector<16xf32>,
    %swap3A_21 = arith.constant 132 : index
    %swap3A_22 = tpu.vector_load %arg12[%swap3A_21] {strides = array<i32>} : memref<527xf32, #tpu.memory_space<vmem>>, vector<16xf32>,
    tpu.vector_store %arg12[%swap3A_21], %get3A_7 {strides = array<i32>} : memref<527xf32, #tpu.memory_space<vmem>>, vector<16xf32>,
    %swap3A_23 = arith.constant 148 : index
    %swap3A_24 = tpu.vector_load %arg12[%swap3A_23] {strides = array<i32>} : memref<527xf32, #tpu.memory_space<vmem>>, vector<16xf32>,
    tpu.vector_store %arg12[%swap3A_23], %get3A_9 {strides = array<i32>} : memref<527xf32, #tpu.memory_space<vmem>>, vector<16xf32>,
    %swap3A_25 = arith.constant 165 : index
    %swap3A_26 = tpu.vector_load %arg12[%swap3A_25] {strides = array<i32>} : memref<527xf32, #tpu.memory_space<vmem>>, vector<16xf32>,
    tpu.vector_store %arg12[%swap3A_25], %get3A_7 {strides = array<i32>} : memref<527xf32, #tpu.memory_space<vmem>>, vector<16xf32>,
    %swap3A_27 = arith.constant 181 : index
    %swap3A_28 = tpu.vector_load %arg12[%swap3A_27] {strides = array<i32>} : memref<527xf32, #tpu.memory_space<vmem>>, vector<16xf32>,
    tpu.vector_store %arg12[%swap3A_27], %get3A_9 {strides = array<i32>} : memref<527xf32, #tpu.memory_space<vmem>>, vector<16xf32>,
    %swap3A_29 = arith.constant 198 : index
    %swap3A_30 = tpu.vector_load %arg12[%swap3A_29] {strides = array<i32>} : memref<527xf32, #tpu.memory_space<vmem>>, vector<16xf32>,
    tpu.vector_store %arg12[%swap3A_29], %get3A_7 {strides = array<i32>} : memref<527xf32, #tpu.memory_space<vmem>>, vector<16xf32>,
    %swap3A_31 = arith.constant 214 : index
    %swap3A_32 = tpu.vector_load %arg12[%swap3A_31] {strides = array<i32>} : memref<527xf32, #tpu.memory_space<vmem>>, vector<16xf32>,
    tpu.vector_store %arg12[%swap3A_31], %get3A_9 {strides = array<i32>} : memref<527xf32, #tpu.memory_space<vmem>>, vector<16xf32>,
    %swap3A_33 = arith.constant 231 : index
    %swap3A_34 = tpu.vector_load %arg12[%swap3A_33] {strides = array<i32>} : memref<527xf32, #tpu.memory_space<vmem>>, vector<16xf32>,
    tpu.vector_store %arg12[%swap3A_33], %get3A_7 {strides = array<i32>} : memref<527xf32, #tpu.memory_space<vmem>>, vector<16xf32>,
    %swap3A_35 = arith.constant 247 : index
    %swap3A_36 = tpu.vector_load %arg12[%swap3A_35] {strides = array<i32>} : memref<527xf32, #tpu.memory_space<vmem>>, vector<16xf32>,
    tpu.vector_store %arg12[%swap3A_35], %get3A_9 {strides = array<i32>} : memref<527xf32, #tpu.memory_space<vmem>>, vector<16xf32>,
    %swap3A_37 = arith.constant 264 : index
    %swap3A_38 = tpu.vector_load %arg12[%swap3A_37] {strides = array<i32>} : memref<527xf32, #tpu.memory_space<vmem>>, vector<16xf32>,
    tpu.vector_store %arg12[%swap3A_37], %get3A_7 {strides = array<i32>} : memref<527xf32, #tpu.memory_space<vmem>>, vector<16xf32>,
    %swap3A_39 = arith.constant 280 : index
    %swap3A_40 = tpu.vector_load %arg12[%swap3A_39] {strides = array<i32>} : memref<527xf32, #tpu.memory_space<vmem>>, vector<16xf32>,
    tpu.vector_store %arg12[%swap3A_39], %get3A_9 {strides = array<i32>} : memref<527xf32, #tpu.memory_space<vmem>>, vector<16xf32>,
    %swap3A_41 = arith.constant 297 : index
    %swap3A_42 = tpu.vector_load %arg12[%swap3A_41] {strides = array<i32>} : memref<527xf32, #tpu.memory_space<vmem>>, vector<16xf32>,
    tpu.vector_store %arg12[%swap3A_41], %get3A_7 {strides = array<i32>} : memref<527xf32, #tpu.memory_space<vmem>>, vector<16xf32>,
    %swap3A_43 = arith.constant 313 : index
    %swap3A_44 = tpu.vector_load %arg12[%swap3A_43] {strides = array<i32>} : memref<527xf32, #tpu.memory_space<vmem>>, vector<16xf32>,
    tpu.vector_store %arg12[%swap3A_43], %get3A_9 {strides = array<i32>} : memref<527xf32, #tpu.memory_space<vmem>>, vector<16xf32>,
    %swap3A_45 = arith.constant 330 : index
    %swap3A_46 = tpu.vector_load %arg12[%swap3A_45] {strides = array<i32>} : memref<527xf32, #tpu.memory_space<vmem>>, vector<16xf32>,
    tpu.vector_store %arg12[%swap3A_45], %get3A_7 {strides = array<i32>} : memref<527xf32, #tpu.memory_space<vmem>>, vector<16xf32>,
    %swap3A_47 = arith.constant 346 : index
    %swap3A_48 = tpu.vector_load %arg12[%swap3A_47] {strides = array<i32>} : memref<527xf32, #tpu.memory_space<vmem>>, vector<16xf32>,
    tpu.vector_store %arg12[%swap3A_47], %get3A_9 {strides = array<i32>} : memref<527xf32, #tpu.memory_space<vmem>>, vector<16xf32>,
    %swap3A_49 = arith.constant 363 : index
    %swap3A_50 = tpu.vector_load %arg12[%swap3A_49] {strides = array<i32>} : memref<527xf32, #tpu.memory_space<vmem>>, vector<16xf32>,
    tpu.vector_store %arg12[%swap3A_49], %get3A_7 {strides = array<i32>} : memref<527xf32, #tpu.memory_space<vmem>>, vector<16xf32>,
    %swap3A_51 = arith.constant 379 : index
    %swap3A_52 = tpu.vector_load %arg12[%swap3A_51] {strides = array<i32>} : memref<527xf32, #tpu.memory_space<vmem>>, vector<16xf32>,
    tpu.vector_store %arg12[%swap3A_51], %get3A_9 {strides = array<i32>} : memref<527xf32, #tpu.memory_space<vmem>>, vector<16xf32>,
    %swap3A_53 = arith.constant 396 : index
    %swap3A_54 = tpu.vector_load %arg12[%swap3A_53] {strides = array<i32>} : memref<527xf32, #tpu.memory_space<vmem>>, vector<16xf32>,
    tpu.vector_store %arg12[%swap3A_53], %get3A_7 {strides = array<i32>} : memref<527xf32, #tpu.memory_space<vmem>>, vector<16xf32>,
    %swap3A_55 = arith.constant 412 : index
    %swap3A_56 = tpu.vector_load %arg12[%swap3A_55] {strides = array<i32>} : memref<527xf32, #tpu.memory_space<vmem>>, vector<16xf32>,
    tpu.vector_store %arg12[%swap3A_55], %get3A_9 {strides = array<i32>} : memref<527xf32, #tpu.memory_space<vmem>>, vector<16xf32>,
    %swap3A_57 = arith.constant 429 : index
    %swap3A_58 = tpu.vector_load %arg12[%swap3A_57] {strides = array<i32>} : memref<527xf32, #tpu.memory_space<vmem>>, vector<16xf32>,
    tpu.vector_store %arg12[%swap3A_57], %get3A_7 {strides = array<i32>} : memref<527xf32, #tpu.memory_space<vmem>>, vector<16xf32>,
    %swap3A_59 = arith.constant 445 : index
    %swap3A_60 = tpu.vector_load %arg12[%swap3A_59] {strides = array<i32>} : memref<527xf32, #tpu.memory_space<vmem>>, vector<16xf32>,
    tpu.vector_store %arg12[%swap3A_59], %get3A_9 {strides = array<i32>} : memref<527xf32, #tpu.memory_space<vmem>>, vector<16xf32>,
    %swap3A_61 = arith.constant 462 : index
    %swap3A_62 = tpu.vector_load %arg12[%swap3A_61] {strides = array<i32>} : memref<527xf32, #tpu.memory_space<vmem>>, vector<16xf32>,
    tpu.vector_store %arg12[%swap3A_61], %get3A_7 {strides = array<i32>} : memref<527xf32, #tpu.memory_space<vmem>>, vector<16xf32>,
    %swap3A_63 = arith.constant 478 : index
    %swap3A_64 = tpu.vector_load %arg12[%swap3A_63] {strides = array<i32>} : memref<527xf32, #tpu.memory_space<vmem>>, vector<16xf32>,
    tpu.vector_store %arg12[%swap3A_63], %get3A_9 {strides = array<i32>} : memref<527xf32, #tpu.memory_space<vmem>>, vector<16xf32>,
    %swap3A_65 = arith.constant 495 : index
    %swap3A_66 = tpu.vector_load %arg12[%swap3A_65] {strides = array<i32>} : memref<527xf32, #tpu.memory_space<vmem>>, vector<16xf32>,
    tpu.vector_store %arg12[%swap3A_65], %get3A_7 {strides = array<i32>} : memref<527xf32, #tpu.memory_space<vmem>>, vector<16xf32>,
    %swap3A_67 = arith.constant 511 : index
    %swap3A_68 = tpu.vector_load %arg12[%swap3A_67] {strides = array<i32>} : memref<527xf32, #tpu.memory_space<vmem>>, vector<16xf32>,
    tpu.vector_store %arg12[%swap3A_67], %get3A_9 {strides = array<i32>} : memref<527xf32, #tpu.memory_space<vmem>>, vector<16xf32>,
    %broadcast_in_dim3A = arith.constant 0.000000e+00 : f32
    %broadcast_in_dim3A_69 = vector.broadcast %broadcast_in_dim3A : f32 to vector<16xf32>
    %ge3A = arith.constant 0 : i32
    %ge3A_70 = vector.broadcast %ge3A : i32 to vector<16xi32>
    %ge3A_71 = arith.cmpi sge, %iota3A, %ge3A_70 : vector<16xi32>
    %convert_element_type3A = arith.extui %ge3A_71 : vector<16xi1> to vector<16xi32>
    %convert_element_type3A_72 = arith.sitofp %convert_element_type3A : vector<16xi32> to vector<16xf32>
    %ge3A_73 = arith.constant 1 : i32
    %ge3A_74 = vector.broadcast %ge3A_73 : i32 to vector<16xi32>
    %ge3A_75 = arith.cmpi sge, %iota3A, %ge3A_74 : vector<16xi32>
    %convert_element_type3A_76 = arith.extui %ge3A_75 : vector<16xi1> to vector<16xi32>
    %convert_element_type3A_77 = arith.sitofp %convert_element_type3A_76 : vector<16xi32> to vector<16xf32>
    %ge3A_78 = arith.constant 2 : i32
    %ge3A_79 = vector.broadcast %ge3A_78 : i32 to vector<16xi32>
    %ge3A_80 = arith.cmpi sge, %iota3A, %ge3A_79 : vector<16xi32>
    %convert_element_type3A_81 = arith.extui %ge3A_80 : vector<16xi1> to vector<16xi32>
    %convert_element_type3A_82 = arith.sitofp %convert_element_type3A_81 : vector<16xi32> to vector<16xf32>
    %ge3A_83 = arith.constant 3 : i32
    %ge3A_84 = vector.broadcast %ge3A_83 : i32 to vector<16xi32>
    %ge3A_85 = arith.cmpi sge, %iota3A, %ge3A_84 : vector<16xi32>
    %convert_element_type3A_86 = arith.extui %ge3A_85 : vector<16xi1> to vector<16xi32>
    %convert_element_type3A_87 = arith.sitofp %convert_element_type3A_86 : vector<16xi32> to vector<16xf32>
    %ge3A_88 = arith.constant 4 : i32
    %ge3A_89 = vector.broadcast %ge3A_88 : i32 to vector<16xi32>
    %ge3A_90 = arith.cmpi sge, %iota3A, %ge3A_89 : vector<16xi32>
    %convert_element_type3A_91 = arith.extui %ge3A_90 : vector<16xi1> to vector<16xi32>
    %convert_element_type3A_92 = arith.sitofp %convert_element_type3A_91 : vector<16xi32> to vector<16xf32>
    %ge3A_93 = arith.constant 5 : i32
    %ge3A_94 = vector.broadcast %ge3A_93 : i32 to vector<16xi32>
    %ge3A_95 = arith.cmpi sge, %iota3A, %ge3A_94 : vector<16xi32>
    %convert_element_type3A_96 = arith.extui %ge3A_95 : vector<16xi1> to vector<16xi32>
    %convert_element_type3A_97 = arith.sitofp %convert_element_type3A_96 : vector<16xi32> to vector<16xf32>
    %ge3A_98 = arith.constant 6 : i32
    %ge3A_99 = vector.broadcast %ge3A_98 : i32 to vector<16xi32>
    %ge3A_100 = arith.cmpi sge, %iota3A, %ge3A_99 : vector<16xi32>
    %convert_element_type3A_101 = arith.extui %ge3A_100 : vector<16xi1> to vector<16xi32>
    %convert_element_type3A_102 = arith.sitofp %convert_element_type3A_101 : vector<16xi32> to vector<16xf32>
    %ge3A_103 = arith.constant 7 : i32
    %ge3A_104 = vector.broadcast %ge3A_103 : i32 to vector<16xi32>
    %ge3A_105 = arith.cmpi sge, %iota3A, %ge3A_104 : vector<16xi32>
    %convert_element_type3A_106 = arith.extui %ge3A_105 : vector<16xi1> to vector<16xi32>
    %convert_element_type3A_107 = arith.sitofp %convert_element_type3A_106 : vector<16xi32> to vector<16xf32>
    %mul3A_108 = arith.constant 2 : i32
    %mul3A_109 = arith.muli %add3A, %mul3A_108 : i32
    %add3A_110 = arith.constant 0 : i32
    %add3A_111 = arith.addi %mul3A_109, %add3A_110 : i32
    "tpu.region"() ({
      %run_scoped3A = tpu.sem_alloc : memref<!tpu.dma_semaphore, #tpu.memory_space<semaphore_mem>>
      %dma_start3A = arith.constant 0 : i32
      %dma_start3A_468 = tpu.memref_slice %arg2[%add3A_111, %dma_start3A] : memref<64x528xf32, #tpu.memory_space<hbm>> -> memref<1x528xf32, #tpu.memory_space<hbm>>
      %dma_start3A_469 = tpu.memref_squeeze %dma_start3A_468 : memref<1x528xf32, #tpu.memory_space<hbm>> -> memref<528xf32, #tpu.memory_space<hbm>>
      %dma_start3A_470 = arith.constant 0 : i32
      %dma_start3A_471 = tpu.memref_slice %arg2[%add3A_111, %dma_start3A_470] : memref<64x528xf32, #tpu.memory_space<hbm>> -> memref<1x528xf32, #tpu.memory_space<hbm>>
      %dma_start3A_472 = tpu.memref_squeeze %dma_start3A_471 : memref<1x528xf32, #tpu.memory_space<hbm>> -> memref<528xf32, #tpu.memory_space<hbm>>
      tpu.enqueue_dma source(%dma_start3A_472 : memref<528xf32, #tpu.memory_space<hbm>>) target(%arg7 : memref<528xf32, #tpu.memory_space<vmem>>) target_semaphore(%run_scoped3A : memref<!tpu.dma_semaphore, #tpu.memory_space<semaphore_mem>>)
      %dma_wait3A = arith.constant 0 : i32
      %dma_wait3A_473 = tpu.memref_slice %arg2[%add3A_111, %dma_wait3A] : memref<64x528xf32, #tpu.memory_space<hbm>> -> memref<1x528xf32, #tpu.memory_space<hbm>>
      %dma_wait3A_474 = tpu.memref_squeeze %dma_wait3A_473 : memref<1x528xf32, #tpu.memory_space<hbm>> -> memref<528xf32, #tpu.memory_space<hbm>>
      %dma_wait3A_475 = arith.constant 0 : i32
      %dma_wait3A_476 = tpu.memref_slice %arg2[%add3A_111, %dma_wait3A_475] : memref<64x528xf32, #tpu.memory_space<hbm>> -> memref<1x528xf32, #tpu.memory_space<hbm>>
      %dma_wait3A_477 = tpu.memref_squeeze %dma_wait3A_476 : memref<1x528xf32, #tpu.memory_space<hbm>> -> memref<528xf32, #tpu.memory_space<hbm>>
      tpu.wait_dma2 semaphore(%run_scoped3A : memref<!tpu.dma_semaphore, #tpu.memory_space<semaphore_mem>>) src(%dma_wait3A_477 : memref<528xf32, #tpu.memory_space<hbm>>) dst(%arg7 : memref<528xf32, #tpu.memory_space<vmem>>)
      tpu.yield
    }) : () -> ()
    "tpu.region"() ({
      %run_scoped3A = tpu.sem_alloc : memref<!tpu.dma_semaphore, #tpu.memory_space<semaphore_mem>>
      %dma_start3A = arith.constant 0 : i32
      %dma_start3A_468 = tpu.memref_slice %arg3[%add3A_111, %dma_start3A] : memref<64x528xf32, #tpu.memory_space<hbm>> -> memref<1x528xf32, #tpu.memory_space<hbm>>
      %dma_start3A_469 = tpu.memref_squeeze %dma_start3A_468 : memref<1x528xf32, #tpu.memory_space<hbm>> -> memref<528xf32, #tpu.memory_space<hbm>>
      %dma_start3A_470 = arith.constant 0 : i32
      %dma_start3A_471 = tpu.memref_slice %arg3[%add3A_111, %dma_start3A_470] : memref<64x528xf32, #tpu.memory_space<hbm>> -> memref<1x528xf32, #tpu.memory_space<hbm>>
      %dma_start3A_472 = tpu.memref_squeeze %dma_start3A_471 : memref<1x528xf32, #tpu.memory_space<hbm>> -> memref<528xf32, #tpu.memory_space<hbm>>
      tpu.enqueue_dma source(%dma_start3A_472 : memref<528xf32, #tpu.memory_space<hbm>>) target(%arg8 : memref<528xf32, #tpu.memory_space<vmem>>) target_semaphore(%run_scoped3A : memref<!tpu.dma_semaphore, #tpu.memory_space<semaphore_mem>>)
      %dma_wait3A = arith.constant 0 : i32
      %dma_wait3A_473 = tpu.memref_slice %arg3[%add3A_111, %dma_wait3A] : memref<64x528xf32, #tpu.memory_space<hbm>> -> memref<1x528xf32, #tpu.memory_space<hbm>>
      %dma_wait3A_474 = tpu.memref_squeeze %dma_wait3A_473 : memref<1x528xf32, #tpu.memory_space<hbm>> -> memref<528xf32, #tpu.memory_space<hbm>>
      %dma_wait3A_475 = arith.constant 0 : i32
      %dma_wait3A_476 = tpu.memref_slice %arg3[%add3A_111, %dma_wait3A_475] : memref<64x528xf32, #tpu.memory_space<hbm>> -> memref<1x528xf32, #tpu.memory_space<hbm>>
      %dma_wait3A_477 = tpu.memref_squeeze %dma_wait3A_476 : memref<1x528xf32, #tpu.memory_space<hbm>> -> memref<528xf32, #tpu.memory_space<hbm>>
      tpu.wait_dma2 semaphore(%run_scoped3A : memref<!tpu.dma_semaphore, #tpu.memory_space<semaphore_mem>>) src(%dma_wait3A_477 : memref<528xf32, #tpu.memory_space<hbm>>) dst(%arg8 : memref<528xf32, #tpu.memory_space<vmem>>)
      tpu.yield
    }) : () -> ()
    "tpu.region"() ({
      %run_scoped3A = tpu.sem_alloc : memref<!tpu.dma_semaphore, #tpu.memory_space<semaphore_mem>>
      %dma_start3A = arith.constant 0 : i32
      %dma_start3A_468 = tpu.memref_slice %arg4[%add3A_111, %dma_start3A] : memref<64x528xf32, #tpu.memory_space<hbm>> -> memref<1x528xf32, #tpu.memory_space<hbm>>
      %dma_start3A_469 = tpu.memref_squeeze %dma_start3A_468 : memref<1x528xf32, #tpu.memory_space<hbm>> -> memref<528xf32, #tpu.memory_space<hbm>>
      %dma_start3A_470 = arith.constant 0 : i32
      %dma_start3A_471 = tpu.memref_slice %arg4[%add3A_111, %dma_start3A_470] : memref<64x528xf32, #tpu.memory_space<hbm>> -> memref<1x528xf32, #tpu.memory_space<hbm>>
      %dma_start3A_472 = tpu.memref_squeeze %dma_start3A_471 : memref<1x528xf32, #tpu.memory_space<hbm>> -> memref<528xf32, #tpu.memory_space<hbm>>
      tpu.enqueue_dma source(%dma_start3A_472 : memref<528xf32, #tpu.memory_space<hbm>>) target(%arg9 : memref<528xf32, #tpu.memory_space<vmem>>) target_semaphore(%run_scoped3A : memref<!tpu.dma_semaphore, #tpu.memory_space<semaphore_mem>>)
      %dma_wait3A = arith.constant 0 : i32
      %dma_wait3A_473 = tpu.memref_slice %arg4[%add3A_111, %dma_wait3A] : memref<64x528xf32, #tpu.memory_space<hbm>> -> memref<1x528xf32, #tpu.memory_space<hbm>>
      %dma_wait3A_474 = tpu.memref_squeeze %dma_wait3A_473 : memref<1x528xf32, #tpu.memory_space<hbm>> -> memref<528xf32, #tpu.memory_space<hbm>>
      %dma_wait3A_475 = arith.constant 0 : i32
      %dma_wait3A_476 = tpu.memref_slice %arg4[%add3A_111, %dma_wait3A_475] : memref<64x528xf32, #tpu.memory_space<hbm>> -> memref<1x528xf32, #tpu.memory_space<hbm>>
      %dma_wait3A_477 = tpu.memref_squeeze %dma_wait3A_476 : memref<1x528xf32, #tpu.memory_space<hbm>> -> memref<528xf32, #tpu.memory_space<hbm>>
      tpu.wait_dma2 semaphore(%run_scoped3A : memref<!tpu.dma_semaphore, #tpu.memory_space<semaphore_mem>>) src(%dma_wait3A_477 : memref<528xf32, #tpu.memory_space<hbm>>) dst(%arg9 : memref<528xf32, #tpu.memory_space<vmem>>)
      tpu.yield
    }) : () -> ()
    %parallel_loop3A = arith.constant 0 : i32
    %parallel_loop3A_112 = arith.constant 769 : i32
    %parallel_loop3A_113 = arith.constant 1 : i32
    scf.for %parallel_loop3A_468 = %parallel_loop3A to %parallel_loop3A_112 step %parallel_loop3A_113  : i32 {
      %parallel_loop3A_469 = arith.constant 16 : i32
      %parallel_loop3A_470 = arith.muli %parallel_loop3A_468, %parallel_loop3A_469 : i32
      %parallel_loop3A_471 = arith.index_cast %parallel_loop3A_470 : i32 to index
      %parallel_loop3A_472 = tpu.vector_load %arg10[%parallel_loop3A_471] {strides = array<i32>} : memref<12320xf32, #tpu.memory_space<vmem>>, vector<16xf32>,
      tpu.vector_store %arg10[%parallel_loop3A_471], %broadcast_in_dim3A_69 {strides = array<i32>} : memref<12320xf32, #tpu.memory_space<vmem>>, vector<16xf32>,
    } {sc.loop_unroll_factor = 8 : i64, sc.parallel_access}
    %scan3A = arith.constant 0 : i32
    %scan3A_114 = arith.constant 33 : i32
    %scan3A_115 = arith.addi %scan3A, %scan3A_114 : i32
    %scan3A_116 = arith.constant 1 : i32
    %scan3A_117:2 = scf.for %scan3A_468 = %scan3A to %scan3A_115 step %scan3A_116 iter_args(%scan3A_469 = %broadcast_in_dim3A_69, %scan3A_470 = %broadcast_in_dim3A_69) -> (vector<16xf32>, vector<16xf32>)  : i32 {
      %mul3A_471 = arith.constant 16 : i32
      %mul3A_472 = arith.muli %scan3A_468, %mul3A_471 : i32
      %get3A_473 = arith.index_cast %mul3A_472 : i32 to index
      %get3A_474 = tpu.vector_load %arg9[%get3A_473] {strides = array<i32>} : memref<528xf32, #tpu.memory_space<vmem>>, vector<16xf32>,
      %mul3A_475 = arith.constant 16 : i32
      %mul3A_476 = arith.muli %scan3A_468, %mul3A_475 : i32
      %get3A_477 = arith.index_cast %mul3A_476 : i32 to index
      %get3A_478 = tpu.vector_load %arg8[%get3A_477] {strides = array<i32>} : memref<528xf32, #tpu.memory_space<vmem>>, vector<16xf32>,
      %add3A_479 = arith.addf %scan3A_469, %get3A_474 : vector<16xf32>
      %mul3A_480 = arith.mulf %get3A_474, %get3A_478 : vector<16xf32>
      %add3A_481 = arith.addf %scan3A_470, %mul3A_480 : vector<16xf32>
      scf.yield %add3A_479, %add3A_481 : vector<16xf32>, vector<16xf32>
    }
    %scan3A_118 = arith.constant 33 : i32
    %swap3A_119 = arith.constant 0 : index
    %swap3A_120 = tpu.vector_load %arg11[%swap3A_119] {strides = array<i32>} : memref<128xf32, #tpu.memory_space<vmem>>, vector<16xf32>,
    tpu.vector_store %arg11[%swap3A_119], %scan3A_117#1 {strides = array<i32>} : memref<128xf32, #tpu.memory_space<vmem>>, vector<16xf32>,
    %xor3A = arith.constant 8 : i32
    %xor3A_121 = vector.broadcast %xor3A : i32 to vector<16xi32>
    %xor3A_122 = arith.xori %iota3A, %xor3A_121 : vector<16xi32>
    %gather3A = tpu.vector_load_idx %arg11[%xor3A_122] : memref<128xf32, #tpu.memory_space<vmem>>[vector<16xi32>], vector<16xf32>,
    %add3A_123 = arith.addf %scan3A_117#1, %gather3A : vector<16xf32>
    %swap3A_124 = arith.constant 0 : index
    %swap3A_125 = tpu.vector_load %arg11[%swap3A_124] {strides = array<i32>} : memref<128xf32, #tpu.memory_space<vmem>>, vector<16xf32>,
    tpu.vector_store %arg11[%swap3A_124], %add3A_123 {strides = array<i32>} : memref<128xf32, #tpu.memory_space<vmem>>, vector<16xf32>,
    %xor3A_126 = arith.constant 4 : i32
    %xor3A_127 = vector.broadcast %xor3A_126 : i32 to vector<16xi32>
    %xor3A_128 = arith.xori %iota3A, %xor3A_127 : vector<16xi32>
    %gather3A_129 = tpu.vector_load_idx %arg11[%xor3A_128] : memref<128xf32, #tpu.memory_space<vmem>>[vector<16xi32>], vector<16xf32>,
    %add3A_130 = arith.addf %add3A_123, %gather3A_129 : vector<16xf32>
    %swap3A_131 = arith.constant 0 : index
    %swap3A_132 = tpu.vector_load %arg11[%swap3A_131] {strides = array<i32>} : memref<128xf32, #tpu.memory_space<vmem>>, vector<16xf32>,
    tpu.vector_store %arg11[%swap3A_131], %add3A_130 {strides = array<i32>} : memref<128xf32, #tpu.memory_space<vmem>>, vector<16xf32>,
    %xor3A_133 = arith.constant 2 : i32
    %xor3A_134 = vector.broadcast %xor3A_133 : i32 to vector<16xi32>
    %xor3A_135 = arith.xori %iota3A, %xor3A_134 : vector<16xi32>
    %gather3A_136 = tpu.vector_load_idx %arg11[%xor3A_135] : memref<128xf32, #tpu.memory_space<vmem>>[vector<16xi32>], vector<16xf32>,
    %add3A_137 = arith.addf %add3A_130, %gather3A_136 : vector<16xf32>
    %swap3A_138 = arith.constant 0 : index
    %swap3A_139 = tpu.vector_load %arg11[%swap3A_138] {strides = array<i32>} : memref<128xf32, #tpu.memory_space<vmem>>, vector<16xf32>,
    tpu.vector_store %arg11[%swap3A_138], %add3A_137 {strides = array<i32>} : memref<128xf32, #tpu.memory_space<vmem>>, vector<16xf32>,
    %xor3A_140 = arith.constant 1 : i32
    %xor3A_141 = vector.broadcast %xor3A_140 : i32 to vector<16xi32>
    %xor3A_142 = arith.xori %iota3A, %xor3A_141 : vector<16xi32>
    %gather3A_143 = tpu.vector_load_idx %arg11[%xor3A_142] : memref<128xf32, #tpu.memory_space<vmem>>[vector<16xi32>], vector<16xf32>,
    %add3A_144 = arith.addf %add3A_137, %gather3A_143 : vector<16xf32>
    %swap3A_145 = arith.constant 0 : index
    %swap3A_146 = tpu.vector_load %arg11[%swap3A_145] {strides = array<i32>} : memref<128xf32, #tpu.memory_space<vmem>>, vector<16xf32>,
    tpu.vector_store %arg11[%swap3A_145], %scan3A_117#0 {strides = array<i32>} : memref<128xf32, #tpu.memory_space<vmem>>, vector<16xf32>,
    %xor3A_147 = arith.constant 8 : i32
    %xor3A_148 = vector.broadcast %xor3A_147 : i32 to vector<16xi32>
    %xor3A_149 = arith.xori %iota3A, %xor3A_148 : vector<16xi32>
    %gather3A_150 = tpu.vector_load_idx %arg11[%xor3A_149] : memref<128xf32, #tpu.memory_space<vmem>>[vector<16xi32>], vector<16xf32>,
    %add3A_151 = arith.addf %scan3A_117#0, %gather3A_150 : vector<16xf32>
    %swap3A_152 = arith.constant 0 : index
    %swap3A_153 = tpu.vector_load %arg11[%swap3A_152] {strides = array<i32>} : memref<128xf32, #tpu.memory_space<vmem>>, vector<16xf32>,
    tpu.vector_store %arg11[%swap3A_152], %add3A_151 {strides = array<i32>} : memref<128xf32, #tpu.memory_space<vmem>>, vector<16xf32>,
    %xor3A_154 = arith.constant 4 : i32
    %xor3A_155 = vector.broadcast %xor3A_154 : i32 to vector<16xi32>
    %xor3A_156 = arith.xori %iota3A, %xor3A_155 : vector<16xi32>
    %gather3A_157 = tpu.vector_load_idx %arg11[%xor3A_156] : memref<128xf32, #tpu.memory_space<vmem>>[vector<16xi32>], vector<16xf32>,
    %add3A_158 = arith.addf %add3A_151, %gather3A_157 : vector<16xf32>
    %swap3A_159 = arith.constant 0 : index
    %swap3A_160 = tpu.vector_load %arg11[%swap3A_159] {strides = array<i32>} : memref<128xf32, #tpu.memory_space<vmem>>, vector<16xf32>,
    tpu.vector_store %arg11[%swap3A_159], %add3A_158 {strides = array<i32>} : memref<128xf32, #tpu.memory_space<vmem>>, vector<16xf32>,
    %xor3A_161 = arith.constant 2 : i32
    %xor3A_162 = vector.broadcast %xor3A_161 : i32 to vector<16xi32>
    %xor3A_163 = arith.xori %iota3A, %xor3A_162 : vector<16xi32>
    %gather3A_164 = tpu.vector_load_idx %arg11[%xor3A_163] : memref<128xf32, #tpu.memory_space<vmem>>[vector<16xi32>], vector<16xf32>,
    %add3A_165 = arith.addf %add3A_158, %gather3A_164 : vector<16xf32>
    %swap3A_166 = arith.constant 0 : index
    %swap3A_167 = tpu.vector_load %arg11[%swap3A_166] {strides = array<i32>} : memref<128xf32, #tpu.memory_space<vmem>>, vector<16xf32>,
    tpu.vector_store %arg11[%swap3A_166], %add3A_165 {strides = array<i32>} : memref<128xf32, #tpu.memory_space<vmem>>, vector<16xf32>,
    %xor3A_168 = arith.constant 1 : i32
    %xor3A_169 = vector.broadcast %xor3A_168 : i32 to vector<16xi32>
    %xor3A_170 = arith.xori %iota3A, %xor3A_169 : vector<16xi32>
    %gather3A_171 = tpu.vector_load_idx %arg11[%xor3A_170] : memref<128xf32, #tpu.memory_space<vmem>>[vector<16xi32>], vector<16xf32>,
    %add3A_172 = arith.addf %add3A_165, %gather3A_171 : vector<16xf32>
    %div3A = arith.divf %add3A_144, %add3A_172 : vector<16xf32>
    %scan3A_173 = arith.constant 0 : i32
    %scan3A_174 = arith.constant 33 : i32
    %scan3A_175 = arith.addi %scan3A_173, %scan3A_174 : i32
    %scan3A_176 = arith.constant 1 : i32
    %scan3A_177 = scf.for %scan3A_468 = %scan3A_173 to %scan3A_175 step %scan3A_176 iter_args(%scan3A_469 = %broadcast_in_dim3A_69) -> (vector<16xf32>)  : i32 {
      %mul3A_470 = arith.constant 16 : i32
      %mul3A_471 = arith.muli %scan3A_468, %mul3A_470 : i32
      %get3A_472 = arith.index_cast %mul3A_471 : i32 to index
      %get3A_473 = tpu.vector_load %arg9[%get3A_472] {strides = array<i32>} : memref<528xf32, #tpu.memory_space<vmem>>, vector<16xf32>,
      %mul3A_474 = arith.constant 16 : i32
      %mul3A_475 = arith.muli %scan3A_468, %mul3A_474 : i32
      %get3A_476 = arith.index_cast %mul3A_475 : i32 to index
      %get3A_477 = tpu.vector_load %arg8[%get3A_476] {strides = array<i32>} : memref<528xf32, #tpu.memory_space<vmem>>, vector<16xf32>,
      %sub3A_478 = arith.subf %get3A_477, %div3A : vector<16xf32>
      %mul3A_479 = arith.mulf %get3A_473, %sub3A_478 : vector<16xf32>
      %mul3A_480 = arith.mulf %mul3A_479, %sub3A_478 : vector<16xf32>
      %add3A_481 = arith.addf %scan3A_469, %mul3A_480 : vector<16xf32>
      scf.yield %add3A_481 : vector<16xf32>
    }
    %scan3A_178 = arith.constant 33 : i32
    %swap3A_179 = arith.constant 0 : index
    %swap3A_180 = tpu.vector_load %arg11[%swap3A_179] {strides = array<i32>} : memref<128xf32, #tpu.memory_space<vmem>>, vector<16xf32>,
    tpu.vector_store %arg11[%swap3A_179], %scan3A_177 {strides = array<i32>} : memref<128xf32, #tpu.memory_space<vmem>>, vector<16xf32>,
    %xor3A_181 = arith.constant 8 : i32
    %xor3A_182 = vector.broadcast %xor3A_181 : i32 to vector<16xi32>
    %xor3A_183 = arith.xori %iota3A, %xor3A_182 : vector<16xi32>
    %gather3A_184 = tpu.vector_load_idx %arg11[%xor3A_183] : memref<128xf32, #tpu.memory_space<vmem>>[vector<16xi32>], vector<16xf32>,
    %add3A_185 = arith.addf %scan3A_177, %gather3A_184 : vector<16xf32>
    %swap3A_186 = arith.constant 0 : index
    %swap3A_187 = tpu.vector_load %arg11[%swap3A_186] {strides = array<i32>} : memref<128xf32, #tpu.memory_space<vmem>>, vector<16xf32>,
    tpu.vector_store %arg11[%swap3A_186], %add3A_185 {strides = array<i32>} : memref<128xf32, #tpu.memory_space<vmem>>, vector<16xf32>,
    %xor3A_188 = arith.constant 4 : i32
    %xor3A_189 = vector.broadcast %xor3A_188 : i32 to vector<16xi32>
    %xor3A_190 = arith.xori %iota3A, %xor3A_189 : vector<16xi32>
    %gather3A_191 = tpu.vector_load_idx %arg11[%xor3A_190] : memref<128xf32, #tpu.memory_space<vmem>>[vector<16xi32>], vector<16xf32>,
    %add3A_192 = arith.addf %add3A_185, %gather3A_191 : vector<16xf32>
    %swap3A_193 = arith.constant 0 : index
    %swap3A_194 = tpu.vector_load %arg11[%swap3A_193] {strides = array<i32>} : memref<128xf32, #tpu.memory_space<vmem>>, vector<16xf32>,
    tpu.vector_store %arg11[%swap3A_193], %add3A_192 {strides = array<i32>} : memref<128xf32, #tpu.memory_space<vmem>>, vector<16xf32>,
    %xor3A_195 = arith.constant 2 : i32
    %xor3A_196 = vector.broadcast %xor3A_195 : i32 to vector<16xi32>
    %xor3A_197 = arith.xori %iota3A, %xor3A_196 : vector<16xi32>
    %gather3A_198 = tpu.vector_load_idx %arg11[%xor3A_197] : memref<128xf32, #tpu.memory_space<vmem>>[vector<16xi32>], vector<16xf32>,
    %add3A_199 = arith.addf %add3A_192, %gather3A_198 : vector<16xf32>
    %swap3A_200 = arith.constant 0 : index
    %swap3A_201 = tpu.vector_load %arg11[%swap3A_200] {strides = array<i32>} : memref<128xf32, #tpu.memory_space<vmem>>, vector<16xf32>,
    tpu.vector_store %arg11[%swap3A_200], %add3A_199 {strides = array<i32>} : memref<128xf32, #tpu.memory_space<vmem>>, vector<16xf32>,
    %xor3A_202 = arith.constant 1 : i32
    %xor3A_203 = vector.broadcast %xor3A_202 : i32 to vector<16xi32>
    %xor3A_204 = arith.xori %iota3A, %xor3A_203 : vector<16xi32>
    %gather3A_205 = tpu.vector_load_idx %arg11[%xor3A_204] : memref<128xf32, #tpu.memory_space<vmem>>[vector<16xi32>], vector<16xf32>,
    %add3A_206 = arith.addf %add3A_199, %gather3A_205 : vector<16xf32>
    %swap3A_207 = arith.constant 0 : index
    %swap3A_208 = tpu.vector_load %arg11[%swap3A_207] {strides = array<i32>} : memref<128xf32, #tpu.memory_space<vmem>>, vector<16xf32>,
    tpu.vector_store %arg11[%swap3A_207], %scan3A_117#0 {strides = array<i32>} : memref<128xf32, #tpu.memory_space<vmem>>, vector<16xf32>,
    %xor3A_209 = arith.constant 8 : i32
    %xor3A_210 = vector.broadcast %xor3A_209 : i32 to vector<16xi32>
    %xor3A_211 = arith.xori %iota3A, %xor3A_210 : vector<16xi32>
    %gather3A_212 = tpu.vector_load_idx %arg11[%xor3A_211] : memref<128xf32, #tpu.memory_space<vmem>>[vector<16xi32>], vector<16xf32>,
    %add3A_213 = arith.addf %scan3A_117#0, %gather3A_212 : vector<16xf32>
    %swap3A_214 = arith.constant 0 : index
    %swap3A_215 = tpu.vector_load %arg11[%swap3A_214] {strides = array<i32>} : memref<128xf32, #tpu.memory_space<vmem>>, vector<16xf32>,
    tpu.vector_store %arg11[%swap3A_214], %add3A_213 {strides = array<i32>} : memref<128xf32, #tpu.memory_space<vmem>>, vector<16xf32>,
    %xor3A_216 = arith.constant 4 : i32
    %xor3A_217 = vector.broadcast %xor3A_216 : i32 to vector<16xi32>
    %xor3A_218 = arith.xori %iota3A, %xor3A_217 : vector<16xi32>
    %gather3A_219 = tpu.vector_load_idx %arg11[%xor3A_218] : memref<128xf32, #tpu.memory_space<vmem>>[vector<16xi32>], vector<16xf32>,
    %add3A_220 = arith.addf %add3A_213, %gather3A_219 : vector<16xf32>
    %swap3A_221 = arith.constant 0 : index
    %swap3A_222 = tpu.vector_load %arg11[%swap3A_221] {strides = array<i32>} : memref<128xf32, #tpu.memory_space<vmem>>, vector<16xf32>,
    tpu.vector_store %arg11[%swap3A_221], %add3A_220 {strides = array<i32>} : memref<128xf32, #tpu.memory_space<vmem>>, vector<16xf32>,
    %xor3A_223 = arith.constant 2 : i32
    %xor3A_224 = vector.broadcast %xor3A_223 : i32 to vector<16xi32>
    %xor3A_225 = arith.xori %iota3A, %xor3A_224 : vector<16xi32>
    %gather3A_226 = tpu.vector_load_idx %arg11[%xor3A_225] : memref<128xf32, #tpu.memory_space<vmem>>[vector<16xi32>], vector<16xf32>,
    %add3A_227 = arith.addf %add3A_220, %gather3A_226 : vector<16xf32>
    %swap3A_228 = arith.constant 0 : index
    %swap3A_229 = tpu.vector_load %arg11[%swap3A_228] {strides = array<i32>} : memref<128xf32, #tpu.memory_space<vmem>>, vector<16xf32>,
    tpu.vector_store %arg11[%swap3A_228], %add3A_227 {strides = array<i32>} : memref<128xf32, #tpu.memory_space<vmem>>, vector<16xf32>,
    %xor3A_230 = arith.constant 1 : i32
    %xor3A_231 = vector.broadcast %xor3A_230 : i32 to vector<16xi32>
    %xor3A_232 = arith.xori %iota3A, %xor3A_231 : vector<16xi32>
    %gather3A_233 = tpu.vector_load_idx %arg11[%xor3A_232] : memref<128xf32, #tpu.memory_space<vmem>>[vector<16xi32>], vector<16xf32>,
    %add3A_234 = arith.addf %add3A_227, %gather3A_233 : vector<16xf32>
    %div3A_235 = arith.divf %add3A_206, %add3A_234 : vector<16xf32>
    %bitcast3A = vector.bitcast %div3A_235 : vector<16xf32> to vector<16xi32>
    %shift_right_arithmetic3A = arith.constant 1 : i32
    %shift_right_arithmetic3A_236 = vector.broadcast %shift_right_arithmetic3A : i32 to vector<16xi32>
    %shift_right_arithmetic3A_237 = arith.shrsi %bitcast3A, %shift_right_arithmetic3A_236 : vector<16xi32>
    %sub3A = arith.constant 1597463007 : i32
    %sub3A_238 = vector.broadcast %sub3A : i32 to vector<16xi32>
    %sub3A_239 = arith.subi %sub3A_238, %shift_right_arithmetic3A_237 : vector<16xi32>
    %bitcast3A_240 = vector.bitcast %sub3A_239 : vector<16xi32> to vector<16xf32>
    %mul3A_241 = arith.constant 5.000000e-01 : f32
    %mul3A_242 = vector.broadcast %mul3A_241 : f32 to vector<16xf32>
    %mul3A_243 = arith.mulf %mul3A_242, %div3A_235 : vector<16xf32>
    %mul3A_244 = arith.mulf %mul3A_243, %bitcast3A_240 : vector<16xf32>
    %mul3A_245 = arith.mulf %mul3A_244, %bitcast3A_240 : vector<16xf32>
    %sub3A_246 = arith.constant 1.500000e+00 : f32
    %sub3A_247 = vector.broadcast %sub3A_246 : f32 to vector<16xf32>
    %sub3A_248 = arith.subf %sub3A_247, %mul3A_245 : vector<16xf32>
    %mul3A_249 = arith.mulf %bitcast3A_240, %sub3A_248 : vector<16xf32>
    %mul3A_250 = arith.constant 5.000000e-01 : f32
    %mul3A_251 = vector.broadcast %mul3A_250 : f32 to vector<16xf32>
    %mul3A_252 = arith.mulf %mul3A_251, %div3A_235 : vector<16xf32>
    %mul3A_253 = arith.mulf %mul3A_252, %mul3A_249 : vector<16xf32>
    %mul3A_254 = arith.mulf %mul3A_253, %mul3A_249 : vector<16xf32>
    %sub3A_255 = arith.constant 1.500000e+00 : f32
    %sub3A_256 = vector.broadcast %sub3A_255 : f32 to vector<16xf32>
    %sub3A_257 = arith.subf %sub3A_256, %mul3A_254 : vector<16xf32>
    %mul3A_258 = arith.mulf %mul3A_249, %sub3A_257 : vector<16xf32>
    %mul3A_259 = arith.constant 5.000000e-01 : f32
    %mul3A_260 = vector.broadcast %mul3A_259 : f32 to vector<16xf32>
    %mul3A_261 = arith.mulf %mul3A_260, %div3A_235 : vector<16xf32>
    %mul3A_262 = arith.mulf %mul3A_261, %mul3A_258 : vector<16xf32>
    %mul3A_263 = arith.mulf %mul3A_262, %mul3A_258 : vector<16xf32>
    %sub3A_264 = arith.constant 1.500000e+00 : f32
    %sub3A_265 = vector.broadcast %sub3A_264 : f32 to vector<16xf32>
    %sub3A_266 = arith.subf %sub3A_265, %mul3A_263 : vector<16xf32>
    %mul3A_267 = arith.mulf %mul3A_258, %sub3A_266 : vector<16xf32>
    %mul3A_268 = arith.constant 8.000000e+00 : f32
    %mul3A_269 = vector.broadcast %mul3A_268 : f32 to vector<16xf32>
    %mul3A_270 = arith.mulf %mul3A_269, %mul3A_267 : vector<16xf32>
    %parallel_loop3A_271 = arith.constant 0 : i32
    %parallel_loop3A_272 = arith.constant 33 : i32
    %parallel_loop3A_273 = arith.constant 1 : i32
    scf.for %parallel_loop3A_468 = %parallel_loop3A_271 to %parallel_loop3A_272 step %parallel_loop3A_273  : i32 {
      %parallel_loop3A_469 = arith.constant 16 : i32
      %parallel_loop3A_470 = arith.muli %parallel_loop3A_468, %parallel_loop3A_469 : i32
      %parallel_loop3A_471 = arith.index_cast %parallel_loop3A_470 : i32 to index
      %parallel_loop3A_472 = tpu.vector_load %arg8[%parallel_loop3A_471] {strides = array<i32>} : memref<528xf32, #tpu.memory_space<vmem>>, vector<16xf32>,
      %parallel_loop3A_473 = arith.mulf %parallel_loop3A_472, %mul3A_270 : vector<16xf32>
      %parallel_loop3A_474 = arith.constant 16 : i32
      %parallel_loop3A_475 = arith.muli %parallel_loop3A_468, %parallel_loop3A_474 : i32
      %parallel_loop3A_476 = arith.index_cast %parallel_loop3A_475 : i32 to index
      %parallel_loop3A_477 = tpu.vector_load %arg8[%parallel_loop3A_476] {strides = array<i32>} : memref<528xf32, #tpu.memory_space<vmem>>, vector<16xf32>,
      tpu.vector_store %arg8[%parallel_loop3A_476], %parallel_loop3A_473 {strides = array<i32>} : memref<528xf32, #tpu.memory_space<vmem>>, vector<16xf32>,
    } {sc.loop_unroll_factor = 4 : i64, sc.parallel_access}
    %scan3A_274 = arith.constant 0 : i32
    %scan3A_275 = arith.constant 0 : i32
    %scan3A_276 = arith.constant 64 : i32
    %scan3A_277 = arith.addi %scan3A_275, %scan3A_276 : i32
    %scan3A_278 = arith.constant 1 : i32
    %scan3A_279 = scf.for %scan3A_468 = %scan3A_275 to %scan3A_277 step %scan3A_278 iter_args(%scan3A_469 = %scan3A_274) -> (i32)  : i32 {
      %mul3A_470 = arith.constant 8 : i32
      %mul3A_471 = arith.muli %scan3A_468, %mul3A_470 : i32
      %add3A_472 = arith.constant 0 : i32
      %add3A_473 = arith.addi %mul3A_471, %add3A_472 : i32
      %broadcast_in_dim3A_474 = vector.broadcast %add3A_473 : i32 to vector<16xi32>
      %gather3A_475 = tpu.vector_load_idx %arg7[%broadcast_in_dim3A_474] : memref<528xf32, #tpu.memory_space<vmem>>[vector<16xi32>], vector<16xf32>,
      %gather3A_476 = tpu.vector_load_idx %arg8[%broadcast_in_dim3A_474] : memref<528xf32, #tpu.memory_space<vmem>>[vector<16xi32>], vector<16xf32>,
      %gather3A_477 = tpu.vector_load_idx %arg9[%broadcast_in_dim3A_474] : memref<528xf32, #tpu.memory_space<vmem>>[vector<16xi32>], vector<16xf32>,
      %add3A_478 = arith.constant 1 : i32
      %add3A_479 = arith.addi %mul3A_471, %add3A_478 : i32
      %broadcast_in_dim3A_480 = vector.broadcast %add3A_479 : i32 to vector<16xi32>
      %gather3A_481 = tpu.vector_load_idx %arg7[%broadcast_in_dim3A_480] : memref<528xf32, #tpu.memory_space<vmem>>[vector<16xi32>], vector<16xf32>,
      %gather3A_482 = tpu.vector_load_idx %arg8[%broadcast_in_dim3A_480] : memref<528xf32, #tpu.memory_space<vmem>>[vector<16xi32>], vector<16xf32>,
      %gather3A_483 = tpu.vector_load_idx %arg9[%broadcast_in_dim3A_480] : memref<528xf32, #tpu.memory_space<vmem>>[vector<16xi32>], vector<16xf32>,
      %add3A_484 = arith.constant 2 : i32
      %add3A_485 = arith.addi %mul3A_471, %add3A_484 : i32
      %broadcast_in_dim3A_486 = vector.broadcast %add3A_485 : i32 to vector<16xi32>
      %gather3A_487 = tpu.vector_load_idx %arg7[%broadcast_in_dim3A_486] : memref<528xf32, #tpu.memory_space<vmem>>[vector<16xi32>], vector<16xf32>,
      %gather3A_488 = tpu.vector_load_idx %arg8[%broadcast_in_dim3A_486] : memref<528xf32, #tpu.memory_space<vmem>>[vector<16xi32>], vector<16xf32>,
      %gather3A_489 = tpu.vector_load_idx %arg9[%broadcast_in_dim3A_486] : memref<528xf32, #tpu.memory_space<vmem>>[vector<16xi32>], vector<16xf32>,
      %add3A_490 = arith.constant 3 : i32
      %add3A_491 = arith.addi %mul3A_471, %add3A_490 : i32
      %broadcast_in_dim3A_492 = vector.broadcast %add3A_491 : i32 to vector<16xi32>
      %gather3A_493 = tpu.vector_load_idx %arg7[%broadcast_in_dim3A_492] : memref<528xf32, #tpu.memory_space<vmem>>[vector<16xi32>], vector<16xf32>,
      %gather3A_494 = tpu.vector_load_idx %arg8[%broadcast_in_dim3A_492] : memref<528xf32, #tpu.memory_space<vmem>>[vector<16xi32>], vector<16xf32>,
      %gather3A_495 = tpu.vector_load_idx %arg9[%broadcast_in_dim3A_492] : memref<528xf32, #tpu.memory_space<vmem>>[vector<16xi32>], vector<16xf32>,
      %add3A_496 = arith.constant 4 : i32
      %add3A_497 = arith.addi %mul3A_471, %add3A_496 : i32
      %broadcast_in_dim3A_498 = vector.broadcast %add3A_497 : i32 to vector<16xi32>
      %gather3A_499 = tpu.vector_load_idx %arg7[%broadcast_in_dim3A_498] : memref<528xf32, #tpu.memory_space<vmem>>[vector<16xi32>], vector<16xf32>,
      %gather3A_500 = tpu.vector_load_idx %arg8[%broadcast_in_dim3A_498] : memref<528xf32, #tpu.memory_space<vmem>>[vector<16xi32>], vector<16xf32>,
      %gather3A_501 = tpu.vector_load_idx %arg9[%broadcast_in_dim3A_498] : memref<528xf32, #tpu.memory_space<vmem>>[vector<16xi32>], vector<16xf32>,
      %add3A_502 = arith.constant 5 : i32
      %add3A_503 = arith.addi %mul3A_471, %add3A_502 : i32
      %broadcast_in_dim3A_504 = vector.broadcast %add3A_503 : i32 to vector<16xi32>
      %gather3A_505 = tpu.vector_load_idx %arg7[%broadcast_in_dim3A_504] : memref<528xf32, #tpu.memory_space<vmem>>[vector<16xi32>], vector<16xf32>,
      %gather3A_506 = tpu.vector_load_idx %arg8[%broadcast_in_dim3A_504] : memref<528xf32, #tpu.memory_space<vmem>>[vector<16xi32>], vector<16xf32>,
      %gather3A_507 = tpu.vector_load_idx %arg9[%broadcast_in_dim3A_504] : memref<528xf32, #tpu.memory_space<vmem>>[vector<16xi32>], vector<16xf32>,
      %add3A_508 = arith.constant 6 : i32
      %add3A_509 = arith.addi %mul3A_471, %add3A_508 : i32
      %broadcast_in_dim3A_510 = vector.broadcast %add3A_509 : i32 to vector<16xi32>
      %gather3A_511 = tpu.vector_load_idx %arg7[%broadcast_in_dim3A_510] : memref<528xf32, #tpu.memory_space<vmem>>[vector<16xi32>], vector<16xf32>,
      %gather3A_512 = tpu.vector_load_idx %arg8[%broadcast_in_dim3A_510] : memref<528xf32, #tpu.memory_space<vmem>>[vector<16xi32>], vector<16xf32>,
      %gather3A_513 = tpu.vector_load_idx %arg9[%broadcast_in_dim3A_510] : memref<528xf32, #tpu.memory_space<vmem>>[vector<16xi32>], vector<16xf32>,
      %add3A_514 = arith.constant 7 : i32
      %add3A_515 = arith.addi %mul3A_471, %add3A_514 : i32
      %broadcast_in_dim3A_516 = vector.broadcast %add3A_515 : i32 to vector<16xi32>
      %gather3A_517 = tpu.vector_load_idx %arg7[%broadcast_in_dim3A_516] : memref<528xf32, #tpu.memory_space<vmem>>[vector<16xi32>], vector<16xf32>,
      %gather3A_518 = tpu.vector_load_idx %arg8[%broadcast_in_dim3A_516] : memref<528xf32, #tpu.memory_space<vmem>>[vector<16xi32>], vector<16xf32>,
      %gather3A_519 = tpu.vector_load_idx %arg9[%broadcast_in_dim3A_516] : memref<528xf32, #tpu.memory_space<vmem>>[vector<16xi32>], vector<16xf32>,
      %add3A_520 = arith.constant 1 : i32
      %add3A_521 = arith.addi %mul3A_471, %add3A_520 : i32
      %get3A_522 = arith.index_cast %add3A_521 : i32 to index
      %get3A_523 = tpu.vector_load %arg7[%get3A_522] {strides = array<i32>} : memref<528xf32, #tpu.memory_space<vmem>>, vector<16xf32>,
      %get3A_524 = arith.index_cast %add3A_521 : i32 to index
      %get3A_525 = tpu.vector_load %arg8[%get3A_524] {strides = array<i32>} : memref<528xf32, #tpu.memory_space<vmem>>, vector<16xf32>,
      %get3A_526 = arith.index_cast %add3A_521 : i32 to index
      %get3A_527 = tpu.vector_load %arg9[%get3A_526] {strides = array<i32>} : memref<528xf32, #tpu.memory_space<vmem>>, vector<16xf32>,
      %sub3A_528 = arith.subf %get3A_523, %gather3A_475 : vector<16xf32>
      %mul3A_529 = arith.mulf %get3A_527, %gather3A_477 : vector<16xf32>
      %sub3A_530 = arith.subf %get3A_525, %gather3A_476 : vector<16xf32>
      %abs3A = math.absf %sub3A_530 : vector<16xf32>
      %min3A = arith.constant 2.300000e+01 : f32
      %min3A_531 = vector.broadcast %min3A : f32 to vector<16xf32>
      %min3A_532 = arith.minimumf %abs3A, %min3A_531 : vector<16xf32>
      %convert_element_type3A_533 = arith.fptosi %min3A_532 : vector<16xf32> to vector<16xi32>
      %bitcast3A_534 = vector.bitcast %sub3A_528 : vector<16xf32> to vector<16xi32>
      %convert_element_type3A_535 = arith.sitofp %bitcast3A_534 : vector<16xi32> to vector<16xf32>
      %mul3A_536 = arith.constant 2.15738524E-7 : f32
      %mul3A_537 = vector.broadcast %mul3A_536 : f32 to vector<16xf32>
      %mul3A_538 = arith.mulf %convert_element_type3A_535, %mul3A_537 : vector<16xf32>
      %add3A_539 = arith.constant -223.267273 : f32
      %add3A_540 = vector.broadcast %add3A_539 : f32 to vector<16xf32>
      %add3A_541 = arith.addf %mul3A_538, %add3A_540 : vector<16xf32>
      %convert_element_type3A_542 = arith.fptosi %add3A_541 : vector<16xf32> to vector<16xi32>
      %jit3A = arith.constant 0 : i32
      %jit3A_543 = arith.constant 24 : i32
      %max3A = vector.broadcast %jit3A : i32 to vector<16xi32>
      %max3A_544 = arith.maxsi %max3A, %convert_element_type3A_542 : vector<16xi32>
      %min3A_545 = vector.broadcast %jit3A_543 : i32 to vector<16xi32>
      %min3A_546 = arith.minsi %min3A_545, %max3A_544 : vector<16xi32>
      %add3A_547 = arith.addi %min3A_546, %mul3A_6 : vector<16xi32>
      %gather3A_548 = tpu.vector_load_idx %arg12[%add3A_547] : memref<527xf32, #tpu.memory_space<vmem>>[vector<16xi32>], vector<16xf32>,
      %lt3A = arith.cmpf olt, %sub3A_528, %gather3A_548 : vector<16xf32>
      %sub3A_549 = arith.constant 1 : i32
      %sub3A_550 = vector.broadcast %sub3A_549 : i32 to vector<16xi32>
      %sub3A_551 = arith.subi %min3A_546, %sub3A_550 : vector<16xi32>
      %select_n3A = arith.select %lt3A, %sub3A_551, %min3A_546 : vector<16xi1>, vector<16xi32>
      %mul3A_552 = arith.constant 32 : i32
      %mul3A_553 = vector.broadcast %mul3A_552 : i32 to vector<16xi32>
      %mul3A_554 = arith.muli %convert_element_type3A_533, %mul3A_553 : vector<16xi32>
      %add3A_555 = arith.addi %mul3A_554, %select_n3A : vector<16xi32>
      %add3A_556 = arith.addi %add3A_555, %mul3A_3 : vector<16xi32>
      tpu.vector_store_idx %arg10[%add3A_556], %mul3A_529 {add = true} : memref<12320xf32, #tpu.memory_space<vmem>>[vector<16xi32>], vector<16xf32>,
      %sub3A_557 = arith.subf %get3A_523, %gather3A_481 : vector<16xf32>
      %mul3A_558 = arith.mulf %get3A_527, %gather3A_483 : vector<16xf32>
      %mul3A_559 = arith.mulf %mul3A_558, %convert_element_type3A_77 : vector<16xf32>
      %sub3A_560 = arith.subf %get3A_525, %gather3A_482 : vector<16xf32>
      %abs3A_561 = math.absf %sub3A_560 : vector<16xf32>
      %min3A_562 = arith.constant 2.300000e+01 : f32
      %min3A_563 = vector.broadcast %min3A_562 : f32 to vector<16xf32>
      %min3A_564 = arith.minimumf %abs3A_561, %min3A_563 : vector<16xf32>
      %convert_element_type3A_565 = arith.fptosi %min3A_564 : vector<16xf32> to vector<16xi32>
      %bitcast3A_566 = vector.bitcast %sub3A_557 : vector<16xf32> to vector<16xi32>
      %convert_element_type3A_567 = arith.sitofp %bitcast3A_566 : vector<16xi32> to vector<16xf32>
      %mul3A_568 = arith.constant 2.15738524E-7 : f32
      %mul3A_569 = vector.broadcast %mul3A_568 : f32 to vector<16xf32>
      %mul3A_570 = arith.mulf %convert_element_type3A_567, %mul3A_569 : vector<16xf32>
      %add3A_571 = arith.constant -223.267273 : f32
      %add3A_572 = vector.broadcast %add3A_571 : f32 to vector<16xf32>
      %add3A_573 = arith.addf %mul3A_570, %add3A_572 : vector<16xf32>
      %convert_element_type3A_574 = arith.fptosi %add3A_573 : vector<16xf32> to vector<16xi32>
      %jit3A_575 = arith.constant 0 : i32
      %jit3A_576 = arith.constant 24 : i32
      %max3A_577 = vector.broadcast %jit3A_575 : i32 to vector<16xi32>
      %max3A_578 = arith.maxsi %max3A_577, %convert_element_type3A_574 : vector<16xi32>
      %min3A_579 = vector.broadcast %jit3A_576 : i32 to vector<16xi32>
      %min3A_580 = arith.minsi %min3A_579, %max3A_578 : vector<16xi32>
      %add3A_581 = arith.addi %min3A_580, %mul3A_6 : vector<16xi32>
      %gather3A_582 = tpu.vector_load_idx %arg12[%add3A_581] : memref<527xf32, #tpu.memory_space<vmem>>[vector<16xi32>], vector<16xf32>,
      %lt3A_583 = arith.cmpf olt, %sub3A_557, %gather3A_582 : vector<16xf32>
      %sub3A_584 = arith.constant 1 : i32
      %sub3A_585 = vector.broadcast %sub3A_584 : i32 to vector<16xi32>
      %sub3A_586 = arith.subi %min3A_580, %sub3A_585 : vector<16xi32>
      %select_n3A_587 = arith.select %lt3A_583, %sub3A_586, %min3A_580 : vector<16xi1>, vector<16xi32>
      %mul3A_588 = arith.constant 32 : i32
      %mul3A_589 = vector.broadcast %mul3A_588 : i32 to vector<16xi32>
      %mul3A_590 = arith.muli %convert_element_type3A_565, %mul3A_589 : vector<16xi32>
      %add3A_591 = arith.addi %mul3A_590, %select_n3A_587 : vector<16xi32>
      %add3A_592 = arith.addi %add3A_591, %mul3A_3 : vector<16xi32>
      tpu.vector_store_idx %arg10[%add3A_592], %mul3A_559 {add = true} : memref<12320xf32, #tpu.memory_space<vmem>>[vector<16xi32>], vector<16xf32>,
      %sub3A_593 = arith.subf %get3A_523, %gather3A_487 : vector<16xf32>
      %mul3A_594 = arith.mulf %get3A_527, %gather3A_489 : vector<16xf32>
      %mul3A_595 = arith.mulf %mul3A_594, %convert_element_type3A_82 : vector<16xf32>
      %sub3A_596 = arith.subf %get3A_525, %gather3A_488 : vector<16xf32>
      %abs3A_597 = math.absf %sub3A_596 : vector<16xf32>
      %min3A_598 = arith.constant 2.300000e+01 : f32
      %min3A_599 = vector.broadcast %min3A_598 : f32 to vector<16xf32>
      %min3A_600 = arith.minimumf %abs3A_597, %min3A_599 : vector<16xf32>
      %convert_element_type3A_601 = arith.fptosi %min3A_600 : vector<16xf32> to vector<16xi32>
      %bitcast3A_602 = vector.bitcast %sub3A_593 : vector<16xf32> to vector<16xi32>
      %convert_element_type3A_603 = arith.sitofp %bitcast3A_602 : vector<16xi32> to vector<16xf32>
      %mul3A_604 = arith.constant 2.15738524E-7 : f32
      %mul3A_605 = vector.broadcast %mul3A_604 : f32 to vector<16xf32>
      %mul3A_606 = arith.mulf %convert_element_type3A_603, %mul3A_605 : vector<16xf32>
      %add3A_607 = arith.constant -223.267273 : f32
      %add3A_608 = vector.broadcast %add3A_607 : f32 to vector<16xf32>
      %add3A_609 = arith.addf %mul3A_606, %add3A_608 : vector<16xf32>
      %convert_element_type3A_610 = arith.fptosi %add3A_609 : vector<16xf32> to vector<16xi32>
      %jit3A_611 = arith.constant 0 : i32
      %jit3A_612 = arith.constant 24 : i32
      %max3A_613 = vector.broadcast %jit3A_611 : i32 to vector<16xi32>
      %max3A_614 = arith.maxsi %max3A_613, %convert_element_type3A_610 : vector<16xi32>
      %min3A_615 = vector.broadcast %jit3A_612 : i32 to vector<16xi32>
      %min3A_616 = arith.minsi %min3A_615, %max3A_614 : vector<16xi32>
      %add3A_617 = arith.addi %min3A_616, %mul3A_6 : vector<16xi32>
      %gather3A_618 = tpu.vector_load_idx %arg12[%add3A_617] : memref<527xf32, #tpu.memory_space<vmem>>[vector<16xi32>], vector<16xf32>,
      %lt3A_619 = arith.cmpf olt, %sub3A_593, %gather3A_618 : vector<16xf32>
      %sub3A_620 = arith.constant 1 : i32
      %sub3A_621 = vector.broadcast %sub3A_620 : i32 to vector<16xi32>
      %sub3A_622 = arith.subi %min3A_616, %sub3A_621 : vector<16xi32>
      %select_n3A_623 = arith.select %lt3A_619, %sub3A_622, %min3A_616 : vector<16xi1>, vector<16xi32>
      %mul3A_624 = arith.constant 32 : i32
      %mul3A_625 = vector.broadcast %mul3A_624 : i32 to vector<16xi32>
      %mul3A_626 = arith.muli %convert_element_type3A_601, %mul3A_625 : vector<16xi32>
      %add3A_627 = arith.addi %mul3A_626, %select_n3A_623 : vector<16xi32>
      %add3A_628 = arith.addi %add3A_627, %mul3A_3 : vector<16xi32>
      tpu.vector_store_idx %arg10[%add3A_628], %mul3A_595 {add = true} : memref<12320xf32, #tpu.memory_space<vmem>>[vector<16xi32>], vector<16xf32>,
      %sub3A_629 = arith.subf %get3A_523, %gather3A_493 : vector<16xf32>
      %mul3A_630 = arith.mulf %get3A_527, %gather3A_495 : vector<16xf32>
      %mul3A_631 = arith.mulf %mul3A_630, %convert_element_type3A_87 : vector<16xf32>
      %sub3A_632 = arith.subf %get3A_525, %gather3A_494 : vector<16xf32>
      %abs3A_633 = math.absf %sub3A_632 : vector<16xf32>
      %min3A_634 = arith.constant 2.300000e+01 : f32
      %min3A_635 = vector.broadcast %min3A_634 : f32 to vector<16xf32>
      %min3A_636 = arith.minimumf %abs3A_633, %min3A_635 : vector<16xf32>
      %convert_element_type3A_637 = arith.fptosi %min3A_636 : vector<16xf32> to vector<16xi32>
      %bitcast3A_638 = vector.bitcast %sub3A_629 : vector<16xf32> to vector<16xi32>
      %convert_element_type3A_639 = arith.sitofp %bitcast3A_638 : vector<16xi32> to vector<16xf32>
      %mul3A_640 = arith.constant 2.15738524E-7 : f32
      %mul3A_641 = vector.broadcast %mul3A_640 : f32 to vector<16xf32>
      %mul3A_642 = arith.mulf %convert_element_type3A_639, %mul3A_641 : vector<16xf32>
      %add3A_643 = arith.constant -223.267273 : f32
      %add3A_644 = vector.broadcast %add3A_643 : f32 to vector<16xf32>
      %add3A_645 = arith.addf %mul3A_642, %add3A_644 : vector<16xf32>
      %convert_element_type3A_646 = arith.fptosi %add3A_645 : vector<16xf32> to vector<16xi32>
      %jit3A_647 = arith.constant 0 : i32
      %jit3A_648 = arith.constant 24 : i32
      %max3A_649 = vector.broadcast %jit3A_647 : i32 to vector<16xi32>
      %max3A_650 = arith.maxsi %max3A_649, %convert_element_type3A_646 : vector<16xi32>
      %min3A_651 = vector.broadcast %jit3A_648 : i32 to vector<16xi32>
      %min3A_652 = arith.minsi %min3A_651, %max3A_650 : vector<16xi32>
      %add3A_653 = arith.addi %min3A_652, %mul3A_6 : vector<16xi32>
      %gather3A_654 = tpu.vector_load_idx %arg12[%add3A_653] : memref<527xf32, #tpu.memory_space<vmem>>[vector<16xi32>], vector<16xf32>,
      %lt3A_655 = arith.cmpf olt, %sub3A_629, %gather3A_654 : vector<16xf32>
      %sub3A_656 = arith.constant 1 : i32
      %sub3A_657 = vector.broadcast %sub3A_656 : i32 to vector<16xi32>
      %sub3A_658 = arith.subi %min3A_652, %sub3A_657 : vector<16xi32>
      %select_n3A_659 = arith.select %lt3A_655, %sub3A_658, %min3A_652 : vector<16xi1>, vector<16xi32>
      %mul3A_660 = arith.constant 32 : i32
      %mul3A_661 = vector.broadcast %mul3A_660 : i32 to vector<16xi32>
      %mul3A_662 = arith.muli %convert_element_type3A_637, %mul3A_661 : vector<16xi32>
      %add3A_663 = arith.addi %mul3A_662, %select_n3A_659 : vector<16xi32>
      %add3A_664 = arith.addi %add3A_663, %mul3A_3 : vector<16xi32>
      tpu.vector_store_idx %arg10[%add3A_664], %mul3A_631 {add = true} : memref<12320xf32, #tpu.memory_space<vmem>>[vector<16xi32>], vector<16xf32>,
      %sub3A_665 = arith.subf %get3A_523, %gather3A_499 : vector<16xf32>
      %mul3A_666 = arith.mulf %get3A_527, %gather3A_501 : vector<16xf32>
      %mul3A_667 = arith.mulf %mul3A_666, %convert_element_type3A_92 : vector<16xf32>
      %sub3A_668 = arith.subf %get3A_525, %gather3A_500 : vector<16xf32>
      %abs3A_669 = math.absf %sub3A_668 : vector<16xf32>
      %min3A_670 = arith.constant 2.300000e+01 : f32
      %min3A_671 = vector.broadcast %min3A_670 : f32 to vector<16xf32>
      %min3A_672 = arith.minimumf %abs3A_669, %min3A_671 : vector<16xf32>
      %convert_element_type3A_673 = arith.fptosi %min3A_672 : vector<16xf32> to vector<16xi32>
      %bitcast3A_674 = vector.bitcast %sub3A_665 : vector<16xf32> to vector<16xi32>
      %convert_element_type3A_675 = arith.sitofp %bitcast3A_674 : vector<16xi32> to vector<16xf32>
      %mul3A_676 = arith.constant 2.15738524E-7 : f32
      %mul3A_677 = vector.broadcast %mul3A_676 : f32 to vector<16xf32>
      %mul3A_678 = arith.mulf %convert_element_type3A_675, %mul3A_677 : vector<16xf32>
      %add3A_679 = arith.constant -223.267273 : f32
      %add3A_680 = vector.broadcast %add3A_679 : f32 to vector<16xf32>
      %add3A_681 = arith.addf %mul3A_678, %add3A_680 : vector<16xf32>
      %convert_element_type3A_682 = arith.fptosi %add3A_681 : vector<16xf32> to vector<16xi32>
      %jit3A_683 = arith.constant 0 : i32
      %jit3A_684 = arith.constant 24 : i32
      %max3A_685 = vector.broadcast %jit3A_683 : i32 to vector<16xi32>
      %max3A_686 = arith.maxsi %max3A_685, %convert_element_type3A_682 : vector<16xi32>
      %min3A_687 = vector.broadcast %jit3A_684 : i32 to vector<16xi32>
      %min3A_688 = arith.minsi %min3A_687, %max3A_686 : vector<16xi32>
      %add3A_689 = arith.addi %min3A_688, %mul3A_6 : vector<16xi32>
      %gather3A_690 = tpu.vector_load_idx %arg12[%add3A_689] : memref<527xf32, #tpu.memory_space<vmem>>[vector<16xi32>], vector<16xf32>,
      %lt3A_691 = arith.cmpf olt, %sub3A_665, %gather3A_690 : vector<16xf32>
      %sub3A_692 = arith.constant 1 : i32
      %sub3A_693 = vector.broadcast %sub3A_692 : i32 to vector<16xi32>
      %sub3A_694 = arith.subi %min3A_688, %sub3A_693 : vector<16xi32>
      %select_n3A_695 = arith.select %lt3A_691, %sub3A_694, %min3A_688 : vector<16xi1>, vector<16xi32>
      %mul3A_696 = arith.constant 32 : i32
      %mul3A_697 = vector.broadcast %mul3A_696 : i32 to vector<16xi32>
      %mul3A_698 = arith.muli %convert_element_type3A_673, %mul3A_697 : vector<16xi32>
      %add3A_699 = arith.addi %mul3A_698, %select_n3A_695 : vector<16xi32>
      %add3A_700 = arith.addi %add3A_699, %mul3A_3 : vector<16xi32>
      tpu.vector_store_idx %arg10[%add3A_700], %mul3A_667 {add = true} : memref<12320xf32, #tpu.memory_space<vmem>>[vector<16xi32>], vector<16xf32>,
      %sub3A_701 = arith.subf %get3A_523, %gather3A_505 : vector<16xf32>
      %mul3A_702 = arith.mulf %get3A_527, %gather3A_507 : vector<16xf32>
      %mul3A_703 = arith.mulf %mul3A_702, %convert_element_type3A_97 : vector<16xf32>
      %sub3A_704 = arith.subf %get3A_525, %gather3A_506 : vector<16xf32>
      %abs3A_705 = math.absf %sub3A_704 : vector<16xf32>
      %min3A_706 = arith.constant 2.300000e+01 : f32
      %min3A_707 = vector.broadcast %min3A_706 : f32 to vector<16xf32>
      %min3A_708 = arith.minimumf %abs3A_705, %min3A_707 : vector<16xf32>
      %convert_element_type3A_709 = arith.fptosi %min3A_708 : vector<16xf32> to vector<16xi32>
      %bitcast3A_710 = vector.bitcast %sub3A_701 : vector<16xf32> to vector<16xi32>
      %convert_element_type3A_711 = arith.sitofp %bitcast3A_710 : vector<16xi32> to vector<16xf32>
      %mul3A_712 = arith.constant 2.15738524E-7 : f32
      %mul3A_713 = vector.broadcast %mul3A_712 : f32 to vector<16xf32>
      %mul3A_714 = arith.mulf %convert_element_type3A_711, %mul3A_713 : vector<16xf32>
      %add3A_715 = arith.constant -223.267273 : f32
      %add3A_716 = vector.broadcast %add3A_715 : f32 to vector<16xf32>
      %add3A_717 = arith.addf %mul3A_714, %add3A_716 : vector<16xf32>
      %convert_element_type3A_718 = arith.fptosi %add3A_717 : vector<16xf32> to vector<16xi32>
      %jit3A_719 = arith.constant 0 : i32
      %jit3A_720 = arith.constant 24 : i32
      %max3A_721 = vector.broadcast %jit3A_719 : i32 to vector<16xi32>
      %max3A_722 = arith.maxsi %max3A_721, %convert_element_type3A_718 : vector<16xi32>
      %min3A_723 = vector.broadcast %jit3A_720 : i32 to vector<16xi32>
      %min3A_724 = arith.minsi %min3A_723, %max3A_722 : vector<16xi32>
      %add3A_725 = arith.addi %min3A_724, %mul3A_6 : vector<16xi32>
      %gather3A_726 = tpu.vector_load_idx %arg12[%add3A_725] : memref<527xf32, #tpu.memory_space<vmem>>[vector<16xi32>], vector<16xf32>,
      %lt3A_727 = arith.cmpf olt, %sub3A_701, %gather3A_726 : vector<16xf32>
      %sub3A_728 = arith.constant 1 : i32
      %sub3A_729 = vector.broadcast %sub3A_728 : i32 to vector<16xi32>
      %sub3A_730 = arith.subi %min3A_724, %sub3A_729 : vector<16xi32>
      %select_n3A_731 = arith.select %lt3A_727, %sub3A_730, %min3A_724 : vector<16xi1>, vector<16xi32>
      %mul3A_732 = arith.constant 32 : i32
      %mul3A_733 = vector.broadcast %mul3A_732 : i32 to vector<16xi32>
      %mul3A_734 = arith.muli %convert_element_type3A_709, %mul3A_733 : vector<16xi32>
      %add3A_735 = arith.addi %mul3A_734, %select_n3A_731 : vector<16xi32>
      %add3A_736 = arith.addi %add3A_735, %mul3A_3 : vector<16xi32>
      tpu.vector_store_idx %arg10[%add3A_736], %mul3A_703 {add = true} : memref<12320xf32, #tpu.memory_space<vmem>>[vector<16xi32>], vector<16xf32>,
      %sub3A_737 = arith.subf %get3A_523, %gather3A_511 : vector<16xf32>
      %mul3A_738 = arith.mulf %get3A_527, %gather3A_513 : vector<16xf32>
      %mul3A_739 = arith.mulf %mul3A_738, %convert_element_type3A_102 : vector<16xf32>
      %sub3A_740 = arith.subf %get3A_525, %gather3A_512 : vector<16xf32>
      %abs3A_741 = math.absf %sub3A_740 : vector<16xf32>
      %min3A_742 = arith.constant 2.300000e+01 : f32
      %min3A_743 = vector.broadcast %min3A_742 : f32 to vector<16xf32>
      %min3A_744 = arith.minimumf %abs3A_741, %min3A_743 : vector<16xf32>
      %convert_element_type3A_745 = arith.fptosi %min3A_744 : vector<16xf32> to vector<16xi32>
      %bitcast3A_746 = vector.bitcast %sub3A_737 : vector<16xf32> to vector<16xi32>
      %convert_element_type3A_747 = arith.sitofp %bitcast3A_746 : vector<16xi32> to vector<16xf32>
      %mul3A_748 = arith.constant 2.15738524E-7 : f32
      %mul3A_749 = vector.broadcast %mul3A_748 : f32 to vector<16xf32>
      %mul3A_750 = arith.mulf %convert_element_type3A_747, %mul3A_749 : vector<16xf32>
      %add3A_751 = arith.constant -223.267273 : f32
      %add3A_752 = vector.broadcast %add3A_751 : f32 to vector<16xf32>
      %add3A_753 = arith.addf %mul3A_750, %add3A_752 : vector<16xf32>
      %convert_element_type3A_754 = arith.fptosi %add3A_753 : vector<16xf32> to vector<16xi32>
      %jit3A_755 = arith.constant 0 : i32
      %jit3A_756 = arith.constant 24 : i32
      %max3A_757 = vector.broadcast %jit3A_755 : i32 to vector<16xi32>
      %max3A_758 = arith.maxsi %max3A_757, %convert_element_type3A_754 : vector<16xi32>
      %min3A_759 = vector.broadcast %jit3A_756 : i32 to vector<16xi32>
      %min3A_760 = arith.minsi %min3A_759, %max3A_758 : vector<16xi32>
      %add3A_761 = arith.addi %min3A_760, %mul3A_6 : vector<16xi32>
      %gather3A_762 = tpu.vector_load_idx %arg12[%add3A_761] : memref<527xf32, #tpu.memory_space<vmem>>[vector<16xi32>], vector<16xf32>,
      %lt3A_763 = arith.cmpf olt, %sub3A_737, %gather3A_762 : vector<16xf32>
      %sub3A_764 = arith.constant 1 : i32
      %sub3A_765 = vector.broadcast %sub3A_764 : i32 to vector<16xi32>
      %sub3A_766 = arith.subi %min3A_760, %sub3A_765 : vector<16xi32>
      %select_n3A_767 = arith.select %lt3A_763, %sub3A_766, %min3A_760 : vector<16xi1>, vector<16xi32>
      %mul3A_768 = arith.constant 32 : i32
      %mul3A_769 = vector.broadcast %mul3A_768 : i32 to vector<16xi32>
      %mul3A_770 = arith.muli %convert_element_type3A_745, %mul3A_769 : vector<16xi32>
      %add3A_771 = arith.addi %mul3A_770, %select_n3A_767 : vector<16xi32>
      %add3A_772 = arith.addi %add3A_771, %mul3A_3 : vector<16xi32>
      tpu.vector_store_idx %arg10[%add3A_772], %mul3A_739 {add = true} : memref<12320xf32, #tpu.memory_space<vmem>>[vector<16xi32>], vector<16xf32>,
      %sub3A_773 = arith.subf %get3A_523, %gather3A_517 : vector<16xf32>
      %mul3A_774 = arith.mulf %get3A_527, %gather3A_519 : vector<16xf32>
      %mul3A_775 = arith.mulf %mul3A_774, %convert_element_type3A_107 : vector<16xf32>
      %sub3A_776 = arith.subf %get3A_525, %gather3A_518 : vector<16xf32>
      %abs3A_777 = math.absf %sub3A_776 : vector<16xf32>
      %min3A_778 = arith.constant 2.300000e+01 : f32
      %min3A_779 = vector.broadcast %min3A_778 : f32 to vector<16xf32>
      %min3A_780 = arith.minimumf %abs3A_777, %min3A_779 : vector<16xf32>
      %convert_element_type3A_781 = arith.fptosi %min3A_780 : vector<16xf32> to vector<16xi32>
      %bitcast3A_782 = vector.bitcast %sub3A_773 : vector<16xf32> to vector<16xi32>
      %convert_element_type3A_783 = arith.sitofp %bitcast3A_782 : vector<16xi32> to vector<16xf32>
      %mul3A_784 = arith.constant 2.15738524E-7 : f32
      %mul3A_785 = vector.broadcast %mul3A_784 : f32 to vector<16xf32>
      %mul3A_786 = arith.mulf %convert_element_type3A_783, %mul3A_785 : vector<16xf32>
      %add3A_787 = arith.constant -223.267273 : f32
      %add3A_788 = vector.broadcast %add3A_787 : f32 to vector<16xf32>
      %add3A_789 = arith.addf %mul3A_786, %add3A_788 : vector<16xf32>
      %convert_element_type3A_790 = arith.fptosi %add3A_789 : vector<16xf32> to vector<16xi32>
      %jit3A_791 = arith.constant 0 : i32
      %jit3A_792 = arith.constant 24 : i32
      %max3A_793 = vector.broadcast %jit3A_791 : i32 to vector<16xi32>
      %max3A_794 = arith.maxsi %max3A_793, %convert_element_type3A_790 : vector<16xi32>
      %min3A_795 = vector.broadcast %jit3A_792 : i32 to vector<16xi32>
      %min3A_796 = arith.minsi %min3A_795, %max3A_794 : vector<16xi32>
      %add3A_797 = arith.addi %min3A_796, %mul3A_6 : vector<16xi32>
      %gather3A_798 = tpu.vector_load_idx %arg12[%add3A_797] : memref<527xf32, #tpu.memory_space<vmem>>[vector<16xi32>], vector<16xf32>,
      %lt3A_799 = arith.cmpf olt, %sub3A_773, %gather3A_798 : vector<16xf32>
      %sub3A_800 = arith.constant 1 : i32
      %sub3A_801 = vector.broadcast %sub3A_800 : i32 to vector<16xi32>
      %sub3A_802 = arith.subi %min3A_796, %sub3A_801 : vector<16xi32>
      %select_n3A_803 = arith.select %lt3A_799, %sub3A_802, %min3A_796 : vector<16xi1>, vector<16xi32>
      %mul3A_804 = arith.constant 32 : i32
      %mul3A_805 = vector.broadcast %mul3A_804 : i32 to vector<16xi32>
      %mul3A_806 = arith.muli %convert_element_type3A_781, %mul3A_805 : vector<16xi32>
      %add3A_807 = arith.addi %mul3A_806, %select_n3A_803 : vector<16xi32>
      %add3A_808 = arith.addi %add3A_807, %mul3A_3 : vector<16xi32>
      tpu.vector_store_idx %arg10[%add3A_808], %mul3A_775 {add = true} : memref<12320xf32, #tpu.memory_space<vmem>>[vector<16xi32>], vector<16xf32>,
      %add3A_809 = arith.constant 1 : i32
      %add3A_810 = arith.addi %mul3A_471, %add3A_809 : i32
      %add3A_811 = arith.constant 16 : i32
      %add3A_812 = arith.addi %add3A_810, %add3A_811 : i32
      %parallel_loop3A_813 = arith.constant 512 : i32
      %parallel_loop3A_814 = arith.constant 16 : i32
      scf.for %parallel_loop3A_816 = %add3A_812 to %parallel_loop3A_813 step %parallel_loop3A_814  : i32 {
        %parallel_loop3A_817 = arith.index_cast %parallel_loop3A_816 : i32 to index
        %parallel_loop3A_818 = tpu.vector_load %arg7[%parallel_loop3A_817] {strides = array<i32>} : memref<528xf32, #tpu.memory_space<vmem>>, vector<16xf32>,
        %parallel_loop3A_819 = arith.index_cast %parallel_loop3A_816 : i32 to index
        %parallel_loop3A_820 = tpu.vector_load %arg8[%parallel_loop3A_819] {strides = array<i32>} : memref<528xf32, #tpu.memory_space<vmem>>, vector<16xf32>,
        %parallel_loop3A_821 = arith.index_cast %parallel_loop3A_816 : i32 to index
        %parallel_loop3A_822 = tpu.vector_load %arg9[%parallel_loop3A_821] {strides = array<i32>} : memref<528xf32, #tpu.memory_space<vmem>>, vector<16xf32>,
        %parallel_loop3A_823 = arith.subf %parallel_loop3A_818, %gather3A_475 : vector<16xf32>
        %parallel_loop3A_824 = arith.mulf %parallel_loop3A_822, %gather3A_477 : vector<16xf32>
        %parallel_loop3A_825 = arith.subf %parallel_loop3A_820, %gather3A_476 : vector<16xf32>
        %parallel_loop3A_826 = math.absf %parallel_loop3A_825 : vector<16xf32>
        %parallel_loop3A_827 = arith.constant 2.300000e+01 : f32
        %parallel_loop3A_828 = vector.broadcast %parallel_loop3A_827 : f32 to vector<16xf32>
        %parallel_loop3A_829 = arith.minimumf %parallel_loop3A_826, %parallel_loop3A_828 : vector<16xf32>
        %parallel_loop3A_830 = arith.fptosi %parallel_loop3A_829 : vector<16xf32> to vector<16xi32>
        %parallel_loop3A_831 = vector.bitcast %parallel_loop3A_823 : vector<16xf32> to vector<16xi32>
        %parallel_loop3A_832 = arith.sitofp %parallel_loop3A_831 : vector<16xi32> to vector<16xf32>
        %parallel_loop3A_833 = arith.constant 2.15738524E-7 : f32
        %parallel_loop3A_834 = vector.broadcast %parallel_loop3A_833 : f32 to vector<16xf32>
        %parallel_loop3A_835 = arith.mulf %parallel_loop3A_832, %parallel_loop3A_834 : vector<16xf32>
        %parallel_loop3A_836 = arith.constant -223.267273 : f32
        %parallel_loop3A_837 = vector.broadcast %parallel_loop3A_836 : f32 to vector<16xf32>
        %parallel_loop3A_838 = arith.addf %parallel_loop3A_835, %parallel_loop3A_837 : vector<16xf32>
        %parallel_loop3A_839 = arith.fptosi %parallel_loop3A_838 : vector<16xf32> to vector<16xi32>
        %parallel_loop3A_840 = arith.constant 0 : i32
        %parallel_loop3A_841 = arith.constant 24 : i32
        %parallel_loop3A_842 = vector.broadcast %parallel_loop3A_840 : i32 to vector<16xi32>
        %parallel_loop3A_843 = arith.maxsi %parallel_loop3A_842, %parallel_loop3A_839 : vector<16xi32>
        %parallel_loop3A_844 = vector.broadcast %parallel_loop3A_841 : i32 to vector<16xi32>
        %parallel_loop3A_845 = arith.minsi %parallel_loop3A_844, %parallel_loop3A_843 : vector<16xi32>
        %parallel_loop3A_846 = arith.addi %parallel_loop3A_845, %mul3A_6 : vector<16xi32>
        %parallel_loop3A_847 = tpu.vector_load_idx %arg12[%parallel_loop3A_846] : memref<527xf32, #tpu.memory_space<vmem>>[vector<16xi32>], vector<16xf32>,
        %parallel_loop3A_848 = arith.cmpf olt, %parallel_loop3A_823, %parallel_loop3A_847 : vector<16xf32>
        %parallel_loop3A_849 = arith.constant 1 : i32
        %parallel_loop3A_850 = vector.broadcast %parallel_loop3A_849 : i32 to vector<16xi32>
        %parallel_loop3A_851 = arith.subi %parallel_loop3A_845, %parallel_loop3A_850 : vector<16xi32>
        %parallel_loop3A_852 = arith.select %parallel_loop3A_848, %parallel_loop3A_851, %parallel_loop3A_845 : vector<16xi1>, vector<16xi32>
        %parallel_loop3A_853 = arith.constant 32 : i32
        %parallel_loop3A_854 = vector.broadcast %parallel_loop3A_853 : i32 to vector<16xi32>
        %parallel_loop3A_855 = arith.muli %parallel_loop3A_830, %parallel_loop3A_854 : vector<16xi32>
        %parallel_loop3A_856 = arith.addi %parallel_loop3A_855, %parallel_loop3A_852 : vector<16xi32>
        %parallel_loop3A_857 = arith.addi %parallel_loop3A_856, %mul3A_3 : vector<16xi32>
        tpu.vector_store_idx %arg10[%parallel_loop3A_857], %parallel_loop3A_824 {add = true} : memref<12320xf32, #tpu.memory_space<vmem>>[vector<16xi32>], vector<16xf32>,
        %parallel_loop3A_858 = arith.subf %parallel_loop3A_818, %gather3A_481 : vector<16xf32>
        %parallel_loop3A_859 = arith.mulf %parallel_loop3A_822, %gather3A_483 : vector<16xf32>
        %parallel_loop3A_860 = arith.subf %parallel_loop3A_820, %gather3A_482 : vector<16xf32>
        %parallel_loop3A_861 = math.absf %parallel_loop3A_860 : vector<16xf32>
        %parallel_loop3A_862 = arith.constant 2.300000e+01 : f32
        %parallel_loop3A_863 = vector.broadcast %parallel_loop3A_862 : f32 to vector<16xf32>
        %parallel_loop3A_864 = arith.minimumf %parallel_loop3A_861, %parallel_loop3A_863 : vector<16xf32>
        %parallel_loop3A_865 = arith.fptosi %parallel_loop3A_864 : vector<16xf32> to vector<16xi32>
        %parallel_loop3A_866 = vector.bitcast %parallel_loop3A_858 : vector<16xf32> to vector<16xi32>
        %parallel_loop3A_867 = arith.sitofp %parallel_loop3A_866 : vector<16xi32> to vector<16xf32>
        %parallel_loop3A_868 = arith.constant 2.15738524E-7 : f32
        %parallel_loop3A_869 = vector.broadcast %parallel_loop3A_868 : f32 to vector<16xf32>
        %parallel_loop3A_870 = arith.mulf %parallel_loop3A_867, %parallel_loop3A_869 : vector<16xf32>
        %parallel_loop3A_871 = arith.constant -223.267273 : f32
        %parallel_loop3A_872 = vector.broadcast %parallel_loop3A_871 : f32 to vector<16xf32>
        %parallel_loop3A_873 = arith.addf %parallel_loop3A_870, %parallel_loop3A_872 : vector<16xf32>
        %parallel_loop3A_874 = arith.fptosi %parallel_loop3A_873 : vector<16xf32> to vector<16xi32>
        %parallel_loop3A_875 = arith.constant 0 : i32
        %parallel_loop3A_876 = arith.constant 24 : i32
        %parallel_loop3A_877 = vector.broadcast %parallel_loop3A_875 : i32 to vector<16xi32>
        %parallel_loop3A_878 = arith.maxsi %parallel_loop3A_877, %parallel_loop3A_874 : vector<16xi32>
        %parallel_loop3A_879 = vector.broadcast %parallel_loop3A_876 : i32 to vector<16xi32>
        %parallel_loop3A_880 = arith.minsi %parallel_loop3A_879, %parallel_loop3A_878 : vector<16xi32>
        %parallel_loop3A_881 = arith.addi %parallel_loop3A_880, %mul3A_6 : vector<16xi32>
        %parallel_loop3A_882 = tpu.vector_load_idx %arg12[%parallel_loop3A_881] : memref<527xf32, #tpu.memory_space<vmem>>[vector<16xi32>], vector<16xf32>,
        %parallel_loop3A_883 = arith.cmpf olt, %parallel_loop3A_858, %parallel_loop3A_882 : vector<16xf32>
        %parallel_loop3A_884 = arith.constant 1 : i32
        %parallel_loop3A_885 = vector.broadcast %parallel_loop3A_884 : i32 to vector<16xi32>
        %parallel_loop3A_886 = arith.subi %parallel_loop3A_880, %parallel_loop3A_885 : vector<16xi32>
        %parallel_loop3A_887 = arith.select %parallel_loop3A_883, %parallel_loop3A_886, %parallel_loop3A_880 : vector<16xi1>, vector<16xi32>
        %parallel_loop3A_888 = arith.constant 32 : i32
        %parallel_loop3A_889 = vector.broadcast %parallel_loop3A_888 : i32 to vector<16xi32>
        %parallel_loop3A_890 = arith.muli %parallel_loop3A_865, %parallel_loop3A_889 : vector<16xi32>
        %parallel_loop3A_891 = arith.addi %parallel_loop3A_890, %parallel_loop3A_887 : vector<16xi32>
        %parallel_loop3A_892 = arith.addi %parallel_loop3A_891, %mul3A_3 : vector<16xi32>
        tpu.vector_store_idx %arg10[%parallel_loop3A_892], %parallel_loop3A_859 {add = true} : memref<12320xf32, #tpu.memory_space<vmem>>[vector<16xi32>], vector<16xf32>,
        %parallel_loop3A_893 = arith.subf %parallel_loop3A_818, %gather3A_487 : vector<16xf32>
        %parallel_loop3A_894 = arith.mulf %parallel_loop3A_822, %gather3A_489 : vector<16xf32>
        %parallel_loop3A_895 = arith.subf %parallel_loop3A_820, %gather3A_488 : vector<16xf32>
        %parallel_loop3A_896 = math.absf %parallel_loop3A_895 : vector<16xf32>
        %parallel_loop3A_897 = arith.constant 2.300000e+01 : f32
        %parallel_loop3A_898 = vector.broadcast %parallel_loop3A_897 : f32 to vector<16xf32>
        %parallel_loop3A_899 = arith.minimumf %parallel_loop3A_896, %parallel_loop3A_898 : vector<16xf32>
        %parallel_loop3A_900 = arith.fptosi %parallel_loop3A_899 : vector<16xf32> to vector<16xi32>
        %parallel_loop3A_901 = vector.bitcast %parallel_loop3A_893 : vector<16xf32> to vector<16xi32>
        %parallel_loop3A_902 = arith.sitofp %parallel_loop3A_901 : vector<16xi32> to vector<16xf32>
        %parallel_loop3A_903 = arith.constant 2.15738524E-7 : f32
        %parallel_loop3A_904 = vector.broadcast %parallel_loop3A_903 : f32 to vector<16xf32>
        %parallel_loop3A_905 = arith.mulf %parallel_loop3A_902, %parallel_loop3A_904 : vector<16xf32>
        %parallel_loop3A_906 = arith.constant -223.267273 : f32
        %parallel_loop3A_907 = vector.broadcast %parallel_loop3A_906 : f32 to vector<16xf32>
        %parallel_loop3A_908 = arith.addf %parallel_loop3A_905, %parallel_loop3A_907 : vector<16xf32>
        %parallel_loop3A_909 = arith.fptosi %parallel_loop3A_908 : vector<16xf32> to vector<16xi32>
        %parallel_loop3A_910 = arith.constant 0 : i32
        %parallel_loop3A_911 = arith.constant 24 : i32
        %parallel_loop3A_912 = vector.broadcast %parallel_loop3A_910 : i32 to vector<16xi32>
        %parallel_loop3A_913 = arith.maxsi %parallel_loop3A_912, %parallel_loop3A_909 : vector<16xi32>
        %parallel_loop3A_914 = vector.broadcast %parallel_loop3A_911 : i32 to vector<16xi32>
        %parallel_loop3A_915 = arith.minsi %parallel_loop3A_914, %parallel_loop3A_913 : vector<16xi32>
        %parallel_loop3A_916 = arith.addi %parallel_loop3A_915, %mul3A_6 : vector<16xi32>
        %parallel_loop3A_917 = tpu.vector_load_idx %arg12[%parallel_loop3A_916] : memref<527xf32, #tpu.memory_space<vmem>>[vector<16xi32>], vector<16xf32>,
        %parallel_loop3A_918 = arith.cmpf olt, %parallel_loop3A_893, %parallel_loop3A_917 : vector<16xf32>
        %parallel_loop3A_919 = arith.constant 1 : i32
        %parallel_loop3A_920 = vector.broadcast %parallel_loop3A_919 : i32 to vector<16xi32>
        %parallel_loop3A_921 = arith.subi %parallel_loop3A_915, %parallel_loop3A_920 : vector<16xi32>
        %parallel_loop3A_922 = arith.select %parallel_loop3A_918, %parallel_loop3A_921, %parallel_loop3A_915 : vector<16xi1>, vector<16xi32>
        %parallel_loop3A_923 = arith.constant 32 : i32
        %parallel_loop3A_924 = vector.broadcast %parallel_loop3A_923 : i32 to vector<16xi32>
        %parallel_loop3A_925 = arith.muli %parallel_loop3A_900, %parallel_loop3A_924 : vector<16xi32>
        %parallel_loop3A_926 = arith.addi %parallel_loop3A_925, %parallel_loop3A_922 : vector<16xi32>
        %parallel_loop3A_927 = arith.addi %parallel_loop3A_926, %mul3A_3 : vector<16xi32>
        tpu.vector_store_idx %arg10[%parallel_loop3A_927], %parallel_loop3A_894 {add = true} : memref<12320xf32, #tpu.memory_space<vmem>>[vector<16xi32>], vector<16xf32>,
        %parallel_loop3A_928 = arith.subf %parallel_loop3A_818, %gather3A_493 : vector<16xf32>
        %parallel_loop3A_929 = arith.mulf %parallel_loop3A_822, %gather3A_495 : vector<16xf32>
        %parallel_loop3A_930 = arith.subf %parallel_loop3A_820, %gather3A_494 : vector<16xf32>
        %parallel_loop3A_931 = math.absf %parallel_loop3A_930 : vector<16xf32>
        %parallel_loop3A_932 = arith.constant 2.300000e+01 : f32
        %parallel_loop3A_933 = vector.broadcast %parallel_loop3A_932 : f32 to vector<16xf32>
        %parallel_loop3A_934 = arith.minimumf %parallel_loop3A_931, %parallel_loop3A_933 : vector<16xf32>
        %parallel_loop3A_935 = arith.fptosi %parallel_loop3A_934 : vector<16xf32> to vector<16xi32>
        %parallel_loop3A_936 = vector.bitcast %parallel_loop3A_928 : vector<16xf32> to vector<16xi32>
        %parallel_loop3A_937 = arith.sitofp %parallel_loop3A_936 : vector<16xi32> to vector<16xf32>
        %parallel_loop3A_938 = arith.constant 2.15738524E-7 : f32
        %parallel_loop3A_939 = vector.broadcast %parallel_loop3A_938 : f32 to vector<16xf32>
        %parallel_loop3A_940 = arith.mulf %parallel_loop3A_937, %parallel_loop3A_939 : vector<16xf32>
        %parallel_loop3A_941 = arith.constant -223.267273 : f32
        %parallel_loop3A_942 = vector.broadcast %parallel_loop3A_941 : f32 to vector<16xf32>
        %parallel_loop3A_943 = arith.addf %parallel_loop3A_940, %parallel_loop3A_942 : vector<16xf32>
        %parallel_loop3A_944 = arith.fptosi %parallel_loop3A_943 : vector<16xf32> to vector<16xi32>
        %parallel_loop3A_945 = arith.constant 0 : i32
        %parallel_loop3A_946 = arith.constant 24 : i32
        %parallel_loop3A_947 = vector.broadcast %parallel_loop3A_945 : i32 to vector<16xi32>
        %parallel_loop3A_948 = arith.maxsi %parallel_loop3A_947, %parallel_loop3A_944 : vector<16xi32>
        %parallel_loop3A_949 = vector.broadcast %parallel_loop3A_946 : i32 to vector<16xi32>
        %parallel_loop3A_950 = arith.minsi %parallel_loop3A_949, %parallel_loop3A_948 : vector<16xi32>
        %parallel_loop3A_951 = arith.addi %parallel_loop3A_950, %mul3A_6 : vector<16xi32>
        %parallel_loop3A_952 = tpu.vector_load_idx %arg12[%parallel_loop3A_951] : memref<527xf32, #tpu.memory_space<vmem>>[vector<16xi32>], vector<16xf32>,
        %parallel_loop3A_953 = arith.cmpf olt, %parallel_loop3A_928, %parallel_loop3A_952 : vector<16xf32>
        %parallel_loop3A_954 = arith.constant 1 : i32
        %parallel_loop3A_955 = vector.broadcast %parallel_loop3A_954 : i32 to vector<16xi32>
        %parallel_loop3A_956 = arith.subi %parallel_loop3A_950, %parallel_loop3A_955 : vector<16xi32>
        %parallel_loop3A_957 = arith.select %parallel_loop3A_953, %parallel_loop3A_956, %parallel_loop3A_950 : vector<16xi1>, vector<16xi32>
        %parallel_loop3A_958 = arith.constant 32 : i32
        %parallel_loop3A_959 = vector.broadcast %parallel_loop3A_958 : i32 to vector<16xi32>
        %parallel_loop3A_960 = arith.muli %parallel_loop3A_935, %parallel_loop3A_959 : vector<16xi32>
        %parallel_loop3A_961 = arith.addi %parallel_loop3A_960, %parallel_loop3A_957 : vector<16xi32>
        %parallel_loop3A_962 = arith.addi %parallel_loop3A_961, %mul3A_3 : vector<16xi32>
        tpu.vector_store_idx %arg10[%parallel_loop3A_962], %parallel_loop3A_929 {add = true} : memref<12320xf32, #tpu.memory_space<vmem>>[vector<16xi32>], vector<16xf32>,
        %parallel_loop3A_963 = arith.subf %parallel_loop3A_818, %gather3A_499 : vector<16xf32>
        %parallel_loop3A_964 = arith.mulf %parallel_loop3A_822, %gather3A_501 : vector<16xf32>
        %parallel_loop3A_965 = arith.subf %parallel_loop3A_820, %gather3A_500 : vector<16xf32>
        %parallel_loop3A_966 = math.absf %parallel_loop3A_965 : vector<16xf32>
        %parallel_loop3A_967 = arith.constant 2.300000e+01 : f32
        %parallel_loop3A_968 = vector.broadcast %parallel_loop3A_967 : f32 to vector<16xf32>
        %parallel_loop3A_969 = arith.minimumf %parallel_loop3A_966, %parallel_loop3A_968 : vector<16xf32>
        %parallel_loop3A_970 = arith.fptosi %parallel_loop3A_969 : vector<16xf32> to vector<16xi32>
        %parallel_loop3A_971 = vector.bitcast %parallel_loop3A_963 : vector<16xf32> to vector<16xi32>
        %parallel_loop3A_972 = arith.sitofp %parallel_loop3A_971 : vector<16xi32> to vector<16xf32>
        %parallel_loop3A_973 = arith.constant 2.15738524E-7 : f32
        %parallel_loop3A_974 = vector.broadcast %parallel_loop3A_973 : f32 to vector<16xf32>
        %parallel_loop3A_975 = arith.mulf %parallel_loop3A_972, %parallel_loop3A_974 : vector<16xf32>
        %parallel_loop3A_976 = arith.constant -223.267273 : f32
        %parallel_loop3A_977 = vector.broadcast %parallel_loop3A_976 : f32 to vector<16xf32>
        %parallel_loop3A_978 = arith.addf %parallel_loop3A_975, %parallel_loop3A_977 : vector<16xf32>
        %parallel_loop3A_979 = arith.fptosi %parallel_loop3A_978 : vector<16xf32> to vector<16xi32>
        %parallel_loop3A_980 = arith.constant 0 : i32
        %parallel_loop3A_981 = arith.constant 24 : i32
        %parallel_loop3A_982 = vector.broadcast %parallel_loop3A_980 : i32 to vector<16xi32>
        %parallel_loop3A_983 = arith.maxsi %parallel_loop3A_982, %parallel_loop3A_979 : vector<16xi32>
        %parallel_loop3A_984 = vector.broadcast %parallel_loop3A_981 : i32 to vector<16xi32>
        %parallel_loop3A_985 = arith.minsi %parallel_loop3A_984, %parallel_loop3A_983 : vector<16xi32>
        %parallel_loop3A_986 = arith.addi %parallel_loop3A_985, %mul3A_6 : vector<16xi32>
        %parallel_loop3A_987 = tpu.vector_load_idx %arg12[%parallel_loop3A_986] : memref<527xf32, #tpu.memory_space<vmem>>[vector<16xi32>], vector<16xf32>,
        %parallel_loop3A_988 = arith.cmpf olt, %parallel_loop3A_963, %parallel_loop3A_987 : vector<16xf32>
        %parallel_loop3A_989 = arith.constant 1 : i32
        %parallel_loop3A_990 = vector.broadcast %parallel_loop3A_989 : i32 to vector<16xi32>
        %parallel_loop3A_991 = arith.subi %parallel_loop3A_985, %parallel_loop3A_990 : vector<16xi32>
        %parallel_loop3A_992 = arith.select %parallel_loop3A_988, %parallel_loop3A_991, %parallel_loop3A_985 : vector<16xi1>, vector<16xi32>
        %parallel_loop3A_993 = arith.constant 32 : i32
        %parallel_loop3A_994 = vector.broadcast %parallel_loop3A_993 : i32 to vector<16xi32>
        %parallel_loop3A_995 = arith.muli %parallel_loop3A_970, %parallel_loop3A_994 : vector<16xi32>
        %parallel_loop3A_996 = arith.addi %parallel_loop3A_995, %parallel_loop3A_992 : vector<16xi32>
        %parallel_loop3A_997 = arith.addi %parallel_loop3A_996, %mul3A_3 : vector<16xi32>
        tpu.vector_store_idx %arg10[%parallel_loop3A_997], %parallel_loop3A_964 {add = true} : memref<12320xf32, #tpu.memory_space<vmem>>[vector<16xi32>], vector<16xf32>,
        %parallel_loop3A_998 = arith.subf %parallel_loop3A_818, %gather3A_505 : vector<16xf32>
        %parallel_loop3A_999 = arith.mulf %parallel_loop3A_822, %gather3A_507 : vector<16xf32>
        %parallel_loop3A_1000 = arith.subf %parallel_loop3A_820, %gather3A_506 : vector<16xf32>
        %parallel_loop3A_1001 = math.absf %parallel_loop3A_1000 : vector<16xf32>
        %parallel_loop3A_1002 = arith.constant 2.300000e+01 : f32
        %parallel_loop3A_1003 = vector.broadcast %parallel_loop3A_1002 : f32 to vector<16xf32>
        %parallel_loop3A_1004 = arith.minimumf %parallel_loop3A_1001, %parallel_loop3A_1003 : vector<16xf32>
        %parallel_loop3A_1005 = arith.fptosi %parallel_loop3A_1004 : vector<16xf32> to vector<16xi32>
        %parallel_loop3A_1006 = vector.bitcast %parallel_loop3A_998 : vector<16xf32> to vector<16xi32>
        %parallel_loop3A_1007 = arith.sitofp %parallel_loop3A_1006 : vector<16xi32> to vector<16xf32>
        %parallel_loop3A_1008 = arith.constant 2.15738524E-7 : f32
        %parallel_loop3A_1009 = vector.broadcast %parallel_loop3A_1008 : f32 to vector<16xf32>
        %parallel_loop3A_1010 = arith.mulf %parallel_loop3A_1007, %parallel_loop3A_1009 : vector<16xf32>
        %parallel_loop3A_1011 = arith.constant -223.267273 : f32
        %parallel_loop3A_1012 = vector.broadcast %parallel_loop3A_1011 : f32 to vector<16xf32>
        %parallel_loop3A_1013 = arith.addf %parallel_loop3A_1010, %parallel_loop3A_1012 : vector<16xf32>
        %parallel_loop3A_1014 = arith.fptosi %parallel_loop3A_1013 : vector<16xf32> to vector<16xi32>
        %parallel_loop3A_1015 = arith.constant 0 : i32
        %parallel_loop3A_1016 = arith.constant 24 : i32
        %parallel_loop3A_1017 = vector.broadcast %parallel_loop3A_1015 : i32 to vector<16xi32>
        %parallel_loop3A_1018 = arith.maxsi %parallel_loop3A_1017, %parallel_loop3A_1014 : vector<16xi32>
        %parallel_loop3A_1019 = vector.broadcast %parallel_loop3A_1016 : i32 to vector<16xi32>
        %parallel_loop3A_1020 = arith.minsi %parallel_loop3A_1019, %parallel_loop3A_1018 : vector<16xi32>
        %parallel_loop3A_1021 = arith.addi %parallel_loop3A_1020, %mul3A_6 : vector<16xi32>
        %parallel_loop3A_1022 = tpu.vector_load_idx %arg12[%parallel_loop3A_1021] : memref<527xf32, #tpu.memory_space<vmem>>[vector<16xi32>], vector<16xf32>,
        %parallel_loop3A_1023 = arith.cmpf olt, %parallel_loop3A_998, %parallel_loop3A_1022 : vector<16xf32>
        %parallel_loop3A_1024 = arith.constant 1 : i32
        %parallel_loop3A_1025 = vector.broadcast %parallel_loop3A_1024 : i32 to vector<16xi32>
        %parallel_loop3A_1026 = arith.subi %parallel_loop3A_1020, %parallel_loop3A_1025 : vector<16xi32>
        %parallel_loop3A_1027 = arith.select %parallel_loop3A_1023, %parallel_loop3A_1026, %parallel_loop3A_1020 : vector<16xi1>, vector<16xi32>
        %parallel_loop3A_1028 = arith.constant 32 : i32
        %parallel_loop3A_1029 = vector.broadcast %parallel_loop3A_1028 : i32 to vector<16xi32>
        %parallel_loop3A_1030 = arith.muli %parallel_loop3A_1005, %parallel_loop3A_1029 : vector<16xi32>
        %parallel_loop3A_1031 = arith.addi %parallel_loop3A_1030, %parallel_loop3A_1027 : vector<16xi32>
        %parallel_loop3A_1032 = arith.addi %parallel_loop3A_1031, %mul3A_3 : vector<16xi32>
        tpu.vector_store_idx %arg10[%parallel_loop3A_1032], %parallel_loop3A_999 {add = true} : memref<12320xf32, #tpu.memory_space<vmem>>[vector<16xi32>], vector<16xf32>,
        %parallel_loop3A_1033 = arith.subf %parallel_loop3A_818, %gather3A_511 : vector<16xf32>
        %parallel_loop3A_1034 = arith.mulf %parallel_loop3A_822, %gather3A_513 : vector<16xf32>
        %parallel_loop3A_1035 = arith.subf %parallel_loop3A_820, %gather3A_512 : vector<16xf32>
        %parallel_loop3A_1036 = math.absf %parallel_loop3A_1035 : vector<16xf32>
        %parallel_loop3A_1037 = arith.constant 2.300000e+01 : f32
        %parallel_loop3A_1038 = vector.broadcast %parallel_loop3A_1037 : f32 to vector<16xf32>
        %parallel_loop3A_1039 = arith.minimumf %parallel_loop3A_1036, %parallel_loop3A_1038 : vector<16xf32>
        %parallel_loop3A_1040 = arith.fptosi %parallel_loop3A_1039 : vector<16xf32> to vector<16xi32>
        %parallel_loop3A_1041 = vector.bitcast %parallel_loop3A_1033 : vector<16xf32> to vector<16xi32>
        %parallel_loop3A_1042 = arith.sitofp %parallel_loop3A_1041 : vector<16xi32> to vector<16xf32>
        %parallel_loop3A_1043 = arith.constant 2.15738524E-7 : f32
        %parallel_loop3A_1044 = vector.broadcast %parallel_loop3A_1043 : f32 to vector<16xf32>
        %parallel_loop3A_1045 = arith.mulf %parallel_loop3A_1042, %parallel_loop3A_1044 : vector<16xf32>
        %parallel_loop3A_1046 = arith.constant -223.267273 : f32
        %parallel_loop3A_1047 = vector.broadcast %parallel_loop3A_1046 : f32 to vector<16xf32>
        %parallel_loop3A_1048 = arith.addf %parallel_loop3A_1045, %parallel_loop3A_1047 : vector<16xf32>
        %parallel_loop3A_1049 = arith.fptosi %parallel_loop3A_1048 : vector<16xf32> to vector<16xi32>
        %parallel_loop3A_1050 = arith.constant 0 : i32
        %parallel_loop3A_1051 = arith.constant 24 : i32
        %parallel_loop3A_1052 = vector.broadcast %parallel_loop3A_1050 : i32 to vector<16xi32>
        %parallel_loop3A_1053 = arith.maxsi %parallel_loop3A_1052, %parallel_loop3A_1049 : vector<16xi32>
        %parallel_loop3A_1054 = vector.broadcast %parallel_loop3A_1051 : i32 to vector<16xi32>
        %parallel_loop3A_1055 = arith.minsi %parallel_loop3A_1054, %parallel_loop3A_1053 : vector<16xi32>
        %parallel_loop3A_1056 = arith.addi %parallel_loop3A_1055, %mul3A_6 : vector<16xi32>
        %parallel_loop3A_1057 = tpu.vector_load_idx %arg12[%parallel_loop3A_1056] : memref<527xf32, #tpu.memory_space<vmem>>[vector<16xi32>], vector<16xf32>,
        %parallel_loop3A_1058 = arith.cmpf olt, %parallel_loop3A_1033, %parallel_loop3A_1057 : vector<16xf32>
        %parallel_loop3A_1059 = arith.constant 1 : i32
        %parallel_loop3A_1060 = vector.broadcast %parallel_loop3A_1059 : i32 to vector<16xi32>
        %parallel_loop3A_1061 = arith.subi %parallel_loop3A_1055, %parallel_loop3A_1060 : vector<16xi32>
        %parallel_loop3A_1062 = arith.select %parallel_loop3A_1058, %parallel_loop3A_1061, %parallel_loop3A_1055 : vector<16xi1>, vector<16xi32>
        %parallel_loop3A_1063 = arith.constant 32 : i32
        %parallel_loop3A_1064 = vector.broadcast %parallel_loop3A_1063 : i32 to vector<16xi32>
        %parallel_loop3A_1065 = arith.muli %parallel_loop3A_1040, %parallel_loop3A_1064 : vector<16xi32>
        %parallel_loop3A_1066 = arith.addi %parallel_loop3A_1065, %parallel_loop3A_1062 : vector<16xi32>
        %parallel_loop3A_1067 = arith.addi %parallel_loop3A_1066, %mul3A_3 : vector<16xi32>
        tpu.vector_store_idx %arg10[%parallel_loop3A_1067], %parallel_loop3A_1034 {add = true} : memref<12320xf32, #tpu.memory_space<vmem>>[vector<16xi32>], vector<16xf32>,
        %parallel_loop3A_1068 = arith.subf %parallel_loop3A_818, %gather3A_517 : vector<16xf32>
        %parallel_loop3A_1069 = arith.mulf %parallel_loop3A_822, %gather3A_519 : vector<16xf32>
        %parallel_loop3A_1070 = arith.subf %parallel_loop3A_820, %gather3A_518 : vector<16xf32>
        %parallel_loop3A_1071 = math.absf %parallel_loop3A_1070 : vector<16xf32>
        %parallel_loop3A_1072 = arith.constant 2.300000e+01 : f32
        %parallel_loop3A_1073 = vector.broadcast %parallel_loop3A_1072 : f32 to vector<16xf32>
        %parallel_loop3A_1074 = arith.minimumf %parallel_loop3A_1071, %parallel_loop3A_1073 : vector<16xf32>
        %parallel_loop3A_1075 = arith.fptosi %parallel_loop3A_1074 : vector<16xf32> to vector<16xi32>
        %parallel_loop3A_1076 = vector.bitcast %parallel_loop3A_1068 : vector<16xf32> to vector<16xi32>
        %parallel_loop3A_1077 = arith.sitofp %parallel_loop3A_1076 : vector<16xi32> to vector<16xf32>
        %parallel_loop3A_1078 = arith.constant 2.15738524E-7 : f32
        %parallel_loop3A_1079 = vector.broadcast %parallel_loop3A_1078 : f32 to vector<16xf32>
        %parallel_loop3A_1080 = arith.mulf %parallel_loop3A_1077, %parallel_loop3A_1079 : vector<16xf32>
        %parallel_loop3A_1081 = arith.constant -223.267273 : f32
        %parallel_loop3A_1082 = vector.broadcast %parallel_loop3A_1081 : f32 to vector<16xf32>
        %parallel_loop3A_1083 = arith.addf %parallel_loop3A_1080, %parallel_loop3A_1082 : vector<16xf32>
        %parallel_loop3A_1084 = arith.fptosi %parallel_loop3A_1083 : vector<16xf32> to vector<16xi32>
        %parallel_loop3A_1085 = arith.constant 0 : i32
        %parallel_loop3A_1086 = arith.constant 24 : i32
        %parallel_loop3A_1087 = vector.broadcast %parallel_loop3A_1085 : i32 to vector<16xi32>
        %parallel_loop3A_1088 = arith.maxsi %parallel_loop3A_1087, %parallel_loop3A_1084 : vector<16xi32>
        %parallel_loop3A_1089 = vector.broadcast %parallel_loop3A_1086 : i32 to vector<16xi32>
        %parallel_loop3A_1090 = arith.minsi %parallel_loop3A_1089, %parallel_loop3A_1088 : vector<16xi32>
        %parallel_loop3A_1091 = arith.addi %parallel_loop3A_1090, %mul3A_6 : vector<16xi32>
        %parallel_loop3A_1092 = tpu.vector_load_idx %arg12[%parallel_loop3A_1091] : memref<527xf32, #tpu.memory_space<vmem>>[vector<16xi32>], vector<16xf32>,
        %parallel_loop3A_1093 = arith.cmpf olt, %parallel_loop3A_1068, %parallel_loop3A_1092 : vector<16xf32>
        %parallel_loop3A_1094 = arith.constant 1 : i32
        %parallel_loop3A_1095 = vector.broadcast %parallel_loop3A_1094 : i32 to vector<16xi32>
        %parallel_loop3A_1096 = arith.subi %parallel_loop3A_1090, %parallel_loop3A_1095 : vector<16xi32>
        %parallel_loop3A_1097 = arith.select %parallel_loop3A_1093, %parallel_loop3A_1096, %parallel_loop3A_1090 : vector<16xi1>, vector<16xi32>
        %parallel_loop3A_1098 = arith.constant 32 : i32
        %parallel_loop3A_1099 = vector.broadcast %parallel_loop3A_1098 : i32 to vector<16xi32>
        %parallel_loop3A_1100 = arith.muli %parallel_loop3A_1075, %parallel_loop3A_1099 : vector<16xi32>
        %parallel_loop3A_1101 = arith.addi %parallel_loop3A_1100, %parallel_loop3A_1097 : vector<16xi32>
        %parallel_loop3A_1102 = arith.addi %parallel_loop3A_1101, %mul3A_3 : vector<16xi32>
        tpu.vector_store_idx %arg10[%parallel_loop3A_1102], %parallel_loop3A_1069 {add = true} : memref<12320xf32, #tpu.memory_space<vmem>>[vector<16xi32>], vector<16xf32>,
      } {sc.loop_unroll_factor = 2 : i64, sc.parallel_access}
      %scan3A_815 = arith.constant 0 : i32
      scf.yield %scan3A_815 : i32
    }
    %scan3A_280 = arith.constant 64 : i32
    %parallel_loop3A_281 = arith.constant 0 : i32
    %parallel_loop3A_282 = arith.constant 48 : i32
    %parallel_loop3A_283 = arith.constant 1 : i32
    scf.for %parallel_loop3A_468 = %parallel_loop3A_281 to %parallel_loop3A_282 step %parallel_loop3A_283  : i32 {
      %parallel_loop3A_469 = arith.constant 16 : i32
      %parallel_loop3A_470 = arith.muli %parallel_loop3A_468, %parallel_loop3A_469 : i32
      %parallel_loop3A_471 = arith.index_cast %parallel_loop3A_470 : i32 to index
      %parallel_loop3A_472 = tpu.vector_load %arg10[%parallel_loop3A_471] {strides = array<i32>} : memref<12320xf32, #tpu.memory_space<vmem>>, vector<16xf32>,
      %parallel_loop3A_473 = arith.constant 16 : i32
      %parallel_loop3A_474 = arith.muli %parallel_loop3A_468, %parallel_loop3A_473 : i32
      %parallel_loop3A_475 = arith.constant 769 : i32
      %parallel_loop3A_476 = arith.addi %parallel_loop3A_475, %parallel_loop3A_474 : i32
      %parallel_loop3A_477 = arith.index_cast %parallel_loop3A_476 : i32 to index
      %parallel_loop3A_478 = tpu.vector_load %arg10[%parallel_loop3A_477] {strides = array<i32>} : memref<12320xf32, #tpu.memory_space<vmem>>, vector<16xf32>,
      %parallel_loop3A_479 = arith.addf %parallel_loop3A_472, %parallel_loop3A_478 : vector<16xf32>
      %parallel_loop3A_480 = arith.constant 16 : i32
      %parallel_loop3A_481 = arith.muli %parallel_loop3A_468, %parallel_loop3A_480 : i32
      %parallel_loop3A_482 = arith.constant 1538 : i32
      %parallel_loop3A_483 = arith.addi %parallel_loop3A_482, %parallel_loop3A_481 : i32
      %parallel_loop3A_484 = arith.index_cast %parallel_loop3A_483 : i32 to index
      %parallel_loop3A_485 = tpu.vector_load %arg10[%parallel_loop3A_484] {strides = array<i32>} : memref<12320xf32, #tpu.memory_space<vmem>>, vector<16xf32>,
      %parallel_loop3A_486 = arith.addf %parallel_loop3A_479, %parallel_loop3A_485 : vector<16xf32>
      %parallel_loop3A_487 = arith.constant 16 : i32
      %parallel_loop3A_488 = arith.muli %parallel_loop3A_468, %parallel_loop3A_487 : i32
      %parallel_loop3A_489 = arith.constant 2307 : i32
      %parallel_loop3A_490 = arith.addi %parallel_loop3A_489, %parallel_loop3A_488 : i32
      %parallel_loop3A_491 = arith.index_cast %parallel_loop3A_490 : i32 to index
      %parallel_loop3A_492 = tpu.vector_load %arg10[%parallel_loop3A_491] {strides = array<i32>} : memref<12320xf32, #tpu.memory_space<vmem>>, vector<16xf32>,
      %parallel_loop3A_493 = arith.addf %parallel_loop3A_486, %parallel_loop3A_492 : vector<16xf32>
      %parallel_loop3A_494 = arith.constant 16 : i32
      %parallel_loop3A_495 = arith.muli %parallel_loop3A_468, %parallel_loop3A_494 : i32
      %parallel_loop3A_496 = arith.constant 3076 : i32
      %parallel_loop3A_497 = arith.addi %parallel_loop3A_496, %parallel_loop3A_495 : i32
      %parallel_loop3A_498 = arith.index_cast %parallel_loop3A_497 : i32 to index
      %parallel_loop3A_499 = tpu.vector_load %arg10[%parallel_loop3A_498] {strides = array<i32>} : memref<12320xf32, #tpu.memory_space<vmem>>, vector<16xf32>,
      %parallel_loop3A_500 = arith.addf %parallel_loop3A_493, %parallel_loop3A_499 : vector<16xf32>
      %parallel_loop3A_501 = arith.constant 16 : i32
      %parallel_loop3A_502 = arith.muli %parallel_loop3A_468, %parallel_loop3A_501 : i32
      %parallel_loop3A_503 = arith.constant 3845 : i32
      %parallel_loop3A_504 = arith.addi %parallel_loop3A_503, %parallel_loop3A_502 : i32
      %parallel_loop3A_505 = arith.index_cast %parallel_loop3A_504 : i32 to index
      %parallel_loop3A_506 = tpu.vector_load %arg10[%parallel_loop3A_505] {strides = array<i32>} : memref<12320xf32, #tpu.memory_space<vmem>>, vector<16xf32>,
      %parallel_loop3A_507 = arith.addf %parallel_loop3A_500, %parallel_loop3A_506 : vector<16xf32>
      %parallel_loop3A_508 = arith.constant 16 : i32
      %parallel_loop3A_509 = arith.muli %parallel_loop3A_468, %parallel_loop3A_508 : i32
      %parallel_loop3A_510 = arith.constant 4614 : i32
      %parallel_loop3A_511 = arith.addi %parallel_loop3A_510, %parallel_loop3A_509 : i32
      %parallel_loop3A_512 = arith.index_cast %parallel_loop3A_511 : i32 to index
      %parallel_loop3A_513 = tpu.vector_load %arg10[%parallel_loop3A_512] {strides = array<i32>} : memref<12320xf32, #tpu.memory_space<vmem>>, vector<16xf32>,
      %parallel_loop3A_514 = arith.addf %parallel_loop3A_507, %parallel_loop3A_513 : vector<16xf32>
      %parallel_loop3A_515 = arith.constant 16 : i32
      %parallel_loop3A_516 = arith.muli %parallel_loop3A_468, %parallel_loop3A_515 : i32
      %parallel_loop3A_517 = arith.constant 5383 : i32
      %parallel_loop3A_518 = arith.addi %parallel_loop3A_517, %parallel_loop3A_516 : i32
      %parallel_loop3A_519 = arith.index_cast %parallel_loop3A_518 : i32 to index
      %parallel_loop3A_520 = tpu.vector_load %arg10[%parallel_loop3A_519] {strides = array<i32>} : memref<12320xf32, #tpu.memory_space<vmem>>, vector<16xf32>,
      %parallel_loop3A_521 = arith.addf %parallel_loop3A_514, %parallel_loop3A_520 : vector<16xf32>
      %parallel_loop3A_522 = arith.constant 16 : i32
      %parallel_loop3A_523 = arith.muli %parallel_loop3A_468, %parallel_loop3A_522 : i32
      %parallel_loop3A_524 = arith.constant 6152 : i32
      %parallel_loop3A_525 = arith.addi %parallel_loop3A_524, %parallel_loop3A_523 : i32
      %parallel_loop3A_526 = arith.index_cast %parallel_loop3A_525 : i32 to index
      %parallel_loop3A_527 = tpu.vector_load %arg10[%parallel_loop3A_526] {strides = array<i32>} : memref<12320xf32, #tpu.memory_space<vmem>>, vector<16xf32>,
      %parallel_loop3A_528 = arith.addf %parallel_loop3A_521, %parallel_loop3A_527 : vector<16xf32>
      %parallel_loop3A_529 = arith.constant 16 : i32
      %parallel_loop3A_530 = arith.muli %parallel_loop3A_468, %parallel_loop3A_529 : i32
      %parallel_loop3A_531 = arith.constant 6921 : i32
      %parallel_loop3A_532 = arith.addi %parallel_loop3A_531, %parallel_loop3A_530 : i32
      %parallel_loop3A_533 = arith.index_cast %parallel_loop3A_532 : i32 to index
      %parallel_loop3A_534 = tpu.vector_load %arg10[%parallel_loop3A_533] {strides = array<i32>} : memref<12320xf32, #tpu.memory_space<vmem>>, vector<16xf32>,
      %parallel_loop3A_535 = arith.addf %parallel_loop3A_528, %parallel_loop3A_534 : vector<16xf32>
      %parallel_loop3A_536 = arith.constant 16 : i32
      %parallel_loop3A_537 = arith.muli %parallel_loop3A_468, %parallel_loop3A_536 : i32
      %parallel_loop3A_538 = arith.constant 7690 : i32
      %parallel_loop3A_539 = arith.addi %parallel_loop3A_538, %parallel_loop3A_537 : i32
      %parallel_loop3A_540 = arith.index_cast %parallel_loop3A_539 : i32 to index
      %parallel_loop3A_541 = tpu.vector_load %arg10[%parallel_loop3A_540] {strides = array<i32>} : memref<12320xf32, #tpu.memory_space<vmem>>, vector<16xf32>,
      %parallel_loop3A_542 = arith.addf %parallel_loop3A_535, %parallel_loop3A_541 : vector<16xf32>
      %parallel_loop3A_543 = arith.constant 16 : i32
      %parallel_loop3A_544 = arith.muli %parallel_loop3A_468, %parallel_loop3A_543 : i32
      %parallel_loop3A_545 = arith.constant 8459 : i32
      %parallel_loop3A_546 = arith.addi %parallel_loop3A_545, %parallel_loop3A_544 : i32
      %parallel_loop3A_547 = arith.index_cast %parallel_loop3A_546 : i32 to index
      %parallel_loop3A_548 = tpu.vector_load %arg10[%parallel_loop3A_547] {strides = array<i32>} : memref<12320xf32, #tpu.memory_space<vmem>>, vector<16xf32>,
      %parallel_loop3A_549 = arith.addf %parallel_loop3A_542, %parallel_loop3A_548 : vector<16xf32>
      %parallel_loop3A_550 = arith.constant 16 : i32
      %parallel_loop3A_551 = arith.muli %parallel_loop3A_468, %parallel_loop3A_550 : i32
      %parallel_loop3A_552 = arith.constant 9228 : i32
      %parallel_loop3A_553 = arith.addi %parallel_loop3A_552, %parallel_loop3A_551 : i32
      %parallel_loop3A_554 = arith.index_cast %parallel_loop3A_553 : i32 to index
      %parallel_loop3A_555 = tpu.vector_load %arg10[%parallel_loop3A_554] {strides = array<i32>} : memref<12320xf32, #tpu.memory_space<vmem>>, vector<16xf32>,
      %parallel_loop3A_556 = arith.addf %parallel_loop3A_549, %parallel_loop3A_555 : vector<16xf32>
      %parallel_loop3A_557 = arith.constant 16 : i32
      %parallel_loop3A_558 = arith.muli %parallel_loop3A_468, %parallel_loop3A_557 : i32
      %parallel_loop3A_559 = arith.constant 9997 : i32
      %parallel_loop3A_560 = arith.addi %parallel_loop3A_559, %parallel_loop3A_558 : i32
      %parallel_loop3A_561 = arith.index_cast %parallel_loop3A_560 : i32 to index
      %parallel_loop3A_562 = tpu.vector_load %arg10[%parallel_loop3A_561] {strides = array<i32>} : memref<12320xf32, #tpu.memory_space<vmem>>, vector<16xf32>,
      %parallel_loop3A_563 = arith.addf %parallel_loop3A_556, %parallel_loop3A_562 : vector<16xf32>
      %parallel_loop3A_564 = arith.constant 16 : i32
      %parallel_loop3A_565 = arith.muli %parallel_loop3A_468, %parallel_loop3A_564 : i32
      %parallel_loop3A_566 = arith.constant 10766 : i32
      %parallel_loop3A_567 = arith.addi %parallel_loop3A_566, %parallel_loop3A_565 : i32
      %parallel_loop3A_568 = arith.index_cast %parallel_loop3A_567 : i32 to index
      %parallel_loop3A_569 = tpu.vector_load %arg10[%parallel_loop3A_568] {strides = array<i32>} : memref<12320xf32, #tpu.memory_space<vmem>>, vector<16xf32>,
      %parallel_loop3A_570 = arith.addf %parallel_loop3A_563, %parallel_loop3A_569 : vector<16xf32>
      %parallel_loop3A_571 = arith.constant 16 : i32
      %parallel_loop3A_572 = arith.muli %parallel_loop3A_468, %parallel_loop3A_571 : i32
      %parallel_loop3A_573 = arith.constant 11535 : i32
      %parallel_loop3A_574 = arith.addi %parallel_loop3A_573, %parallel_loop3A_572 : i32
      %parallel_loop3A_575 = arith.index_cast %parallel_loop3A_574 : i32 to index
      %parallel_loop3A_576 = tpu.vector_load %arg10[%parallel_loop3A_575] {strides = array<i32>} : memref<12320xf32, #tpu.memory_space<vmem>>, vector<16xf32>,
      %parallel_loop3A_577 = arith.addf %parallel_loop3A_570, %parallel_loop3A_576 : vector<16xf32>
      %parallel_loop3A_578 = arith.constant 16 : i32
      %parallel_loop3A_579 = arith.muli %parallel_loop3A_468, %parallel_loop3A_578 : i32
      %parallel_loop3A_580 = arith.index_cast %parallel_loop3A_579 : i32 to index
      %parallel_loop3A_581 = tpu.vector_load %arg10[%parallel_loop3A_580] {strides = array<i32>} : memref<12320xf32, #tpu.memory_space<vmem>>, vector<16xf32>,
      tpu.vector_store %arg10[%parallel_loop3A_580], %parallel_loop3A_577 {strides = array<i32>} : memref<12320xf32, #tpu.memory_space<vmem>>, vector<16xf32>,
    } {sc.loop_unroll_factor = 2 : i64, sc.parallel_access}
    "tpu.region"() ({
      %run_scoped3A = tpu.sem_alloc : memref<!tpu.dma_semaphore, #tpu.memory_space<semaphore_mem>>
      %dma_start3A = arith.constant 0 : i32
      %dma_start3A_468 = tpu.memref_slice %arg10[%dma_start3A] : memref<12320xf32, #tpu.memory_space<vmem>> -> memref<768xf32, #tpu.memory_space<vmem>>
      %dma_start3A_469 = arith.constant 0 : i32
      %dma_start3A_470 = tpu.memref_slice %arg6[%add3A_111, %dma_start3A_469] : memref<64x768xf32, #tpu.memory_space<hbm>> -> memref<1x768xf32, #tpu.memory_space<hbm>>
      %dma_start3A_471 = tpu.memref_squeeze %dma_start3A_470 : memref<1x768xf32, #tpu.memory_space<hbm>> -> memref<768xf32, #tpu.memory_space<hbm>>
      %dma_start3A_472 = arith.constant 0 : i32
      %dma_start3A_473 = tpu.memref_slice %arg6[%add3A_111, %dma_start3A_472] : memref<64x768xf32, #tpu.memory_space<hbm>> -> memref<1x768xf32, #tpu.memory_space<hbm>>
      %dma_start3A_474 = tpu.memref_squeeze %dma_start3A_473 : memref<1x768xf32, #tpu.memory_space<hbm>> -> memref<768xf32, #tpu.memory_space<hbm>>
      %dma_start3A_475 = arith.constant 0 : i32
      %dma_start3A_476 = tpu.memref_slice %arg10[%dma_start3A_475] : memref<12320xf32, #tpu.memory_space<vmem>> -> memref<768xf32, #tpu.memory_space<vmem>>
      tpu.enqueue_dma source(%dma_start3A_476 : memref<768xf32, #tpu.memory_space<vmem>>) target(%dma_start3A_474 : memref<768xf32, #tpu.memory_space<hbm>>) target_semaphore(%run_scoped3A : memref<!tpu.dma_semaphore, #tpu.memory_space<semaphore_mem>>)
      %dma_wait3A = arith.constant 0 : i32
      %dma_wait3A_477 = tpu.memref_slice %arg10[%dma_wait3A] : memref<12320xf32, #tpu.memory_space<vmem>> -> memref<768xf32, #tpu.memory_space<vmem>>
      %dma_wait3A_478 = arith.constant 0 : i32
      %dma_wait3A_479 = tpu.memref_slice %arg6[%add3A_111, %dma_wait3A_478] : memref<64x768xf32, #tpu.memory_space<hbm>> -> memref<1x768xf32, #tpu.memory_space<hbm>>
      %dma_wait3A_480 = tpu.memref_squeeze %dma_wait3A_479 : memref<1x768xf32, #tpu.memory_space<hbm>> -> memref<768xf32, #tpu.memory_space<hbm>>
      %dma_wait3A_481 = arith.constant 0 : i32
      %dma_wait3A_482 = tpu.memref_slice %arg6[%add3A_111, %dma_wait3A_481] : memref<64x768xf32, #tpu.memory_space<hbm>> -> memref<1x768xf32, #tpu.memory_space<hbm>>
      %dma_wait3A_483 = tpu.memref_squeeze %dma_wait3A_482 : memref<1x768xf32, #tpu.memory_space<hbm>> -> memref<768xf32, #tpu.memory_space<hbm>>
      %dma_wait3A_484 = arith.constant 0 : i32
      %dma_wait3A_485 = tpu.memref_slice %arg10[%dma_wait3A_484] : memref<12320xf32, #tpu.memory_space<vmem>> -> memref<768xf32, #tpu.memory_space<vmem>>
      tpu.wait_dma2 semaphore(%run_scoped3A : memref<!tpu.dma_semaphore, #tpu.memory_space<semaphore_mem>>) src(%dma_wait3A_485 : memref<768xf32, #tpu.memory_space<vmem>>) dst(%dma_wait3A_483 : memref<768xf32, #tpu.memory_space<hbm>>)
      tpu.yield
    }) : () -> ()
    %mul3A_284 = arith.constant 2 : i32
    %mul3A_285 = arith.muli %add3A, %mul3A_284 : i32
    %add3A_286 = arith.constant 1 : i32
    %add3A_287 = arith.addi %mul3A_285, %add3A_286 : i32
    "tpu.region"() ({
      %run_scoped3A = tpu.sem_alloc : memref<!tpu.dma_semaphore, #tpu.memory_space<semaphore_mem>>
      %dma_start3A = arith.constant 0 : i32
      %dma_start3A_468 = tpu.memref_slice %arg2[%add3A_287, %dma_start3A] : memref<64x528xf32, #tpu.memory_space<hbm>> -> memref<1x528xf32, #tpu.memory_space<hbm>>
      %dma_start3A_469 = tpu.memref_squeeze %dma_start3A_468 : memref<1x528xf32, #tpu.memory_space<hbm>> -> memref<528xf32, #tpu.memory_space<hbm>>
      %dma_start3A_470 = arith.constant 0 : i32
      %dma_start3A_471 = tpu.memref_slice %arg2[%add3A_287, %dma_start3A_470] : memref<64x528xf32, #tpu.memory_space<hbm>> -> memref<1x528xf32, #tpu.memory_space<hbm>>
      %dma_start3A_472 = tpu.memref_squeeze %dma_start3A_471 : memref<1x528xf32, #tpu.memory_space<hbm>> -> memref<528xf32, #tpu.memory_space<hbm>>
      tpu.enqueue_dma source(%dma_start3A_472 : memref<528xf32, #tpu.memory_space<hbm>>) target(%arg7 : memref<528xf32, #tpu.memory_space<vmem>>) target_semaphore(%run_scoped3A : memref<!tpu.dma_semaphore, #tpu.memory_space<semaphore_mem>>)
      %dma_wait3A = arith.constant 0 : i32
      %dma_wait3A_473 = tpu.memref_slice %arg2[%add3A_287, %dma_wait3A] : memref<64x528xf32, #tpu.memory_space<hbm>> -> memref<1x528xf32, #tpu.memory_space<hbm>>
      %dma_wait3A_474 = tpu.memref_squeeze %dma_wait3A_473 : memref<1x528xf32, #tpu.memory_space<hbm>> -> memref<528xf32, #tpu.memory_space<hbm>>
      %dma_wait3A_475 = arith.constant 0 : i32
      %dma_wait3A_476 = tpu.memref_slice %arg2[%add3A_287, %dma_wait3A_475] : memref<64x528xf32, #tpu.memory_space<hbm>> -> memref<1x528xf32, #tpu.memory_space<hbm>>
      %dma_wait3A_477 = tpu.memref_squeeze %dma_wait3A_476 : memref<1x528xf32, #tpu.memory_space<hbm>> -> memref<528xf32, #tpu.memory_space<hbm>>
      tpu.wait_dma2 semaphore(%run_scoped3A : memref<!tpu.dma_semaphore, #tpu.memory_space<semaphore_mem>>) src(%dma_wait3A_477 : memref<528xf32, #tpu.memory_space<hbm>>) dst(%arg7 : memref<528xf32, #tpu.memory_space<vmem>>)
      tpu.yield
    }) : () -> ()
    "tpu.region"() ({
      %run_scoped3A = tpu.sem_alloc : memref<!tpu.dma_semaphore, #tpu.memory_space<semaphore_mem>>
      %dma_start3A = arith.constant 0 : i32
      %dma_start3A_468 = tpu.memref_slice %arg3[%add3A_287, %dma_start3A] : memref<64x528xf32, #tpu.memory_space<hbm>> -> memref<1x528xf32, #tpu.memory_space<hbm>>
      %dma_start3A_469 = tpu.memref_squeeze %dma_start3A_468 : memref<1x528xf32, #tpu.memory_space<hbm>> -> memref<528xf32, #tpu.memory_space<hbm>>
      %dma_start3A_470 = arith.constant 0 : i32
      %dma_start3A_471 = tpu.memref_slice %arg3[%add3A_287, %dma_start3A_470] : memref<64x528xf32, #tpu.memory_space<hbm>> -> memref<1x528xf32, #tpu.memory_space<hbm>>
      %dma_start3A_472 = tpu.memref_squeeze %dma_start3A_471 : memref<1x528xf32, #tpu.memory_space<hbm>> -> memref<528xf32, #tpu.memory_space<hbm>>
      tpu.enqueue_dma source(%dma_start3A_472 : memref<528xf32, #tpu.memory_space<hbm>>) target(%arg8 : memref<528xf32, #tpu.memory_space<vmem>>) target_semaphore(%run_scoped3A : memref<!tpu.dma_semaphore, #tpu.memory_space<semaphore_mem>>)
      %dma_wait3A = arith.constant 0 : i32
      %dma_wait3A_473 = tpu.memref_slice %arg3[%add3A_287, %dma_wait3A] : memref<64x528xf32, #tpu.memory_space<hbm>> -> memref<1x528xf32, #tpu.memory_space<hbm>>
      %dma_wait3A_474 = tpu.memref_squeeze %dma_wait3A_473 : memref<1x528xf32, #tpu.memory_space<hbm>> -> memref<528xf32, #tpu.memory_space<hbm>>
      %dma_wait3A_475 = arith.constant 0 : i32
      %dma_wait3A_476 = tpu.memref_slice %arg3[%add3A_287, %dma_wait3A_475] : memref<64x528xf32, #tpu.memory_space<hbm>> -> memref<1x528xf32, #tpu.memory_space<hbm>>
      %dma_wait3A_477 = tpu.memref_squeeze %dma_wait3A_476 : memref<1x528xf32, #tpu.memory_space<hbm>> -> memref<528xf32, #tpu.memory_space<hbm>>
      tpu.wait_dma2 semaphore(%run_scoped3A : memref<!tpu.dma_semaphore, #tpu.memory_space<semaphore_mem>>) src(%dma_wait3A_477 : memref<528xf32, #tpu.memory_space<hbm>>) dst(%arg8 : memref<528xf32, #tpu.memory_space<vmem>>)
      tpu.yield
    }) : () -> ()
    "tpu.region"() ({
      %run_scoped3A = tpu.sem_alloc : memref<!tpu.dma_semaphore, #tpu.memory_space<semaphore_mem>>
      %dma_start3A = arith.constant 0 : i32
      %dma_start3A_468 = tpu.memref_slice %arg4[%add3A_287, %dma_start3A] : memref<64x528xf32, #tpu.memory_space<hbm>> -> memref<1x528xf32, #tpu.memory_space<hbm>>
      %dma_start3A_469 = tpu.memref_squeeze %dma_start3A_468 : memref<1x528xf32, #tpu.memory_space<hbm>> -> memref<528xf32, #tpu.memory_space<hbm>>
      %dma_start3A_470 = arith.constant 0 : i32
      %dma_start3A_471 = tpu.memref_slice %arg4[%add3A_287, %dma_start3A_470] : memref<64x528xf32, #tpu.memory_space<hbm>> -> memref<1x528xf32, #tpu.memory_space<hbm>>
      %dma_start3A_472 = tpu.memref_squeeze %dma_start3A_471 : memref<1x528xf32, #tpu.memory_space<hbm>> -> memref<528xf32, #tpu.memory_space<hbm>>
      tpu.enqueue_dma source(%dma_start3A_472 : memref<528xf32, #tpu.memory_space<hbm>>) target(%arg9 : memref<528xf32, #tpu.memory_space<vmem>>) target_semaphore(%run_scoped3A : memref<!tpu.dma_semaphore, #tpu.memory_space<semaphore_mem>>)
      %dma_wait3A = arith.constant 0 : i32
      %dma_wait3A_473 = tpu.memref_slice %arg4[%add3A_287, %dma_wait3A] : memref<64x528xf32, #tpu.memory_space<hbm>> -> memref<1x528xf32, #tpu.memory_space<hbm>>
      %dma_wait3A_474 = tpu.memref_squeeze %dma_wait3A_473 : memref<1x528xf32, #tpu.memory_space<hbm>> -> memref<528xf32, #tpu.memory_space<hbm>>
      %dma_wait3A_475 = arith.constant 0 : i32
      %dma_wait3A_476 = tpu.memref_slice %arg4[%add3A_287, %dma_wait3A_475] : memref<64x528xf32, #tpu.memory_space<hbm>> -> memref<1x528xf32, #tpu.memory_space<hbm>>
      %dma_wait3A_477 = tpu.memref_squeeze %dma_wait3A_476 : memref<1x528xf32, #tpu.memory_space<hbm>> -> memref<528xf32, #tpu.memory_space<hbm>>
      tpu.wait_dma2 semaphore(%run_scoped3A : memref<!tpu.dma_semaphore, #tpu.memory_space<semaphore_mem>>) src(%dma_wait3A_477 : memref<528xf32, #tpu.memory_space<hbm>>) dst(%arg9 : memref<528xf32, #tpu.memory_space<vmem>>)
      tpu.yield
    }) : () -> ()
    %parallel_loop3A_288 = arith.constant 0 : i32
    %parallel_loop3A_289 = arith.constant 769 : i32
    %parallel_loop3A_290 = arith.constant 1 : i32
    scf.for %parallel_loop3A_468 = %parallel_loop3A_288 to %parallel_loop3A_289 step %parallel_loop3A_290  : i32 {
      %parallel_loop3A_469 = arith.constant 16 : i32
      %parallel_loop3A_470 = arith.muli %parallel_loop3A_468, %parallel_loop3A_469 : i32
      %parallel_loop3A_471 = arith.index_cast %parallel_loop3A_470 : i32 to index
      %parallel_loop3A_472 = tpu.vector_load %arg10[%parallel_loop3A_471] {strides = array<i32>} : memref<12320xf32, #tpu.memory_space<vmem>>, vector<16xf32>,
      tpu.vector_store %arg10[%parallel_loop3A_471], %broadcast_in_dim3A_69 {strides = array<i32>} : memref<12320xf32, #tpu.memory_space<vmem>>, vector<16xf32>,
    } {sc.loop_unroll_factor = 8 : i64, sc.parallel_access}
    %scan3A_291 = arith.constant 0 : i32
    %scan3A_292 = arith.constant 33 : i32
    %scan3A_293 = arith.addi %scan3A_291, %scan3A_292 : i32
    %scan3A_294 = arith.constant 1 : i32
    %scan3A_295:2 = scf.for %scan3A_468 = %scan3A_291 to %scan3A_293 step %scan3A_294 iter_args(%scan3A_469 = %broadcast_in_dim3A_69, %scan3A_470 = %broadcast_in_dim3A_69) -> (vector<16xf32>, vector<16xf32>)  : i32 {
      %mul3A_471 = arith.constant 16 : i32
      %mul3A_472 = arith.muli %scan3A_468, %mul3A_471 : i32
      %get3A_473 = arith.index_cast %mul3A_472 : i32 to index
      %get3A_474 = tpu.vector_load %arg9[%get3A_473] {strides = array<i32>} : memref<528xf32, #tpu.memory_space<vmem>>, vector<16xf32>,
      %mul3A_475 = arith.constant 16 : i32
      %mul3A_476 = arith.muli %scan3A_468, %mul3A_475 : i32
      %get3A_477 = arith.index_cast %mul3A_476 : i32 to index
      %get3A_478 = tpu.vector_load %arg8[%get3A_477] {strides = array<i32>} : memref<528xf32, #tpu.memory_space<vmem>>, vector<16xf32>,
      %add3A_479 = arith.addf %scan3A_469, %get3A_474 : vector<16xf32>
      %mul3A_480 = arith.mulf %get3A_474, %get3A_478 : vector<16xf32>
      %add3A_481 = arith.addf %scan3A_470, %mul3A_480 : vector<16xf32>
      scf.yield %add3A_479, %add3A_481 : vector<16xf32>, vector<16xf32>
    }
    %scan3A_296 = arith.constant 33 : i32
    %swap3A_297 = arith.constant 0 : index
    %swap3A_298 = tpu.vector_load %arg11[%swap3A_297] {strides = array<i32>} : memref<128xf32, #tpu.memory_space<vmem>>, vector<16xf32>,
    tpu.vector_store %arg11[%swap3A_297], %scan3A_295#1 {strides = array<i32>} : memref<128xf32, #tpu.memory_space<vmem>>, vector<16xf32>,
    %xor3A_299 = arith.constant 8 : i32
    %xor3A_300 = vector.broadcast %xor3A_299 : i32 to vector<16xi32>
    %xor3A_301 = arith.xori %iota3A, %xor3A_300 : vector<16xi32>
    %gather3A_302 = tpu.vector_load_idx %arg11[%xor3A_301] : memref<128xf32, #tpu.memory_space<vmem>>[vector<16xi32>], vector<16xf32>,
    %add3A_303 = arith.addf %scan3A_295#1, %gather3A_302 : vector<16xf32>
    %swap3A_304 = arith.constant 0 : index
    %swap3A_305 = tpu.vector_load %arg11[%swap3A_304] {strides = array<i32>} : memref<128xf32, #tpu.memory_space<vmem>>, vector<16xf32>,
    tpu.vector_store %arg11[%swap3A_304], %add3A_303 {strides = array<i32>} : memref<128xf32, #tpu.memory_space<vmem>>, vector<16xf32>,
    %xor3A_306 = arith.constant 4 : i32
    %xor3A_307 = vector.broadcast %xor3A_306 : i32 to vector<16xi32>
    %xor3A_308 = arith.xori %iota3A, %xor3A_307 : vector<16xi32>
    %gather3A_309 = tpu.vector_load_idx %arg11[%xor3A_308] : memref<128xf32, #tpu.memory_space<vmem>>[vector<16xi32>], vector<16xf32>,
    %add3A_310 = arith.addf %add3A_303, %gather3A_309 : vector<16xf32>
    %swap3A_311 = arith.constant 0 : index
    %swap3A_312 = tpu.vector_load %arg11[%swap3A_311] {strides = array<i32>} : memref<128xf32, #tpu.memory_space<vmem>>, vector<16xf32>,
    tpu.vector_store %arg11[%swap3A_311], %add3A_310 {strides = array<i32>} : memref<128xf32, #tpu.memory_space<vmem>>, vector<16xf32>,
    %xor3A_313 = arith.constant 2 : i32
    %xor3A_314 = vector.broadcast %xor3A_313 : i32 to vector<16xi32>
    %xor3A_315 = arith.xori %iota3A, %xor3A_314 : vector<16xi32>
    %gather3A_316 = tpu.vector_load_idx %arg11[%xor3A_315] : memref<128xf32, #tpu.memory_space<vmem>>[vector<16xi32>], vector<16xf32>,
    %add3A_317 = arith.addf %add3A_310, %gather3A_316 : vector<16xf32>
    %swap3A_318 = arith.constant 0 : index
    %swap3A_319 = tpu.vector_load %arg11[%swap3A_318] {strides = array<i32>} : memref<128xf32, #tpu.memory_space<vmem>>, vector<16xf32>,
    tpu.vector_store %arg11[%swap3A_318], %add3A_317 {strides = array<i32>} : memref<128xf32, #tpu.memory_space<vmem>>, vector<16xf32>,
    %xor3A_320 = arith.constant 1 : i32
    %xor3A_321 = vector.broadcast %xor3A_320 : i32 to vector<16xi32>
    %xor3A_322 = arith.xori %iota3A, %xor3A_321 : vector<16xi32>
    %gather3A_323 = tpu.vector_load_idx %arg11[%xor3A_322] : memref<128xf32, #tpu.memory_space<vmem>>[vector<16xi32>], vector<16xf32>,
    %add3A_324 = arith.addf %add3A_317, %gather3A_323 : vector<16xf32>
    %swap3A_325 = arith.constant 0 : index
    %swap3A_326 = tpu.vector_load %arg11[%swap3A_325] {strides = array<i32>} : memref<128xf32, #tpu.memory_space<vmem>>, vector<16xf32>,
    tpu.vector_store %arg11[%swap3A_325], %scan3A_295#0 {strides = array<i32>} : memref<128xf32, #tpu.memory_space<vmem>>, vector<16xf32>,
    %xor3A_327 = arith.constant 8 : i32
    %xor3A_328 = vector.broadcast %xor3A_327 : i32 to vector<16xi32>
    %xor3A_329 = arith.xori %iota3A, %xor3A_328 : vector<16xi32>
    %gather3A_330 = tpu.vector_load_idx %arg11[%xor3A_329] : memref<128xf32, #tpu.memory_space<vmem>>[vector<16xi32>], vector<16xf32>,
    %add3A_331 = arith.addf %scan3A_295#0, %gather3A_330 : vector<16xf32>
    %swap3A_332 = arith.constant 0 : index
    %swap3A_333 = tpu.vector_load %arg11[%swap3A_332] {strides = array<i32>} : memref<128xf32, #tpu.memory_space<vmem>>, vector<16xf32>,
    tpu.vector_store %arg11[%swap3A_332], %add3A_331 {strides = array<i32>} : memref<128xf32, #tpu.memory_space<vmem>>, vector<16xf32>,
    %xor3A_334 = arith.constant 4 : i32
    %xor3A_335 = vector.broadcast %xor3A_334 : i32 to vector<16xi32>
    %xor3A_336 = arith.xori %iota3A, %xor3A_335 : vector<16xi32>
    %gather3A_337 = tpu.vector_load_idx %arg11[%xor3A_336] : memref<128xf32, #tpu.memory_space<vmem>>[vector<16xi32>], vector<16xf32>,
    %add3A_338 = arith.addf %add3A_331, %gather3A_337 : vector<16xf32>
    %swap3A_339 = arith.constant 0 : index
    %swap3A_340 = tpu.vector_load %arg11[%swap3A_339] {strides = array<i32>} : memref<128xf32, #tpu.memory_space<vmem>>, vector<16xf32>,
    tpu.vector_store %arg11[%swap3A_339], %add3A_338 {strides = array<i32>} : memref<128xf32, #tpu.memory_space<vmem>>, vector<16xf32>,
    %xor3A_341 = arith.constant 2 : i32
    %xor3A_342 = vector.broadcast %xor3A_341 : i32 to vector<16xi32>
    %xor3A_343 = arith.xori %iota3A, %xor3A_342 : vector<16xi32>
    %gather3A_344 = tpu.vector_load_idx %arg11[%xor3A_343] : memref<128xf32, #tpu.memory_space<vmem>>[vector<16xi32>], vector<16xf32>,
    %add3A_345 = arith.addf %add3A_338, %gather3A_344 : vector<16xf32>
    %swap3A_346 = arith.constant 0 : index
    %swap3A_347 = tpu.vector_load %arg11[%swap3A_346] {strides = array<i32>} : memref<128xf32, #tpu.memory_space<vmem>>, vector<16xf32>,
    tpu.vector_store %arg11[%swap3A_346], %add3A_345 {strides = array<i32>} : memref<128xf32, #tpu.memory_space<vmem>>, vector<16xf32>,
    %xor3A_348 = arith.constant 1 : i32
    %xor3A_349 = vector.broadcast %xor3A_348 : i32 to vector<16xi32>
    %xor3A_350 = arith.xori %iota3A, %xor3A_349 : vector<16xi32>
    %gather3A_351 = tpu.vector_load_idx %arg11[%xor3A_350] : memref<128xf32, #tpu.memory_space<vmem>>[vector<16xi32>], vector<16xf32>,
    %add3A_352 = arith.addf %add3A_345, %gather3A_351 : vector<16xf32>
    %div3A_353 = arith.divf %add3A_324, %add3A_352 : vector<16xf32>
    %scan3A_354 = arith.constant 0 : i32
    %scan3A_355 = arith.constant 33 : i32
    %scan3A_356 = arith.addi %scan3A_354, %scan3A_355 : i32
    %scan3A_357 = arith.constant 1 : i32
    %scan3A_358 = scf.for %scan3A_468 = %scan3A_354 to %scan3A_356 step %scan3A_357 iter_args(%scan3A_469 = %broadcast_in_dim3A_69) -> (vector<16xf32>)  : i32 {
      %mul3A_470 = arith.constant 16 : i32
      %mul3A_471 = arith.muli %scan3A_468, %mul3A_470 : i32
      %get3A_472 = arith.index_cast %mul3A_471 : i32 to index
      %get3A_473 = tpu.vector_load %arg9[%get3A_472] {strides = array<i32>} : memref<528xf32, #tpu.memory_space<vmem>>, vector<16xf32>,
      %mul3A_474 = arith.constant 16 : i32
      %mul3A_475 = arith.muli %scan3A_468, %mul3A_474 : i32
      %get3A_476 = arith.index_cast %mul3A_475 : i32 to index
      %get3A_477 = tpu.vector_load %arg8[%get3A_476] {strides = array<i32>} : memref<528xf32, #tpu.memory_space<vmem>>, vector<16xf32>,
      %sub3A_478 = arith.subf %get3A_477, %div3A_353 : vector<16xf32>
      %mul3A_479 = arith.mulf %get3A_473, %sub3A_478 : vector<16xf32>
      %mul3A_480 = arith.mulf %mul3A_479, %sub3A_478 : vector<16xf32>
      %add3A_481 = arith.addf %scan3A_469, %mul3A_480 : vector<16xf32>
      scf.yield %add3A_481 : vector<16xf32>
    }
    %scan3A_359 = arith.constant 33 : i32
    %swap3A_360 = arith.constant 0 : index
    %swap3A_361 = tpu.vector_load %arg11[%swap3A_360] {strides = array<i32>} : memref<128xf32, #tpu.memory_space<vmem>>, vector<16xf32>,
    tpu.vector_store %arg11[%swap3A_360], %scan3A_358 {strides = array<i32>} : memref<128xf32, #tpu.memory_space<vmem>>, vector<16xf32>,
    %xor3A_362 = arith.constant 8 : i32
    %xor3A_363 = vector.broadcast %xor3A_362 : i32 to vector<16xi32>
    %xor3A_364 = arith.xori %iota3A, %xor3A_363 : vector<16xi32>
    %gather3A_365 = tpu.vector_load_idx %arg11[%xor3A_364] : memref<128xf32, #tpu.memory_space<vmem>>[vector<16xi32>], vector<16xf32>,
    %add3A_366 = arith.addf %scan3A_358, %gather3A_365 : vector<16xf32>
    %swap3A_367 = arith.constant 0 : index
    %swap3A_368 = tpu.vector_load %arg11[%swap3A_367] {strides = array<i32>} : memref<128xf32, #tpu.memory_space<vmem>>, vector<16xf32>,
    tpu.vector_store %arg11[%swap3A_367], %add3A_366 {strides = array<i32>} : memref<128xf32, #tpu.memory_space<vmem>>, vector<16xf32>,
    %xor3A_369 = arith.constant 4 : i32
    %xor3A_370 = vector.broadcast %xor3A_369 : i32 to vector<16xi32>
    %xor3A_371 = arith.xori %iota3A, %xor3A_370 : vector<16xi32>
    %gather3A_372 = tpu.vector_load_idx %arg11[%xor3A_371] : memref<128xf32, #tpu.memory_space<vmem>>[vector<16xi32>], vector<16xf32>,
    %add3A_373 = arith.addf %add3A_366, %gather3A_372 : vector<16xf32>
    %swap3A_374 = arith.constant 0 : index
    %swap3A_375 = tpu.vector_load %arg11[%swap3A_374] {strides = array<i32>} : memref<128xf32, #tpu.memory_space<vmem>>, vector<16xf32>,
    tpu.vector_store %arg11[%swap3A_374], %add3A_373 {strides = array<i32>} : memref<128xf32, #tpu.memory_space<vmem>>, vector<16xf32>,
    %xor3A_376 = arith.constant 2 : i32
    %xor3A_377 = vector.broadcast %xor3A_376 : i32 to vector<16xi32>
    %xor3A_378 = arith.xori %iota3A, %xor3A_377 : vector<16xi32>
    %gather3A_379 = tpu.vector_load_idx %arg11[%xor3A_378] : memref<128xf32, #tpu.memory_space<vmem>>[vector<16xi32>], vector<16xf32>,
    %add3A_380 = arith.addf %add3A_373, %gather3A_379 : vector<16xf32>
    %swap3A_381 = arith.constant 0 : index
    %swap3A_382 = tpu.vector_load %arg11[%swap3A_381] {strides = array<i32>} : memref<128xf32, #tpu.memory_space<vmem>>, vector<16xf32>,
    tpu.vector_store %arg11[%swap3A_381], %add3A_380 {strides = array<i32>} : memref<128xf32, #tpu.memory_space<vmem>>, vector<16xf32>,
    %xor3A_383 = arith.constant 1 : i32
    %xor3A_384 = vector.broadcast %xor3A_383 : i32 to vector<16xi32>
    %xor3A_385 = arith.xori %iota3A, %xor3A_384 : vector<16xi32>
    %gather3A_386 = tpu.vector_load_idx %arg11[%xor3A_385] : memref<128xf32, #tpu.memory_space<vmem>>[vector<16xi32>], vector<16xf32>,
    %add3A_387 = arith.addf %add3A_380, %gather3A_386 : vector<16xf32>
    %swap3A_388 = arith.constant 0 : index
    %swap3A_389 = tpu.vector_load %arg11[%swap3A_388] {strides = array<i32>} : memref<128xf32, #tpu.memory_space<vmem>>, vector<16xf32>,
    tpu.vector_store %arg11[%swap3A_388], %scan3A_295#0 {strides = array<i32>} : memref<128xf32, #tpu.memory_space<vmem>>, vector<16xf32>,
    %xor3A_390 = arith.constant 8 : i32
    %xor3A_391 = vector.broadcast %xor3A_390 : i32 to vector<16xi32>
    %xor3A_392 = arith.xori %iota3A, %xor3A_391 : vector<16xi32>
    %gather3A_393 = tpu.vector_load_idx %arg11[%xor3A_392] : memref<128xf32, #tpu.memory_space<vmem>>[vector<16xi32>], vector<16xf32>,
    %add3A_394 = arith.addf %scan3A_295#0, %gather3A_393 : vector<16xf32>
    %swap3A_395 = arith.constant 0 : index
    %swap3A_396 = tpu.vector_load %arg11[%swap3A_395] {strides = array<i32>} : memref<128xf32, #tpu.memory_space<vmem>>, vector<16xf32>,
    tpu.vector_store %arg11[%swap3A_395], %add3A_394 {strides = array<i32>} : memref<128xf32, #tpu.memory_space<vmem>>, vector<16xf32>,
    %xor3A_397 = arith.constant 4 : i32
    %xor3A_398 = vector.broadcast %xor3A_397 : i32 to vector<16xi32>
    %xor3A_399 = arith.xori %iota3A, %xor3A_398 : vector<16xi32>
    %gather3A_400 = tpu.vector_load_idx %arg11[%xor3A_399] : memref<128xf32, #tpu.memory_space<vmem>>[vector<16xi32>], vector<16xf32>,
    %add3A_401 = arith.addf %add3A_394, %gather3A_400 : vector<16xf32>
    %swap3A_402 = arith.constant 0 : index
    %swap3A_403 = tpu.vector_load %arg11[%swap3A_402] {strides = array<i32>} : memref<128xf32, #tpu.memory_space<vmem>>, vector<16xf32>,
    tpu.vector_store %arg11[%swap3A_402], %add3A_401 {strides = array<i32>} : memref<128xf32, #tpu.memory_space<vmem>>, vector<16xf32>,
    %xor3A_404 = arith.constant 2 : i32
    %xor3A_405 = vector.broadcast %xor3A_404 : i32 to vector<16xi32>
    %xor3A_406 = arith.xori %iota3A, %xor3A_405 : vector<16xi32>
    %gather3A_407 = tpu.vector_load_idx %arg11[%xor3A_406] : memref<128xf32, #tpu.memory_space<vmem>>[vector<16xi32>], vector<16xf32>,
    %add3A_408 = arith.addf %add3A_401, %gather3A_407 : vector<16xf32>
    %swap3A_409 = arith.constant 0 : index
    %swap3A_410 = tpu.vector_load %arg11[%swap3A_409] {strides = array<i32>} : memref<128xf32, #tpu.memory_space<vmem>>, vector<16xf32>,
    tpu.vector_store %arg11[%swap3A_409], %add3A_408 {strides = array<i32>} : memref<128xf32, #tpu.memory_space<vmem>>, vector<16xf32>,
    %xor3A_411 = arith.constant 1 : i32
    %xor3A_412 = vector.broadcast %xor3A_411 : i32 to vector<16xi32>
    %xor3A_413 = arith.xori %iota3A, %xor3A_412 : vector<16xi32>
    %gather3A_414 = tpu.vector_load_idx %arg11[%xor3A_413] : memref<128xf32, #tpu.memory_space<vmem>>[vector<16xi32>], vector<16xf32>,
    %add3A_415 = arith.addf %add3A_408, %gather3A_414 : vector<16xf32>
    %div3A_416 = arith.divf %add3A_387, %add3A_415 : vector<16xf32>
    %bitcast3A_417 = vector.bitcast %div3A_416 : vector<16xf32> to vector<16xi32>
    %shift_right_arithmetic3A_418 = arith.constant 1 : i32
    %shift_right_arithmetic3A_419 = vector.broadcast %shift_right_arithmetic3A_418 : i32 to vector<16xi32>
    %shift_right_arithmetic3A_420 = arith.shrsi %bitcast3A_417, %shift_right_arithmetic3A_419 : vector<16xi32>
    %sub3A_421 = arith.constant 1597463007 : i32
    %sub3A_422 = vector.broadcast %sub3A_421 : i32 to vector<16xi32>
    %sub3A_423 = arith.subi %sub3A_422, %shift_right_arithmetic3A_420 : vector<16xi32>
    %bitcast3A_424 = vector.bitcast %sub3A_423 : vector<16xi32> to vector<16xf32>
    %mul3A_425 = arith.constant 5.000000e-01 : f32
    %mul3A_426 = vector.broadcast %mul3A_425 : f32 to vector<16xf32>
    %mul3A_427 = arith.mulf %mul3A_426, %div3A_416 : vector<16xf32>
    %mul3A_428 = arith.mulf %mul3A_427, %bitcast3A_424 : vector<16xf32>
    %mul3A_429 = arith.mulf %mul3A_428, %bitcast3A_424 : vector<16xf32>
    %sub3A_430 = arith.constant 1.500000e+00 : f32
    %sub3A_431 = vector.broadcast %sub3A_430 : f32 to vector<16xf32>
    %sub3A_432 = arith.subf %sub3A_431, %mul3A_429 : vector<16xf32>
    %mul3A_433 = arith.mulf %bitcast3A_424, %sub3A_432 : vector<16xf32>
    %mul3A_434 = arith.constant 5.000000e-01 : f32
    %mul3A_435 = vector.broadcast %mul3A_434 : f32 to vector<16xf32>
    %mul3A_436 = arith.mulf %mul3A_435, %div3A_416 : vector<16xf32>
    %mul3A_437 = arith.mulf %mul3A_436, %mul3A_433 : vector<16xf32>
    %mul3A_438 = arith.mulf %mul3A_437, %mul3A_433 : vector<16xf32>
    %sub3A_439 = arith.constant 1.500000e+00 : f32
    %sub3A_440 = vector.broadcast %sub3A_439 : f32 to vector<16xf32>
    %sub3A_441 = arith.subf %sub3A_440, %mul3A_438 : vector<16xf32>
    %mul3A_442 = arith.mulf %mul3A_433, %sub3A_441 : vector<16xf32>
    %mul3A_443 = arith.constant 5.000000e-01 : f32
    %mul3A_444 = vector.broadcast %mul3A_443 : f32 to vector<16xf32>
    %mul3A_445 = arith.mulf %mul3A_444, %div3A_416 : vector<16xf32>
    %mul3A_446 = arith.mulf %mul3A_445, %mul3A_442 : vector<16xf32>
    %mul3A_447 = arith.mulf %mul3A_446, %mul3A_442 : vector<16xf32>
    %sub3A_448 = arith.constant 1.500000e+00 : f32
    %sub3A_449 = vector.broadcast %sub3A_448 : f32 to vector<16xf32>
    %sub3A_450 = arith.subf %sub3A_449, %mul3A_447 : vector<16xf32>
    %mul3A_451 = arith.mulf %mul3A_442, %sub3A_450 : vector<16xf32>
    %mul3A_452 = arith.constant 8.000000e+00 : f32
    %mul3A_453 = vector.broadcast %mul3A_452 : f32 to vector<16xf32>
    %mul3A_454 = arith.mulf %mul3A_453, %mul3A_451 : vector<16xf32>
    %parallel_loop3A_455 = arith.constant 0 : i32
    %parallel_loop3A_456 = arith.constant 33 : i32
    %parallel_loop3A_457 = arith.constant 1 : i32
    scf.for %parallel_loop3A_468 = %parallel_loop3A_455 to %parallel_loop3A_456 step %parallel_loop3A_457  : i32 {
      %parallel_loop3A_469 = arith.constant 16 : i32
      %parallel_loop3A_470 = arith.muli %parallel_loop3A_468, %parallel_loop3A_469 : i32
      %parallel_loop3A_471 = arith.index_cast %parallel_loop3A_470 : i32 to index
      %parallel_loop3A_472 = tpu.vector_load %arg8[%parallel_loop3A_471] {strides = array<i32>} : memref<528xf32, #tpu.memory_space<vmem>>, vector<16xf32>,
      %parallel_loop3A_473 = arith.mulf %parallel_loop3A_472, %mul3A_454 : vector<16xf32>
      %parallel_loop3A_474 = arith.constant 16 : i32
      %parallel_loop3A_475 = arith.muli %parallel_loop3A_468, %parallel_loop3A_474 : i32
      %parallel_loop3A_476 = arith.index_cast %parallel_loop3A_475 : i32 to index
      %parallel_loop3A_477 = tpu.vector_load %arg8[%parallel_loop3A_476] {strides = array<i32>} : memref<528xf32, #tpu.memory_space<vmem>>, vector<16xf32>,
      tpu.vector_store %arg8[%parallel_loop3A_476], %parallel_loop3A_473 {strides = array<i32>} : memref<528xf32, #tpu.memory_space<vmem>>, vector<16xf32>,
    } {sc.loop_unroll_factor = 4 : i64, sc.parallel_access}
    %scan3A_458 = arith.constant 0 : i32
    %scan3A_459 = arith.constant 0 : i32
    %scan3A_460 = arith.constant 64 : i32
    %scan3A_461 = arith.addi %scan3A_459, %scan3A_460 : i32
    %scan3A_462 = arith.constant 1 : i32
    %scan3A_463 = scf.for %scan3A_468 = %scan3A_459 to %scan3A_461 step %scan3A_462 iter_args(%scan3A_469 = %scan3A_458) -> (i32)  : i32 {
      %mul3A_470 = arith.constant 8 : i32
      %mul3A_471 = arith.muli %scan3A_468, %mul3A_470 : i32
      %add3A_472 = arith.constant 0 : i32
      %add3A_473 = arith.addi %mul3A_471, %add3A_472 : i32
      %broadcast_in_dim3A_474 = vector.broadcast %add3A_473 : i32 to vector<16xi32>
      %gather3A_475 = tpu.vector_load_idx %arg7[%broadcast_in_dim3A_474] : memref<528xf32, #tpu.memory_space<vmem>>[vector<16xi32>], vector<16xf32>,
      %gather3A_476 = tpu.vector_load_idx %arg8[%broadcast_in_dim3A_474] : memref<528xf32, #tpu.memory_space<vmem>>[vector<16xi32>], vector<16xf32>,
      %gather3A_477 = tpu.vector_load_idx %arg9[%broadcast_in_dim3A_474] : memref<528xf32, #tpu.memory_space<vmem>>[vector<16xi32>], vector<16xf32>,
      %add3A_478 = arith.constant 1 : i32
      %add3A_479 = arith.addi %mul3A_471, %add3A_478 : i32
      %broadcast_in_dim3A_480 = vector.broadcast %add3A_479 : i32 to vector<16xi32>
      %gather3A_481 = tpu.vector_load_idx %arg7[%broadcast_in_dim3A_480] : memref<528xf32, #tpu.memory_space<vmem>>[vector<16xi32>], vector<16xf32>,
      %gather3A_482 = tpu.vector_load_idx %arg8[%broadcast_in_dim3A_480] : memref<528xf32, #tpu.memory_space<vmem>>[vector<16xi32>], vector<16xf32>,
      %gather3A_483 = tpu.vector_load_idx %arg9[%broadcast_in_dim3A_480] : memref<528xf32, #tpu.memory_space<vmem>>[vector<16xi32>], vector<16xf32>,
      %add3A_484 = arith.constant 2 : i32
      %add3A_485 = arith.addi %mul3A_471, %add3A_484 : i32
      %broadcast_in_dim3A_486 = vector.broadcast %add3A_485 : i32 to vector<16xi32>
      %gather3A_487 = tpu.vector_load_idx %arg7[%broadcast_in_dim3A_486] : memref<528xf32, #tpu.memory_space<vmem>>[vector<16xi32>], vector<16xf32>,
      %gather3A_488 = tpu.vector_load_idx %arg8[%broadcast_in_dim3A_486] : memref<528xf32, #tpu.memory_space<vmem>>[vector<16xi32>], vector<16xf32>,
      %gather3A_489 = tpu.vector_load_idx %arg9[%broadcast_in_dim3A_486] : memref<528xf32, #tpu.memory_space<vmem>>[vector<16xi32>], vector<16xf32>,
      %add3A_490 = arith.constant 3 : i32
      %add3A_491 = arith.addi %mul3A_471, %add3A_490 : i32
      %broadcast_in_dim3A_492 = vector.broadcast %add3A_491 : i32 to vector<16xi32>
      %gather3A_493 = tpu.vector_load_idx %arg7[%broadcast_in_dim3A_492] : memref<528xf32, #tpu.memory_space<vmem>>[vector<16xi32>], vector<16xf32>,
      %gather3A_494 = tpu.vector_load_idx %arg8[%broadcast_in_dim3A_492] : memref<528xf32, #tpu.memory_space<vmem>>[vector<16xi32>], vector<16xf32>,
      %gather3A_495 = tpu.vector_load_idx %arg9[%broadcast_in_dim3A_492] : memref<528xf32, #tpu.memory_space<vmem>>[vector<16xi32>], vector<16xf32>,
      %add3A_496 = arith.constant 4 : i32
      %add3A_497 = arith.addi %mul3A_471, %add3A_496 : i32
      %broadcast_in_dim3A_498 = vector.broadcast %add3A_497 : i32 to vector<16xi32>
      %gather3A_499 = tpu.vector_load_idx %arg7[%broadcast_in_dim3A_498] : memref<528xf32, #tpu.memory_space<vmem>>[vector<16xi32>], vector<16xf32>,
      %gather3A_500 = tpu.vector_load_idx %arg8[%broadcast_in_dim3A_498] : memref<528xf32, #tpu.memory_space<vmem>>[vector<16xi32>], vector<16xf32>,
      %gather3A_501 = tpu.vector_load_idx %arg9[%broadcast_in_dim3A_498] : memref<528xf32, #tpu.memory_space<vmem>>[vector<16xi32>], vector<16xf32>,
      %add3A_502 = arith.constant 5 : i32
      %add3A_503 = arith.addi %mul3A_471, %add3A_502 : i32
      %broadcast_in_dim3A_504 = vector.broadcast %add3A_503 : i32 to vector<16xi32>
      %gather3A_505 = tpu.vector_load_idx %arg7[%broadcast_in_dim3A_504] : memref<528xf32, #tpu.memory_space<vmem>>[vector<16xi32>], vector<16xf32>,
      %gather3A_506 = tpu.vector_load_idx %arg8[%broadcast_in_dim3A_504] : memref<528xf32, #tpu.memory_space<vmem>>[vector<16xi32>], vector<16xf32>,
      %gather3A_507 = tpu.vector_load_idx %arg9[%broadcast_in_dim3A_504] : memref<528xf32, #tpu.memory_space<vmem>>[vector<16xi32>], vector<16xf32>,
      %add3A_508 = arith.constant 6 : i32
      %add3A_509 = arith.addi %mul3A_471, %add3A_508 : i32
      %broadcast_in_dim3A_510 = vector.broadcast %add3A_509 : i32 to vector<16xi32>
      %gather3A_511 = tpu.vector_load_idx %arg7[%broadcast_in_dim3A_510] : memref<528xf32, #tpu.memory_space<vmem>>[vector<16xi32>], vector<16xf32>,
      %gather3A_512 = tpu.vector_load_idx %arg8[%broadcast_in_dim3A_510] : memref<528xf32, #tpu.memory_space<vmem>>[vector<16xi32>], vector<16xf32>,
      %gather3A_513 = tpu.vector_load_idx %arg9[%broadcast_in_dim3A_510] : memref<528xf32, #tpu.memory_space<vmem>>[vector<16xi32>], vector<16xf32>,
      %add3A_514 = arith.constant 7 : i32
      %add3A_515 = arith.addi %mul3A_471, %add3A_514 : i32
      %broadcast_in_dim3A_516 = vector.broadcast %add3A_515 : i32 to vector<16xi32>
      %gather3A_517 = tpu.vector_load_idx %arg7[%broadcast_in_dim3A_516] : memref<528xf32, #tpu.memory_space<vmem>>[vector<16xi32>], vector<16xf32>,
      %gather3A_518 = tpu.vector_load_idx %arg8[%broadcast_in_dim3A_516] : memref<528xf32, #tpu.memory_space<vmem>>[vector<16xi32>], vector<16xf32>,
      %gather3A_519 = tpu.vector_load_idx %arg9[%broadcast_in_dim3A_516] : memref<528xf32, #tpu.memory_space<vmem>>[vector<16xi32>], vector<16xf32>,
      %add3A_520 = arith.constant 1 : i32
      %add3A_521 = arith.addi %mul3A_471, %add3A_520 : i32
      %get3A_522 = arith.index_cast %add3A_521 : i32 to index
      %get3A_523 = tpu.vector_load %arg7[%get3A_522] {strides = array<i32>} : memref<528xf32, #tpu.memory_space<vmem>>, vector<16xf32>,
      %get3A_524 = arith.index_cast %add3A_521 : i32 to index
      %get3A_525 = tpu.vector_load %arg8[%get3A_524] {strides = array<i32>} : memref<528xf32, #tpu.memory_space<vmem>>, vector<16xf32>,
      %get3A_526 = arith.index_cast %add3A_521 : i32 to index
      %get3A_527 = tpu.vector_load %arg9[%get3A_526] {strides = array<i32>} : memref<528xf32, #tpu.memory_space<vmem>>, vector<16xf32>,
      %sub3A_528 = arith.subf %get3A_523, %gather3A_475 : vector<16xf32>
      %mul3A_529 = arith.mulf %get3A_527, %gather3A_477 : vector<16xf32>
      %sub3A_530 = arith.subf %get3A_525, %gather3A_476 : vector<16xf32>
      %abs3A = math.absf %sub3A_530 : vector<16xf32>
      %min3A = arith.constant 2.300000e+01 : f32
      %min3A_531 = vector.broadcast %min3A : f32 to vector<16xf32>
      %min3A_532 = arith.minimumf %abs3A, %min3A_531 : vector<16xf32>
      %convert_element_type3A_533 = arith.fptosi %min3A_532 : vector<16xf32> to vector<16xi32>
      %bitcast3A_534 = vector.bitcast %sub3A_528 : vector<16xf32> to vector<16xi32>
      %convert_element_type3A_535 = arith.sitofp %bitcast3A_534 : vector<16xi32> to vector<16xf32>
      %mul3A_536 = arith.constant 2.15738524E-7 : f32
      %mul3A_537 = vector.broadcast %mul3A_536 : f32 to vector<16xf32>
      %mul3A_538 = arith.mulf %convert_element_type3A_535, %mul3A_537 : vector<16xf32>
      %add3A_539 = arith.constant -223.267273 : f32
      %add3A_540 = vector.broadcast %add3A_539 : f32 to vector<16xf32>
      %add3A_541 = arith.addf %mul3A_538, %add3A_540 : vector<16xf32>
      %convert_element_type3A_542 = arith.fptosi %add3A_541 : vector<16xf32> to vector<16xi32>
      %jit3A = arith.constant 0 : i32
      %jit3A_543 = arith.constant 24 : i32
      %max3A = vector.broadcast %jit3A : i32 to vector<16xi32>
      %max3A_544 = arith.maxsi %max3A, %convert_element_type3A_542 : vector<16xi32>
      %min3A_545 = vector.broadcast %jit3A_543 : i32 to vector<16xi32>
      %min3A_546 = arith.minsi %min3A_545, %max3A_544 : vector<16xi32>
      %add3A_547 = arith.addi %min3A_546, %mul3A_6 : vector<16xi32>
      %gather3A_548 = tpu.vector_load_idx %arg12[%add3A_547] : memref<527xf32, #tpu.memory_space<vmem>>[vector<16xi32>], vector<16xf32>,
      %lt3A = arith.cmpf olt, %sub3A_528, %gather3A_548 : vector<16xf32>
      %sub3A_549 = arith.constant 1 : i32
      %sub3A_550 = vector.broadcast %sub3A_549 : i32 to vector<16xi32>
      %sub3A_551 = arith.subi %min3A_546, %sub3A_550 : vector<16xi32>
      %select_n3A = arith.select %lt3A, %sub3A_551, %min3A_546 : vector<16xi1>, vector<16xi32>
      %mul3A_552 = arith.constant 32 : i32
      %mul3A_553 = vector.broadcast %mul3A_552 : i32 to vector<16xi32>
      %mul3A_554 = arith.muli %convert_element_type3A_533, %mul3A_553 : vector<16xi32>
      %add3A_555 = arith.addi %mul3A_554, %select_n3A : vector<16xi32>
      %add3A_556 = arith.addi %add3A_555, %mul3A_3 : vector<16xi32>
      tpu.vector_store_idx %arg10[%add3A_556], %mul3A_529 {add = true} : memref<12320xf32, #tpu.memory_space<vmem>>[vector<16xi32>], vector<16xf32>,
      %sub3A_557 = arith.subf %get3A_523, %gather3A_481 : vector<16xf32>
      %mul3A_558 = arith.mulf %get3A_527, %gather3A_483 : vector<16xf32>
      %mul3A_559 = arith.mulf %mul3A_558, %convert_element_type3A_77 : vector<16xf32>
      %sub3A_560 = arith.subf %get3A_525, %gather3A_482 : vector<16xf32>
      %abs3A_561 = math.absf %sub3A_560 : vector<16xf32>
      %min3A_562 = arith.constant 2.300000e+01 : f32
      %min3A_563 = vector.broadcast %min3A_562 : f32 to vector<16xf32>
      %min3A_564 = arith.minimumf %abs3A_561, %min3A_563 : vector<16xf32>
      %convert_element_type3A_565 = arith.fptosi %min3A_564 : vector<16xf32> to vector<16xi32>
      %bitcast3A_566 = vector.bitcast %sub3A_557 : vector<16xf32> to vector<16xi32>
      %convert_element_type3A_567 = arith.sitofp %bitcast3A_566 : vector<16xi32> to vector<16xf32>
      %mul3A_568 = arith.constant 2.15738524E-7 : f32
      %mul3A_569 = vector.broadcast %mul3A_568 : f32 to vector<16xf32>
      %mul3A_570 = arith.mulf %convert_element_type3A_567, %mul3A_569 : vector<16xf32>
      %add3A_571 = arith.constant -223.267273 : f32
      %add3A_572 = vector.broadcast %add3A_571 : f32 to vector<16xf32>
      %add3A_573 = arith.addf %mul3A_570, %add3A_572 : vector<16xf32>
      %convert_element_type3A_574 = arith.fptosi %add3A_573 : vector<16xf32> to vector<16xi32>
      %jit3A_575 = arith.constant 0 : i32
      %jit3A_576 = arith.constant 24 : i32
      %max3A_577 = vector.broadcast %jit3A_575 : i32 to vector<16xi32>
      %max3A_578 = arith.maxsi %max3A_577, %convert_element_type3A_574 : vector<16xi32>
      %min3A_579 = vector.broadcast %jit3A_576 : i32 to vector<16xi32>
      %min3A_580 = arith.minsi %min3A_579, %max3A_578 : vector<16xi32>
      %add3A_581 = arith.addi %min3A_580, %mul3A_6 : vector<16xi32>
      %gather3A_582 = tpu.vector_load_idx %arg12[%add3A_581] : memref<527xf32, #tpu.memory_space<vmem>>[vector<16xi32>], vector<16xf32>,
      %lt3A_583 = arith.cmpf olt, %sub3A_557, %gather3A_582 : vector<16xf32>
      %sub3A_584 = arith.constant 1 : i32
      %sub3A_585 = vector.broadcast %sub3A_584 : i32 to vector<16xi32>
      %sub3A_586 = arith.subi %min3A_580, %sub3A_585 : vector<16xi32>
      %select_n3A_587 = arith.select %lt3A_583, %sub3A_586, %min3A_580 : vector<16xi1>, vector<16xi32>
      %mul3A_588 = arith.constant 32 : i32
      %mul3A_589 = vector.broadcast %mul3A_588 : i32 to vector<16xi32>
      %mul3A_590 = arith.muli %convert_element_type3A_565, %mul3A_589 : vector<16xi32>
      %add3A_591 = arith.addi %mul3A_590, %select_n3A_587 : vector<16xi32>
      %add3A_592 = arith.addi %add3A_591, %mul3A_3 : vector<16xi32>
      tpu.vector_store_idx %arg10[%add3A_592], %mul3A_559 {add = true} : memref<12320xf32, #tpu.memory_space<vmem>>[vector<16xi32>], vector<16xf32>,
      %sub3A_593 = arith.subf %get3A_523, %gather3A_487 : vector<16xf32>
      %mul3A_594 = arith.mulf %get3A_527, %gather3A_489 : vector<16xf32>
      %mul3A_595 = arith.mulf %mul3A_594, %convert_element_type3A_82 : vector<16xf32>
      %sub3A_596 = arith.subf %get3A_525, %gather3A_488 : vector<16xf32>
      %abs3A_597 = math.absf %sub3A_596 : vector<16xf32>
      %min3A_598 = arith.constant 2.300000e+01 : f32
      %min3A_599 = vector.broadcast %min3A_598 : f32 to vector<16xf32>
      %min3A_600 = arith.minimumf %abs3A_597, %min3A_599 : vector<16xf32>
      %convert_element_type3A_601 = arith.fptosi %min3A_600 : vector<16xf32> to vector<16xi32>
      %bitcast3A_602 = vector.bitcast %sub3A_593 : vector<16xf32> to vector<16xi32>
      %convert_element_type3A_603 = arith.sitofp %bitcast3A_602 : vector<16xi32> to vector<16xf32>
      %mul3A_604 = arith.constant 2.15738524E-7 : f32
      %mul3A_605 = vector.broadcast %mul3A_604 : f32 to vector<16xf32>
      %mul3A_606 = arith.mulf %convert_element_type3A_603, %mul3A_605 : vector<16xf32>
      %add3A_607 = arith.constant -223.267273 : f32
      %add3A_608 = vector.broadcast %add3A_607 : f32 to vector<16xf32>
      %add3A_609 = arith.addf %mul3A_606, %add3A_608 : vector<16xf32>
      %convert_element_type3A_610 = arith.fptosi %add3A_609 : vector<16xf32> to vector<16xi32>
      %jit3A_611 = arith.constant 0 : i32
      %jit3A_612 = arith.constant 24 : i32
      %max3A_613 = vector.broadcast %jit3A_611 : i32 to vector<16xi32>
      %max3A_614 = arith.maxsi %max3A_613, %convert_element_type3A_610 : vector<16xi32>
      %min3A_615 = vector.broadcast %jit3A_612 : i32 to vector<16xi32>
      %min3A_616 = arith.minsi %min3A_615, %max3A_614 : vector<16xi32>
      %add3A_617 = arith.addi %min3A_616, %mul3A_6 : vector<16xi32>
      %gather3A_618 = tpu.vector_load_idx %arg12[%add3A_617] : memref<527xf32, #tpu.memory_space<vmem>>[vector<16xi32>], vector<16xf32>,
      %lt3A_619 = arith.cmpf olt, %sub3A_593, %gather3A_618 : vector<16xf32>
      %sub3A_620 = arith.constant 1 : i32
      %sub3A_621 = vector.broadcast %sub3A_620 : i32 to vector<16xi32>
      %sub3A_622 = arith.subi %min3A_616, %sub3A_621 : vector<16xi32>
      %select_n3A_623 = arith.select %lt3A_619, %sub3A_622, %min3A_616 : vector<16xi1>, vector<16xi32>
      %mul3A_624 = arith.constant 32 : i32
      %mul3A_625 = vector.broadcast %mul3A_624 : i32 to vector<16xi32>
      %mul3A_626 = arith.muli %convert_element_type3A_601, %mul3A_625 : vector<16xi32>
      %add3A_627 = arith.addi %mul3A_626, %select_n3A_623 : vector<16xi32>
      %add3A_628 = arith.addi %add3A_627, %mul3A_3 : vector<16xi32>
      tpu.vector_store_idx %arg10[%add3A_628], %mul3A_595 {add = true} : memref<12320xf32, #tpu.memory_space<vmem>>[vector<16xi32>], vector<16xf32>,
      %sub3A_629 = arith.subf %get3A_523, %gather3A_493 : vector<16xf32>
      %mul3A_630 = arith.mulf %get3A_527, %gather3A_495 : vector<16xf32>
      %mul3A_631 = arith.mulf %mul3A_630, %convert_element_type3A_87 : vector<16xf32>
      %sub3A_632 = arith.subf %get3A_525, %gather3A_494 : vector<16xf32>
      %abs3A_633 = math.absf %sub3A_632 : vector<16xf32>
      %min3A_634 = arith.constant 2.300000e+01 : f32
      %min3A_635 = vector.broadcast %min3A_634 : f32 to vector<16xf32>
      %min3A_636 = arith.minimumf %abs3A_633, %min3A_635 : vector<16xf32>
      %convert_element_type3A_637 = arith.fptosi %min3A_636 : vector<16xf32> to vector<16xi32>
      %bitcast3A_638 = vector.bitcast %sub3A_629 : vector<16xf32> to vector<16xi32>
      %convert_element_type3A_639 = arith.sitofp %bitcast3A_638 : vector<16xi32> to vector<16xf32>
      %mul3A_640 = arith.constant 2.15738524E-7 : f32
      %mul3A_641 = vector.broadcast %mul3A_640 : f32 to vector<16xf32>
      %mul3A_642 = arith.mulf %convert_element_type3A_639, %mul3A_641 : vector<16xf32>
      %add3A_643 = arith.constant -223.267273 : f32
      %add3A_644 = vector.broadcast %add3A_643 : f32 to vector<16xf32>
      %add3A_645 = arith.addf %mul3A_642, %add3A_644 : vector<16xf32>
      %convert_element_type3A_646 = arith.fptosi %add3A_645 : vector<16xf32> to vector<16xi32>
      %jit3A_647 = arith.constant 0 : i32
      %jit3A_648 = arith.constant 24 : i32
      %max3A_649 = vector.broadcast %jit3A_647 : i32 to vector<16xi32>
      %max3A_650 = arith.maxsi %max3A_649, %convert_element_type3A_646 : vector<16xi32>
      %min3A_651 = vector.broadcast %jit3A_648 : i32 to vector<16xi32>
      %min3A_652 = arith.minsi %min3A_651, %max3A_650 : vector<16xi32>
      %add3A_653 = arith.addi %min3A_652, %mul3A_6 : vector<16xi32>
      %gather3A_654 = tpu.vector_load_idx %arg12[%add3A_653] : memref<527xf32, #tpu.memory_space<vmem>>[vector<16xi32>], vector<16xf32>,
      %lt3A_655 = arith.cmpf olt, %sub3A_629, %gather3A_654 : vector<16xf32>
      %sub3A_656 = arith.constant 1 : i32
      %sub3A_657 = vector.broadcast %sub3A_656 : i32 to vector<16xi32>
      %sub3A_658 = arith.subi %min3A_652, %sub3A_657 : vector<16xi32>
      %select_n3A_659 = arith.select %lt3A_655, %sub3A_658, %min3A_652 : vector<16xi1>, vector<16xi32>
      %mul3A_660 = arith.constant 32 : i32
      %mul3A_661 = vector.broadcast %mul3A_660 : i32 to vector<16xi32>
      %mul3A_662 = arith.muli %convert_element_type3A_637, %mul3A_661 : vector<16xi32>
      %add3A_663 = arith.addi %mul3A_662, %select_n3A_659 : vector<16xi32>
      %add3A_664 = arith.addi %add3A_663, %mul3A_3 : vector<16xi32>
      tpu.vector_store_idx %arg10[%add3A_664], %mul3A_631 {add = true} : memref<12320xf32, #tpu.memory_space<vmem>>[vector<16xi32>], vector<16xf32>,
      %sub3A_665 = arith.subf %get3A_523, %gather3A_499 : vector<16xf32>
      %mul3A_666 = arith.mulf %get3A_527, %gather3A_501 : vector<16xf32>
      %mul3A_667 = arith.mulf %mul3A_666, %convert_element_type3A_92 : vector<16xf32>
      %sub3A_668 = arith.subf %get3A_525, %gather3A_500 : vector<16xf32>
      %abs3A_669 = math.absf %sub3A_668 : vector<16xf32>
      %min3A_670 = arith.constant 2.300000e+01 : f32
      %min3A_671 = vector.broadcast %min3A_670 : f32 to vector<16xf32>
      %min3A_672 = arith.minimumf %abs3A_669, %min3A_671 : vector<16xf32>
      %convert_element_type3A_673 = arith.fptosi %min3A_672 : vector<16xf32> to vector<16xi32>
      %bitcast3A_674 = vector.bitcast %sub3A_665 : vector<16xf32> to vector<16xi32>
      %convert_element_type3A_675 = arith.sitofp %bitcast3A_674 : vector<16xi32> to vector<16xf32>
      %mul3A_676 = arith.constant 2.15738524E-7 : f32
      %mul3A_677 = vector.broadcast %mul3A_676 : f32 to vector<16xf32>
      %mul3A_678 = arith.mulf %convert_element_type3A_675, %mul3A_677 : vector<16xf32>
      %add3A_679 = arith.constant -223.267273 : f32
      %add3A_680 = vector.broadcast %add3A_679 : f32 to vector<16xf32>
      %add3A_681 = arith.addf %mul3A_678, %add3A_680 : vector<16xf32>
      %convert_element_type3A_682 = arith.fptosi %add3A_681 : vector<16xf32> to vector<16xi32>
      %jit3A_683 = arith.constant 0 : i32
      %jit3A_684 = arith.constant 24 : i32
      %max3A_685 = vector.broadcast %jit3A_683 : i32 to vector<16xi32>
      %max3A_686 = arith.maxsi %max3A_685, %convert_element_type3A_682 : vector<16xi32>
      %min3A_687 = vector.broadcast %jit3A_684 : i32 to vector<16xi32>
      %min3A_688 = arith.minsi %min3A_687, %max3A_686 : vector<16xi32>
      %add3A_689 = arith.addi %min3A_688, %mul3A_6 : vector<16xi32>
      %gather3A_690 = tpu.vector_load_idx %arg12[%add3A_689] : memref<527xf32, #tpu.memory_space<vmem>>[vector<16xi32>], vector<16xf32>,
      %lt3A_691 = arith.cmpf olt, %sub3A_665, %gather3A_690 : vector<16xf32>
      %sub3A_692 = arith.constant 1 : i32
      %sub3A_693 = vector.broadcast %sub3A_692 : i32 to vector<16xi32>
      %sub3A_694 = arith.subi %min3A_688, %sub3A_693 : vector<16xi32>
      %select_n3A_695 = arith.select %lt3A_691, %sub3A_694, %min3A_688 : vector<16xi1>, vector<16xi32>
      %mul3A_696 = arith.constant 32 : i32
      %mul3A_697 = vector.broadcast %mul3A_696 : i32 to vector<16xi32>
      %mul3A_698 = arith.muli %convert_element_type3A_673, %mul3A_697 : vector<16xi32>
      %add3A_699 = arith.addi %mul3A_698, %select_n3A_695 : vector<16xi32>
      %add3A_700 = arith.addi %add3A_699, %mul3A_3 : vector<16xi32>
      tpu.vector_store_idx %arg10[%add3A_700], %mul3A_667 {add = true} : memref<12320xf32, #tpu.memory_space<vmem>>[vector<16xi32>], vector<16xf32>,
      %sub3A_701 = arith.subf %get3A_523, %gather3A_505 : vector<16xf32>
      %mul3A_702 = arith.mulf %get3A_527, %gather3A_507 : vector<16xf32>
      %mul3A_703 = arith.mulf %mul3A_702, %convert_element_type3A_97 : vector<16xf32>
      %sub3A_704 = arith.subf %get3A_525, %gather3A_506 : vector<16xf32>
      %abs3A_705 = math.absf %sub3A_704 : vector<16xf32>
      %min3A_706 = arith.constant 2.300000e+01 : f32
      %min3A_707 = vector.broadcast %min3A_706 : f32 to vector<16xf32>
      %min3A_708 = arith.minimumf %abs3A_705, %min3A_707 : vector<16xf32>
      %convert_element_type3A_709 = arith.fptosi %min3A_708 : vector<16xf32> to vector<16xi32>
      %bitcast3A_710 = vector.bitcast %sub3A_701 : vector<16xf32> to vector<16xi32>
      %convert_element_type3A_711 = arith.sitofp %bitcast3A_710 : vector<16xi32> to vector<16xf32>
      %mul3A_712 = arith.constant 2.15738524E-7 : f32
      %mul3A_713 = vector.broadcast %mul3A_712 : f32 to vector<16xf32>
      %mul3A_714 = arith.mulf %convert_element_type3A_711, %mul3A_713 : vector<16xf32>
      %add3A_715 = arith.constant -223.267273 : f32
      %add3A_716 = vector.broadcast %add3A_715 : f32 to vector<16xf32>
      %add3A_717 = arith.addf %mul3A_714, %add3A_716 : vector<16xf32>
      %convert_element_type3A_718 = arith.fptosi %add3A_717 : vector<16xf32> to vector<16xi32>
      %jit3A_719 = arith.constant 0 : i32
      %jit3A_720 = arith.constant 24 : i32
      %max3A_721 = vector.broadcast %jit3A_719 : i32 to vector<16xi32>
      %max3A_722 = arith.maxsi %max3A_721, %convert_element_type3A_718 : vector<16xi32>
      %min3A_723 = vector.broadcast %jit3A_720 : i32 to vector<16xi32>
      %min3A_724 = arith.minsi %min3A_723, %max3A_722 : vector<16xi32>
      %add3A_725 = arith.addi %min3A_724, %mul3A_6 : vector<16xi32>
      %gather3A_726 = tpu.vector_load_idx %arg12[%add3A_725] : memref<527xf32, #tpu.memory_space<vmem>>[vector<16xi32>], vector<16xf32>,
      %lt3A_727 = arith.cmpf olt, %sub3A_701, %gather3A_726 : vector<16xf32>
      %sub3A_728 = arith.constant 1 : i32
      %sub3A_729 = vector.broadcast %sub3A_728 : i32 to vector<16xi32>
      %sub3A_730 = arith.subi %min3A_724, %sub3A_729 : vector<16xi32>
      %select_n3A_731 = arith.select %lt3A_727, %sub3A_730, %min3A_724 : vector<16xi1>, vector<16xi32>
      %mul3A_732 = arith.constant 32 : i32
      %mul3A_733 = vector.broadcast %mul3A_732 : i32 to vector<16xi32>
      %mul3A_734 = arith.muli %convert_element_type3A_709, %mul3A_733 : vector<16xi32>
      %add3A_735 = arith.addi %mul3A_734, %select_n3A_731 : vector<16xi32>
      %add3A_736 = arith.addi %add3A_735, %mul3A_3 : vector<16xi32>
      tpu.vector_store_idx %arg10[%add3A_736], %mul3A_703 {add = true} : memref<12320xf32, #tpu.memory_space<vmem>>[vector<16xi32>], vector<16xf32>,
      %sub3A_737 = arith.subf %get3A_523, %gather3A_511 : vector<16xf32>
      %mul3A_738 = arith.mulf %get3A_527, %gather3A_513 : vector<16xf32>
      %mul3A_739 = arith.mulf %mul3A_738, %convert_element_type3A_102 : vector<16xf32>
      %sub3A_740 = arith.subf %get3A_525, %gather3A_512 : vector<16xf32>
      %abs3A_741 = math.absf %sub3A_740 : vector<16xf32>
      %min3A_742 = arith.constant 2.300000e+01 : f32
      %min3A_743 = vector.broadcast %min3A_742 : f32 to vector<16xf32>
      %min3A_744 = arith.minimumf %abs3A_741, %min3A_743 : vector<16xf32>
      %convert_element_type3A_745 = arith.fptosi %min3A_744 : vector<16xf32> to vector<16xi32>
      %bitcast3A_746 = vector.bitcast %sub3A_737 : vector<16xf32> to vector<16xi32>
      %convert_element_type3A_747 = arith.sitofp %bitcast3A_746 : vector<16xi32> to vector<16xf32>
      %mul3A_748 = arith.constant 2.15738524E-7 : f32
      %mul3A_749 = vector.broadcast %mul3A_748 : f32 to vector<16xf32>
      %mul3A_750 = arith.mulf %convert_element_type3A_747, %mul3A_749 : vector<16xf32>
      %add3A_751 = arith.constant -223.267273 : f32
      %add3A_752 = vector.broadcast %add3A_751 : f32 to vector<16xf32>
      %add3A_753 = arith.addf %mul3A_750, %add3A_752 : vector<16xf32>
      %convert_element_type3A_754 = arith.fptosi %add3A_753 : vector<16xf32> to vector<16xi32>
      %jit3A_755 = arith.constant 0 : i32
      %jit3A_756 = arith.constant 24 : i32
      %max3A_757 = vector.broadcast %jit3A_755 : i32 to vector<16xi32>
      %max3A_758 = arith.maxsi %max3A_757, %convert_element_type3A_754 : vector<16xi32>
      %min3A_759 = vector.broadcast %jit3A_756 : i32 to vector<16xi32>
      %min3A_760 = arith.minsi %min3A_759, %max3A_758 : vector<16xi32>
      %add3A_761 = arith.addi %min3A_760, %mul3A_6 : vector<16xi32>
      %gather3A_762 = tpu.vector_load_idx %arg12[%add3A_761] : memref<527xf32, #tpu.memory_space<vmem>>[vector<16xi32>], vector<16xf32>,
      %lt3A_763 = arith.cmpf olt, %sub3A_737, %gather3A_762 : vector<16xf32>
      %sub3A_764 = arith.constant 1 : i32
      %sub3A_765 = vector.broadcast %sub3A_764 : i32 to vector<16xi32>
      %sub3A_766 = arith.subi %min3A_760, %sub3A_765 : vector<16xi32>
      %select_n3A_767 = arith.select %lt3A_763, %sub3A_766, %min3A_760 : vector<16xi1>, vector<16xi32>
      %mul3A_768 = arith.constant 32 : i32
      %mul3A_769 = vector.broadcast %mul3A_768 : i32 to vector<16xi32>
      %mul3A_770 = arith.muli %convert_element_type3A_745, %mul3A_769 : vector<16xi32>
      %add3A_771 = arith.addi %mul3A_770, %select_n3A_767 : vector<16xi32>
      %add3A_772 = arith.addi %add3A_771, %mul3A_3 : vector<16xi32>
      tpu.vector_store_idx %arg10[%add3A_772], %mul3A_739 {add = true} : memref<12320xf32, #tpu.memory_space<vmem>>[vector<16xi32>], vector<16xf32>,
      %sub3A_773 = arith.subf %get3A_523, %gather3A_517 : vector<16xf32>
      %mul3A_774 = arith.mulf %get3A_527, %gather3A_519 : vector<16xf32>
      %mul3A_775 = arith.mulf %mul3A_774, %convert_element_type3A_107 : vector<16xf32>
      %sub3A_776 = arith.subf %get3A_525, %gather3A_518 : vector<16xf32>
      %abs3A_777 = math.absf %sub3A_776 : vector<16xf32>
      %min3A_778 = arith.constant 2.300000e+01 : f32
      %min3A_779 = vector.broadcast %min3A_778 : f32 to vector<16xf32>
      %min3A_780 = arith.minimumf %abs3A_777, %min3A_779 : vector<16xf32>
      %convert_element_type3A_781 = arith.fptosi %min3A_780 : vector<16xf32> to vector<16xi32>
      %bitcast3A_782 = vector.bitcast %sub3A_773 : vector<16xf32> to vector<16xi32>
      %convert_element_type3A_783 = arith.sitofp %bitcast3A_782 : vector<16xi32> to vector<16xf32>
      %mul3A_784 = arith.constant 2.15738524E-7 : f32
      %mul3A_785 = vector.broadcast %mul3A_784 : f32 to vector<16xf32>
      %mul3A_786 = arith.mulf %convert_element_type3A_783, %mul3A_785 : vector<16xf32>
      %add3A_787 = arith.constant -223.267273 : f32
      %add3A_788 = vector.broadcast %add3A_787 : f32 to vector<16xf32>
      %add3A_789 = arith.addf %mul3A_786, %add3A_788 : vector<16xf32>
      %convert_element_type3A_790 = arith.fptosi %add3A_789 : vector<16xf32> to vector<16xi32>
      %jit3A_791 = arith.constant 0 : i32
      %jit3A_792 = arith.constant 24 : i32
      %max3A_793 = vector.broadcast %jit3A_791 : i32 to vector<16xi32>
      %max3A_794 = arith.maxsi %max3A_793, %convert_element_type3A_790 : vector<16xi32>
      %min3A_795 = vector.broadcast %jit3A_792 : i32 to vector<16xi32>
      %min3A_796 = arith.minsi %min3A_795, %max3A_794 : vector<16xi32>
      %add3A_797 = arith.addi %min3A_796, %mul3A_6 : vector<16xi32>
      %gather3A_798 = tpu.vector_load_idx %arg12[%add3A_797] : memref<527xf32, #tpu.memory_space<vmem>>[vector<16xi32>], vector<16xf32>,
      %lt3A_799 = arith.cmpf olt, %sub3A_773, %gather3A_798 : vector<16xf32>
      %sub3A_800 = arith.constant 1 : i32
      %sub3A_801 = vector.broadcast %sub3A_800 : i32 to vector<16xi32>
      %sub3A_802 = arith.subi %min3A_796, %sub3A_801 : vector<16xi32>
      %select_n3A_803 = arith.select %lt3A_799, %sub3A_802, %min3A_796 : vector<16xi1>, vector<16xi32>
      %mul3A_804 = arith.constant 32 : i32
      %mul3A_805 = vector.broadcast %mul3A_804 : i32 to vector<16xi32>
      %mul3A_806 = arith.muli %convert_element_type3A_781, %mul3A_805 : vector<16xi32>
      %add3A_807 = arith.addi %mul3A_806, %select_n3A_803 : vector<16xi32>
      %add3A_808 = arith.addi %add3A_807, %mul3A_3 : vector<16xi32>
      tpu.vector_store_idx %arg10[%add3A_808], %mul3A_775 {add = true} : memref<12320xf32, #tpu.memory_space<vmem>>[vector<16xi32>], vector<16xf32>,
      %add3A_809 = arith.constant 1 : i32
      %add3A_810 = arith.addi %mul3A_471, %add3A_809 : i32
      %add3A_811 = arith.constant 16 : i32
      %add3A_812 = arith.addi %add3A_810, %add3A_811 : i32
      %parallel_loop3A_813 = arith.constant 512 : i32
      %parallel_loop3A_814 = arith.constant 16 : i32
      scf.for %parallel_loop3A_816 = %add3A_812 to %parallel_loop3A_813 step %parallel_loop3A_814  : i32 {
        %parallel_loop3A_817 = arith.index_cast %parallel_loop3A_816 : i32 to index
        %parallel_loop3A_818 = tpu.vector_load %arg7[%parallel_loop3A_817] {strides = array<i32>} : memref<528xf32, #tpu.memory_space<vmem>>, vector<16xf32>,
        %parallel_loop3A_819 = arith.index_cast %parallel_loop3A_816 : i32 to index
        %parallel_loop3A_820 = tpu.vector_load %arg8[%parallel_loop3A_819] {strides = array<i32>} : memref<528xf32, #tpu.memory_space<vmem>>, vector<16xf32>,
        %parallel_loop3A_821 = arith.index_cast %parallel_loop3A_816 : i32 to index
        %parallel_loop3A_822 = tpu.vector_load %arg9[%parallel_loop3A_821] {strides = array<i32>} : memref<528xf32, #tpu.memory_space<vmem>>, vector<16xf32>,
        %parallel_loop3A_823 = arith.subf %parallel_loop3A_818, %gather3A_475 : vector<16xf32>
        %parallel_loop3A_824 = arith.mulf %parallel_loop3A_822, %gather3A_477 : vector<16xf32>
        %parallel_loop3A_825 = arith.subf %parallel_loop3A_820, %gather3A_476 : vector<16xf32>
        %parallel_loop3A_826 = math.absf %parallel_loop3A_825 : vector<16xf32>
        %parallel_loop3A_827 = arith.constant 2.300000e+01 : f32
        %parallel_loop3A_828 = vector.broadcast %parallel_loop3A_827 : f32 to vector<16xf32>
        %parallel_loop3A_829 = arith.minimumf %parallel_loop3A_826, %parallel_loop3A_828 : vector<16xf32>
        %parallel_loop3A_830 = arith.fptosi %parallel_loop3A_829 : vector<16xf32> to vector<16xi32>
        %parallel_loop3A_831 = vector.bitcast %parallel_loop3A_823 : vector<16xf32> to vector<16xi32>
        %parallel_loop3A_832 = arith.sitofp %parallel_loop3A_831 : vector<16xi32> to vector<16xf32>
        %parallel_loop3A_833 = arith.constant 2.15738524E-7 : f32
        %parallel_loop3A_834 = vector.broadcast %parallel_loop3A_833 : f32 to vector<16xf32>
        %parallel_loop3A_835 = arith.mulf %parallel_loop3A_832, %parallel_loop3A_834 : vector<16xf32>
        %parallel_loop3A_836 = arith.constant -223.267273 : f32
        %parallel_loop3A_837 = vector.broadcast %parallel_loop3A_836 : f32 to vector<16xf32>
        %parallel_loop3A_838 = arith.addf %parallel_loop3A_835, %parallel_loop3A_837 : vector<16xf32>
        %parallel_loop3A_839 = arith.fptosi %parallel_loop3A_838 : vector<16xf32> to vector<16xi32>
        %parallel_loop3A_840 = arith.constant 0 : i32
        %parallel_loop3A_841 = arith.constant 24 : i32
        %parallel_loop3A_842 = vector.broadcast %parallel_loop3A_840 : i32 to vector<16xi32>
        %parallel_loop3A_843 = arith.maxsi %parallel_loop3A_842, %parallel_loop3A_839 : vector<16xi32>
        %parallel_loop3A_844 = vector.broadcast %parallel_loop3A_841 : i32 to vector<16xi32>
        %parallel_loop3A_845 = arith.minsi %parallel_loop3A_844, %parallel_loop3A_843 : vector<16xi32>
        %parallel_loop3A_846 = arith.addi %parallel_loop3A_845, %mul3A_6 : vector<16xi32>
        %parallel_loop3A_847 = tpu.vector_load_idx %arg12[%parallel_loop3A_846] : memref<527xf32, #tpu.memory_space<vmem>>[vector<16xi32>], vector<16xf32>,
        %parallel_loop3A_848 = arith.cmpf olt, %parallel_loop3A_823, %parallel_loop3A_847 : vector<16xf32>
        %parallel_loop3A_849 = arith.constant 1 : i32
        %parallel_loop3A_850 = vector.broadcast %parallel_loop3A_849 : i32 to vector<16xi32>
        %parallel_loop3A_851 = arith.subi %parallel_loop3A_845, %parallel_loop3A_850 : vector<16xi32>
        %parallel_loop3A_852 = arith.select %parallel_loop3A_848, %parallel_loop3A_851, %parallel_loop3A_845 : vector<16xi1>, vector<16xi32>
        %parallel_loop3A_853 = arith.constant 32 : i32
        %parallel_loop3A_854 = vector.broadcast %parallel_loop3A_853 : i32 to vector<16xi32>
        %parallel_loop3A_855 = arith.muli %parallel_loop3A_830, %parallel_loop3A_854 : vector<16xi32>
        %parallel_loop3A_856 = arith.addi %parallel_loop3A_855, %parallel_loop3A_852 : vector<16xi32>
        %parallel_loop3A_857 = arith.addi %parallel_loop3A_856, %mul3A_3 : vector<16xi32>
        tpu.vector_store_idx %arg10[%parallel_loop3A_857], %parallel_loop3A_824 {add = true} : memref<12320xf32, #tpu.memory_space<vmem>>[vector<16xi32>], vector<16xf32>,
        %parallel_loop3A_858 = arith.subf %parallel_loop3A_818, %gather3A_481 : vector<16xf32>
        %parallel_loop3A_859 = arith.mulf %parallel_loop3A_822, %gather3A_483 : vector<16xf32>
        %parallel_loop3A_860 = arith.subf %parallel_loop3A_820, %gather3A_482 : vector<16xf32>
        %parallel_loop3A_861 = math.absf %parallel_loop3A_860 : vector<16xf32>
        %parallel_loop3A_862 = arith.constant 2.300000e+01 : f32
        %parallel_loop3A_863 = vector.broadcast %parallel_loop3A_862 : f32 to vector<16xf32>
        %parallel_loop3A_864 = arith.minimumf %parallel_loop3A_861, %parallel_loop3A_863 : vector<16xf32>
        %parallel_loop3A_865 = arith.fptosi %parallel_loop3A_864 : vector<16xf32> to vector<16xi32>
        %parallel_loop3A_866 = vector.bitcast %parallel_loop3A_858 : vector<16xf32> to vector<16xi32>
        %parallel_loop3A_867 = arith.sitofp %parallel_loop3A_866 : vector<16xi32> to vector<16xf32>
        %parallel_loop3A_868 = arith.constant 2.15738524E-7 : f32
        %parallel_loop3A_869 = vector.broadcast %parallel_loop3A_868 : f32 to vector<16xf32>
        %parallel_loop3A_870 = arith.mulf %parallel_loop3A_867, %parallel_loop3A_869 : vector<16xf32>
        %parallel_loop3A_871 = arith.constant -223.267273 : f32
        %parallel_loop3A_872 = vector.broadcast %parallel_loop3A_871 : f32 to vector<16xf32>
        %parallel_loop3A_873 = arith.addf %parallel_loop3A_870, %parallel_loop3A_872 : vector<16xf32>
        %parallel_loop3A_874 = arith.fptosi %parallel_loop3A_873 : vector<16xf32> to vector<16xi32>
        %parallel_loop3A_875 = arith.constant 0 : i32
        %parallel_loop3A_876 = arith.constant 24 : i32
        %parallel_loop3A_877 = vector.broadcast %parallel_loop3A_875 : i32 to vector<16xi32>
        %parallel_loop3A_878 = arith.maxsi %parallel_loop3A_877, %parallel_loop3A_874 : vector<16xi32>
        %parallel_loop3A_879 = vector.broadcast %parallel_loop3A_876 : i32 to vector<16xi32>
        %parallel_loop3A_880 = arith.minsi %parallel_loop3A_879, %parallel_loop3A_878 : vector<16xi32>
        %parallel_loop3A_881 = arith.addi %parallel_loop3A_880, %mul3A_6 : vector<16xi32>
        %parallel_loop3A_882 = tpu.vector_load_idx %arg12[%parallel_loop3A_881] : memref<527xf32, #tpu.memory_space<vmem>>[vector<16xi32>], vector<16xf32>,
        %parallel_loop3A_883 = arith.cmpf olt, %parallel_loop3A_858, %parallel_loop3A_882 : vector<16xf32>
        %parallel_loop3A_884 = arith.constant 1 : i32
        %parallel_loop3A_885 = vector.broadcast %parallel_loop3A_884 : i32 to vector<16xi32>
        %parallel_loop3A_886 = arith.subi %parallel_loop3A_880, %parallel_loop3A_885 : vector<16xi32>
        %parallel_loop3A_887 = arith.select %parallel_loop3A_883, %parallel_loop3A_886, %parallel_loop3A_880 : vector<16xi1>, vector<16xi32>
        %parallel_loop3A_888 = arith.constant 32 : i32
        %parallel_loop3A_889 = vector.broadcast %parallel_loop3A_888 : i32 to vector<16xi32>
        %parallel_loop3A_890 = arith.muli %parallel_loop3A_865, %parallel_loop3A_889 : vector<16xi32>
        %parallel_loop3A_891 = arith.addi %parallel_loop3A_890, %parallel_loop3A_887 : vector<16xi32>
        %parallel_loop3A_892 = arith.addi %parallel_loop3A_891, %mul3A_3 : vector<16xi32>
        tpu.vector_store_idx %arg10[%parallel_loop3A_892], %parallel_loop3A_859 {add = true} : memref<12320xf32, #tpu.memory_space<vmem>>[vector<16xi32>], vector<16xf32>,
        %parallel_loop3A_893 = arith.subf %parallel_loop3A_818, %gather3A_487 : vector<16xf32>
        %parallel_loop3A_894 = arith.mulf %parallel_loop3A_822, %gather3A_489 : vector<16xf32>
        %parallel_loop3A_895 = arith.subf %parallel_loop3A_820, %gather3A_488 : vector<16xf32>
        %parallel_loop3A_896 = math.absf %parallel_loop3A_895 : vector<16xf32>
        %parallel_loop3A_897 = arith.constant 2.300000e+01 : f32
        %parallel_loop3A_898 = vector.broadcast %parallel_loop3A_897 : f32 to vector<16xf32>
        %parallel_loop3A_899 = arith.minimumf %parallel_loop3A_896, %parallel_loop3A_898 : vector<16xf32>
        %parallel_loop3A_900 = arith.fptosi %parallel_loop3A_899 : vector<16xf32> to vector<16xi32>
        %parallel_loop3A_901 = vector.bitcast %parallel_loop3A_893 : vector<16xf32> to vector<16xi32>
        %parallel_loop3A_902 = arith.sitofp %parallel_loop3A_901 : vector<16xi32> to vector<16xf32>
        %parallel_loop3A_903 = arith.constant 2.15738524E-7 : f32
        %parallel_loop3A_904 = vector.broadcast %parallel_loop3A_903 : f32 to vector<16xf32>
        %parallel_loop3A_905 = arith.mulf %parallel_loop3A_902, %parallel_loop3A_904 : vector<16xf32>
        %parallel_loop3A_906 = arith.constant -223.267273 : f32
        %parallel_loop3A_907 = vector.broadcast %parallel_loop3A_906 : f32 to vector<16xf32>
        %parallel_loop3A_908 = arith.addf %parallel_loop3A_905, %parallel_loop3A_907 : vector<16xf32>
        %parallel_loop3A_909 = arith.fptosi %parallel_loop3A_908 : vector<16xf32> to vector<16xi32>
        %parallel_loop3A_910 = arith.constant 0 : i32
        %parallel_loop3A_911 = arith.constant 24 : i32
        %parallel_loop3A_912 = vector.broadcast %parallel_loop3A_910 : i32 to vector<16xi32>
        %parallel_loop3A_913 = arith.maxsi %parallel_loop3A_912, %parallel_loop3A_909 : vector<16xi32>
        %parallel_loop3A_914 = vector.broadcast %parallel_loop3A_911 : i32 to vector<16xi32>
        %parallel_loop3A_915 = arith.minsi %parallel_loop3A_914, %parallel_loop3A_913 : vector<16xi32>
        %parallel_loop3A_916 = arith.addi %parallel_loop3A_915, %mul3A_6 : vector<16xi32>
        %parallel_loop3A_917 = tpu.vector_load_idx %arg12[%parallel_loop3A_916] : memref<527xf32, #tpu.memory_space<vmem>>[vector<16xi32>], vector<16xf32>,
        %parallel_loop3A_918 = arith.cmpf olt, %parallel_loop3A_893, %parallel_loop3A_917 : vector<16xf32>
        %parallel_loop3A_919 = arith.constant 1 : i32
        %parallel_loop3A_920 = vector.broadcast %parallel_loop3A_919 : i32 to vector<16xi32>
        %parallel_loop3A_921 = arith.subi %parallel_loop3A_915, %parallel_loop3A_920 : vector<16xi32>
        %parallel_loop3A_922 = arith.select %parallel_loop3A_918, %parallel_loop3A_921, %parallel_loop3A_915 : vector<16xi1>, vector<16xi32>
        %parallel_loop3A_923 = arith.constant 32 : i32
        %parallel_loop3A_924 = vector.broadcast %parallel_loop3A_923 : i32 to vector<16xi32>
        %parallel_loop3A_925 = arith.muli %parallel_loop3A_900, %parallel_loop3A_924 : vector<16xi32>
        %parallel_loop3A_926 = arith.addi %parallel_loop3A_925, %parallel_loop3A_922 : vector<16xi32>
        %parallel_loop3A_927 = arith.addi %parallel_loop3A_926, %mul3A_3 : vector<16xi32>
        tpu.vector_store_idx %arg10[%parallel_loop3A_927], %parallel_loop3A_894 {add = true} : memref<12320xf32, #tpu.memory_space<vmem>>[vector<16xi32>], vector<16xf32>,
        %parallel_loop3A_928 = arith.subf %parallel_loop3A_818, %gather3A_493 : vector<16xf32>
        %parallel_loop3A_929 = arith.mulf %parallel_loop3A_822, %gather3A_495 : vector<16xf32>
        %parallel_loop3A_930 = arith.subf %parallel_loop3A_820, %gather3A_494 : vector<16xf32>
        %parallel_loop3A_931 = math.absf %parallel_loop3A_930 : vector<16xf32>
        %parallel_loop3A_932 = arith.constant 2.300000e+01 : f32
        %parallel_loop3A_933 = vector.broadcast %parallel_loop3A_932 : f32 to vector<16xf32>
        %parallel_loop3A_934 = arith.minimumf %parallel_loop3A_931, %parallel_loop3A_933 : vector<16xf32>
        %parallel_loop3A_935 = arith.fptosi %parallel_loop3A_934 : vector<16xf32> to vector<16xi32>
        %parallel_loop3A_936 = vector.bitcast %parallel_loop3A_928 : vector<16xf32> to vector<16xi32>
        %parallel_loop3A_937 = arith.sitofp %parallel_loop3A_936 : vector<16xi32> to vector<16xf32>
        %parallel_loop3A_938 = arith.constant 2.15738524E-7 : f32
        %parallel_loop3A_939 = vector.broadcast %parallel_loop3A_938 : f32 to vector<16xf32>
        %parallel_loop3A_940 = arith.mulf %parallel_loop3A_937, %parallel_loop3A_939 : vector<16xf32>
        %parallel_loop3A_941 = arith.constant -223.267273 : f32
        %parallel_loop3A_942 = vector.broadcast %parallel_loop3A_941 : f32 to vector<16xf32>
        %parallel_loop3A_943 = arith.addf %parallel_loop3A_940, %parallel_loop3A_942 : vector<16xf32>
        %parallel_loop3A_944 = arith.fptosi %parallel_loop3A_943 : vector<16xf32> to vector<16xi32>
        %parallel_loop3A_945 = arith.constant 0 : i32
        %parallel_loop3A_946 = arith.constant 24 : i32
        %parallel_loop3A_947 = vector.broadcast %parallel_loop3A_945 : i32 to vector<16xi32>
        %parallel_loop3A_948 = arith.maxsi %parallel_loop3A_947, %parallel_loop3A_944 : vector<16xi32>
        %parallel_loop3A_949 = vector.broadcast %parallel_loop3A_946 : i32 to vector<16xi32>
        %parallel_loop3A_950 = arith.minsi %parallel_loop3A_949, %parallel_loop3A_948 : vector<16xi32>
        %parallel_loop3A_951 = arith.addi %parallel_loop3A_950, %mul3A_6 : vector<16xi32>
        %parallel_loop3A_952 = tpu.vector_load_idx %arg12[%parallel_loop3A_951] : memref<527xf32, #tpu.memory_space<vmem>>[vector<16xi32>], vector<16xf32>,
        %parallel_loop3A_953 = arith.cmpf olt, %parallel_loop3A_928, %parallel_loop3A_952 : vector<16xf32>
        %parallel_loop3A_954 = arith.constant 1 : i32
        %parallel_loop3A_955 = vector.broadcast %parallel_loop3A_954 : i32 to vector<16xi32>
        %parallel_loop3A_956 = arith.subi %parallel_loop3A_950, %parallel_loop3A_955 : vector<16xi32>
        %parallel_loop3A_957 = arith.select %parallel_loop3A_953, %parallel_loop3A_956, %parallel_loop3A_950 : vector<16xi1>, vector<16xi32>
        %parallel_loop3A_958 = arith.constant 32 : i32
        %parallel_loop3A_959 = vector.broadcast %parallel_loop3A_958 : i32 to vector<16xi32>
        %parallel_loop3A_960 = arith.muli %parallel_loop3A_935, %parallel_loop3A_959 : vector<16xi32>
        %parallel_loop3A_961 = arith.addi %parallel_loop3A_960, %parallel_loop3A_957 : vector<16xi32>
        %parallel_loop3A_962 = arith.addi %parallel_loop3A_961, %mul3A_3 : vector<16xi32>
        tpu.vector_store_idx %arg10[%parallel_loop3A_962], %parallel_loop3A_929 {add = true} : memref<12320xf32, #tpu.memory_space<vmem>>[vector<16xi32>], vector<16xf32>,
        %parallel_loop3A_963 = arith.subf %parallel_loop3A_818, %gather3A_499 : vector<16xf32>
        %parallel_loop3A_964 = arith.mulf %parallel_loop3A_822, %gather3A_501 : vector<16xf32>
        %parallel_loop3A_965 = arith.subf %parallel_loop3A_820, %gather3A_500 : vector<16xf32>
        %parallel_loop3A_966 = math.absf %parallel_loop3A_965 : vector<16xf32>
        %parallel_loop3A_967 = arith.constant 2.300000e+01 : f32
        %parallel_loop3A_968 = vector.broadcast %parallel_loop3A_967 : f32 to vector<16xf32>
        %parallel_loop3A_969 = arith.minimumf %parallel_loop3A_966, %parallel_loop3A_968 : vector<16xf32>
        %parallel_loop3A_970 = arith.fptosi %parallel_loop3A_969 : vector<16xf32> to vector<16xi32>
        %parallel_loop3A_971 = vector.bitcast %parallel_loop3A_963 : vector<16xf32> to vector<16xi32>
        %parallel_loop3A_972 = arith.sitofp %parallel_loop3A_971 : vector<16xi32> to vector<16xf32>
        %parallel_loop3A_973 = arith.constant 2.15738524E-7 : f32
        %parallel_loop3A_974 = vector.broadcast %parallel_loop3A_973 : f32 to vector<16xf32>
        %parallel_loop3A_975 = arith.mulf %parallel_loop3A_972, %parallel_loop3A_974 : vector<16xf32>
        %parallel_loop3A_976 = arith.constant -223.267273 : f32
        %parallel_loop3A_977 = vector.broadcast %parallel_loop3A_976 : f32 to vector<16xf32>
        %parallel_loop3A_978 = arith.addf %parallel_loop3A_975, %parallel_loop3A_977 : vector<16xf32>
        %parallel_loop3A_979 = arith.fptosi %parallel_loop3A_978 : vector<16xf32> to vector<16xi32>
        %parallel_loop3A_980 = arith.constant 0 : i32
        %parallel_loop3A_981 = arith.constant 24 : i32
        %parallel_loop3A_982 = vector.broadcast %parallel_loop3A_980 : i32 to vector<16xi32>
        %parallel_loop3A_983 = arith.maxsi %parallel_loop3A_982, %parallel_loop3A_979 : vector<16xi32>
        %parallel_loop3A_984 = vector.broadcast %parallel_loop3A_981 : i32 to vector<16xi32>
        %parallel_loop3A_985 = arith.minsi %parallel_loop3A_984, %parallel_loop3A_983 : vector<16xi32>
        %parallel_loop3A_986 = arith.addi %parallel_loop3A_985, %mul3A_6 : vector<16xi32>
        %parallel_loop3A_987 = tpu.vector_load_idx %arg12[%parallel_loop3A_986] : memref<527xf32, #tpu.memory_space<vmem>>[vector<16xi32>], vector<16xf32>,
        %parallel_loop3A_988 = arith.cmpf olt, %parallel_loop3A_963, %parallel_loop3A_987 : vector<16xf32>
        %parallel_loop3A_989 = arith.constant 1 : i32
        %parallel_loop3A_990 = vector.broadcast %parallel_loop3A_989 : i32 to vector<16xi32>
        %parallel_loop3A_991 = arith.subi %parallel_loop3A_985, %parallel_loop3A_990 : vector<16xi32>
        %parallel_loop3A_992 = arith.select %parallel_loop3A_988, %parallel_loop3A_991, %parallel_loop3A_985 : vector<16xi1>, vector<16xi32>
        %parallel_loop3A_993 = arith.constant 32 : i32
        %parallel_loop3A_994 = vector.broadcast %parallel_loop3A_993 : i32 to vector<16xi32>
        %parallel_loop3A_995 = arith.muli %parallel_loop3A_970, %parallel_loop3A_994 : vector<16xi32>
        %parallel_loop3A_996 = arith.addi %parallel_loop3A_995, %parallel_loop3A_992 : vector<16xi32>
        %parallel_loop3A_997 = arith.addi %parallel_loop3A_996, %mul3A_3 : vector<16xi32>
        tpu.vector_store_idx %arg10[%parallel_loop3A_997], %parallel_loop3A_964 {add = true} : memref<12320xf32, #tpu.memory_space<vmem>>[vector<16xi32>], vector<16xf32>,
        %parallel_loop3A_998 = arith.subf %parallel_loop3A_818, %gather3A_505 : vector<16xf32>
        %parallel_loop3A_999 = arith.mulf %parallel_loop3A_822, %gather3A_507 : vector<16xf32>
        %parallel_loop3A_1000 = arith.subf %parallel_loop3A_820, %gather3A_506 : vector<16xf32>
        %parallel_loop3A_1001 = math.absf %parallel_loop3A_1000 : vector<16xf32>
        %parallel_loop3A_1002 = arith.constant 2.300000e+01 : f32
        %parallel_loop3A_1003 = vector.broadcast %parallel_loop3A_1002 : f32 to vector<16xf32>
        %parallel_loop3A_1004 = arith.minimumf %parallel_loop3A_1001, %parallel_loop3A_1003 : vector<16xf32>
        %parallel_loop3A_1005 = arith.fptosi %parallel_loop3A_1004 : vector<16xf32> to vector<16xi32>
        %parallel_loop3A_1006 = vector.bitcast %parallel_loop3A_998 : vector<16xf32> to vector<16xi32>
        %parallel_loop3A_1007 = arith.sitofp %parallel_loop3A_1006 : vector<16xi32> to vector<16xf32>
        %parallel_loop3A_1008 = arith.constant 2.15738524E-7 : f32
        %parallel_loop3A_1009 = vector.broadcast %parallel_loop3A_1008 : f32 to vector<16xf32>
        %parallel_loop3A_1010 = arith.mulf %parallel_loop3A_1007, %parallel_loop3A_1009 : vector<16xf32>
        %parallel_loop3A_1011 = arith.constant -223.267273 : f32
        %parallel_loop3A_1012 = vector.broadcast %parallel_loop3A_1011 : f32 to vector<16xf32>
        %parallel_loop3A_1013 = arith.addf %parallel_loop3A_1010, %parallel_loop3A_1012 : vector<16xf32>
        %parallel_loop3A_1014 = arith.fptosi %parallel_loop3A_1013 : vector<16xf32> to vector<16xi32>
        %parallel_loop3A_1015 = arith.constant 0 : i32
        %parallel_loop3A_1016 = arith.constant 24 : i32
        %parallel_loop3A_1017 = vector.broadcast %parallel_loop3A_1015 : i32 to vector<16xi32>
        %parallel_loop3A_1018 = arith.maxsi %parallel_loop3A_1017, %parallel_loop3A_1014 : vector<16xi32>
        %parallel_loop3A_1019 = vector.broadcast %parallel_loop3A_1016 : i32 to vector<16xi32>
        %parallel_loop3A_1020 = arith.minsi %parallel_loop3A_1019, %parallel_loop3A_1018 : vector<16xi32>
        %parallel_loop3A_1021 = arith.addi %parallel_loop3A_1020, %mul3A_6 : vector<16xi32>
        %parallel_loop3A_1022 = tpu.vector_load_idx %arg12[%parallel_loop3A_1021] : memref<527xf32, #tpu.memory_space<vmem>>[vector<16xi32>], vector<16xf32>,
        %parallel_loop3A_1023 = arith.cmpf olt, %parallel_loop3A_998, %parallel_loop3A_1022 : vector<16xf32>
        %parallel_loop3A_1024 = arith.constant 1 : i32
        %parallel_loop3A_1025 = vector.broadcast %parallel_loop3A_1024 : i32 to vector<16xi32>
        %parallel_loop3A_1026 = arith.subi %parallel_loop3A_1020, %parallel_loop3A_1025 : vector<16xi32>
        %parallel_loop3A_1027 = arith.select %parallel_loop3A_1023, %parallel_loop3A_1026, %parallel_loop3A_1020 : vector<16xi1>, vector<16xi32>
        %parallel_loop3A_1028 = arith.constant 32 : i32
        %parallel_loop3A_1029 = vector.broadcast %parallel_loop3A_1028 : i32 to vector<16xi32>
        %parallel_loop3A_1030 = arith.muli %parallel_loop3A_1005, %parallel_loop3A_1029 : vector<16xi32>
        %parallel_loop3A_1031 = arith.addi %parallel_loop3A_1030, %parallel_loop3A_1027 : vector<16xi32>
        %parallel_loop3A_1032 = arith.addi %parallel_loop3A_1031, %mul3A_3 : vector<16xi32>
        tpu.vector_store_idx %arg10[%parallel_loop3A_1032], %parallel_loop3A_999 {add = true} : memref<12320xf32, #tpu.memory_space<vmem>>[vector<16xi32>], vector<16xf32>,
        %parallel_loop3A_1033 = arith.subf %parallel_loop3A_818, %gather3A_511 : vector<16xf32>
        %parallel_loop3A_1034 = arith.mulf %parallel_loop3A_822, %gather3A_513 : vector<16xf32>
        %parallel_loop3A_1035 = arith.subf %parallel_loop3A_820, %gather3A_512 : vector<16xf32>
        %parallel_loop3A_1036 = math.absf %parallel_loop3A_1035 : vector<16xf32>
        %parallel_loop3A_1037 = arith.constant 2.300000e+01 : f32
        %parallel_loop3A_1038 = vector.broadcast %parallel_loop3A_1037 : f32 to vector<16xf32>
        %parallel_loop3A_1039 = arith.minimumf %parallel_loop3A_1036, %parallel_loop3A_1038 : vector<16xf32>
        %parallel_loop3A_1040 = arith.fptosi %parallel_loop3A_1039 : vector<16xf32> to vector<16xi32>
        %parallel_loop3A_1041 = vector.bitcast %parallel_loop3A_1033 : vector<16xf32> to vector<16xi32>
        %parallel_loop3A_1042 = arith.sitofp %parallel_loop3A_1041 : vector<16xi32> to vector<16xf32>
        %parallel_loop3A_1043 = arith.constant 2.15738524E-7 : f32
        %parallel_loop3A_1044 = vector.broadcast %parallel_loop3A_1043 : f32 to vector<16xf32>
        %parallel_loop3A_1045 = arith.mulf %parallel_loop3A_1042, %parallel_loop3A_1044 : vector<16xf32>
        %parallel_loop3A_1046 = arith.constant -223.267273 : f32
        %parallel_loop3A_1047 = vector.broadcast %parallel_loop3A_1046 : f32 to vector<16xf32>
        %parallel_loop3A_1048 = arith.addf %parallel_loop3A_1045, %parallel_loop3A_1047 : vector<16xf32>
        %parallel_loop3A_1049 = arith.fptosi %parallel_loop3A_1048 : vector<16xf32> to vector<16xi32>
        %parallel_loop3A_1050 = arith.constant 0 : i32
        %parallel_loop3A_1051 = arith.constant 24 : i32
        %parallel_loop3A_1052 = vector.broadcast %parallel_loop3A_1050 : i32 to vector<16xi32>
        %parallel_loop3A_1053 = arith.maxsi %parallel_loop3A_1052, %parallel_loop3A_1049 : vector<16xi32>
        %parallel_loop3A_1054 = vector.broadcast %parallel_loop3A_1051 : i32 to vector<16xi32>
        %parallel_loop3A_1055 = arith.minsi %parallel_loop3A_1054, %parallel_loop3A_1053 : vector<16xi32>
        %parallel_loop3A_1056 = arith.addi %parallel_loop3A_1055, %mul3A_6 : vector<16xi32>
        %parallel_loop3A_1057 = tpu.vector_load_idx %arg12[%parallel_loop3A_1056] : memref<527xf32, #tpu.memory_space<vmem>>[vector<16xi32>], vector<16xf32>,
        %parallel_loop3A_1058 = arith.cmpf olt, %parallel_loop3A_1033, %parallel_loop3A_1057 : vector<16xf32>
        %parallel_loop3A_1059 = arith.constant 1 : i32
        %parallel_loop3A_1060 = vector.broadcast %parallel_loop3A_1059 : i32 to vector<16xi32>
        %parallel_loop3A_1061 = arith.subi %parallel_loop3A_1055, %parallel_loop3A_1060 : vector<16xi32>
        %parallel_loop3A_1062 = arith.select %parallel_loop3A_1058, %parallel_loop3A_1061, %parallel_loop3A_1055 : vector<16xi1>, vector<16xi32>
        %parallel_loop3A_1063 = arith.constant 32 : i32
        %parallel_loop3A_1064 = vector.broadcast %parallel_loop3A_1063 : i32 to vector<16xi32>
        %parallel_loop3A_1065 = arith.muli %parallel_loop3A_1040, %parallel_loop3A_1064 : vector<16xi32>
        %parallel_loop3A_1066 = arith.addi %parallel_loop3A_1065, %parallel_loop3A_1062 : vector<16xi32>
        %parallel_loop3A_1067 = arith.addi %parallel_loop3A_1066, %mul3A_3 : vector<16xi32>
        tpu.vector_store_idx %arg10[%parallel_loop3A_1067], %parallel_loop3A_1034 {add = true} : memref<12320xf32, #tpu.memory_space<vmem>>[vector<16xi32>], vector<16xf32>,
        %parallel_loop3A_1068 = arith.subf %parallel_loop3A_818, %gather3A_517 : vector<16xf32>
        %parallel_loop3A_1069 = arith.mulf %parallel_loop3A_822, %gather3A_519 : vector<16xf32>
        %parallel_loop3A_1070 = arith.subf %parallel_loop3A_820, %gather3A_518 : vector<16xf32>
        %parallel_loop3A_1071 = math.absf %parallel_loop3A_1070 : vector<16xf32>
        %parallel_loop3A_1072 = arith.constant 2.300000e+01 : f32
        %parallel_loop3A_1073 = vector.broadcast %parallel_loop3A_1072 : f32 to vector<16xf32>
        %parallel_loop3A_1074 = arith.minimumf %parallel_loop3A_1071, %parallel_loop3A_1073 : vector<16xf32>
        %parallel_loop3A_1075 = arith.fptosi %parallel_loop3A_1074 : vector<16xf32> to vector<16xi32>
        %parallel_loop3A_1076 = vector.bitcast %parallel_loop3A_1068 : vector<16xf32> to vector<16xi32>
        %parallel_loop3A_1077 = arith.sitofp %parallel_loop3A_1076 : vector<16xi32> to vector<16xf32>
        %parallel_loop3A_1078 = arith.constant 2.15738524E-7 : f32
        %parallel_loop3A_1079 = vector.broadcast %parallel_loop3A_1078 : f32 to vector<16xf32>
        %parallel_loop3A_1080 = arith.mulf %parallel_loop3A_1077, %parallel_loop3A_1079 : vector<16xf32>
        %parallel_loop3A_1081 = arith.constant -223.267273 : f32
        %parallel_loop3A_1082 = vector.broadcast %parallel_loop3A_1081 : f32 to vector<16xf32>
        %parallel_loop3A_1083 = arith.addf %parallel_loop3A_1080, %parallel_loop3A_1082 : vector<16xf32>
        %parallel_loop3A_1084 = arith.fptosi %parallel_loop3A_1083 : vector<16xf32> to vector<16xi32>
        %parallel_loop3A_1085 = arith.constant 0 : i32
        %parallel_loop3A_1086 = arith.constant 24 : i32
        %parallel_loop3A_1087 = vector.broadcast %parallel_loop3A_1085 : i32 to vector<16xi32>
        %parallel_loop3A_1088 = arith.maxsi %parallel_loop3A_1087, %parallel_loop3A_1084 : vector<16xi32>
        %parallel_loop3A_1089 = vector.broadcast %parallel_loop3A_1086 : i32 to vector<16xi32>
        %parallel_loop3A_1090 = arith.minsi %parallel_loop3A_1089, %parallel_loop3A_1088 : vector<16xi32>
        %parallel_loop3A_1091 = arith.addi %parallel_loop3A_1090, %mul3A_6 : vector<16xi32>
        %parallel_loop3A_1092 = tpu.vector_load_idx %arg12[%parallel_loop3A_1091] : memref<527xf32, #tpu.memory_space<vmem>>[vector<16xi32>], vector<16xf32>,
        %parallel_loop3A_1093 = arith.cmpf olt, %parallel_loop3A_1068, %parallel_loop3A_1092 : vector<16xf32>
        %parallel_loop3A_1094 = arith.constant 1 : i32
        %parallel_loop3A_1095 = vector.broadcast %parallel_loop3A_1094 : i32 to vector<16xi32>
        %parallel_loop3A_1096 = arith.subi %parallel_loop3A_1090, %parallel_loop3A_1095 : vector<16xi32>
        %parallel_loop3A_1097 = arith.select %parallel_loop3A_1093, %parallel_loop3A_1096, %parallel_loop3A_1090 : vector<16xi1>, vector<16xi32>
        %parallel_loop3A_1098 = arith.constant 32 : i32
        %parallel_loop3A_1099 = vector.broadcast %parallel_loop3A_1098 : i32 to vector<16xi32>
        %parallel_loop3A_1100 = arith.muli %parallel_loop3A_1075, %parallel_loop3A_1099 : vector<16xi32>
        %parallel_loop3A_1101 = arith.addi %parallel_loop3A_1100, %parallel_loop3A_1097 : vector<16xi32>
        %parallel_loop3A_1102 = arith.addi %parallel_loop3A_1101, %mul3A_3 : vector<16xi32>
        tpu.vector_store_idx %arg10[%parallel_loop3A_1102], %parallel_loop3A_1069 {add = true} : memref<12320xf32, #tpu.memory_space<vmem>>[vector<16xi32>], vector<16xf32>,
      } {sc.loop_unroll_factor = 2 : i64, sc.parallel_access}
      %scan3A_815 = arith.constant 0 : i32
      scf.yield %scan3A_815 : i32
    }
    %scan3A_464 = arith.constant 64 : i32
    %parallel_loop3A_465 = arith.constant 0 : i32
    %parallel_loop3A_466 = arith.constant 48 : i32
    %parallel_loop3A_467 = arith.constant 1 : i32
    scf.for %parallel_loop3A_468 = %parallel_loop3A_465 to %parallel_loop3A_466 step %parallel_loop3A_467  : i32 {
      %parallel_loop3A_469 = arith.constant 16 : i32
      %parallel_loop3A_470 = arith.muli %parallel_loop3A_468, %parallel_loop3A_469 : i32
      %parallel_loop3A_471 = arith.index_cast %parallel_loop3A_470 : i32 to index
      %parallel_loop3A_472 = tpu.vector_load %arg10[%parallel_loop3A_471] {strides = array<i32>} : memref<12320xf32, #tpu.memory_space<vmem>>, vector<16xf32>,
      %parallel_loop3A_473 = arith.constant 16 : i32
      %parallel_loop3A_474 = arith.muli %parallel_loop3A_468, %parallel_loop3A_473 : i32
      %parallel_loop3A_475 = arith.constant 769 : i32
      %parallel_loop3A_476 = arith.addi %parallel_loop3A_475, %parallel_loop3A_474 : i32
      %parallel_loop3A_477 = arith.index_cast %parallel_loop3A_476 : i32 to index
      %parallel_loop3A_478 = tpu.vector_load %arg10[%parallel_loop3A_477] {strides = array<i32>} : memref<12320xf32, #tpu.memory_space<vmem>>, vector<16xf32>,
      %parallel_loop3A_479 = arith.addf %parallel_loop3A_472, %parallel_loop3A_478 : vector<16xf32>
      %parallel_loop3A_480 = arith.constant 16 : i32
      %parallel_loop3A_481 = arith.muli %parallel_loop3A_468, %parallel_loop3A_480 : i32
      %parallel_loop3A_482 = arith.constant 1538 : i32
      %parallel_loop3A_483 = arith.addi %parallel_loop3A_482, %parallel_loop3A_481 : i32
      %parallel_loop3A_484 = arith.index_cast %parallel_loop3A_483 : i32 to index
      %parallel_loop3A_485 = tpu.vector_load %arg10[%parallel_loop3A_484] {strides = array<i32>} : memref<12320xf32, #tpu.memory_space<vmem>>, vector<16xf32>,
      %parallel_loop3A_486 = arith.addf %parallel_loop3A_479, %parallel_loop3A_485 : vector<16xf32>
      %parallel_loop3A_487 = arith.constant 16 : i32
      %parallel_loop3A_488 = arith.muli %parallel_loop3A_468, %parallel_loop3A_487 : i32
      %parallel_loop3A_489 = arith.constant 2307 : i32
      %parallel_loop3A_490 = arith.addi %parallel_loop3A_489, %parallel_loop3A_488 : i32
      %parallel_loop3A_491 = arith.index_cast %parallel_loop3A_490 : i32 to index
      %parallel_loop3A_492 = tpu.vector_load %arg10[%parallel_loop3A_491] {strides = array<i32>} : memref<12320xf32, #tpu.memory_space<vmem>>, vector<16xf32>,
      %parallel_loop3A_493 = arith.addf %parallel_loop3A_486, %parallel_loop3A_492 : vector<16xf32>
      %parallel_loop3A_494 = arith.constant 16 : i32
      %parallel_loop3A_495 = arith.muli %parallel_loop3A_468, %parallel_loop3A_494 : i32
      %parallel_loop3A_496 = arith.constant 3076 : i32
      %parallel_loop3A_497 = arith.addi %parallel_loop3A_496, %parallel_loop3A_495 : i32
      %parallel_loop3A_498 = arith.index_cast %parallel_loop3A_497 : i32 to index
      %parallel_loop3A_499 = tpu.vector_load %arg10[%parallel_loop3A_498] {strides = array<i32>} : memref<12320xf32, #tpu.memory_space<vmem>>, vector<16xf32>,
      %parallel_loop3A_500 = arith.addf %parallel_loop3A_493, %parallel_loop3A_499 : vector<16xf32>
      %parallel_loop3A_501 = arith.constant 16 : i32
      %parallel_loop3A_502 = arith.muli %parallel_loop3A_468, %parallel_loop3A_501 : i32
      %parallel_loop3A_503 = arith.constant 3845 : i32
      %parallel_loop3A_504 = arith.addi %parallel_loop3A_503, %parallel_loop3A_502 : i32
      %parallel_loop3A_505 = arith.index_cast %parallel_loop3A_504 : i32 to index
      %parallel_loop3A_506 = tpu.vector_load %arg10[%parallel_loop3A_505] {strides = array<i32>} : memref<12320xf32, #tpu.memory_space<vmem>>, vector<16xf32>,
      %parallel_loop3A_507 = arith.addf %parallel_loop3A_500, %parallel_loop3A_506 : vector<16xf32>
      %parallel_loop3A_508 = arith.constant 16 : i32
      %parallel_loop3A_509 = arith.muli %parallel_loop3A_468, %parallel_loop3A_508 : i32
      %parallel_loop3A_510 = arith.constant 4614 : i32
      %parallel_loop3A_511 = arith.addi %parallel_loop3A_510, %parallel_loop3A_509 : i32
      %parallel_loop3A_512 = arith.index_cast %parallel_loop3A_511 : i32 to index
      %parallel_loop3A_513 = tpu.vector_load %arg10[%parallel_loop3A_512] {strides = array<i32>} : memref<12320xf32, #tpu.memory_space<vmem>>, vector<16xf32>,
      %parallel_loop3A_514 = arith.addf %parallel_loop3A_507, %parallel_loop3A_513 : vector<16xf32>
      %parallel_loop3A_515 = arith.constant 16 : i32
      %parallel_loop3A_516 = arith.muli %parallel_loop3A_468, %parallel_loop3A_515 : i32
      %parallel_loop3A_517 = arith.constant 5383 : i32
      %parallel_loop3A_518 = arith.addi %parallel_loop3A_517, %parallel_loop3A_516 : i32
      %parallel_loop3A_519 = arith.index_cast %parallel_loop3A_518 : i32 to index
      %parallel_loop3A_520 = tpu.vector_load %arg10[%parallel_loop3A_519] {strides = array<i32>} : memref<12320xf32, #tpu.memory_space<vmem>>, vector<16xf32>,
      %parallel_loop3A_521 = arith.addf %parallel_loop3A_514, %parallel_loop3A_520 : vector<16xf32>
      %parallel_loop3A_522 = arith.constant 16 : i32
      %parallel_loop3A_523 = arith.muli %parallel_loop3A_468, %parallel_loop3A_522 : i32
      %parallel_loop3A_524 = arith.constant 6152 : i32
      %parallel_loop3A_525 = arith.addi %parallel_loop3A_524, %parallel_loop3A_523 : i32
      %parallel_loop3A_526 = arith.index_cast %parallel_loop3A_525 : i32 to index
      %parallel_loop3A_527 = tpu.vector_load %arg10[%parallel_loop3A_526] {strides = array<i32>} : memref<12320xf32, #tpu.memory_space<vmem>>, vector<16xf32>,
      %parallel_loop3A_528 = arith.addf %parallel_loop3A_521, %parallel_loop3A_527 : vector<16xf32>
      %parallel_loop3A_529 = arith.constant 16 : i32
      %parallel_loop3A_530 = arith.muli %parallel_loop3A_468, %parallel_loop3A_529 : i32
      %parallel_loop3A_531 = arith.constant 6921 : i32
      %parallel_loop3A_532 = arith.addi %parallel_loop3A_531, %parallel_loop3A_530 : i32
      %parallel_loop3A_533 = arith.index_cast %parallel_loop3A_532 : i32 to index
      %parallel_loop3A_534 = tpu.vector_load %arg10[%parallel_loop3A_533] {strides = array<i32>} : memref<12320xf32, #tpu.memory_space<vmem>>, vector<16xf32>,
      %parallel_loop3A_535 = arith.addf %parallel_loop3A_528, %parallel_loop3A_534 : vector<16xf32>
      %parallel_loop3A_536 = arith.constant 16 : i32
      %parallel_loop3A_537 = arith.muli %parallel_loop3A_468, %parallel_loop3A_536 : i32
      %parallel_loop3A_538 = arith.constant 7690 : i32
      %parallel_loop3A_539 = arith.addi %parallel_loop3A_538, %parallel_loop3A_537 : i32
      %parallel_loop3A_540 = arith.index_cast %parallel_loop3A_539 : i32 to index
      %parallel_loop3A_541 = tpu.vector_load %arg10[%parallel_loop3A_540] {strides = array<i32>} : memref<12320xf32, #tpu.memory_space<vmem>>, vector<16xf32>,
      %parallel_loop3A_542 = arith.addf %parallel_loop3A_535, %parallel_loop3A_541 : vector<16xf32>
      %parallel_loop3A_543 = arith.constant 16 : i32
      %parallel_loop3A_544 = arith.muli %parallel_loop3A_468, %parallel_loop3A_543 : i32
      %parallel_loop3A_545 = arith.constant 8459 : i32
      %parallel_loop3A_546 = arith.addi %parallel_loop3A_545, %parallel_loop3A_544 : i32
      %parallel_loop3A_547 = arith.index_cast %parallel_loop3A_546 : i32 to index
      %parallel_loop3A_548 = tpu.vector_load %arg10[%parallel_loop3A_547] {strides = array<i32>} : memref<12320xf32, #tpu.memory_space<vmem>>, vector<16xf32>,
      %parallel_loop3A_549 = arith.addf %parallel_loop3A_542, %parallel_loop3A_548 : vector<16xf32>
      %parallel_loop3A_550 = arith.constant 16 : i32
      %parallel_loop3A_551 = arith.muli %parallel_loop3A_468, %parallel_loop3A_550 : i32
      %parallel_loop3A_552 = arith.constant 9228 : i32
      %parallel_loop3A_553 = arith.addi %parallel_loop3A_552, %parallel_loop3A_551 : i32
      %parallel_loop3A_554 = arith.index_cast %parallel_loop3A_553 : i32 to index
      %parallel_loop3A_555 = tpu.vector_load %arg10[%parallel_loop3A_554] {strides = array<i32>} : memref<12320xf32, #tpu.memory_space<vmem>>, vector<16xf32>,
      %parallel_loop3A_556 = arith.addf %parallel_loop3A_549, %parallel_loop3A_555 : vector<16xf32>
      %parallel_loop3A_557 = arith.constant 16 : i32
      %parallel_loop3A_558 = arith.muli %parallel_loop3A_468, %parallel_loop3A_557 : i32
      %parallel_loop3A_559 = arith.constant 9997 : i32
      %parallel_loop3A_560 = arith.addi %parallel_loop3A_559, %parallel_loop3A_558 : i32
      %parallel_loop3A_561 = arith.index_cast %parallel_loop3A_560 : i32 to index
      %parallel_loop3A_562 = tpu.vector_load %arg10[%parallel_loop3A_561] {strides = array<i32>} : memref<12320xf32, #tpu.memory_space<vmem>>, vector<16xf32>,
      %parallel_loop3A_563 = arith.addf %parallel_loop3A_556, %parallel_loop3A_562 : vector<16xf32>
      %parallel_loop3A_564 = arith.constant 16 : i32
      %parallel_loop3A_565 = arith.muli %parallel_loop3A_468, %parallel_loop3A_564 : i32
      %parallel_loop3A_566 = arith.constant 10766 : i32
      %parallel_loop3A_567 = arith.addi %parallel_loop3A_566, %parallel_loop3A_565 : i32
      %parallel_loop3A_568 = arith.index_cast %parallel_loop3A_567 : i32 to index
      %parallel_loop3A_569 = tpu.vector_load %arg10[%parallel_loop3A_568] {strides = array<i32>} : memref<12320xf32, #tpu.memory_space<vmem>>, vector<16xf32>,
      %parallel_loop3A_570 = arith.addf %parallel_loop3A_563, %parallel_loop3A_569 : vector<16xf32>
      %parallel_loop3A_571 = arith.constant 16 : i32
      %parallel_loop3A_572 = arith.muli %parallel_loop3A_468, %parallel_loop3A_571 : i32
      %parallel_loop3A_573 = arith.constant 11535 : i32
      %parallel_loop3A_574 = arith.addi %parallel_loop3A_573, %parallel_loop3A_572 : i32
      %parallel_loop3A_575 = arith.index_cast %parallel_loop3A_574 : i32 to index
      %parallel_loop3A_576 = tpu.vector_load %arg10[%parallel_loop3A_575] {strides = array<i32>} : memref<12320xf32, #tpu.memory_space<vmem>>, vector<16xf32>,
      %parallel_loop3A_577 = arith.addf %parallel_loop3A_570, %parallel_loop3A_576 : vector<16xf32>
      %parallel_loop3A_578 = arith.constant 16 : i32
      %parallel_loop3A_579 = arith.muli %parallel_loop3A_468, %parallel_loop3A_578 : i32
      %parallel_loop3A_580 = arith.index_cast %parallel_loop3A_579 : i32 to index
      %parallel_loop3A_581 = tpu.vector_load %arg10[%parallel_loop3A_580] {strides = array<i32>} : memref<12320xf32, #tpu.memory_space<vmem>>, vector<16xf32>,
      tpu.vector_store %arg10[%parallel_loop3A_580], %parallel_loop3A_577 {strides = array<i32>} : memref<12320xf32, #tpu.memory_space<vmem>>, vector<16xf32>,
    } {sc.loop_unroll_factor = 2 : i64, sc.parallel_access}
    "tpu.region"() ({
      %run_scoped3A = tpu.sem_alloc : memref<!tpu.dma_semaphore, #tpu.memory_space<semaphore_mem>>
      %dma_start3A = arith.constant 0 : i32
      %dma_start3A_468 = tpu.memref_slice %arg10[%dma_start3A] : memref<12320xf32, #tpu.memory_space<vmem>> -> memref<768xf32, #tpu.memory_space<vmem>>
      %dma_start3A_469 = arith.constant 0 : i32
      %dma_start3A_470 = tpu.memref_slice %arg6[%add3A_287, %dma_start3A_469] : memref<64x768xf32, #tpu.memory_space<hbm>> -> memref<1x768xf32, #tpu.memory_space<hbm>>
      %dma_start3A_471 = tpu.memref_squeeze %dma_start3A_470 : memref<1x768xf32, #tpu.memory_space<hbm>> -> memref<768xf32, #tpu.memory_space<hbm>>
      %dma_start3A_472 = arith.constant 0 : i32
      %dma_start3A_473 = tpu.memref_slice %arg6[%add3A_287, %dma_start3A_472] : memref<64x768xf32, #tpu.memory_space<hbm>> -> memref<1x768xf32, #tpu.memory_space<hbm>>
      %dma_start3A_474 = tpu.memref_squeeze %dma_start3A_473 : memref<1x768xf32, #tpu.memory_space<hbm>> -> memref<768xf32, #tpu.memory_space<hbm>>
      %dma_start3A_475 = arith.constant 0 : i32
      %dma_start3A_476 = tpu.memref_slice %arg10[%dma_start3A_475] : memref<12320xf32, #tpu.memory_space<vmem>> -> memref<768xf32, #tpu.memory_space<vmem>>
      tpu.enqueue_dma source(%dma_start3A_476 : memref<768xf32, #tpu.memory_space<vmem>>) target(%dma_start3A_474 : memref<768xf32, #tpu.memory_space<hbm>>) target_semaphore(%run_scoped3A : memref<!tpu.dma_semaphore, #tpu.memory_space<semaphore_mem>>)
      %dma_wait3A = arith.constant 0 : i32
      %dma_wait3A_477 = tpu.memref_slice %arg10[%dma_wait3A] : memref<12320xf32, #tpu.memory_space<vmem>> -> memref<768xf32, #tpu.memory_space<vmem>>
      %dma_wait3A_478 = arith.constant 0 : i32
      %dma_wait3A_479 = tpu.memref_slice %arg6[%add3A_287, %dma_wait3A_478] : memref<64x768xf32, #tpu.memory_space<hbm>> -> memref<1x768xf32, #tpu.memory_space<hbm>>
      %dma_wait3A_480 = tpu.memref_squeeze %dma_wait3A_479 : memref<1x768xf32, #tpu.memory_space<hbm>> -> memref<768xf32, #tpu.memory_space<hbm>>
      %dma_wait3A_481 = arith.constant 0 : i32
      %dma_wait3A_482 = tpu.memref_slice %arg6[%add3A_287, %dma_wait3A_481] : memref<64x768xf32, #tpu.memory_space<hbm>> -> memref<1x768xf32, #tpu.memory_space<hbm>>
      %dma_wait3A_483 = tpu.memref_squeeze %dma_wait3A_482 : memref<1x768xf32, #tpu.memory_space<hbm>> -> memref<768xf32, #tpu.memory_space<hbm>>
      %dma_wait3A_484 = arith.constant 0 : i32
      %dma_wait3A_485 = tpu.memref_slice %arg10[%dma_wait3A_484] : memref<12320xf32, #tpu.memory_space<vmem>> -> memref<768xf32, #tpu.memory_space<vmem>>
      tpu.wait_dma2 semaphore(%run_scoped3A : memref<!tpu.dma_semaphore, #tpu.memory_space<semaphore_mem>>) src(%dma_wait3A_485 : memref<768xf32, #tpu.memory_space<vmem>>) dst(%dma_wait3A_483 : memref<768xf32, #tpu.memory_space<hbm>>)
      tpu.yield
    }) : () -> ()
    return
  }
}

module attributes {stable_mosaic.version = 14 : i64} {
  func.func @_tc_body(%arg0: memref<64x24x32xf32, #tpu.memory_space<vmem>>, %arg1: memref<64x2x24x32xf32, #tpu.memory_space<vmem>>, %arg2: memref<64x32xf32, #tpu.memory_space<vmem>>) attributes {dimension_semantics = [], scalar_prefetch = 0 : i64, scratch_operands = 0 : i64, tpu.core_type = #tpu.core_type<tc>} {
    %get3A = arith.constant 0 : index
    %get3A_0 = arith.constant 0 : index
    %get3A_1 = arith.constant 0 : index
    %get3A_2 = vector.load %arg0[%get3A, %get3A_0, %get3A_1] : memref<64x24x32xf32, #tpu.memory_space<vmem>>, vector<64x24x32xf32>
    %reduce_sum3A = arith.constant dense<0.000000e+00> : vector<64x32xf32>
    %reduce_sum3A_3 = vector.multi_reduction <add>, %get3A_2, %reduce_sum3A [1] : vector<64x24x32xf32> to vector<64x32xf32>
    %gt3A = arith.constant 0.000000e+00 : f32
    %gt3A_4 = vector.broadcast %gt3A : f32 to vector<64x32xf32>
    %gt3A_5 = arith.cmpf ogt, %reduce_sum3A_3, %gt3A_4 : vector<64x32xf32>
    %jit3A = arith.constant 1.000000e+00 : f32
    %broadcast_in_dim3A = vector.broadcast %jit3A : f32 to vector<64x32xf32>
    %select_n3A = arith.select %gt3A_5, %reduce_sum3A_3, %broadcast_in_dim3A : vector<64x32xi1>, vector<64x32xf32>
    %broadcast_in_dim3A_6 = vector.shape_cast %gt3A_5 : vector<64x32xi1> to vector<64x1x32xi1>
    %broadcast_in_dim3A_7 = vector.shape_cast %select_n3A : vector<64x32xf32> to vector<64x1x32xf32>
    %div3A = vector.broadcast %broadcast_in_dim3A_7 : vector<64x1x32xf32> to vector<64x24x32xf32>
    %div3A_8 = arith.divf %get3A_2, %div3A : vector<64x24x32xf32>
    %jit3A_9 = arith.constant 0.000000e+00 : f32
    %broadcast_in_dim3A_10 = vector.shape_cast %broadcast_in_dim3A_6 : vector<64x1x32xi1> to vector<64x1x32xi1>
    %broadcast_in_dim3A_11 = vector.broadcast %broadcast_in_dim3A_10 : vector<64x1x32xi1> to vector<64x24x32xi1>
    %broadcast_in_dim3A_12 = vector.broadcast %jit3A_9 : f32 to vector<64x24x32xf32>
    %select_n3A_13 = arith.select %broadcast_in_dim3A_11, %div3A_8, %broadcast_in_dim3A_12 : vector<64x24x32xi1>, vector<64x24x32xf32>
    %sqrt3A = math.sqrt %select_n3A : vector<64x32xf32>
    %div3A_14 = arith.constant 1.000000e+00 : f32
    %div3A_15 = vector.broadcast %div3A_14 : f32 to vector<64x32xf32>
    %div3A_16 = arith.divf %div3A_15, %sqrt3A : vector<64x32xf32>
    %jit3A_17 = arith.constant 0.000000e+00 : f32
    %broadcast_in_dim3A_18 = vector.broadcast %jit3A_17 : f32 to vector<64x32xf32>
    %select_n3A_19 = arith.select %gt3A_5, %div3A_16, %broadcast_in_dim3A_18 : vector<64x32xi1>, vector<64x32xf32>
    %broadcast_in_dim3A_20 = vector.shape_cast %select_n3A_19 : vector<64x32xf32> to vector<64x1x32xf32>
    %broadcast_in_dim3A_21 = vector.shape_cast %broadcast_in_dim3A_20 : vector<64x1x32xf32> to vector<64x1x32xf32>
    %broadcast_in_dim3A_22 = vector.broadcast %broadcast_in_dim3A_21 : vector<64x1x32xf32> to vector<64x24x32xf32>
    %broadcast_in_dim3A_23 = vector.shape_cast %select_n3A_13 : vector<64x24x32xf32> to vector<64x1x24x32xf32>
    %broadcast_in_dim3A_24 = vector.shape_cast %broadcast_in_dim3A_22 : vector<64x24x32xf32> to vector<64x1x24x32xf32>
    %concatenate3A = tpu.concatenate %broadcast_in_dim3A_23, %broadcast_in_dim3A_24 in 1 : vector<64x1x24x32xf32>, vector<64x1x24x32xf32> -> vector<64x2x24x32xf32>
    %swap3A = arith.constant 0 : index
    %swap3A_25 = arith.constant 0 : index
    %swap3A_26 = arith.constant 0 : index
    %swap3A_27 = arith.constant 0 : index
    %swap3A_28 = vector.load %arg1[%swap3A, %swap3A_25, %swap3A_26, %swap3A_27] : memref<64x2x24x32xf32, #tpu.memory_space<vmem>>, vector<64x2x24x32xf32>
    tpu.vector_store %arg1[%swap3A, %swap3A_25, %swap3A_26, %swap3A_27], %concatenate3A {strides = array<i32>} : memref<64x2x24x32xf32, #tpu.memory_space<vmem>>, vector<64x2x24x32xf32>,
    %convert_element_type3A = arith.extui %gt3A_5 : vector<64x32xi1> to vector<64x32xi32>
    %convert_element_type3A_29 = arith.sitofp %convert_element_type3A : vector<64x32xi32> to vector<64x32xf32>
    %swap3A_30 = arith.constant 0 : index
    %swap3A_31 = arith.constant 0 : index
    %swap3A_32 = vector.load %arg2[%swap3A_30, %swap3A_31] : memref<64x32xf32, #tpu.memory_space<vmem>>, vector<64x32xf32>
    tpu.vector_store %arg2[%swap3A_30, %swap3A_31], %convert_element_type3A_29 {strides = array<i32>} : memref<64x32xf32, #tpu.memory_space<vmem>>, vector<64x32xf32>,
    return
  }
}

</mosaic_0001>

<sc_bundles>
// kernel: kernel.4.cloned.1.call-start
scs
__scs_entry_jumppad:
0x0: {  	(pc) =	sbr.rel $0x88, $3  }
0x1: {  	(tag) =	ssettag $0x0;
	lr =	simm.s32 $0x1  }
0x2: {  	[smem:$0x3F9F] =	sst lr;
	_ =	strace $0xD0000000  }
0x3: {  	_ = 	snop  }
0x4: {  	_ = 	snop  }
0x5: {  	_ = 	snop  }
0x6: {  	_ = 	snop  }
0x7: {  	_ = 	snop  }
__scs_overlays_trampoline_lowered:
0x8: {  	[smem:$0x3FAE] =	sst s0  }
0x9: {  	[smem:$0x3FAF] =	sst s1  }
0xa: {  	[smem:$0x3FB0] =	sst s2  }
0xb: {  	[smem:$0x3FB1] =	sst s3  }
0xc: {  	[smem:$0x3FB2] =	sst s4  }
0xd: {  	[smem:$0x3FB3] =	sst s5  }
0xe: {  	[smem:$0x3FB4] =	sst s6  }
0xf: {  	[smem:$0x3FB5] =	sst s7  }
0x10: {  	[smem:$0x3FB6] =	sst s8  }
0x11: {  	[smem:$0x3FB7] =	sst s9;
	s0 =	simm.s32 @!p0 $0x0  }
0x12: {  	s1 =	sld [smem:$0x3F9D];
	s0 =	simm.s32 @p0 $0x1  }
0x13: {  	[smem:$0x3FB8] =	sst s0;
	s0 =	simm.s32 @!p1 $0x0  }
0x14: {  	s2 =	sld [smem:$0x3F9C];
	s0 =	simm.s32 @p1 $0x1  }
0x15: {  	[smem:$0x3FB9] =	sst s0;
	s0 =	simm.s32 @!p2 $0x0  }
0x16: {  	s3 =	sld [smem:$0x3FDB];
	s0 =	simm.s32 @p2 $0x1  }
0x17: {  	s4 =	simm.s32 $0x1BF5;
	[smem:$0x3FBB] =	sst s0  }
0x18: {  	s0 =	sld [smem:$0x3F9E];
	_ =	swait.ge [sflag:s4], $0x0  }
0x19: {  	s7 =	sld [smem:$0x3F9F]  }
0x1a: {  	s8 =	sadd.s32 $0xFFFFE003, lr  }
0x1b: {  	s9 =	sadd.s32 $0xFFFFFEF7, lr;
	s5 =	simm.s32 $0xFFFFFFFF;
	p2 =	slt.u32 s8, $0xFFFFF086  }
0x1c: {  	p1 =	slt.u32 s9, $0xF7A;
	s5 =	simm.s32 @!p2 $0x0  }
0x1d: {  	s5 =	simm.s32 @p1 $0x1;
	p0 =	seq.s32 s7, s2  }
0x1e: {  	s7 =	smul.u32 @!p0 $0xF7A, s2;
	p2 =	seq.s32 @!p0 s5, $0x0  }
0x1f: {  	s9 =	smul.u32 $0xF7A, s1;
	s8 =	simm.s32 @!p0 $0x1BF5;
	p2 =	por !p2, p0  }
0x20: {  	[sflag:s8] =	ssyncset.s32 @!p0 $0xFFFFF086;
	s6 =	sadd.s32 @!p0 s3, s7;
	s7 =	simm.s32 @!p0 $0x108  }
0x21: {  	s3 =	sadd.s32 s3, s9;
	s6 =	sadd.s32 @!p0 $0x88, s6;
	s7 =	simm.s32 @p2 $0x1082  }
0x22: {  	[simem:s7], [sflag:s8] =	dma.local @!p0 [hbm:s6], $0xF7A  }
0x23: {  	s9 =	sor.u32 $0xD0000000, s2;
	s6 =	simm.s32 $0x108;
	_ =	swait.ge @!p0 [sflag:s8], $0x0  }
0x24: {  	s3 =	sadd.s32 $0x88, s3;
	s6 =	simm.s32 @!p1 $0x1082;
	[sflag:s4] =	ssyncset.s32 $0xFFFFF086  }
0x25: {  	[simem:s6], [sflag:s4] =	dma.local [hbm:s3], $0xF7A  }
0x26: {  	[smem:$0x3F9F] =	sst s1;
	(tag) =	ssettag s2;
	_ =	strace s9  }
0x27: {  	s1 =	sld [smem:$0x3FAF]  }
0x28: {  	s2 =	sld [smem:$0x3FB0]  }
0x29: {  	s4 =	sld [smem:$0x3FB2]  }
0x2a: {  	p0 =	seq.s32 s5, $0x0;
	s5 =	sld [smem:$0x3FB3]  }
0x2b: {  	s6 =	sld [smem:$0x3FB4]  }
0x2c: {  	s7 =	sld [smem:$0x3FB5]  }
0x2d: {  	s3 =	simm.s32 $0x108;
	s8 =	sld [smem:$0x3FB6]  }
0x2e: {  	s3 =	simm.s32 @!p0 $0x1082;
	s9 =	sld [smem:$0x3FB7]  }
0x2f: {  	lr =	sadd.s32 s0, s3;
	s0 =	sld [smem:$0x3FAE]  }
0x30: {  	s3 =	sld [smem:$0x3FB1]  }
0x31: {  	[smem:$0x3FBA] =	sst s10  }
0x32: {  	s10 =	sld [smem:$0x3FB8];
	_ =	sdelay $0x3  }
0x33: {  	p0 =	seq.s32 s10, $0x1;
	s10 =	sld [smem:$0x3FBA];
	_ =	sdelay $0x3  }
0x34: {  	[smem:$0x3FBA] =	sst s10  }
0x35: {  	s10 =	sld [smem:$0x3FB9];
	_ =	sdelay $0x3  }
0x36: {  	p1 =	seq.s32 s10, $0x1;
	s10 =	sld [smem:$0x3FBA];
	_ =	sdelay $0x3  }
0x37: {  	[smem:$0x3FBA] =	sst s10  }
0x38: {  	s10 =	sld [smem:$0x3FBB]  }
0x39: {  	_ = 	snop;
	(pc) =	sbr.ind lr, $3  }
0x3a: {  	_ = 	snop  }
0x3b: {  	_ = 	snop  }
0x3c: {  	p2 =	seq.s32 s10, $0x1;
	s10 =	sld [smem:$0x3FBA]  }
0x3d: {  	_ =	shalt  }
0x3e: {  	_ =	shalt  }
0x3f: {  	_ =	shalt  }
0x40: {  	_ =	shalt  }
0x41: {  	_ =	shalt  }
0x42: {  	_ =	shalt  }
0x43: {  	_ =	shalt  }
0x44: {  	_ =	shalt  }
0x45: {  	_ =	shalt  }
0x46: {  	_ =	shalt  }
0x47: {  	_ =	shalt  }
0x48: {  	_ =	shalt  }
0x49: {  	_ =	shalt  }
0x4a: {  	_ =	shalt  }
0x4b: {  	_ =	shalt  }
0x4c: {  	_ =	shalt  }
0x4d: {  	_ =	shalt  }
0x4e: {  	_ =	shalt  }
0x4f: {  	_ =	shalt  }
0x50: {  	_ =	shalt  }
0x51: {  	_ =	shalt  }
0x52: {  	_ =	shalt  }
0x53: {  	_ =	shalt  }
0x54: {  	_ =	shalt  }
0x55: {  	_ =	shalt  }
0x56: {  	_ =	shalt  }
0x57: {  	_ =	shalt  }
0x58: {  	_ =	shalt  }
0x59: {  	_ =	shalt  }
0x5a: {  	_ =	shalt  }
0x5b: {  	_ =	shalt  }
0x5c: {  	_ =	shalt  }
0x5d: {  	_ =	shalt  }
0x5e: {  	_ =	shalt  }
0x5f: {  	_ =	shalt  }
0x60: {  	_ =	shalt  }
0x61: {  	_ =	shalt  }
0x62: {  	_ =	shalt  }
0x63: {  	_ =	shalt  }
0x64: {  	_ =	shalt  }
0x65: {  	_ =	shalt  }
0x66: {  	_ =	shalt  }
0x67: {  	_ =	shalt  }
0x68: {  	_ =	shalt  }
0x69: {  	_ =	shalt  }
0x6a: {  	_ =	shalt  }
0x6b: {  	_ =	shalt  }
0x6c: {  	_ =	shalt  }
0x6d: {  	_ =	shalt  }
0x6e: {  	_ =	shalt  }
0x6f: {  	_ =	shalt  }
0x70: {  	_ =	shalt  }
0x71: {  	_ =	shalt  }
0x72: {  	_ =	shalt  }
0x73: {  	_ =	shalt  }
0x74: {  	_ =	shalt  }
0x75: {  	_ =	shalt  }
0x76: {  	_ =	shalt  }
0x77: {  	_ =	shalt  }
0x78: {  	_ =	shalt  }
0x79: {  	_ =	shalt  }
0x7a: {  	_ =	shalt  }
0x7b: {  	_ =	shalt  }
0x7c: {  	_ =	shalt  }
0x7d: {  	_ =	shalt  }
0x7e: {  	_ =	shalt  }
0x7f: {  	_ =	shalt  }
0x80: {  	_ =	shalt  }
0x81: {  	_ =	shalt  }
0x82: {  	_ =	shalt  }
0x83: {  	_ =	shalt  }
0x84: {  	_ =	shalt  }
0x85: {  	_ =	shalt  }
0x86: {  	_ =	shalt  }
0x87: {  	_ =	shalt  }
.Lfunc_end0:
.L_simem_size_0:
called_computation_lowered:
.L_overlay_start_0:
0x88: {  	s2 =	sld [smem:$0x3FD9]  }
0x89: {  	s3 =	sld [smem:$0x3FFE];
	_ =	sdelay $0x1  }
0x8a: {  	s1 =	srdreg.scid  }
0x8b: {  	s0 =	sand.u32 $0x1, s1  }
0x8c: {  	s14 =	sshll.u32 s0, $0xA;
	s2 =	sadd.s32 s3, s2  }
0x8d: {  	s2 =	sadd.s32 s2, s14  }
0x8e: {  	[smem:$0x3FC6] =	sst s2  }
0x8f: {  	_ = 	snop  }
0x90: {  	s2 =	sld [smem:$0x3FD0];
	_ =	sdelay $0x2  }
0x91: {  	s15 =	simm.s32 $0xA;
	s4 =	simm.s32 $0x10  }
0x92: {  	[smem:s4], [sflag:s15] =	dma.local [hbm:s2], $0x1  }
0x93: {  	_ =	swait.eq [sflag:s15], $0x1  }
0x94: {  	[sflag:s15] =	ssyncset.done $0x0  }
0x95: {  	s16 =	sld [smem:$0x10];
	[sflag:s15] =	ssyncadd.s32 $0xFFFFFFFF  }
0x96: {  	s17 =	sld [smem:$0x11];
	(tm) =	ssettm $0x1  }
0x97: {  	s18 =	sld [smem:$0x3FFB];
	_ =	sdelay $0x3  }
0x98: {  	_ =	strace s18  }
0x99: {  	s4 =	sld [smem:$0x3FFC];
	_ =	sdelay $0x3  }
0x9a: {  	_ =	strace s4  }
0x9b: {  	s4 =	sld [smem:$0x3FFD];
	_ =	sdelay $0x3  }
0x9c: {  	_ =	strace s4  }
0x9d: {  	_ =	strace $0x8FFFFFFF  }
0x9e: {  	s19 =	sld [smem:$0x3FDB];
	_ =	sdelay $0x1  }
0x9f: {  	s5 =	simm.s32 $_scs_section_size  }
0xa0: {  	s6 =	simm.s32 $_size__tile_overlayer_lowered;
	s7 =	simm.s32 $_tile_overlayer_lowered  }
0xa1: {  	s22 =	simm.s32 $0x1BFF;
	s21 =	sshll.u32 s7, $0x1;
	s4 =	sadd.s32 s5, s19  }
0xa2: {  	s8 =	simm.s32 $0x0;
	s20 =	sshll.u32 s6, $0x1;
	s6 =	sadd.s32 s21, s4  }
0xa3: {  	[timem:s8], [sflag:s22] =	dma.local [hbm:s6], s20  }
0xa4: {  	_ =	swait.ge [sflag:s22], s20  }
0xa5: {  	s5 =	ssub.s32 $0x0, s20;
	[sflag:s22] =	ssyncset.done $0x0  }
0xa6: {  	[sflag:s22] =	ssyncadd.s32 s5;
	_ =	sdelay $0x1  }
0xa7: {  	s23 =	simm.s32 $0x1B8B  }
0xa8: {  	_ =	swait.ge [sflag:s23], $0x1  }
0xa9: {  	[sflag:s23] =	ssyncset.done $0x0  }
0xaa: {  	s25 =	simm.s32 $0x1B8E;
	s24 =	sld [smem:$0x3FFE];
	[sflag:s23] =	ssyncadd.s32 $0xFFFFFFFF  }
0xab: {  	s26 =	simm.s32 $execute0_lowered;
	[smem:$0x3FD2] =	sst s25  }
0xac: {  	s6 =	sshll.u32 s26, $0x1;
	_ =	strace $0x80000046;
	[dreg:$0x1] =	wrdreg $0xFFFFFFFF  }
0xad: {  	s28 =	simm.s32 $_size_execute0_lowered;
	s4 =	sadd.s32 s4, s6;
	[dreg:$0x0] =	wrdreg $0x0  }
0xae: {  	s6 =	sshll.u32 s28, $0x1;
	[dreg:$0x2] =	wrdreg s4  }
0xaf: {  	[dreg:$0x3] =	wrdreg s6  }
0xb0: {  	[dreg:$0x4] =	wrdreg $0xC0  }
0xb1: {  	_ =	task [dreg:s8], $0x5FFFF  }
0xb2: {  	[dreg:$0x1] =	wrdreg $0xFFFFFFFF  }
0xb3: {  	[dreg:$0x0] =	wrdreg $0x60  }
0xb4: {  	[dreg:$0x2] =	wrdreg s24  }
0xb5: {  	[dreg:$0x3] =	wrdreg s17  }
0xb6: {  	[dreg:$0x4] =	wrdreg s16  }
0xb7: {  	[dreg:$0x5] =	wrdreg $0x9  }
0xb8: {  	_ =	task.clear_ibuf [dreg:s8], $0x6FFFF;
	_ =	strace $0x90000046  }
0xb9: {  	s29 =	simm.s32 $0x9;
	_ =	strace $0x80000048  }
0xba: {  	_ =	swait.ge [sflag:s29], $0x1  }
0xbb: {  	[sflag:s29] =	ssyncadd.s32 $0xFFFFFFFF  }
0xbc: {  	_ =	strace $0x90000048  }
0xbd: {  	_ =	sfence  }
0xbe: {  	s30 =	sld [smem:$0x0];
	_ =	sdelay $0x2  }
0xbf: {  	s31 =	sshll.u32 s1, $0xD;
	s1 =	sshrl.u32 s1, $0x2  }
0xc0: {  	s3 =	sand.u32 $0x4000, s31;
	s1 =	sadd.s32 s1, s30  }
0xc1: {  	s0 =	sor.u32 s3, s0;
	s1 =	sshll.u32 s1, $0x11  }
0xc2: {  	s0 =	sor.u32 s1, s0  }
0xc3: {  	s0 =	sadd.s32 $0x8F2B, s0  }
0xc4: {  	[sflag:s0] =	ssyncadd.remote.s32 $0x1  }
0xc5: {  	_ =	sfence.sel $0xFFFF  }
0xc6: {  	[dreg:$0x0] =	wrdreg $0xFFFFFFFF;
	(pc) =	sbr.abs _section_cstart, $3  }
0xc7: {  	[dreg:$0x1] =	wrdreg $0xFFFFFFFF  }
0xc8: {  	_ =	task.clear_ibuf [dreg:s8], $0x2FFFF;
	_ =	strace $0x9FFFFFFF  }
0xc9: {  	(tm) =	ssettm $0x7FFFFFFF  }
tec
execute0_lowered:
.L_overlay_start_1:
0x0: {  	(tag) =	ssettag $0x1  }
0x1: {  	v0 =	vimm.s32 $0xFEDCBA98  }
0x2: {  	v1 =	vimm.s32 $0x76543210;
	v2 =	vimm.s32 $0xBA98FEDC;
	v4 =	vimm.s32 $0x32107654  }
0x3: {  	v5 =	vimm.s32 $0xDCFE98BA;
	v6 =	vimm.s32 $0x54761032;
	v0 =	vunpack.c.l.s4.s8 v0  }
0x4: {  	v7 =	vimm.s32 $0xEFCDAB89;
	v2 =	vunpack.c.l.s4.s8 v2;
	v4 =	vunpack.c.l.s4.s8 v4  }
0x5: {  	s1 =	rddreg [dreg:$0x0];
	v8 =	vimm.s32 $0x67452301;
	v1 =	vunpack.c.l.s4.s8 v1;
	v3 =	vunpack.c.0.s8.s32 v0  }
0x6: {  	s0 =	rddreg [dreg:$0x2];
	s2 =	simm.s32 $0x0;
	v5 =	vunpack.c.l.s4.s8 v5;
	v2 =	vunpack.c.0.s8.s32 v2;
	v4 =	vunpack.c.0.s8.s32 v4  }
0x7: {  	s3 =	srdreg.scid;
	s5 =	stileid.u32;
	s13 =	simm.s32 $0x3880;
	v6 =	vunpack.c.l.s4.s8 v6;
	v1 =	vunpack.c.0.s8.s32 v1;
	v3 =	vand.u32 $0xF, v3  }
0x8: {  	s14 =	simm.s32 $0x1;
	s15 =	simm.s32 $0x80;
	s16 =	simm.s32 $0x400;
	v2 =	vcombine.low v4, v2;
	v4 =	vunpack.c.l.s4.s8 v7;
	v7 =	vunpack.c.l.s4.s8 v8  }
0x9: {  	s17 =	simm.s32 $0x280;
	s18 =	simm.s32 $0x500;
	s19 =	simm.s32 $0x3800;
	v8 =	vcombine.low v3, v1;
	v1 =	vunpack.c.0.s8.s32 v5;
	v3 =	vunpack.c.0.s8.s32 v6  }
0xa: {  	s20 =	simm.s32 $0x780;
	s21 =	simm.s32 $0x0;
	[smem:$0x7FF] =	sst s2;
	v5 =	vand.u32 $0xF, v2;
	v2 =	vunpack.c.0.s8.s32 v4;
	v4 =	vunpack.c.0.s8.s32 v7  }
0xb: {  	vm0 =	vcmask $0x300;
	s3 =	sand.u32 $0x1, s3;
	s4 =	sshll.u32 s5, $0x9;
	_ =	strace $0x80000047;
	v1 =	vcombine.low v3, v1;
	v3 =	vimm.f32 $1.000000000e+00;
	[tilespmem:$0x1FFC0] =	vst v8  }
0xc: {  	vm10 =	vcmask $0x700;
	s5 =	sshrl.u32 s5, $0x1;
	s8 =	sadd.s32 $0x3000, s1;
	s25 =	sadd.s32 $0x1C00, s1;
	[tilespmem:$0x1FFD0] =	vst v5;
	v2 =	vcombine.low v4, v2;
	v4 =	vsel vm0, $0x0, v3  }
0xd: {  	s6 =	sshll.u32 s3, $0x8;
	s4 =	sand.u32 $0x200, s4;
	s7 =	smul.u32 $0x1400, s5;
	[tilespmem:$0x1FF40] =	vst v4;
	v7 =	vand.u32 $0xF, v1;
	v1 =	vsel vm10, $0x0, v3  }
0xe: {  	vm11 =	vcmask $0xB00;
	s3 =	ssub.s32 $0x2, s3;
	s5 =	smul.u32 $0x1800, s5;
	s4 =	sor.u32 s6, s4;
	[tilespmem:$0x1FF50] =	vst v1  }
0xf: {  	vm12 =	vcmask $0xF00;
	s1 =	sadd.s32 $0x800, s1;
	s10 =	sshrl.u32 s3, $0x1;
	s9 =	sor.u32 s7, s4;
	v1 =	vsel vm11, $0x0, v3;
	[tilespmem:$0x1FFE0] =	vst v7  }
0x10: {  	s3 =	ssub.s32 s3, s10;
	s29 =	sor.u32 s5, s4;
	s4 =	sor.u32 $0x80, s4;
	v10 =	vand.u32 $0xF, v2;
	v2 =	vsel vm12, $0x0, v3;
	[tilespmem:$0x1FF60] =	vst v1  }
0x11: {  	vm13 =	vcmask $0x1300;
	vm14 =	vcmask $0x1700;
	s9 =	sshrl.u32 s9, $0x3;
	s30 =	sshrl.u32 s29, $0x3;
	s31 =	sor.u32 s7, s4;
	[tilespmem:$0x1FF70] =	vst v2  }
0x12: {  	vm15 =	vcmask $0x1B00;
	s4 =	sor.u32 s5, s4;
	s12 =	smax.u32 s3, $0x1;
	s26 =	sadd.s32 s8, s9;
	v1 =	vlaneseq.u32;
	v2 =	vsel vm13, $0x0, v3;
	[tilespmem:$0x1FFF0] =	vst v10  }
0x13: {  	s28 =	sadd.s32 s25, s9;
	s9 =	sadd.s32 s1, s9;
	[dreg:$0x4] =	wrdreg s26;
	v9 =	vmul.u32 $0x301, v1;
	[tilespmem:$0x1FF80] =	vst v2;
	v11 =	vmul.u32 $0x21, v1;
	v1 =	vsel vm14, $0x0, v3  }
0x14: {  	s7 =	sadd.s32 s0, s30;
	s10 =	sshrl.u32 s31, $0x3;
	[dreg:$0x5] =	wrdreg s28;
	[tilespmem:$0x1FF90] =	vst v1;
	v1 =	vsel vm15, $0x0, v3  }
0x15: {  	s4 =	sshrl.u32 s4, $0x3;
	[dreg:$0x6] =	wrdreg s9;
	s8 =	sadd.s32 s8, s10;
	v13 =	vadd.s32 $0xFFFFFFFF, v9;
	[tilespmem:$0x1FFA0] =	vst v1  }
0x16: {  	v14 =	vimm.s32 $0x0;
	v0 =	vimm.f32 $0.0e+00;
	s9 =	sadd.s32 s25, s10;
	s10 =	sadd.s32 s1, s10;
	s11 =	sadd.s32 s0, s4;
	[tilespmem:$0x1FFB0] =	vst v13  }
.LBB2_1:
0x17: {  	s0 =	rddreg [dreg:$0x1]  }
0x18: {  	[tilespmem:s13], [sflag:$0x1] =	stream.linear.gather [hbm4b:s0+s2], $0x20, $0x38;
	[tilespmem:$0x3B00] =	vst v63  }
0x19: {  	_ =	swait.ge [sflag:s14], $0x20  }
0x1a: {  	[sflag:s14] =	ssyncset.done $0x0  }
0x1b: {  	[sflag:s14] =	ssyncadd.s32 $0xFFFFFFE0  }
0x1c: {  	v1 =	vld [tilespmem:$0x3880]  }
0x1d: {  	v2 =	vld [tilespmem:$0x3890];
	_ =	sdelay $0x3  }
0x1e: {  	[tilespmem:$0x38A1] =	vst v1  }
0x1f: {  	[tilespmem:$0x38B1] =	vst v2  }
0x20: {  	[tilespmem:$0x38C2] =	vst v1  }
0x21: {  	[tilespmem:$0x38D2] =	vst v2  }
0x22: {  	[tilespmem:$0x38E3] =	vst v1  }
0x23: {  	[tilespmem:$0x38F3] =	vst v2  }
0x24: {  	[tilespmem:$0x3904] =	vst v1  }
0x25: {  	[tilespmem:$0x3914] =	vst v2  }
0x26: {  	[tilespmem:$0x3925] =	vst v1  }
0x27: {  	[tilespmem:$0x3935] =	vst v2  }
0x28: {  	[tilespmem:$0x3946] =	vst v1  }
0x29: {  	[tilespmem:$0x3956] =	vst v2  }
0x2a: {  	[tilespmem:$0x3967] =	vst v1  }
0x2b: {  	[tilespmem:$0x3977] =	vst v2  }
0x2c: {  	[tilespmem:$0x3988] =	vst v1  }
0x2d: {  	[tilespmem:$0x3998] =	vst v2  }
0x2e: {  	[tilespmem:$0x39A9] =	vst v1  }
0x2f: {  	[tilespmem:$0x39B9] =	vst v2  }
0x30: {  	[tilespmem:$0x39CA] =	vst v1  }
0x31: {  	[tilespmem:$0x39DA] =	vst v2  }
0x32: {  	[tilespmem:$0x39EB] =	vst v1  }
0x33: {  	[tilespmem:$0x39FB] =	vst v2  }
0x34: {  	[tilespmem:$0x3A0C] =	vst v1  }
0x35: {  	[tilespmem:$0x3A1C] =	vst v2  }
0x36: {  	[tilespmem:$0x3A2D] =	vst v1  }
0x37: {  	[tilespmem:$0x3A3D] =	vst v2  }
0x38: {  	[tilespmem:$0x3A4E] =	vst v1  }
0x39: {  	[tilespmem:$0x3A5E] =	vst v2  }
0x3a: {  	[tilespmem:$0x3A6F] =	vst v1  }
0x3b: {  	s29 =	rddreg [dreg:$0x4];
	[tilespmem:$0x3A7F] =	vst v2  }
0x3c: {  	[tilespmem:s2], [sflag:$0x1] =	stream.strided.gather [hbm4b:s29+s15], $0x280, s16, s15, $0x38;
	[tilespmem:$0x3B00] =	vst v63  }
0x3d: {  	_ =	swait.ge [sflag:s14], $0x280  }
0x3e: {  	[sflag:s14] =	ssyncset.done $0x0  }
0x3f: {  	s30 =	rddreg [dreg:$0x5];
	[sflag:s14] =	ssyncadd.s32 $0xFFFFFD80  }
0x40: {  	[tilespmem:s17], [sflag:$0x1] =	stream.strided.gather [hbm4b:s30+s15], $0x280, s16, s15, $0x38;
	[tilespmem:$0x3B00] =	vst v63  }
0x41: {  	_ =	swait.ge [sflag:s14], $0x280  }
0x42: {  	[sflag:s14] =	ssyncset.done $0x0  }
0x43: {  	s31 =	rddreg [dreg:$0x6];
	[sflag:s14] =	ssyncadd.s32 $0xFFFFFD80  }
0x44: {  	[tilespmem:s18], [sflag:$0x1] =	stream.strided.gather [hbm4b:s31+s15], $0x280, s16, s15, $0x38;
	[tilespmem:$0x3B00] =	vst v63  }
0x45: {  	_ =	swait.ge [sflag:s14], $0x280  }
0x46: {  	[sflag:s14] =	ssyncset.done $0x0  }
0x47: {  	s0 =	simm.s32 $0x7C0;
	[sflag:s14] =	ssyncadd.s32 $0xFFFFFD80  }
0x48: {  	[tilespmem:s0+$0xFFFFFFC0] =	vst v0  }
0x49: {  	[tilespmem:s0+$0x30] =	vst v0  }
0x4a: {  	[tilespmem:s0+$0x20] =	vst v0  }
0x4b: {  	[tilespmem:s0+$0x10] =	vst v0  }
0x4c: {  	[tilespmem:s0+$0x0] =	vst v0  }
0x4d: {  	[tilespmem:s0+$0xFFFFFFF0] =	vst v0  }
0x4e: {  	s1 =	simm.s32 $0x0;
	[tilespmem:s0+$0xFFFFFFE0] =	vst v0  }
.LBB2_2:
0x4f: {  	s1 =	sadd.s32 $0x8, s1;
	[tilespmem:s0+$0xFFFFFFD0] =	vst v0;
	s0 =	sadd.s32 $0x80, s0  }
0x50: {  	[tilespmem:s0+$0xFFFFFFC0] =	vst v0;
	p0 =	slt.u32 s1, $0x2F8  }
0x51: {  	[tilespmem:s0+$0x30] =	vst v0  }
.Ltmp0:
0x52: {  	[tilespmem:s0+$0x20] =	vst v0;
	(pc) =	sbr.rel @p0 .LBB2_2-.Ltmp0, $4  }
0x53: {  	[tilespmem:s0+$0x10] =	vst v0  }
0x54: {  	[tilespmem:s0+$0x0] =	vst v0  }
0x55: {  	[tilespmem:s0+$0xFFFFFFF0] =	vst v0  }
0x56: {  	[tilespmem:s0+$0xFFFFFFE0] =	vst v0  }
0x57: {  	[tilespmem:s0+$0xFFFFFFD0] =	vst v0;
	v1 =	vimm.f32 $0.0e+00  }
0x58: {  	s1 =	simm.s32 $0x0;
	[tilespmem:$0x3780] =	vst v1  }
0x59: {  	v2 =	vld [tilespmem:s1+$0x500]  }
0x5a: {  	s0 =	simm.s32 $0x40;
	v3 =	vimm.f32 $0.0e+00;
	v4 =	vld [tilespmem:s1+$0x280]  }
.LBB2_4:
0x5b: {  	_ = 	snop  }
0x5c: {  	p0 =	sne.s32 s0, $0x800  }
.Ltmp1:
0x5d: {  	_ = 	snop;
	(pc) =	sbr.rel @p0 .LBB2_4-.Ltmp1, $4  }
0x5e: {  	_ = 	snop  }
0x5f: {  	s1 =	sshra.s32 s0, $0x2;
	v6 =	vmul.f32 v4, v2  }
0x60: {  	v1 =	vadd.f32 v2, v1;
	v2 =	vld [tilespmem:s1+$0x500]  }
0x61: {  	s0 =	sadd.s32 $0x40, s0;
	v4 =	vld [tilespmem:s1+$0x280];
	v3 =	vadd.f32 v6, v3  }
0x62: {  	_ =	sdelay $0x3  }
0x63: {  	v4 =	vmul.f32 v4, v2;
	_ =	sdelay $0x1  }
0x64: {  	v3 =	vadd.f32 v4, v3;
	_ =	sdelay $0x1  }
0x65: {  	[tilespmem:$0x3800] =	vst v3  }
0x66: {  	v4 =	vld.idx.msk [tilespmem:v8+s19+$0x0], $0xffff;
	_ =	sdelay $0x4  }
0x67: {  	v3 =	vadd.f32 v4, v3;
	_ =	sdelay $0x1  }
0x68: {  	[tilespmem:$0x3800] =	vst v3  }
0x69: {  	v4 =	vld.idx.msk [tilespmem:v5+s19+$0x0], $0xffff;
	_ =	sdelay $0x4  }
0x6a: {  	v3 =	vadd.f32 v4, v3;
	_ =	sdelay $0x1  }
0x6b: {  	[tilespmem:$0x3800] =	vst v3  }
0x6c: {  	v4 =	vld.idx.msk [tilespmem:v7+s19+$0x0], $0xffff;
	_ =	sdelay $0x4  }
0x6d: {  	v3 =	vadd.f32 v4, v3  }
0x6e: {  	v1 =	vadd.f32 v2, v1  }
0x6f: {  	[tilespmem:$0x3800] =	vst v3  }
0x70: {  	v2 =	vld.idx.msk [tilespmem:v10+s19+$0x0], $0xffff;
	[tilespmem:$0x3800] =	vst v1  }
0x71: {  	v4 =	vld.idx.msk [tilespmem:v8+s19+$0x0], $0xffff;
	_ =	sdelay $0x4  }
0x72: {  	v4 =	vadd.f32 v4, v1;
	_ =	sdelay $0x1  }
0x73: {  	[tilespmem:$0x3800] =	vst v4  }
0x74: {  	v6 =	vld.idx.msk [tilespmem:v5+s19+$0x0], $0xffff;
	_ =	sdelay $0x4  }
0x75: {  	v4 =	vadd.f32 v6, v4;
	_ =	sdelay $0x1  }
0x76: {  	[tilespmem:$0x3800] =	vst v4  }
0x77: {  	v6 =	vld.idx.msk [tilespmem:v7+s19+$0x0], $0xffff;
	_ =	sdelay $0x4  }
0x78: {  	v4 =	vadd.f32 v6, v4;
	_ =	sdelay $0x1  }
0x79: {  	[tilespmem:$0x3800] =	vst v4  }
0x7a: {  	v6 =	vld.idx.msk [tilespmem:v10+s19+$0x0], $0xffff;
	_ =	sdelay $0x4  }
0x7b: {  	v4 =	vadd.f32 v6, v4;
	_ =	sdelay $0x1  }
0x7c: {  	(erf) = vrcp.f32 v4;
	_ =	sdelay $0x5  }
0x7d: {  	s0 =	simm.s32 $0x0  }
0x7e: {  	v4 =	vld [tilespmem:s0+$0x280]  }
0x7f: {  	v2 =	vadd.f32 v2, v3  }
0x80: {  	v6 =	vld [tilespmem:s0+$0x500];
	v3 =	vpop (erf)  }
0x81: {  	v2 =	vmul.f32 v3, v2;
	_ =	sdelay $0x1  }
0x82: {  	s1 =	simm.s32 $0x10;
	v16 =	vsub.f32 v4, v2  }
0x83: {  	v4 =	vld [tilespmem:s1+$0x280]  }
0x84: {  	v17 =	vmul.f32 v16, v6  }
0x85: {  	v6 =	vld [tilespmem:s1+$0x500]  }
0x86: {  	s0 =	simm.s32 $0x80;
	v3 =	vimm.f32 $0.0e+00;
	v16 =	vmul.f32 v17, v16  }
.LBB2_6:
0x87: {  	p0 =	sne.s32 s0, $0x800  }
.Ltmp2:
0x88: {  	s1 =	sshra.s32 s0, $0x2;
	s0 =	sadd.s32 $0x40, s0;
	v17 =	vsub.f32 v4, v2;
	v3 =	vadd.f32 v16, v3;
	(pc) =	sbr.rel @p0 .LBB2_6-.Ltmp2, $4  }
0x89: {  	v4 =	vld [tilespmem:s1+$0x280]  }
0x8a: {  	v16 =	vmul.f32 v17, v6  }
0x8b: {  	v6 =	vld [tilespmem:s1+$0x500]  }
0x8c: {  	v16 =	vmul.f32 v16, v17  }
0x8d: {  	_ = 	snop  }
0x8e: {  	v2 =	vsub.f32 v4, v2;
	_ =	sdelay $0x1  }
0x8f: {  	v4 =	vmul.f32 v2, v6;
	_ =	sdelay $0x1  }
0x90: {  	v3 =	vadd.f32 v16, v3;
	v2 =	vmul.f32 v4, v2;
	_ =	sdelay $0x1  }
0x91: {  	v2 =	vadd.f32 v2, v3;
	_ =	sdelay $0x1  }
0x92: {  	[tilespmem:$0x3800] =	vst v2  }
0x93: {  	v3 =	vld.idx.msk [tilespmem:v8+s19+$0x0], $0xffff;
	_ =	sdelay $0x4  }
0x94: {  	v2 =	vadd.f32 v3, v2;
	_ =	sdelay $0x1  }
0x95: {  	[tilespmem:$0x3800] =	vst v2  }
0x96: {  	v3 =	vld.idx.msk [tilespmem:v5+s19+$0x0], $0xffff;
	_ =	sdelay $0x4  }
0x97: {  	v2 =	vadd.f32 v3, v2;
	_ =	sdelay $0x1  }
0x98: {  	[tilespmem:$0x3800] =	vst v2  }
0x99: {  	v3 =	vld.idx.msk [tilespmem:v7+s19+$0x0], $0xffff;
	_ =	sdelay $0x4  }
0x9a: {  	v2 =	vadd.f32 v3, v2;
	_ =	sdelay $0x1  }
0x9b: {  	[tilespmem:$0x3800] =	vst v2  }
0x9c: {  	v3 =	vld.idx.msk [tilespmem:v10+s19+$0x0], $0xffff;
	[tilespmem:$0x3800] =	vst v1  }
0x9d: {  	v4 =	vld.idx.msk [tilespmem:v8+s19+$0x0], $0xffff;
	_ =	sdelay $0x4  }
0x9e: {  	v1 =	vadd.f32 v4, v1;
	_ =	sdelay $0x1  }
0x9f: {  	[tilespmem:$0x3800] =	vst v1  }
0xa0: {  	v4 =	vld.idx.msk [tilespmem:v5+s19+$0x0], $0xffff;
	_ =	sdelay $0x4  }
0xa1: {  	v1 =	vadd.f32 v4, v1;
	_ =	sdelay $0x1  }
0xa2: {  	[tilespmem:$0x3800] =	vst v1  }
0xa3: {  	v4 =	vld.idx.msk [tilespmem:v7+s19+$0x0], $0xffff;
	_ =	sdelay $0x4  }
0xa4: {  	v1 =	vadd.f32 v4, v1;
	_ =	sdelay $0x1  }
0xa5: {  	[tilespmem:$0x3800] =	vst v1  }
0xa6: {  	v4 =	vld.idx.msk [tilespmem:v10+s19+$0x0], $0xffff;
	_ =	sdelay $0x4  }
0xa7: {  	v1 =	vadd.f32 v4, v1;
	_ =	sdelay $0x1  }
0xa8: {  	(erf) = vrcp.f32 v1;
	_ =	sdelay $0x7  }
0xa9: {  	v1 =	vadd.f32 v3, v2  }
0xaa: {  	v2 =	vpop (erf)  }
0xab: {  	v1 =	vmul.f32 v2, v1;
	_ =	sdelay $0x1  }
0xac: {  	v2 =	vshra.s32 v1, $0x1;
	v1 =	vmul.f32 $5.000000000e-01, v1  }
0xad: {  	v2 =	vsub.s32 $0x5F3759DF, v2  }
0xae: {  	v3 =	vmul.f32 v2, v1;
	_ =	sdelay $0x1  }
0xaf: {  	v3 =	vmul.f32 v2, v3;
	_ =	sdelay $0x1  }
0xb0: {  	v3 =	vsub.f32 $1.500000000e+00, v3;
	_ =	sdelay $0x1  }
0xb1: {  	v2 =	vmul.f32 v2, v3;
	_ =	sdelay $0x1  }
0xb2: {  	v3 =	vmul.f32 v2, v1;
	_ =	sdelay $0x1  }
0xb3: {  	v3 =	vmul.f32 v3, v2;
	_ =	sdelay $0x1  }
0xb4: {  	v3 =	vsub.f32 $1.500000000e+00, v3;
	_ =	sdelay $0x1  }
0xb5: {  	v2 =	vmul.f32 v3, v2;
	_ =	sdelay $0x1  }
0xb6: {  	v1 =	vmul.f32 v2, v1;
	_ =	sdelay $0x1  }
0xb7: {  	v1 =	vmul.f32 v1, v2;
	_ =	sdelay $0x1  }
0xb8: {  	s0 =	simm.s32 $0x2A0;
	v1 =	vsub.f32 $1.500000000e+00, v1  }
0xb9: {  	v3 =	vld [tilespmem:s0+$0xFFFFFFE0]  }
0xba: {  	v4 =	vld [tilespmem:s0+$0x0];
	v1 =	vmul.f32 v1, v2  }
0xbb: {  	v2 =	vld [tilespmem:s0+$0x10]  }
0xbc: {  	v1 =	vmul.f32 $8.000000000e+00, v1  }
0xbd: {  	v6 =	vld [tilespmem:s0+$0xFFFFFFF0]  }
0xbe: {  	s1 =	simm.s32 $0x2E0;
	v16 =	vmul.f32 v3, v1  }
0xbf: {  	v3 =	vld [tilespmem:s1+$0xFFFFFFE0];
	v18 =	vmul.f32 v4, v1  }
0xc0: {  	v4 =	vld [tilespmem:s1+$0x0];
	v17 =	vmul.f32 v2, v1;
	[tilespmem:s0+$0xFFFFFFE0] =	vst v16  }
0xc1: {  	v2 =	vld [tilespmem:s1+$0x10];
	[tilespmem:s0+$0x0] =	vst v18  }
0xc2: {  	s3 =	simm.s32 $0x4;
	v16 =	vmul.f32 v6, v1;
	v6 =	vld [tilespmem:s1+$0xFFFFFFF0];
	[tilespmem:s0+$0x10] =	vst v17  }
.LBB2_8:
0xc3: {  	s3 =	sadd.s32 $0x4, s3  }
0xc4: {  	[tilespmem:s0+$0xFFFFFFF0] =	vst v16;
	s0 =	smov.u32 s1;
	p0 =	slt.u32 s3, $0x1C  }
.Ltmp3:
0xc5: {  	s1 =	sadd.s32 $0x40, s1;
	v16 =	vmul.f32 v3, v1;
	(pc) =	sbr.rel @p0 .LBB2_8-.Ltmp3, $4  }
0xc6: {  	v3 =	vld [tilespmem:s1+$0xFFFFFFE0];
	v17 =	vmul.f32 v2, v1  }
0xc7: {  	v2 =	vld [tilespmem:s1+$0x10];
	[tilespmem:s0+$0xFFFFFFE0] =	vst v16;
	v18 =	vmul.f32 v4, v1  }
0xc8: {  	v4 =	vld [tilespmem:s1+$0x0];
	v16 =	vmul.f32 v6, v1;
	[tilespmem:s0+$0x10] =	vst v17  }
0xc9: {  	v6 =	vld [tilespmem:s1+$0xFFFFFFF0];
	[tilespmem:s0+$0x0] =	vst v18  }
0xca: {  	_ = 	snop  }
0xcb: {  	v3 =	vmul.f32 v3, v1  }
0xcc: {  	[tilespmem:s0+$0xFFFFFFF0] =	vst v16;
	v2 =	vmul.f32 v2, v1  }
0xcd: {  	[tilespmem:s1+$0xFFFFFFE0] =	vst v3;
	v61 =	vmul.f32 v4, v1  }
0xce: {  	v62 =	vmul.f32 v6, v1;
	[tilespmem:s1+$0x10] =	vst v2  }
0xcf: {  	[tilespmem:s1+$0x0] =	vst v61  }
0xd0: {  	[tilespmem:s1+$0xFFFFFFF0] =	vst v62  }
0xd1: {  	v2 =	vld [tilespmem:$0x480];
	_ =	sdelay $0x2  }
.Ltmp4:
0xd2: {  	_ = 	snop;
	(pc) =	sbr.rel .LBB2_10-.Ltmp4, $4  }
0xd3: {  	_ = 	snop  }
0xd4: {  	s22 =	simm.s32 $0x0;
	s23 =	simm.s32 $0x21;
	s24 =	simm.s32 $0x2A1;
	v63 =	vmul.f32 v2, v1  }
0xd5: {  	s25 =	simm.s32 $0x521;
	s26 =	simm.s32 $0x1;
	s28 =	simm.s32 $0x1F8  }
0xd6: {  	s29 =	simm.s32 $0x511;
	s30 =	simm.s32 $0x291;
	s31 =	simm.s32 $0x11;
	[tilespmem:$0x480] =	vst v63  }
.LBB2_14:
0xd7: {  	s22 =	sadd.s32 $0x1, s22  }
0xd8: {  	p0 =	sne.s32 s22, $0x40  }
.Ltmp5:
0xd9: {  	_ = 	snop;
	(pc) =	sbr.rel @!p0 .LBB2_15-.Ltmp5, $4  }
0xda: {  	_ = 	snop  }
0xdb: {  	s23 =	sadd.s32 $0x8, s23;
	s24 =	sadd.s32 $0x8, s24  }
0xdc: {  	s25 =	sadd.s32 $0x8, s25;
	s26 =	sadd.s32 $0x8, s26;
	s28 =	sadd.s32 $0xFFFFFFF8, s28  }
0xdd: {  	s29 =	sadd.s32 $0x8, s29;
	s30 =	sadd.s32 $0x8, s30;
	s31 =	sadd.s32 $0x8, s31  }
.LBB2_10:
0xde: {  	s0 =	sshll.u32 s22, $0x3  }
0xdf: {  	v1 =	vmov s0  }
0xe0: {  	v2 =	vbroadcast v1, $0x0;
	_ =	sdelay $0x4  }
0xe1: {  	v1 =	vld [tilespmem:s0+$0x1]  }
0xe2: {  	v16 =	vld.idx.msk [tilespmem:v2+s2+$0x0], $0xffff;
	_ =	sdelay $0x4  }
0xe3: {  	v3 =	vsub.f32 v1, v16  }
0xe4: {  	s1 =	sor.u32 $0x1, s0  }
0xe5: {  	v4 =	vmov s1;
	v6 =	vcvt.s32.f32 v3  }
0xe6: {  	s5 =	sor.u32 $0x3, s0;
	v4 =	vbroadcast v4, $0x0  }
0xe7: {  	v44 =	vmov s5;
	s5 =	sshllo.u32 s22, $0x3;
	v6 =	vmul.f32 $2.157385240e-07, v6  }
0xe8: {  	s4 =	sor.u32 $0x2, s0;
	v39 =	vmov s5  }
0xe9: {  	v40 =	vld [tilespmem:s0+$0x281];
	v17 =	vmov s4;
	v6 =	vadd.f32 $-2.232672730e+02, v6  }
0xea: {  	v24 =	vbroadcast v17, $0x0;
	v17 =	vld.idx.msk [tilespmem:v2+s17+$0x0], $0xffff  }
0xeb: {  	v18 =	vld.idx.msk [tilespmem:v2+s18+$0x0], $0xffff;
	v6 =	vtrunc.f32 v6  }
0xec: {  	v19 =	vld.idx.msk [tilespmem:v4+s2+$0x0], $0xffff;
	v6 =	vcvt.f32.s32 v6  }
0xed: {  	v37 =	vld.idx.msk [tilespmem:v39+s2+$0x0], $0xffff  }
0xee: {  	v2 =	vbroadcast v44, $0x0;
	v38 =	vld.idx.msk [tilespmem:v39+s17+$0x0], $0xffff;
	vm0 =	vgt.s32 v6, $0x0  }
0xef: {  	v39 =	vld.idx.msk [tilespmem:v39+s18+$0x0], $0xffff;
	v6 =	vnsel vm0, $0x0, v6  }
0xf0: {  	s6 =	sor.u32 $0x4, s0;
	v20 =	vld.idx.msk [tilespmem:v4+s17+$0x0], $0xffff;
	v6 =	vmin.u32 v6, $0x18  }
0xf1: {  	v45 =	vmov s6;
	v21 =	vld.idx.msk [tilespmem:v4+s18+$0x0], $0xffff;
	v41 =	vsub.f32 v1, v19;
	v29 =	vadd.s32 v11, v6  }
0xf2: {  	v22 =	vld.idx.msk [tilespmem:v24+s2+$0x0], $0xffff;
	v4 =	vbroadcast v45, $0x0  }
0xf3: {  	v23 =	vld.idx.msk [tilespmem:v24+s17+$0x0], $0xffff;
	v30 =	vcvt.s32.f32 v41  }
0xf4: {  	s3 =	sor.u32 $0x5, s0;
	v25 =	vld.idx.msk [tilespmem:v2+s2+$0x0], $0xffff  }
0xf5: {  	v27 =	vmov s3;
	v46 =	vsub.f32 v40, v17;
	v26 =	vld.idx.msk [tilespmem:v2+s17+$0x0], $0xffff;
	v30 =	vmul.f32 $2.157385240e-07, v30  }
0xf6: {  	s4 =	sor.u32 $0x6, s0;
	v33 =	vbroadcast v27, $0x0;
	v34 =	vld.idx.msk [tilespmem:v29+s13+$0x0], $0xffff  }
0xf7: {  	v31 =	vmov s4;
	v27 =	vld.idx.msk [tilespmem:v2+s18+$0x0], $0xffff;
	v2 =	vand.u32 $0x7FFFFFFF, v46;
	v32 =	vadd.f32 $-2.232672730e+02, v30  }
0xf8: {  	v36 =	vbroadcast v31, $0x0;
	v28 =	vld.idx.msk [tilespmem:v4+s2+$0x0], $0xffff;
	v2 =	vmin.f32 v2, $2.300000000e+01  }
0xf9: {  	v2 =	vtrunc.f32 v2;
	v30 =	vld.idx.msk [tilespmem:v4+s18+$0x0], $0xffff;
	v47 =	vtrunc.f32 v32  }
0xfa: {  	v35 =	vcvt.f32.s32 v2;
	v29 =	vld.idx.msk [tilespmem:v4+s17+$0x0], $0xffff;
	v4 =	vcvt.f32.s32 v47  }
0xfb: {  	v24 =	vld.idx.msk [tilespmem:v24+s18+$0x0], $0xffff;
	vm13 =	vlt.f32 v3, v34  }
0xfc: {  	v2 =	vld [tilespmem:s0+$0x501];
	v48 =	vshll.u32 v35, $0x5;
	vm14 =	vgt.s32 v4, $0x0;
	v49 =	vsel vm13, v13, v9  }
0xfd: {  	v31 =	vld.idx.msk [tilespmem:v33+s2+$0x0], $0xffff;
	v4 =	vnsel vm14, $0x0, v4;
	v3 =	vadd.s32 v48, v49  }
0xfe: {  	v35 =	vld.idx.msk [tilespmem:v36+s17+$0x0], $0xffff;
	v4 =	vmin.u32 v4, $0x18;
	v3 =	vadd.s32 v6, v3  }
0xff: {  	v32 =	vld.idx.msk [tilespmem:v33+s17+$0x0], $0xffff;
	v50 =	vadd.s32 v11, v4  }
0x100: {  	v42 =	vsub.f32 v1, v22;
	v33 =	vld.idx.msk [tilespmem:v33+s18+$0x0], $0xffff  }
0x101: {  	v43 =	vmul.f32 v2, v18;
	v34 =	vld.idx.msk [tilespmem:v36+s2+$0x0], $0xffff  }
0x102: {  	v44 =	vcvt.s32.f32 v42;
	v36 =	vld.idx.msk [tilespmem:v36+s18+$0x0], $0xffff  }
0x103: {  	v51 =	vsub.f32 v40, v20;
	[tilespmem:v3+s20+$0x0] =	vst.idx.add.f32.msk $0xffff, v43  }
0x104: {  	v52 =	vmul.f32 $2.157385240e-07, v44;
	v6 =	vld.idx.msk [tilespmem:v50+s13+$0x0], $0xffff  }
0x105: {  	v3 =	vand.u32 $0x7FFFFFFF, v51  }
0x106: {  	v43 =	vadd.f32 $-2.232672730e+02, v52;
	v3 =	vmin.f32 v3, $2.300000000e+01  }
0x107: {  	v3 =	vtrunc.f32 v3  }
0x108: {  	v43 =	vtrunc.f32 v43;
	v3 =	vcvt.f32.s32 v3  }
0x109: {  	v53 =	vcvt.f32.s32 v43;
	vm15 =	vlt.f32 v41, v6  }
0x10a: {  	v3 =	vshll.u32 v3, $0x5;
	v41 =	vsel vm15, $0xFFFFFFFF, v14  }
0x10b: {  	v0 =	vld [tilespmem:$0x1FF40];
	vm4 =	vgt.s32 v53, $0x0;
	v3 =	vadd.s32 v41, v3  }
0x10c: {  	v54 =	vnsel vm4, $0x0, v53;
	v3 =	vadd.s32 v4, v3  }
0x10d: {  	v4 =	vmin.u32 v54, $0x18;
	v3 =	vadd.s32 v9, v3  }
0x10e: {  	v57 =	vsub.f32 v1, v25;
	v55 =	vmul.f32 v2, v21;
	v56 =	vadd.s32 v11, v4;
	_ =	sdelay $0x1  }
0x10f: {  	v58 =	vcvt.s32.f32 v57;
	v6 =	vmul.f32 v0, v55  }
0x110: {  	v45 =	vsub.f32 v40, v23  }
0x111: {  	v59 =	vmul.f32 $2.157385240e-07, v58;
	[tilespmem:v3+s20+$0x0] =	vst.idx.add.f32.msk $0xffff, v6  }
0x112: {  	v60 =	vand.u32 $0x7FFFFFFF, v45;
	v41 =	vld.idx.msk [tilespmem:v56+s13+$0x0], $0xffff  }
0x113: {  	v6 =	vmin.f32 v60, $2.300000000e+01;
	v3 =	vadd.f32 $-2.232672730e+02, v59  }
0x114: {  	v6 =	vtrunc.f32 v6  }
0x115: {  	v6 =	vcvt.f32.s32 v6;
	v3 =	vtrunc.f32 v3  }
0x116: {  	v3 =	vcvt.f32.s32 v3  }
0x117: {  	v6 =	vshll.u32 v6, $0x5;
	vm5 =	vlt.f32 v42, v41  }
0x118: {  	v5 =	vld [tilespmem:$0x1FF50];
	v4 =	vor.u32 v4, v6;
	vm6 =	vgt.s32 v3, $0x0;
	v41 =	vsel vm5, $0xFFFFFFFF, v14  }
0x119: {  	v3 =	vnsel vm6, $0x0, v3;
	v4 =	vadd.s32 v41, v4  }
0x11a: {  	v3 =	vmin.u32 v3, $0x18;
	v4 =	vadd.s32 v9, v4  }
0x11b: {  	v63 =	vsub.f32 v1, v28;
	v61 =	vmul.f32 v2, v24;
	v62 =	vadd.s32 v11, v3;
	_ =	sdelay $0x1  }
0x11c: {  	v7 =	vcvt.s32.f32 v63;
	v6 =	vmul.f32 v5, v61  }
0x11d: {  	v48 =	vsub.f32 v40, v26  }
0x11e: {  	v49 =	vmul.f32 $2.157385240e-07, v7;
	[tilespmem:v4+s20+$0x0] =	vst.idx.add.f32.msk $0xffff, v6  }
0x11f: {  	v50 =	vand.u32 $0x7FFFFFFF, v48;
	v41 =	vld.idx.msk [tilespmem:v62+s13+$0x0], $0xffff  }
0x120: {  	v6 =	vmin.f32 v50, $2.300000000e+01;
	v4 =	vadd.f32 $-2.232672730e+02, v49  }
0x121: {  	v6 =	vtrunc.f32 v6  }
0x122: {  	v6 =	vcvt.f32.s32 v6;
	v4 =	vtrunc.f32 v4  }
0x123: {  	v4 =	vcvt.f32.s32 v4  }
0x124: {  	v6 =	vshll.u32 v6, $0x5;
	vm7 =	vlt.f32 v57, v41  }
0x125: {  	v54 =	vld [tilespmem:$0x1FF60];
	v3 =	vor.u32 v3, v6;
	vm8 =	vgt.s32 v4, $0x0;
	v41 =	vsel vm7, $0xFFFFFFFF, v14  }
0x126: {  	v4 =	vnsel vm8, $0x0, v4;
	v3 =	vadd.s32 v41, v3  }
0x127: {  	v4 =	vmin.u32 v4, $0x18;
	v3 =	vadd.s32 v9, v3  }
0x128: {  	v51 =	vmul.f32 v2, v27;
	v53 =	vsub.f32 v1, v31;
	v52 =	vadd.s32 v11, v4;
	_ =	sdelay $0x1  }
0x129: {  	v55 =	vcvt.s32.f32 v53;
	v6 =	vmul.f32 v54, v51  }
0x12a: {  	v56 =	vsub.f32 v40, v29  }
0x12b: {  	v57 =	vmul.f32 $2.157385240e-07, v55;
	[tilespmem:v3+s20+$0x0] =	vst.idx.add.f32.msk $0xffff, v6  }
0x12c: {  	v58 =	vand.u32 $0x7FFFFFFF, v56;
	v41 =	vld.idx.msk [tilespmem:v52+s13+$0x0], $0xffff  }
0x12d: {  	v6 =	vmin.f32 v58, $2.300000000e+01;
	v3 =	vadd.f32 $-2.232672730e+02, v57  }
0x12e: {  	v6 =	vtrunc.f32 v6  }
0x12f: {  	v6 =	vcvt.f32.s32 v6;
	v3 =	vtrunc.f32 v3  }
0x130: {  	v3 =	vcvt.f32.s32 v3  }
0x131: {  	v6 =	vshll.u32 v6, $0x5;
	vm9 =	vlt.f32 v63, v41  }
0x132: {  	v62 =	vld [tilespmem:$0x1FF70];
	v4 =	vor.u32 v4, v6;
	vm10 =	vgt.s32 v3, $0x0;
	v41 =	vsel vm9, $0xFFFFFFFF, v14  }
0x133: {  	v3 =	vnsel vm10, $0x0, v3;
	v4 =	vadd.s32 v41, v4  }
0x134: {  	v3 =	vmin.u32 v3, $0x18;
	v4 =	vadd.s32 v9, v4  }
0x135: {  	v59 =	vmul.f32 v2, v30;
	v61 =	vsub.f32 v1, v34;
	v60 =	vadd.s32 v11, v3;
	_ =	sdelay $0x1  }
0x136: {  	v6 =	vmul.f32 v62, v59;
	v63 =	vcvt.s32.f32 v61  }
0x137: {  	v0 =	vsub.f32 v40, v32  }
0x138: {  	v48 =	vmul.f32 $2.157385240e-07, v63;
	[tilespmem:v4+s20+$0x0] =	vst.idx.add.f32.msk $0xffff, v6  }
0x139: {  	v49 =	vand.u32 $0x7FFFFFFF, v0;
	v41 =	vld.idx.msk [tilespmem:v60+s13+$0x0], $0xffff  }
0x13a: {  	v6 =	vmin.f32 v49, $2.300000000e+01;
	v4 =	vadd.f32 $-2.232672730e+02, v48  }
0x13b: {  	v6 =	vtrunc.f32 v6  }
0x13c: {  	v6 =	vcvt.f32.s32 v6;
	v4 =	vtrunc.f32 v4  }
0x13d: {  	v4 =	vcvt.f32.s32 v4  }
0x13e: {  	v6 =	vshll.u32 v6, $0x5;
	vm11 =	vlt.f32 v53, v41  }
0x13f: {  	v52 =	vld [tilespmem:$0x1FF80];
	v3 =	vor.u32 v3, v6;
	vm12 =	vgt.s32 v4, $0x0;
	v41 =	vsel vm11, $0xFFFFFFFF, v14  }
0x140: {  	v4 =	vnsel vm12, $0x0, v4;
	v3 =	vadd.s32 v41, v3  }
0x141: {  	v4 =	vmin.u32 v4, $0x18;
	v3 =	vadd.s32 v9, v3  }
0x142: {  	v1 =	vsub.f32 v1, v37;
	v50 =	vmul.f32 v2, v33;
	v51 =	vadd.s32 v11, v4;
	_ =	sdelay $0x1  }
0x143: {  	v6 =	vmul.f32 v52, v50;
	v53 =	vcvt.s32.f32 v1  }
0x144: {  	v54 =	vsub.f32 v40, v35  }
0x145: {  	v55 =	vmul.f32 $2.157385240e-07, v53;
	[tilespmem:v3+s20+$0x0] =	vst.idx.add.f32.msk $0xffff, v6  }
0x146: {  	v56 =	vand.u32 $0x7FFFFFFF, v54;
	v41 =	vld.idx.msk [tilespmem:v51+s13+$0x0], $0xffff  }
0x147: {  	v6 =	vmin.f32 v56, $2.300000000e+01;
	v3 =	vadd.f32 $-2.232672730e+02, v55  }
0x148: {  	v6 =	vtrunc.f32 v6  }
0x149: {  	v6 =	vcvt.f32.s32 v6;
	v3 =	vtrunc.f32 v3  }
0x14a: {  	v3 =	vcvt.f32.s32 v3  }
0x14b: {  	v6 =	vshll.u32 v6, $0x5;
	vm13 =	vlt.f32 v61, v41  }
0x14c: {  	v59 =	vld [tilespmem:$0x1FF90];
	v4 =	vor.u32 v4, v6;
	vm14 =	vgt.s32 v3, $0x0;
	v41 =	vsel vm13, $0xFFFFFFFF, v14  }
0x14d: {  	v3 =	vnsel vm14, $0x0, v3;
	v4 =	vadd.s32 v41, v4  }
0x14e: {  	v3 =	vmin.u32 v3, $0x18;
	v4 =	vadd.s32 v9, v4  }
0x14f: {  	v57 =	vmul.f32 v2, v36;
	v58 =	vadd.s32 v11, v3;
	_ =	sdelay $0x1  }
0x150: {  	v6 =	vmul.f32 v59, v57  }
0x151: {  	v40 =	vsub.f32 v40, v38  }
0x152: {  	[tilespmem:v4+s20+$0x0] =	vst.idx.add.f32.msk $0xffff, v6  }
0x153: {  	v60 =	vand.u32 $0x7FFFFFFF, v40;
	v6 =	vld.idx.msk [tilespmem:v58+s13+$0x0], $0xffff  }
0x154: {  	v4 =	vmin.f32 v60, $2.300000000e+01  }
0x155: {  	v4 =	vtrunc.f32 v4  }
0x156: {  	v4 =	vcvt.f32.s32 v4;
	_ =	sdelay $0x1  }
0x157: {  	v61 =	vshll.u32 v4, $0x5;
	vm15 =	vlt.f32 v1, v6  }
0x158: {  	s6 =	ssub.s32 $0x1F8, s0;
	v63 =	vld [tilespmem:$0x1FFA0];
	v1 =	vor.u32 v3, v61;
	v62 =	vsel vm15, $0xFFFFFFFF, v14  }
0x159: {  	s3 =	sand.u32 $0x1E0, s6;
	v1 =	vadd.s32 v62, v1  }
0x15a: {  	p0 =	seq.s32 s3, $0x0;
	v1 =	vadd.s32 v9, v1  }
.Ltmp6:
0x15b: {  	v2 =	vmul.f32 v2, v39;
	(pc) =	sbr.rel @p0 .LBB2_11-.Ltmp6, $4  }
0x15c: {  	_ = 	snop  }
0x15d: {  	v2 =	vmul.f32 v63, v2  }
0x15e: {  	s1 =	sadd.s32 $0x11, s0  }
0x15f: {  	s0 =	sadd.s32 s1, s3;
	[tilespmem:v1+s20+$0x0] =	vst.idx.add.f32.msk $0xffff, v2  }
0x160: {  	v42 =	vld [tilespmem:s23+$0x0]  }
0x161: {  	v48 =	vld [tilespmem:s23+$0xFFFFFFF0];
	_ =	sdelay $0x3  }
0x162: {  	v3 =	vsub.f32 v42, v16  }
0x163: {  	v4 =	vsub.f32 v48, v16  }
0x164: {  	v1 =	vcvt.s32.f32 v3  }
0x165: {  	v2 =	vcvt.s32.f32 v4  }
0x166: {  	v1 =	vmul.f32 $2.157385240e-07, v1  }
0x167: {  	v2 =	vmul.f32 $2.157385240e-07, v2  }
0x168: {  	v6 =	vsub.f32 v48, v19;
	v1 =	vadd.f32 $-2.232672730e+02, v1  }
0x169: {  	v41 =	vadd.f32 $-2.232672730e+02, v2  }
0x16a: {  	v50 =	vsub.f32 v42, v19;
	v40 =	vcvt.s32.f32 v6;
	v1 =	vtrunc.f32 v1  }
0x16b: {  	v41 =	vtrunc.f32 v41;
	v43 =	vcvt.f32.s32 v1  }
0x16c: {  	v44 =	vld [tilespmem:s24+$0xFFFFFFF0];
	v53 =	vcvt.s32.f32 v50;
	v46 =	vcvt.f32.s32 v41  }
0x16d: {  	v40 =	vmul.f32 $2.157385240e-07, v40;
	vm0 =	vgt.s32 v43, $0x0  }
0x16e: {  	v53 =	vmul.f32 $2.157385240e-07, v53;
	vm15 =	vgt.s32 v46, $0x0;
	v61 =	vnsel vm0, $0x0, v43  }
0x16f: {  	v2 =	vsub.f32 v48, v22;
	v41 =	vld [tilespmem:s24+$0x0];
	v46 =	vnsel vm15, $0x0, v46;
	v49 =	vmin.u32 v61, $0x18  }
0x170: {  	v40 =	vadd.f32 $-2.232672730e+02, v40;
	v46 =	vmin.u32 v46, $0x18;
	v47 =	vadd.s32 v11, v49  }
0x171: {  	v56 =	vsub.f32 v44, v17;
	v53 =	vadd.f32 $-2.232672730e+02, v53;
	v54 =	vadd.s32 v11, v46  }
0x172: {  	v7 =	vsub.f32 v44, v20;
	v62 =	vcvt.s32.f32 v2;
	v40 =	vtrunc.f32 v40  }
0x173: {  	v53 =	vtrunc.f32 v53;
	v1 =	vsub.f32 v48, v25;
	v40 =	vcvt.f32.s32 v40  }
0x174: {  	v5 =	vand.u32 $0x7FFFFFFF, v56;
	v53 =	vcvt.f32.s32 v53;
	v55 =	vsub.f32 v41, v17  }
0x175: {  	v52 =	vmul.f32 $2.157385240e-07, v62;
	v51 =	vcvt.s32.f32 v1;
	vm4 =	vgt.s32 v40, $0x0;
	v47 =	vld.idx.msk [tilespmem:v47+s13+$0x0], $0xffff  }
0x176: {  	v40 =	vnsel vm4, $0x0, v40;
	v63 =	vand.u32 $0x7FFFFFFF, v55;
	v55 =	vmin.f32 v5, $2.300000000e+01;
	v54 =	vld.idx.msk [tilespmem:v54+s13+$0x0], $0xffff  }
0x177: {  	v57 =	vmin.u32 v40, $0x18;
	v40 =	vmin.f32 v63, $2.300000000e+01;
	v55 =	vtrunc.f32 v55  }
0x178: {  	v56 =	vand.u32 $0x7FFFFFFF, v7;
	v40 =	vtrunc.f32 v40;
	v55 =	vcvt.f32.s32 v55  }
0x179: {  	vm6 =	vgt.s32 v53, $0x0;
	v52 =	vadd.f32 $-2.232672730e+02, v52;
	v59 =	vcvt.f32.s32 v40  }
0x17a: {  	v53 =	vnsel vm6, $0x0, v53;
	v62 =	vshll.u32 v55, $0x5;
	vm5 =	vlt.f32 v3, v47  }
0x17b: {  	v40 =	vld [tilespmem:s25+$0x0];
	v60 =	vshll.u32 v59, $0x5;
	vm7 =	vlt.f32 v4, v54;
	v61 =	vsel vm5, v13, v9  }
0x17c: {  	v3 =	vmin.f32 v56, $2.300000000e+01;
	v47 =	vld [tilespmem:s25+$0xFFFFFFF0];
	v63 =	vsel vm7, v13, v9;
	v56 =	vadd.s32 v60, v61  }
0x17d: {  	v53 =	vmin.u32 v53, $0x18;
	v4 =	vadd.s32 v62, v63;
	v49 =	vadd.s32 v49, v56  }
0x17e: {  	v52 =	vtrunc.f32 v52;
	v59 =	vsub.f32 v42, v22;
	v4 =	vadd.s32 v46, v4  }
0x17f: {  	v51 =	vmul.f32 $2.157385240e-07, v51;
	v52 =	vcvt.f32.s32 v52;
	v54 =	vadd.s32 v11, v53  }
0x180: {  	v58 =	vadd.s32 v11, v57;
	v60 =	vcvt.s32.f32 v59;
	v56 =	vmul.f32 v40, v18  }
0x181: {  	v51 =	vadd.f32 $-2.232672730e+02, v51;
	v55 =	vmul.f32 v47, v18  }
0x182: {  	v45 =	vsub.f32 v48, v28;
	vm8 =	vgt.s32 v52, $0x0;
	v60 =	vmul.f32 $2.157385240e-07, v60;
	[tilespmem:v49+s20+$0x0] =	vst.idx.add.f32.msk $0xffff, v56  }
0x183: {  	v7 =	vsub.f32 v41, v20;
	v51 =	vtrunc.f32 v51;
	v52 =	vnsel vm8, $0x0, v52;
	[tilespmem:v4+s20+$0x0] =	vst.idx.add.f32.msk $0xffff, v55  }
0x184: {  	v51 =	vcvt.f32.s32 v51;
	v3 =	vtrunc.f32 v3;
	v60 =	vadd.f32 $-2.232672730e+02, v60;
	v54 =	vld.idx.msk [tilespmem:v54+s13+$0x0], $0xffff  }
0x185: {  	v52 =	vmin.u32 v52, $0x18;
	v3 =	vcvt.f32.s32 v3;
	v56 =	vand.u32 $0x7FFFFFFF, v7;
	v61 =	vld.idx.msk [tilespmem:v58+s13+$0x0], $0xffff  }
0x186: {  	v49 =	vsub.f32 v44, v23;
	v62 =	vtrunc.f32 v60;
	v56 =	vmin.f32 v56, $2.300000000e+01  }
0x187: {  	v3 =	vshll.u32 v3, $0x5;
	v63 =	vcvt.f32.s32 v62;
	v7 =	vtrunc.f32 v56  }
0x188: {  	v4 =	vadd.s32 v11, v52;
	v49 =	vand.u32 $0x7FFFFFFF, v49;
	v55 =	vcvt.f32.s32 v7  }
0x189: {  	v49 =	vmin.f32 v49, $2.300000000e+01;
	vm10 =	vgt.s32 v63, $0x0;
	vm9 =	vlt.f32 v50, v54  }
0x18a: {  	v55 =	vshll.u32 v55, $0x5;
	vm11 =	vlt.f32 v6, v61;
	v54 =	vsel vm9, $0xFFFFFFFF, v14  }
0x18b: {  	v49 =	vtrunc.f32 v49;
	v5 =	vsel vm11, $0xFFFFFFFF, v14;
	v54 =	vadd.s32 v54, v55  }
0x18c: {  	v49 =	vcvt.f32.s32 v49;
	v3 =	vadd.s32 v5, v3;
	v53 =	vadd.s32 v53, v54  }
0x18d: {  	v50 =	vnsel vm10, $0x0, v63;
	v3 =	vadd.s32 v57, v3;
	v6 =	vadd.s32 v9, v53  }
0x18e: {  	v49 =	vshll.u32 v49, $0x5;
	v50 =	vmin.u32 v50, $0x18;
	v3 =	vadd.s32 v9, v3  }
0x18f: {  	v49 =	vor.u32 v52, v49;
	v52 =	vadd.s32 v11, v50;
	v53 =	vsub.f32 v42, v25  }
0x190: {  	vm12 =	vgt.s32 v51, $0x0;
	v7 =	vmul.f32 v40, v21;
	v55 =	vcvt.s32.f32 v45  }
0x191: {  	v46 =	vmul.f32 v47, v21;
	v57 =	vsub.f32 v41, v23;
	v56 =	vcvt.s32.f32 v53  }
0x192: {  	v43 =	vsub.f32 v48, v31;
	v51 =	vnsel vm12, $0x0, v51;
	v62 =	vmul.f32 $2.157385240e-07, v55;
	[tilespmem:v6+s20+$0x0] =	vst.idx.add.f32.msk $0xffff, v7  }
0x193: {  	v51 =	vmin.u32 v51, $0x18;
	v5 =	vand.u32 $0x7FFFFFFF, v57;
	v63 =	vmul.f32 $2.157385240e-07, v56;
	[tilespmem:v3+s20+$0x0] =	vst.idx.add.f32.msk $0xffff, v46  }
0x194: {  	v58 =	vsub.f32 v44, v26;
	v54 =	vadd.f32 $-2.232672730e+02, v62;
	v56 =	vmin.f32 v5, $2.300000000e+01;
	v52 =	vld.idx.msk [tilespmem:v52+s13+$0x0], $0xffff  }
0x195: {  	v60 =	vmul.f32 v47, v24;
	v56 =	vtrunc.f32 v56;
	v55 =	vadd.f32 $-2.232672730e+02, v63;
	v4 =	vld.idx.msk [tilespmem:v4+s13+$0x0], $0xffff  }
0x196: {  	v62 =	vtrunc.f32 v54;
	v7 =	vand.u32 $0x7FFFFFFF, v58;
	v56 =	vcvt.f32.s32 v56  }
0x197: {  	v6 =	vadd.s32 v11, v51;
	v61 =	vmin.f32 v7, $2.300000000e+01;
	v55 =	vtrunc.f32 v55  }
0x198: {  	v61 =	vtrunc.f32 v61;
	v63 =	vshll.u32 v56, $0x5;
	v55 =	vcvt.f32.s32 v55  }
0x199: {  	v58 =	vcvt.s32.f32 v43;
	v7 =	vcvt.f32.s32 v61;
	v50 =	vor.u32 v50, v63  }
0x19a: {  	vm13 =	vlt.f32 v59, v52;
	vm14 =	vgt.s32 v55, $0x0;
	vm15 =	vlt.f32 v2, v4  }
0x19b: {  	v2 =	vshll.u32 v7, $0x5;
	v5 =	vsel vm13, $0xFFFFFFFF, v14;
	v55 =	vnsel vm14, $0x0, v55  }
0x19c: {  	v59 =	vsel vm15, $0xFFFFFFFF, v14;
	v2 =	vor.u32 v51, v2;
	v50 =	vadd.s32 v5, v50  }
0x19d: {  	v51 =	vsub.f32 v42, v28;
	v49 =	vadd.s32 v59, v49;
	v50 =	vadd.s32 v9, v50  }
0x19e: {  	v3 =	vmul.f32 v47, v27;
	v55 =	vmin.u32 v55, $0x18;
	v49 =	vadd.s32 v9, v49  }
0x19f: {  	v52 =	vcvt.f32.s32 v62;
	v4 =	vadd.s32 v11, v55;
	v62 =	vcvt.s32.f32 v51  }
0x1a0: {  	v57 =	vsub.f32 v44, v29;
	v58 =	vmul.f32 $2.157385240e-07, v58;
	v61 =	vmul.f32 v40, v24  }
0x1a1: {  	v63 =	vsub.f32 v41, v26;
	vm4 =	vgt.s32 v52, $0x0;
	v56 =	vmul.f32 $2.157385240e-07, v62  }
0x1a2: {  	v46 =	vsub.f32 v48, v34;
	v58 =	vadd.f32 $-2.232672730e+02, v58;
	v52 =	vnsel vm4, $0x0, v52;
	[tilespmem:v50+s20+$0x0] =	vst.idx.add.f32.msk $0xffff, v61  }
0x1a3: {  	v52 =	vmin.u32 v52, $0x18;
	v62 =	vand.u32 $0x7FFFFFFF, v63;
	v56 =	vadd.f32 $-2.232672730e+02, v56;
	[tilespmem:v49+s20+$0x0] =	vst.idx.add.f32.msk $0xffff, v60  }
0x1a4: {  	v61 =	vand.u32 $0x7FFFFFFF, v57;
	v57 =	vmin.f32 v62, $2.300000000e+01;
	v49 =	vsub.f32 v44, v32;
	v4 =	vld.idx.msk [tilespmem:v4+s13+$0x0], $0xffff  }
0x1a5: {  	v60 =	vtrunc.f32 v58;
	v50 =	vmin.f32 v61, $2.300000000e+01;
	v7 =	vtrunc.f32 v57  }
0x1a6: {  	v54 =	vadd.s32 v11, v52;
	v62 =	vtrunc.f32 v56;
	v63 =	vtrunc.f32 v50  }
0x1a7: {  	v61 =	vcvt.f32.s32 v7;
	v50 =	vsub.f32 v48, v37;
	v49 =	vand.u32 $0x7FFFFFFF, v49  }
0x1a8: {  	v6 =	vld.idx.msk [tilespmem:v6+s13+$0x0], $0xffff;
	v48 =	vcvt.f32.s32 v62;
	v63 =	vcvt.f32.s32 v63;
	v49 =	vmin.f32 v49, $2.300000000e+01  }
0x1a9: {  	vm5 =	vlt.f32 v53, v4;
	v4 =	vcvt.f32.s32 v60;
	v60 =	vshll.u32 v61, $0x5  }
0x1aa: {  	vm6 =	vgt.s32 v48, $0x0;
	v61 =	vsel vm5, $0xFFFFFFFF, v14;
	v53 =	vor.u32 v55, v60  }
0x1ab: {  	v49 =	vtrunc.f32 v49;
	v48 =	vnsel vm6, $0x0, v48;
	v53 =	vadd.s32 v61, v53  }
0x1ac: {  	v62 =	vshll.u32 v63, $0x5;
	v48 =	vmin.u32 v48, $0x18;
	v53 =	vadd.s32 v9, v53  }
0x1ad: {  	vm7 =	vlt.f32 v1, v6;
	v6 =	vsub.f32 v42, v31;
	v1 =	vadd.s32 v11, v48  }
0x1ae: {  	v49 =	vcvt.f32.s32 v49;
	v52 =	vor.u32 v52, v62;
	v63 =	vsel vm7, $0xFFFFFFFF, v14  }
0x1af: {  	v2 =	vadd.s32 v63, v2;
	v61 =	vmul.f32 v40, v27;
	v62 =	vcvt.s32.f32 v6  }
0x1b0: {  	v60 =	vcvt.s32.f32 v46;
	v63 =	vsub.f32 v41, v29;
	v2 =	vadd.s32 v9, v2  }
0x1b1: {  	v58 =	vmul.f32 v47, v30;
	v49 =	vshll.u32 v49, $0x5;
	v5 =	vmul.f32 $2.157385240e-07, v62;
	[tilespmem:v53+s20+$0x0] =	vst.idx.add.f32.msk $0xffff, v61  }
0x1b2: {  	vm1 =	vgt.s32 v4, $0x0;
	v56 =	vmul.f32 $2.157385240e-07, v60;
	v7 =	vand.u32 $0x7FFFFFFF, v63;
	v1 =	vld.idx.msk [tilespmem:v1+s13+$0x0], $0xffff  }
0x1b3: {  	v60 =	vcvt.s32.f32 v50;
	v57 =	vmin.f32 v7, $2.300000000e+01;
	v53 =	vadd.f32 $-2.232672730e+02, v5  }
0x1b4: {  	v4 =	vnsel vm1, $0x0, v4;
	v63 =	vmul.f32 v40, v30;
	v57 =	vtrunc.f32 v57  }
0x1b5: {  	v4 =	vmin.u32 v4, $0x18;
	[tilespmem:v2+s20+$0x0] =	vst.idx.add.f32.msk $0xffff, v3;
	v3 =	vcvt.f32.s32 v57;
	v53 =	vtrunc.f32 v53  }
0x1b6: {  	v55 =	vadd.s32 v11, v4;
	v56 =	vadd.f32 $-2.232672730e+02, v56;
	v54 =	vld.idx.msk [tilespmem:v54+s13+$0x0], $0xffff;
	v53 =	vcvt.f32.s32 v53  }
0x1b7: {  	v4 =	vor.u32 v4, v49;
	vm8 =	vlt.f32 v51, v1;
	v1 =	vshll.u32 v3, $0x5  }
0x1b8: {  	vm9 =	vgt.s32 v53, $0x0;
	v3 =	vsel vm8, $0xFFFFFFFF, v14;
	v1 =	vor.u32 v48, v1  }
0x1b9: {  	v49 =	vmul.f32 $2.157385240e-07, v60;
	v1 =	vadd.s32 v3, v1;
	v3 =	vnsel vm9, $0x0, v53  }
0x1ba: {  	v56 =	vtrunc.f32 v56;
	v1 =	vadd.s32 v9, v1;
	v3 =	vmin.u32 v3, $0x18  }
0x1bb: {  	v57 =	vsub.f32 v42, v34;
	vm11 =	vlt.f32 v45, v54;
	v45 =	vadd.s32 v11, v3  }
0x1bc: {  	v7 =	vsub.f32 v41, v32;
	v2 =	vsub.f32 v44, v35;
	v56 =	vcvt.f32.s32 v56  }
0x1bd: {  	v59 =	vadd.f32 $-2.232672730e+02, v49;
	v5 =	vcvt.s32.f32 v57;
	v62 =	vsel vm11, $0xFFFFFFFF, v14  }
0x1be: {  	vm10 =	vgt.s32 v56, $0x0;
	v2 =	vand.u32 $0x7FFFFFFF, v2;
	v52 =	vadd.s32 v62, v52  }
0x1bf: {  	v2 =	vmin.f32 v2, $2.300000000e+01;
	v52 =	vadd.s32 v9, v52;
	[tilespmem:v1+s20+$0x0] =	vst.idx.add.f32.msk $0xffff, v63;
	v1 =	vmul.f32 $2.157385240e-07, v5  }
0x1c0: {  	v61 =	vnsel vm10, $0x0, v56;
	v56 =	vand.u32 $0x7FFFFFFF, v7;
	v2 =	vtrunc.f32 v2;
	v45 =	vld.idx.msk [tilespmem:v45+s13+$0x0], $0xffff  }
0x1c1: {  	v2 =	vcvt.f32.s32 v2;
	v53 =	vmin.f32 v56, $2.300000000e+01;
	v1 =	vadd.f32 $-2.232672730e+02, v1  }
0x1c2: {  	v51 =	vmin.u32 v61, $0x18;
	v61 =	vtrunc.f32 v59;
	v53 =	vtrunc.f32 v53  }
0x1c3: {  	v59 =	vsub.f32 v42, v37;
	v60 =	vcvt.f32.s32 v53;
	v1 =	vtrunc.f32 v1  }
0x1c4: {  	v48 =	vmul.f32 v47, v33;
	v2 =	vshll.u32 v2, $0x5;
	[tilespmem:v52+s20+$0x0] =	vst.idx.add.f32.msk $0xffff, v58;
	v1 =	vcvt.f32.s32 v1  }
0x1c5: {  	v56 =	vsub.f32 v44, v38;
	v63 =	vshll.u32 v60, $0x5;
	v62 =	vld.idx.msk [tilespmem:v55+s13+$0x0], $0xffff;
	vm12 =	vlt.f32 v6, v45  }
0x1c6: {  	v3 =	vor.u32 v3, v63;
	v7 =	vsel vm12, $0xFFFFFFFF, v14;
	vm13 =	vgt.s32 v1, $0x0  }
0x1c7: {  	v45 =	vor.u32 v51, v2;
	v2 =	vadd.s32 v7, v3;
	v1 =	vnsel vm13, $0x0, v1  }
0x1c8: {  	s4 =	sadd.s32 $0x20, s1;
	v53 =	vcvt.f32.s32 v61;
	v3 =	vadd.s32 v9, v2;
	v1 =	vmin.u32 v1, $0x18  }
0x1c9: {  	p2 =	slt.u32 s4, s0;
	v49 =	vadd.s32 v11, v51;
	v42 =	vand.u32 $0x7FFFFFFF, v56;
	v6 =	vadd.s32 v11, v1  }
.Ltmp7:
0x1ca: {  	vm14 =	vgt.s32 v53, $0x0;
	v58 =	vmul.f32 v40, v33;
	vm15 =	vlt.f32 v43, v62;
	(pc) =	sbr.rel @!p2 .LBB2_36-.Ltmp7, $4  }
0x1cb: {  	v60 =	vmin.f32 v42, $2.300000000e+01;
	v63 =	vsub.f32 v41, v35;
	v55 =	vsel vm15, $0xFFFFFFFF, v14  }
0x1cc: {  	v4 =	vadd.s32 v55, v4;
	v55 =	vcvt.s32.f32 v59;
	v2 =	vnsel vm14, $0x0, v53  }
0x1cd: {  	v43 =	vmul.f32 v47, v36;
	v62 =	vmul.f32 v47, v39;
	v2 =	vmin.u32 v2, $0x18;
	[tilespmem:v3+s20+$0x0] =	vst.idx.add.f32.msk $0xffff, v58  }
0x1ce: {  	s3 =	sadd.s32 $0x20, s23;
	p0 =	por $0x0, $0x0;
	p1 =	por $0x0, $0x0;
	v53 =	vadd.s32 v9, v4;
	v61 =	vmul.f32 $2.157385240e-07, v55;
	v44 =	vadd.s32 v11, v2;
	v58 =	vld.idx.msk [tilespmem:v6+s13+$0x0], $0xffff  }
0x1cf: {  	v3 =	vtrunc.f32 v60;
	v4 =	vand.u32 $0x7FFFFFFF, v63;
	v51 =	vld [tilespmem:s3+$0x0];
	v41 =	vsub.f32 v41, v38  }
0x1d0: {  	v3 =	vcvt.f32.s32 v3;
	v4 =	vmin.f32 v4, $2.300000000e+01;
	v6 =	vadd.f32 $-2.232672730e+02, v61  }
0x1d1: {  	v60 =	vmul.f32 v40, v36;
	v4 =	vtrunc.f32 v4;
	v41 =	vand.u32 $0x7FFFFFFF, v41  }
0x1d2: {  	v47 =	vld [tilespmem:s3+$0xFFFFFFF0];
	v3 =	vshll.u32 v3, $0x5;
	v4 =	vcvt.f32.s32 v4;
	v6 =	vtrunc.f32 v6  }
0x1d3: {  	v41 =	vmin.f32 v41, $2.300000000e+01;
	v0 =	vor.u32 v2, v3;
	v2 =	vcvt.f32.s32 v6  }
0x1d4: {  	vm0 =	vlt.f32 v57, v58;
	v3 =	vshll.u32 v4, $0x5;
	v4 =	vsub.f32 v51, v16  }
0x1d5: {  	v6 =	vsel vm0, $0xFFFFFFFF, v14;
	v1 =	vor.u32 v1, v3;
	vm11 =	vgt.s32 v2, $0x0  }
0x1d6: {  	v1 =	vadd.s32 v6, v1;
	v2 =	vnsel vm11, $0x0, v2;
	v6 =	vcvt.s32.f32 v4  }
0x1d7: {  	v3 =	vsub.f32 v47, v16;
	v42 =	vadd.s32 v9, v1;
	v58 =	vmin.u32 v2, $0x18  }
0x1d8: {  	[tilespmem:$0x1FF00] =	vst v0;
	v0 =	vsub.f32 v47, v25;
	v56 =	vadd.s32 v11, v58;
	v6 =	vmul.f32 $2.157385240e-07, v6  }
0x1d9: {  	v54 =	vsub.f32 v47, v19;
	v52 =	vcvt.s32.f32 v3;
	v1 =	vsub.f32 v47, v28  }
0x1da: {  	v41 =	vtrunc.f32 v41;
	[tilespmem:$0x1FF20] =	vst v0;
	v7 =	vcvt.s32.f32 v0;
	v6 =	vadd.f32 $-2.232672730e+02, v6  }
0x1db: {  	v57 =	vsub.f32 v47, v22;
	v55 =	vcvt.s32.f32 v54;
	v52 =	vmul.f32 $2.157385240e-07, v52;
	[tilespmem:$0x1FF10] =	vst v1  }
0x1dc: {  	v61 =	vsub.f32 v51, v19;
	v7 =	vmul.f32 $2.157385240e-07, v7;
	[tilespmem:v42+s20+$0x0] =	vst.idx.add.f32.msk $0xffff, v60;
	v6 =	vtrunc.f32 v6  }
0x1dd: {  	v63 =	vcvt.s32.f32 v57;
	v5 =	vadd.f32 $-2.232672730e+02, v52;
	v56 =	vld.idx.msk [tilespmem:v56+s13+$0x0], $0xffff;
	v6 =	vcvt.f32.s32 v6  }
0x1de: {  	s1 =	sadd.s32 $0x20, s24;
	v7 =	vadd.f32 $-2.232672730e+02, v7;
	v52 =	vmul.f32 $2.157385240e-07, v55;
	v55 =	vcvt.f32.s32 v41  }
0x1df: {  	v41 =	vld [tilespmem:s1+$0x0];
	v60 =	vmul.f32 $2.157385240e-07, v63;
	v5 =	vtrunc.f32 v5;
	vm12 =	vgt.s32 v6, $0x0  }
0x1e0: {  	v42 =	vadd.f32 $-2.232672730e+02, v52;
	v52 =	vshll.u32 v55, $0x5;
	v6 =	vnsel vm12, $0x0, v6  }
0x1e1: {  	v55 =	vcvt.s32.f32 v61;
	v5 =	vcvt.f32.s32 v5;
	v6 =	vmin.u32 v6, $0x18  }
0x1e2: {  	v58 =	vor.u32 v58, v52;
	v63 =	vadd.s32 v11, v6;
	vm13 =	vlt.f32 v59, v56  }
0x1e3: {  	v12 =	vmul.f32 $2.157385240e-07, v55;
	vm1 =	vgt.s32 v5, $0x0;
	v8 =	vsel vm13, $0xFFFFFFFF, v14  }
0x1e4: {  	v52 =	vsub.f32 v41, v17;
	v5 =	vnsel vm1, $0x0, v5;
	v8 =	vadd.s32 v8, v58  }
0x1e5: {  	v12 =	vadd.f32 $-2.232672730e+02, v12;
	v56 =	vld [tilespmem:s1+$0xFFFFFFF0];
	v5 =	vmin.u32 v5, $0x18;
	v1 =	vadd.s32 v9, v8  }
0x1e6: {  	v7 =	vtrunc.f32 v7;
	v42 =	vtrunc.f32 v42;
	v10 =	vadd.s32 v11, v5;
	[tilespmem:$0x1FF30] =	vst v1  }
0x1e7: {  	v42 =	vcvt.f32.s32 v42;
	v55 =	vand.u32 $0x7FFFFFFF, v52;
	v12 =	vtrunc.f32 v12;
	v63 =	vld.idx.msk [tilespmem:v63+s13+$0x0], $0xffff  }
0x1e8: {  	v59 =	vmul.f32 v40, v39;
	v40 =	vmin.f32 v55, $2.300000000e+01;
	v12 =	vcvt.f32.s32 v12  }
0x1e9: {  	v7 =	vcvt.f32.s32 v7;
	vm14 =	vgt.s32 v42, $0x0;
	v40 =	vtrunc.f32 v40  }
0x1ea: {  	v8 =	vadd.f32 $-2.232672730e+02, v60;
	vm4 =	vgt.s32 v12, $0x0;
	v15 =	vsub.f32 v56, v17  }
0x1eb: {  	v1 =	vcvt.f32.s32 v40;
	v58 =	vsub.f32 v56, v20;
	v12 =	vnsel vm4, $0x0, v12;
	v10 =	vld.idx.msk [tilespmem:v10+s13+$0x0], $0xffff  }
0x1ec: {  	s5 =	sadd.s32 $0x20, s25;
	v8 =	vtrunc.f32 v8;
	v15 =	vand.u32 $0x7FFFFFFF, v15;
	vm15 =	vlt.f32 v4, v63  }
0x1ed: {  	v40 =	vld [tilespmem:s5+$0x0];
	v1 =	vshll.u32 v1, $0x5;
	v15 =	vmin.f32 v15, $2.300000000e+01;
	v63 =	vsel vm15, v13, v9  }
0x1ee: {  	v60 =	vand.u32 $0x7FFFFFFF, v58;
	v15 =	vtrunc.f32 v15;
	v1 =	vadd.s32 v1, v63  }
0x1ef: {  	v15 =	vcvt.f32.s32 v15;
	v2 =	vadd.s32 v6, v1;
	v6 =	vmin.u32 v12, $0x18  }
0x1f0: {  	v4 =	vmin.f32 v60, $2.300000000e+01;
	vm5 =	vlt.f32 v3, v10;
	v10 =	vadd.s32 v11, v6  }
0x1f1: {  	v60 =	vld [tilespmem:s5+$0xFFFFFFF0];
	v3 =	vshll.u32 v15, $0x5;
	v63 =	vsub.f32 v51, v22;
	v12 =	vsel vm5, v13, v9  }
0x1f2: {  	v8 =	vcvt.f32.s32 v8;
	v15 =	vmul.f32 v40, v18;
	v3 =	vadd.s32 v3, v12  }
0x1f3: {  	v42 =	vnsel vm14, $0x0, v42;
	v1 =	vcvt.s32.f32 v63;
	v3 =	vadd.s32 v5, v3  }
0x1f4: {  	v42 =	vmin.u32 v42, $0x18;
	vm6 =	vgt.s32 v8, $0x0;
	[tilespmem:v2+s20+$0x0] =	vst.idx.add.f32.msk $0xffff, v15;
	v15 =	vsub.f32 v41, v20  }
0x1f5: {  	v55 =	vadd.s32 v11, v42;
	v8 =	vnsel vm6, $0x0, v8;
	v1 =	vmul.f32 $2.157385240e-07, v1;
	v10 =	vld.idx.msk [tilespmem:v10+s13+$0x0], $0xffff  }
0x1f6: {  	v4 =	vtrunc.f32 v4;
	v12 =	vmul.f32 v60, v18;
	v15 =	vand.u32 $0x7FFFFFFF, v15  }
0x1f7: {  	v4 =	vcvt.f32.s32 v4;
	v1 =	vadd.f32 $-2.232672730e+02, v1;
	v15 =	vmin.f32 v15, $2.300000000e+01  }
0x1f8: {  	v8 =	vmin.u32 v8, $0x18;
	v2 =	vsub.f32 v56, v23;
	[tilespmem:v3+s20+$0x0] =	vst.idx.add.f32.msk $0xffff, v12;
	v12 =	vtrunc.f32 v15  }
0x1f9: {  	v4 =	vshll.u32 v4, $0x5;
	v1 =	vtrunc.f32 v1;
	v12 =	vcvt.f32.s32 v12  }
0x1fa: {  	v2 =	vand.u32 $0x7FFFFFFF, v2;
	v1 =	vcvt.f32.s32 v1;
	v15 =	vld.idx.msk [tilespmem:v55+s13+$0x0], $0xffff;
	vm7 =	vlt.f32 v61, v10  }
0x1fb: {  	v2 =	vmin.f32 v2, $2.300000000e+01;
	v10 =	vsel vm7, $0xFFFFFFFF, v14;
	v12 =	vshll.u32 v12, $0x5  }
0x1fc: {  	v2 =	vtrunc.f32 v2;
	vm8 =	vgt.s32 v1, $0x0;
	v10 =	vadd.s32 v10, v12  }
0x1fd: {  	v2 =	vcvt.f32.s32 v2;
	v1 =	vnsel vm8, $0x0, v1;
	v6 =	vadd.s32 v6, v10  }
0x1fe: {  	v3 =	vadd.s32 v11, v8;
	v1 =	vmin.u32 v1, $0x18;
	v6 =	vadd.s32 v9, v6  }
0x1ff: {  	v2 =	vshll.u32 v2, $0x5;
	v12 =	vadd.s32 v11, v1;
	vm9 =	vlt.f32 v54, v15  }
0x200: {  	v58 =	vld [tilespmem:$0x1FF10];
	v2 =	vor.u32 v8, v2;
	v8 =	vsub.f32 v51, v25;
	v10 =	vsel vm9, $0xFFFFFFFF, v14  }
0x201: {  	v4 =	vadd.s32 v10, v4;
	v10 =	vmul.f32 v40, v21  }
0x202: {  	vm10 =	vgt.s32 v7, $0x0;
	v54 =	vcvt.s32.f32 v8;
	v4 =	vadd.s32 v42, v4  }
0x203: {  	v7 =	vnsel vm10, $0x0, v7;
	v4 =	vadd.s32 v9, v4;
	[tilespmem:v6+s20+$0x0] =	vst.idx.add.f32.msk $0xffff, v10;
	v6 =	vsub.f32 v41, v23  }
0x204: {  	v7 =	vmin.u32 v7, $0x18;
	v42 =	vmul.f32 $2.157385240e-07, v54;
	v12 =	vld.idx.msk [tilespmem:v12+s13+$0x0], $0xffff  }
0x205: {  	v5 =	vmul.f32 v60, v21;
	v15 =	vcvt.s32.f32 v58;
	v6 =	vand.u32 $0x7FFFFFFF, v6  }
0x206: {  	v55 =	vsub.f32 v56, v26;
	v42 =	vadd.f32 $-2.232672730e+02, v42;
	v6 =	vmin.f32 v6, $2.300000000e+01  }
0x207: {  	v61 =	vadd.s32 v11, v7;
	v15 =	vmul.f32 $2.157385240e-07, v15;
	v6 =	vtrunc.f32 v6  }
0x208: {  	v54 =	vand.u32 $0x7FFFFFFF, v55;
	v42 =	vtrunc.f32 v42;
	[tilespmem:v4+s20+$0x0] =	vst.idx.add.f32.msk $0xffff, v5;
	v6 =	vcvt.f32.s32 v6  }
0x209: {  	v4 =	vmin.f32 v54, $2.300000000e+01;
	v3 =	vld.idx.msk [tilespmem:v3+s13+$0x0], $0xffff;
	vm11 =	vlt.f32 v63, v12;
	v12 =	vcvt.f32.s32 v42  }
0x20a: {  	v15 =	vadd.f32 $-2.232672730e+02, v15;
	v4 =	vtrunc.f32 v4;
	v6 =	vshll.u32 v6, $0x5  }
0x20b: {  	v63 =	vsel vm11, $0xFFFFFFFF, v14;
	v1 =	vor.u32 v1, v6;
	vm12 =	vgt.s32 v12, $0x0  }
0x20c: {  	v4 =	vcvt.f32.s32 v4;
	v1 =	vadd.s32 v63, v1;
	v6 =	vnsel vm12, $0x0, v12  }
0x20d: {  	v15 =	vtrunc.f32 v15;
	v1 =	vadd.s32 v9, v1;
	v6 =	vmin.u32 v6, $0x18  }
0x20e: {  	vm13 =	vlt.f32 v57, v3;
	v3 =	vshll.u32 v4, $0x5;
	v4 =	vadd.s32 v11, v6  }
0x20f: {  	v12 =	vcvt.f32.s32 v15;
	v15 =	vsel vm13, $0xFFFFFFFF, v14;
	v3 =	vor.u32 v7, v3  }
0x210: {  	v7 =	vsub.f32 v51, v28;
	v2 =	vadd.s32 v15, v2;
	v15 =	vmul.f32 v40, v24  }
0x211: {  	v0 =	vsub.f32 v47, v31;
	v63 =	vsub.f32 v41, v26;
	v2 =	vadd.s32 v9, v2  }
0x212: {  	v42 =	vcvt.s32.f32 v7;
	[tilespmem:v1+s20+$0x0] =	vst.idx.add.f32.msk $0xffff, v15  }
0x213: {  	v55 =	vcvt.s32.f32 v0;
	v57 =	vand.u32 $0x7FFFFFFF, v63;
	v4 =	vld.idx.msk [tilespmem:v4+s13+$0x0], $0xffff  }
0x214: {  	v10 =	vmul.f32 v60, v24;
	v15 =	vmul.f32 $2.157385240e-07, v42;
	v42 =	vmin.f32 v57, $2.300000000e+01  }
0x215: {  	v55 =	vmul.f32 $2.157385240e-07, v55;
	v42 =	vtrunc.f32 v42  }
0x216: {  	v5 =	vsub.f32 v56, v29;
	[tilespmem:v2+s20+$0x0] =	vst.idx.add.f32.msk $0xffff, v10;
	v10 =	vcvt.f32.s32 v42  }
0x217: {  	v52 =	vmul.f32 v60, v27;
	v55 =	vadd.f32 $-2.232672730e+02, v55  }
0x218: {  	v1 =	vand.u32 $0x7FFFFFFF, v5;
	vm15 =	vlt.f32 v8, v4;
	v4 =	vshll.u32 v10, $0x5  }
0x219: {  	v15 =	vadd.f32 $-2.232672730e+02, v15;
	v61 =	vld.idx.msk [tilespmem:v61+s13+$0x0], $0xffff;
	v8 =	vsel vm15, $0xFFFFFFFF, v14;
	v4 =	vor.u32 v6, v4  }
0x21a: {  	vm14 =	vgt.s32 v12, $0x0;
	v1 =	vmin.f32 v1, $2.300000000e+01;
	v4 =	vadd.s32 v8, v4;
	v8 =	vld [tilespmem:$0x1FF20]  }
0x21b: {  	v12 =	vnsel vm14, $0x0, v12;
	v1 =	vtrunc.f32 v1;
	v15 =	vtrunc.f32 v15  }
0x21c: {  	v12 =	vmin.u32 v12, $0x18;
	v1 =	vcvt.f32.s32 v1;
	v15 =	vcvt.f32.s32 v15  }
0x21d: {  	v54 =	vsub.f32 v47, v34;
	v63 =	vsub.f32 v56, v32;
	v5 =	vadd.s32 v11, v12  }
0x21e: {  	v2 =	vtrunc.f32 v55;
	v1 =	vshll.u32 v1, $0x5;
	vm4 =	vgt.s32 v15, $0x0  }
0x21f: {  	v1 =	vor.u32 v12, v1;
	v6 =	vnsel vm4, $0x0, v15;
	vm5 =	vlt.f32 v8, v61  }
0x220: {  	v4 =	vadd.s32 v9, v4;
	v6 =	vmin.u32 v6, $0x18;
	v10 =	vsel vm5, $0xFFFFFFFF, v14  }
0x221: {  	v12 =	vsub.f32 v51, v31;
	v8 =	vadd.s32 v11, v6;
	v3 =	vadd.s32 v10, v3  }
0x222: {  	v2 =	vcvt.f32.s32 v2;
	v10 =	vcvt.s32.f32 v54;
	v3 =	vadd.s32 v9, v3  }
0x223: {  	v55 =	vand.u32 $0x7FFFFFFF, v63;
	v15 =	vmul.f32 v40, v27;
	v57 =	vcvt.s32.f32 v12  }
0x224: {  	vm6 =	vgt.s32 v2, $0x0;
	v61 =	vsub.f32 v41, v29;
	v10 =	vmul.f32 $2.157385240e-07, v10  }
0x225: {  	v2 =	vnsel vm6, $0x0, v2;
	[tilespmem:v4+s20+$0x0] =	vst.idx.add.f32.msk $0xffff, v15;
	v4 =	vmin.f32 v55, $2.300000000e+01;
	v55 =	vmul.f32 $2.157385240e-07, v57  }
0x226: {  	v4 =	vtrunc.f32 v4;
	v63 =	vand.u32 $0x7FFFFFFF, v61;
	v8 =	vld.idx.msk [tilespmem:v8+s13+$0x0], $0xffff;
	v10 =	vadd.f32 $-2.232672730e+02, v10  }
0x227: {  	v4 =	vcvt.f32.s32 v4;
	v57 =	vmin.f32 v63, $2.300000000e+01;
	v55 =	vadd.f32 $-2.232672730e+02, v55;
	[tilespmem:v3+s20+$0x0] =	vst.idx.add.f32.msk $0xffff, v52  }
0x228: {  	v2 =	vmin.u32 v2, $0x18;
	v57 =	vtrunc.f32 v57;
	v3 =	vtrunc.f32 v10;
	v5 =	vld.idx.msk [tilespmem:v5+s13+$0x0], $0xffff  }
0x229: {  	v4 =	vshll.u32 v4, $0x5;
	v10 =	vcvt.f32.s32 v57;
	v57 =	vtrunc.f32 v55  }
0x22a: {  	v15 =	vadd.s32 v11, v2;
	v2 =	vor.u32 v2, v4;
	v4 =	vcvt.f32.s32 v57  }
0x22b: {  	vm7 =	vlt.f32 v7, v8;
	v7 =	vshll.u32 v10, $0x5  }
0x22c: {  	v10 =	vsel vm7, $0xFFFFFFFF, v14;
	v6 =	vor.u32 v6, v7;
	vm8 =	vgt.s32 v4, $0x0  }
0x22d: {  	[tilespmem:v53+s20+$0x0] =	vst.idx.add.f32.msk $0xffff, v48;
	v6 =	vadd.s32 v10, v6;
	v4 =	vnsel vm8, $0x0, v4;
	vm10 =	vlt.f32 v58, v5  }
0x22e: {  	v6 =	vadd.s32 v9, v6;
	v4 =	vmin.u32 v4, $0x18;
	v5 =	vld.idx.msk [tilespmem:v49+s13+$0x0], $0xffff;
	v10 =	vsel vm10, $0xFFFFFFFF, v14  }
0x22f: {  	v7 =	vadd.s32 v11, v4;
	v1 =	vadd.s32 v10, v1  }
0x230: {  	v1 =	vadd.s32 v9, v1  }
0x231: {  	v61 =	vsub.f32 v56, v35;
	v10 =	vmul.f32 v40, v30  }
0x232: {  	v47 =	vsub.f32 v47, v37;
	v42 =	vmul.f32 v60, v30;
	v57 =	vsub.f32 v51, v34  }
0x233: {  	v58 =	vand.u32 $0x7FFFFFFF, v61;
	v61 =	vsub.f32 v41, v32;
	[tilespmem:v6+s20+$0x0] =	vst.idx.add.f32.msk $0xffff, v10;
	vm11 =	vlt.f32 v46, v5  }
0x234: {  	v3 =	vcvt.f32.s32 v3;
	v63 =	vcvt.s32.f32 v57;
	v5 =	vld.idx.msk [tilespmem:v7+s13+$0x0], $0xffff;
	v46 =	vsel vm11, $0xFFFFFFFF, v14  }
0x235: {  	v8 =	vcvt.s32.f32 v47;
	v7 =	vand.u32 $0x7FFFFFFF, v61;
	[tilespmem:v1+s20+$0x0] =	vst.idx.add.f32.msk $0xffff, v42;
	v1 =	vadd.s32 v46, v45  }
0x236: {  	v10 =	vmul.f32 $2.157385240e-07, v63;
	v7 =	vmin.f32 v7, $2.300000000e+01;
	v63 =	vadd.s32 v9, v1  }
0x237: {  	vm9 =	vgt.s32 v3, $0x0;
	v6 =	vmin.f32 v58, $2.300000000e+01;
	v7 =	vtrunc.f32 v7  }
0x238: {  	v3 =	vnsel vm9, $0x0, v3;
	v6 =	vtrunc.f32 v6;
	v7 =	vcvt.f32.s32 v7  }
0x239: {  	v8 =	vmul.f32 $2.157385240e-07, v8;
	v3 =	vmin.u32 v3, $0x18;
	v6 =	vcvt.f32.s32 v6  }
0x23a: {  	v10 =	vadd.f32 $-2.232672730e+02, v10;
	vm12 =	vlt.f32 v12, v5;
	v5 =	vshll.u32 v7, $0x5  }
0x23b: {  	v1 =	vshll.u32 v6, $0x5;
	v7 =	vsel vm12, $0xFFFFFFFF, v14;
	v4 =	vor.u32 v4, v5;
	[tilespmem:v63+s20+$0x0] =	vst.idx.add.f32.msk $0xffff, v43  }
0x23c: {  	v10 =	vtrunc.f32 v10;
	v45 =	vor.u32 v3, v1;
	v1 =	vadd.s32 v7, v4;
	v4 =	vld [tilespmem:$0x1FF30]  }
0x23d: {  	v8 =	vadd.f32 $-2.232672730e+02, v8;
	v6 =	vcvt.f32.s32 v10;
	_ =	sdelay $0x1  }
0x23e: {  	v8 =	vtrunc.f32 v8;
	v15 =	vld.idx.msk [tilespmem:v15+s13+$0x0], $0xffff;
	vm13 =	vgt.s32 v6, $0x0  }
0x23f: {  	v49 =	vadd.s32 v11, v3;
	v8 =	vcvt.f32.s32 v8;
	v3 =	vnsel vm13, $0x0, v6  }
0x240: {  	v5 =	vadd.s32 v9, v1;
	v1 =	vmin.u32 v3, $0x18  }
0x241: {  	s4 =	sadd.s32 $0x20, s4;
	v48 =	vmul.f32 v60, v33;
	vm14 =	vgt.s32 v8, $0x0;
	v6 =	vadd.s32 v11, v1  }
0x242: {  	p2 =	slt.u32 s4, s0;
	v10 =	vmul.f32 v40, v33;
	v3 =	vnsel vm14, $0x0, v8;
	v8 =	vsub.f32 v56, v38  }
.Ltmp8:
0x243: {  	vm15 =	vlt.f32 v0, v15;
	[tilespmem:v4+s20+$0x0] =	vst.idx.add.f32.msk $0xffff, v59;
	v59 =	vsub.f32 v51, v37;
	(pc) =	sbr.rel @!p2 .LBB2_38-.Ltmp8, $4  }
0x244: {  	v43 =	vmul.f32 v60, v36;
	v63 =	vsub.f32 v41, v35;
	v4 =	vsel vm15, $0xFFFFFFFF, v14  }
0x245: {  	[tilespmem:v5+s20+$0x0] =	vst.idx.add.f32.msk $0xffff, v10;
	v7 =	vadd.s32 v4, v2;
	v2 =	vmin.u32 v3, $0x18;
	v3 =	vcvt.s32.f32 v59  }
0x246: {  	v58 =	vld.idx.msk [tilespmem:v6+s13+$0x0], $0xffff;
	v51 =	vmul.f32 v60, v39;
	v53 =	vadd.s32 v9, v7;
	v7 =	vand.u32 $0x7FFFFFFF, v8  }
0x247: {  	s6 =	sadd.s32 $0x20, s3;
	p0 =	por $0x1, $0x1;
	v4 =	vld.idx.msk [tilespmem:v44+s13+$0x0], $0xffff;
	v44 =	vadd.s32 v11, v2;
	v60 =	vmin.f32 v7, $2.300000000e+01;
	v61 =	vmul.f32 $2.157385240e-07, v3  }
0x248: {  	v3 =	vtrunc.f32 v60  }
0x249: {  	v3 =	vcvt.f32.s32 v3;
	_ =	sdelay $0x1  }
0x24a: {  	v56 =	vld [tilespmem:s6+$0x0];
	v5 =	vand.u32 $0x7FFFFFFF, v63;
	v3 =	vshll.u32 v3, $0x5  }
0x24b: {  	vm0 =	vlt.f32 v50, v4;
	v4 =	vmin.f32 v5, $2.300000000e+01;
	v52 =	vor.u32 v2, v3;
	v3 =	vld [tilespmem:$0x1FF00]  }
0x24c: {  	v5 =	vadd.f32 $-2.232672730e+02, v61;
	v50 =	vld [tilespmem:s6+$0xFFFFFFF0];
	v4 =	vtrunc.f32 v4  }
0x24d: {  	v4 =	vcvt.f32.s32 v4  }
0x24e: {  	v12 =	vmul.f32 v40, v36;
	vm10 =	vlt.f32 v57, v58;
	v5 =	vtrunc.f32 v5  }
0x24f: {  	v6 =	vsel vm0, $0xFFFFFFFF, v14;
	v2 =	vcvt.f32.s32 v5;
	v4 =	vshll.u32 v4, $0x5  }
0x250: {  	v5 =	vsel vm10, $0xFFFFFFFF, v14;
	v3 =	vadd.s32 v6, v3;
	v1 =	vor.u32 v1, v4  }
0x251: {  	v46 =	vsub.f32 v50, v16;
	[tilespmem:$0x1FEF0] =	vst v3;
	v3 =	vsub.f32 v56, v16;
	v1 =	vadd.s32 v5, v1  }
0x252: {  	vm11 =	vgt.s32 v2, $0x0;
	v57 =	vsub.f32 v50, v19;
	v6 =	vadd.s32 v9, v1  }
0x253: {  	v2 =	vnsel vm11, $0x0, v2;
	v8 =	vcvt.s32.f32 v46;
	v5 =	vcvt.s32.f32 v3  }
0x254: {  	v61 =	vsub.f32 v50, v22;
	v7 =	vmin.u32 v2, $0x18;
	v1 =	vsub.f32 v50, v25  }
0x255: {  	v10 =	vadd.s32 v11, v7;
	v8 =	vmul.f32 $2.157385240e-07, v8;
	v5 =	vmul.f32 $2.157385240e-07, v5  }
0x256: {  	v41 =	vsub.f32 v41, v38;
	v58 =	vsub.f32 v50, v31;
	v15 =	vcvt.s32.f32 v57;
	[tilespmem:$0x1FEA0] =	vst v1  }
0x257: {  	v42 =	vcvt.s32.f32 v61;
	v8 =	vadd.f32 $-2.232672730e+02, v8;
	v5 =	vadd.f32 $-2.232672730e+02, v5;
	[tilespmem:v6+s20+$0x0] =	vst.idx.add.f32.msk $0xffff, v12  }
0x258: {  	v63 =	vcvt.s32.f32 v1;
	v6 =	vmul.f32 $2.157385240e-07, v15;
	[tilespmem:$0x1FEB0] =	vst v54  }
0x259: {  	v12 =	vand.u32 $0x7FFFFFFF, v41;
	[tilespmem:$0x1FEC0] =	vst v58;
	v8 =	vtrunc.f32 v8;
	v5 =	vtrunc.f32 v5  }
0x25a: {  	v12 =	vmin.f32 v12, $2.300000000e+01;
	v10 =	vld.idx.msk [tilespmem:v10+s13+$0x0], $0xffff;
	v8 =	vcvt.f32.s32 v8;
	v5 =	vcvt.f32.s32 v5  }
0x25b: {  	v15 =	vmul.f32 $2.157385240e-07, v42;
	v6 =	vadd.f32 $-2.232672730e+02, v6;
	v12 =	vtrunc.f32 v12  }
0x25c: {  	v12 =	vcvt.f32.s32 v12;
	vm1 =	vgt.s32 v8, $0x0;
	vm12 =	vgt.s32 v5, $0x0  }
0x25d: {  	s3 =	sadd.s32 $0x20, s1;
	v6 =	vtrunc.f32 v6;
	v8 =	vnsel vm1, $0x0, v8;
	v5 =	vnsel vm12, $0x0, v5  }
0x25e: {  	v41 =	vld [tilespmem:s3+$0x0];
	v6 =	vcvt.f32.s32 v6;
	v8 =	vmin.u32 v8, $0x18;
	v5 =	vmin.u32 v5, $0x18  }
0x25f: {  	vm13 =	vlt.f32 v59, v10;
	v10 =	vshll.u32 v12, $0x5;
	v12 =	vsub.f32 v56, v19  }
0x260: {  	v54 =	vadd.s32 v11, v5;
	v59 =	vsel vm13, $0xFFFFFFFF, v14;
	v7 =	vor.u32 v7, v10  }
0x261: {  	v60 =	vld [tilespmem:s3+$0xFFFFFFF0];
	vm14 =	vgt.s32 v6, $0x0;
	v10 =	vadd.s32 v11, v8;
	v7 =	vadd.s32 v59, v7  }
0x262: {  	v6 =	vnsel vm14, $0x0, v6;
	v55 =	vcvt.s32.f32 v12;
	v1 =	vadd.s32 v9, v7  }
0x263: {  	v7 =	vadd.f32 $-2.232672730e+02, v15;
	v15 =	vmul.f32 $2.157385240e-07, v63;
	v63 =	vsub.f32 v41, v17  }
0x264: {  	v4 =	vmin.u32 v6, $0x18;
	[tilespmem:$0x1FED0] =	vst v1;
	v59 =	vmul.f32 $2.157385240e-07, v55;
	v1 =	vmul.f32 v40, v39  }
0x265: {  	v55 =	vadd.s32 v11, v4;
	v40 =	vand.u32 $0x7FFFFFFF, v63;
	v42 =	vld.idx.msk [tilespmem:v54+s13+$0x0], $0xffff  }
0x266: {  	v54 =	vsub.f32 v60, v17;
	[tilespmem:$0x1FEE0] =	vst v1;
	v59 =	vadd.f32 $-2.232672730e+02, v59;
	v40 =	vmin.f32 v40, $2.300000000e+01  }
0x267: {  	v63 =	vsub.f32 v60, v20;
	v7 =	vtrunc.f32 v7;
	v40 =	vtrunc.f32 v40;
	v10 =	vld.idx.msk [tilespmem:v10+s13+$0x0], $0xffff  }
0x268: {  	v54 =	vand.u32 $0x7FFFFFFF, v54;
	v59 =	vtrunc.f32 v59;
	v1 =	vcvt.f32.s32 v40  }
0x269: {  	v63 =	vand.u32 $0x7FFFFFFF, v63;
	v54 =	vmin.f32 v54, $2.300000000e+01;
	v59 =	vcvt.f32.s32 v59  }
0x26a: {  	s1 =	sadd.s32 $0x20, s5;
	v54 =	vtrunc.f32 v54;
	v1 =	vshll.u32 v1, $0x5;
	vm15 =	vlt.f32 v3, v42  }
0x26b: {  	v40 =	vld [tilespmem:s1+$0x0];
	vm4 =	vgt.s32 v59, $0x0;
	v54 =	vcvt.f32.s32 v54;
	v3 =	vsel vm15, v13, v9  }
0x26c: {  	vm5 =	vlt.f32 v46, v10;
	v1 =	vadd.s32 v1, v3;
	v3 =	vnsel vm4, $0x0, v59  }
0x26d: {  	v46 =	vsub.f32 v56, v22;
	v1 =	vadd.s32 v5, v1;
	v3 =	vmin.u32 v3, $0x18  }
0x26e: {  	v7 =	vcvt.f32.s32 v7;
	v2 =	vmin.f32 v63, $2.300000000e+01;
	v10 =	vadd.s32 v11, v3  }
0x26f: {  	v63 =	vld [tilespmem:s1+$0xFFFFFFF0];
	v5 =	vshll.u32 v54, $0x5;
	v54 =	vsel vm5, v13, v9;
	v59 =	vcvt.s32.f32 v46  }
0x270: {  	v15 =	vadd.f32 $-2.232672730e+02, v15;
	v42 =	vmul.f32 v40, v18;
	v5 =	vadd.s32 v5, v54  }
0x271: {  	vm6 =	vgt.s32 v7, $0x0;
	v5 =	vadd.s32 v8, v5;
	v59 =	vmul.f32 $2.157385240e-07, v59  }
0x272: {  	v2 =	vtrunc.f32 v2;
	v7 =	vnsel vm6, $0x0, v7;
	[tilespmem:v1+s20+$0x0] =	vst.idx.add.f32.msk $0xffff, v42;
	v42 =	vsub.f32 v41, v20  }
0x273: {  	v2 =	vcvt.f32.s32 v2;
	v59 =	vadd.f32 $-2.232672730e+02, v59;
	v1 =	vsub.f32 v60, v23;
	v10 =	vld.idx.msk [tilespmem:v10+s13+$0x0], $0xffff  }
0x274: {  	v7 =	vmin.u32 v7, $0x18;
	v54 =	vmul.f32 v63, v18;
	v42 =	vand.u32 $0x7FFFFFFF, v42  }
0x275: {  	v59 =	vtrunc.f32 v59;
	v1 =	vand.u32 $0x7FFFFFFF, v1;
	v42 =	vmin.f32 v42, $2.300000000e+01  }
0x276: {  	[tilespmem:v5+s20+$0x0] =	vst.idx.add.f32.msk $0xffff, v54;
	v5 =	vtrunc.f32 v15;
	v1 =	vmin.f32 v1, $2.300000000e+01;
	v15 =	vtrunc.f32 v42  }
0x277: {  	v6 =	vadd.s32 v11, v7;
	v42 =	vld.idx.msk [tilespmem:v55+s13+$0x0], $0xffff;
	v1 =	vtrunc.f32 v1;
	v15 =	vcvt.f32.s32 v15  }
0x278: {  	v5 =	vcvt.f32.s32 v5;
	v1 =	vcvt.f32.s32 v1;
	vm7 =	vlt.f32 v12, v10  }
0x279: {  	v10 =	vcvt.f32.s32 v59;
	v12 =	vsel vm7, $0xFFFFFFFF, v14;
	v15 =	vshll.u32 v15, $0x5  }
0x27a: {  	v2 =	vshll.u32 v2, $0x5;
	vm10 =	vgt.s32 v5, $0x0;
	v12 =	vadd.s32 v12, v15  }
0x27b: {  	v1 =	vshll.u32 v1, $0x5;
	vm8 =	vgt.s32 v10, $0x0;
	v3 =	vadd.s32 v3, v12  }
0x27c: {  	v10 =	vnsel vm8, $0x0, v10;
	vm9 =	vlt.f32 v57, v42;
	v3 =	vadd.s32 v9, v3  }
0x27d: {  	v1 =	vor.u32 v7, v1;
	v10 =	vmin.u32 v10, $0x18;
	v12 =	vsel vm9, $0xFFFFFFFF, v14  }
0x27e: {  	v7 =	vadd.s32 v11, v10;
	v2 =	vadd.s32 v12, v2;
	v12 =	vsub.f32 v56, v25  }
0x27f: {  	v2 =	vadd.s32 v4, v2;
	v4 =	vnsel vm10, $0x0, v5;
	v5 =	vmul.f32 v40, v21  }
0x280: {  	v0 =	vsub.f32 v50, v28;
	v2 =	vadd.s32 v9, v2  }
0x281: {  	v57 =	vcvt.s32.f32 v12;
	[tilespmem:v3+s20+$0x0] =	vst.idx.add.f32.msk $0xffff, v5;
	v3 =	vsub.f32 v41, v23  }
0x282: {  	v8 =	vmul.f32 v63, v21;
	v54 =	vsub.f32 v60, v26;
	v15 =	vcvt.s32.f32 v0  }
0x283: {  	v55 =	vmul.f32 v63, v24;
	v42 =	vmul.f32 $2.157385240e-07, v57;
	v7 =	vld.idx.msk [tilespmem:v7+s13+$0x0], $0xffff;
	v3 =	vand.u32 $0x7FFFFFFF, v3  }
0x284: {  	v54 =	vand.u32 $0x7FFFFFFF, v54;
	v15 =	vmul.f32 $2.157385240e-07, v15;
	v3 =	vmin.f32 v3, $2.300000000e+01  }
0x285: {  	v54 =	vmin.f32 v54, $2.300000000e+01;
	v42 =	vadd.f32 $-2.232672730e+02, v42;
	[tilespmem:v2+s20+$0x0] =	vst.idx.add.f32.msk $0xffff, v8;
	v3 =	vtrunc.f32 v3  }
0x286: {  	v15 =	vadd.f32 $-2.232672730e+02, v15;
	v57 =	vcvt.s32.f32 v58;
	v6 =	vld.idx.msk [tilespmem:v6+s13+$0x0], $0xffff;
	v3 =	vcvt.f32.s32 v3  }
0x287: {  	v4 =	vmin.u32 v4, $0x18;
	v58 =	vtrunc.f32 v54;
	v8 =	vtrunc.f32 v42  }
0x288: {  	vm11 =	vlt.f32 v46, v7;
	v7 =	vtrunc.f32 v15;
	v3 =	vshll.u32 v3, $0x5  }
0x289: {  	v15 =	vsel vm11, $0xFFFFFFFF, v14;
	v3 =	vor.u32 v10, v3;
	v10 =	vcvt.f32.s32 v58  }
0x28a: {  	v5 =	vadd.s32 v11, v4;
	v8 =	vcvt.f32.s32 v8;
	v3 =	vadd.s32 v15, v3  }
0x28b: {  	vm13 =	vlt.f32 v61, v6;
	v3 =	vadd.s32 v9, v3;
	v6 =	vshll.u32 v10, $0x5  }
0x28c: {  	vm12 =	vgt.s32 v8, $0x0;
	v4 =	vor.u32 v4, v6;
	v6 =	vsub.f32 v56, v28  }
0x28d: {  	v2 =	vsub.f32 v60, v29;
	v8 =	vnsel vm12, $0x0, v8;
	v15 =	vsel vm13, $0xFFFFFFFF, v14  }
0x28e: {  	v1 =	vadd.s32 v15, v1;
	v15 =	vmul.f32 v40, v24;
	v42 =	vcvt.s32.f32 v6  }
0x28f: {  	v54 =	vmul.f32 $2.157385240e-07, v57;
	v2 =	vand.u32 $0x7FFFFFFF, v2;
	v8 =	vmin.u32 v8, $0x18  }
0x290: {  	v61 =	vsub.f32 v41, v26;
	v1 =	vadd.s32 v9, v1;
	[tilespmem:v3+s20+$0x0] =	vst.idx.add.f32.msk $0xffff, v15;
	v15 =	vmul.f32 $2.157385240e-07, v42  }
0x291: {  	v2 =	vmin.f32 v2, $2.300000000e+01;
	v7 =	vcvt.f32.s32 v7;
	v10 =	vadd.s32 v11, v8  }
0x292: {  	v2 =	vtrunc.f32 v2;
	v58 =	vand.u32 $0x7FFFFFFF, v61;
	v15 =	vadd.f32 $-2.232672730e+02, v15  }
0x293: {  	v2 =	vcvt.f32.s32 v2;
	v42 =	vadd.f32 $-2.232672730e+02, v54;
	v54 =	vmin.f32 v58, $2.300000000e+01  }
0x294: {  	v54 =	vtrunc.f32 v54;
	v15 =	vtrunc.f32 v15  }
0x295: {  	vm14 =	vgt.s32 v7, $0x0;
	[tilespmem:v1+s20+$0x0] =	vst.idx.add.f32.msk $0xffff, v55;
	v1 =	vcvt.f32.s32 v54;
	v15 =	vcvt.f32.s32 v15  }
0x296: {  	v7 =	vnsel vm14, $0x0, v7;
	v10 =	vld.idx.msk [tilespmem:v10+s13+$0x0], $0xffff  }
0x297: {  	v2 =	vshll.u32 v2, $0x5;
	v1 =	vshll.u32 v1, $0x5;
	vm4 =	vgt.s32 v15, $0x0  }
0x298: {  	v7 =	vmin.u32 v7, $0x18;
	v5 =	vld.idx.msk [tilespmem:v5+s13+$0x0], $0xffff;
	v1 =	vor.u32 v8, v1;
	v8 =	vnsel vm4, $0x0, v15  }
0x299: {  	v2 =	vor.u32 v7, v2;
	v3 =	vadd.s32 v11, v7;
	v7 =	vmin.u32 v8, $0x18;
	v8 =	vld [tilespmem:$0x1FEA0];
	_ =	sdelay $0x1  }
0x29a: {  	v59 =	vmul.f32 v63, v27;
	vm15 =	vlt.f32 v12, v10  }
0x29b: {  	v57 =	vsub.f32 v41, v29;
	v46 =	vsub.f32 v50, v34;
	v10 =	vsel vm15, $0xFFFFFFFF, v14  }
0x29c: {  	v50 =	vsub.f32 v50, v37;
	v61 =	vsub.f32 v60, v32;
	v1 =	vadd.s32 v10, v1  }
0x29d: {  	v58 =	vand.u32 $0x7FFFFFFF, v57;
	v1 =	vadd.s32 v9, v1;
	vm5 =	vlt.f32 v8, v5  }
0x29e: {  	v42 =	vtrunc.f32 v42;
	v5 =	vadd.s32 v11, v7;
	v8 =	vsel vm5, $0xFFFFFFFF, v14  }
0x29f: {  	v42 =	vcvt.f32.s32 v42;
	v12 =	vsub.f32 v56, v31;
	v4 =	vadd.s32 v8, v4  }
0x2a0: {  	v15 =	vmul.f32 v40, v27;
	v8 =	vcvt.s32.f32 v46;
	v4 =	vadd.s32 v9, v4  }
0x2a1: {  	v54 =	vand.u32 $0x7FFFFFFF, v61;
	v55 =	vmin.f32 v58, $2.300000000e+01;
	v61 =	vcvt.s32.f32 v12  }
0x2a2: {  	vm6 =	vgt.s32 v42, $0x0;
	[tilespmem:v1+s20+$0x0] =	vst.idx.add.f32.msk $0xffff, v15;
	v1 =	vmin.f32 v54, $2.300000000e+01;
	v8 =	vmul.f32 $2.157385240e-07, v8  }
0x2a3: {  	v10 =	vnsel vm6, $0x0, v42;
	v61 =	vmul.f32 $2.157385240e-07, v61;
	v1 =	vtrunc.f32 v1;
	v5 =	vld.idx.msk [tilespmem:v5+s13+$0x0], $0xffff  }
0x2a4: {  	v10 =	vmin.u32 v10, $0x18;
	v1 =	vcvt.f32.s32 v1;
	v8 =	vadd.f32 $-2.232672730e+02, v8  }
0x2a5: {  	v55 =	vtrunc.f32 v55;
	v15 =	vadd.s32 v11, v10;
	v54 =	vadd.f32 $-2.232672730e+02, v61;
	[tilespmem:v4+s20+$0x0] =	vst.idx.add.f32.msk $0xffff, v59  }
0x2a6: {  	v1 =	vshll.u32 v1, $0x5;
	v8 =	vtrunc.f32 v8;
	v4 =	vcvt.f32.s32 v55;
	v3 =	vld.idx.msk [tilespmem:v3+s13+$0x0], $0xffff  }
0x2a7: {  	v54 =	vtrunc.f32 v54;
	v10 =	vor.u32 v10, v1;
	v1 =	vcvt.f32.s32 v8  }
0x2a8: {  	v8 =	vcvt.f32.s32 v54;
	vm7 =	vlt.f32 v6, v5;
	v4 =	vshll.u32 v4, $0x5  }
0x2a9: {  	[tilespmem:v53+s20+$0x0] =	vst.idx.add.f32.msk $0xffff, v48;
	v61 =	vcvt.s32.f32 v50;
	v5 =	vsel vm7, $0xFFFFFFFF, v14;
	v4 =	vor.u32 v7, v4  }
0x2aa: {  	v6 =	vld.idx.msk [tilespmem:v49+s13+$0x0], $0xffff;
	vm8 =	vgt.s32 v8, $0x0;
	v4 =	vadd.s32 v5, v4  }
0x2ab: {  	v5 =	vnsel vm8, $0x0, v8;
	v8 =	vmul.f32 $2.157385240e-07, v61;
	v61 =	vld [tilespmem:$0x1FEB0];
	vm10 =	vlt.f32 v0, v3  }
0x2ac: {  	v7 =	vsel vm10, $0xFFFFFFFF, v14  }
0x2ad: {  	v2 =	vadd.s32 v7, v2  }
0x2ae: {  	v55 =	vsub.f32 v41, v32;
	v2 =	vadd.s32 v9, v2  }
0x2af: {  	v42 =	vmul.f32 v63, v30;
	v4 =	vadd.s32 v9, v4;
	v5 =	vmin.u32 v5, $0x18  }
0x2b0: {  	vm11 =	vlt.f32 v61, v6;
	v6 =	vadd.f32 $-2.232672730e+02, v8;
	v8 =	vand.u32 $0x7FFFFFFF, v55  }
0x2b1: {  	v3 =	vadd.s32 v11, v5;
	v61 =	vsel vm11, $0xFFFFFFFF, v14;
	v8 =	vmin.f32 v8, $2.300000000e+01  }
0x2b2: {  	v57 =	vsub.f32 v56, v34;
	v8 =	vtrunc.f32 v8;
	v45 =	vadd.s32 v61, v45  }
0x2b3: {  	v7 =	vmul.f32 v40, v30;
	[tilespmem:v2+s20+$0x0] =	vst.idx.add.f32.msk $0xffff, v42;
	v2 =	vcvt.f32.s32 v8;
	v8 =	vadd.s32 v9, v45;
	_ =	sdelay $0x1  }
0x2b4: {  	v58 =	vsub.f32 v60, v35;
	v53 =	vcvt.s32.f32 v57;
	[tilespmem:v4+s20+$0x0] =	vst.idx.add.f32.msk $0xffff, v7  }
0x2b5: {  	v3 =	vld.idx.msk [tilespmem:v3+s13+$0x0], $0xffff  }
0x2b6: {  	v54 =	vand.u32 $0x7FFFFFFF, v58;
	vm9 =	vgt.s32 v1, $0x0;
	v7 =	vmul.f32 $2.157385240e-07, v53;
	v15 =	vld.idx.msk [tilespmem:v15+s13+$0x0], $0xffff  }
0x2b7: {  	v1 =	vnsel vm9, $0x0, v1;
	v4 =	vmin.f32 v54, $2.300000000e+01;
	[tilespmem:v8+s20+$0x0] =	vst.idx.add.f32.msk $0xffff, v43  }
0x2b8: {  	v4 =	vtrunc.f32 v4;
	v6 =	vtrunc.f32 v6;
	v7 =	vadd.f32 $-2.232672730e+02, v7;
	v0 =	vld [tilespmem:$0x1FEC0]  }
0x2b9: {  	v1 =	vmin.u32 v1, $0x18;
	v4 =	vcvt.f32.s32 v4;
	v6 =	vcvt.f32.s32 v6  }
0x2ba: {  	v49 =	vadd.s32 v11, v1;
	v7 =	vtrunc.f32 v7  }
0x2bb: {  	v4 =	vshll.u32 v4, $0x5;
	vm14 =	vgt.s32 v6, $0x0;
	v7 =	vcvt.f32.s32 v7  }
0x2bc: {  	v45 =	vor.u32 v1, v4;
	vm12 =	vlt.f32 v12, v3;
	v1 =	vshll.u32 v2, $0x5  }
0x2bd: {  	v2 =	vsel vm12, $0xFFFFFFFF, v14;
	v1 =	vor.u32 v5, v1;
	vm15 =	vlt.f32 v0, v15;
	v0 =	vld [tilespmem:$0x1FED0]  }
0x2be: {  	v3 =	vnsel vm14, $0x0, v6;
	vm13 =	vgt.s32 v7, $0x0;
	v1 =	vadd.s32 v2, v1  }
0x2bf: {  	v2 =	vnsel vm13, $0x0, v7;
	v5 =	vadd.s32 v9, v1;
	v7 =	vsel vm15, $0xFFFFFFFF, v14  }
0x2c0: {  	v1 =	vmin.u32 v2, $0x18;
	v2 =	vmin.u32 v3, $0x18;
	v3 =	vadd.s32 v7, v10;
	v10 =	vld [tilespmem:$0x1FEE0];
	_ =	sdelay $0x1  }
0x2c1: {  	v8 =	vmul.f32 v40, v33;
	_ =	sdelay $0x1  }
0x2c2: {  	[tilespmem:v5+s20+$0x0] =	vst.idx.add.f32.msk $0xffff, v8  }
0x2c3: {  	s4 =	sadd.s32 $0x20, s4;
	[tilespmem:v0+s20+$0x0] =	vst.idx.add.f32.msk $0xffff, v10  }
0x2c4: {  	p2 =	slt.u32 s4, s0;
	v6 =	vadd.s32 v11, v1;
	v0 =	vld [tilespmem:$0x1FEF0]  }
.Ltmp9:
0x2c5: {  	v59 =	vsub.f32 v56, v37;
	(pc) =	sbr.rel @!p2 .LBB2_40-.Ltmp9, $4  }
0x2c6: {  	v48 =	vmul.f32 v63, v33;
	v42 =	vmul.f32 v63, v39;
	v7 =	vsub.f32 v60, v38  }
0x2c7: {  	v43 =	vmul.f32 v63, v36;
	v4 =	vld.idx.msk [tilespmem:v44+s13+$0x0], $0xffff;
	v53 =	vadd.s32 v9, v3;
	v3 =	vcvt.s32.f32 v59  }
0x2c8: {  	v63 =	vsub.f32 v41, v35;
	v44 =	vadd.s32 v11, v2;
	v7 =	vand.u32 $0x7FFFFFFF, v7  }
0x2c9: {  	s5 =	sadd.s32 $0x20, s6;
	p1 =	por $0x1, $0x1;
	v58 =	vld.idx.msk [tilespmem:v6+s13+$0x0], $0xffff;
	v60 =	vmin.f32 v7, $2.300000000e+01;
	v61 =	vmul.f32 $2.157385240e-07, v3;
	v56 =	vadd.s32 v9, v0  }
.LBB2_41:
0x2ca: {  	_ = 	snop  }
0x2cb: {  	v54 =	vld [tilespmem:s5+$0x0];
	v3 =	vtrunc.f32 v60;
	v10 =	vmul.f32 v40, v36  }
0x2cc: {  	v5 =	vand.u32 $0x7FFFFFFF, v63;
	v3 =	vcvt.f32.s32 v3;
	vm0 =	vlt.f32 v47, v4;
	v47 =	vmovc v50;
	v50 =	vld [tilespmem:s5+$0xFFFFFFF0]  }
0x2cd: {  	v40 =	vmul.f32 v40, v39;
	v4 =	vmin.f32 v5, $2.300000000e+01;
	v5 =	vadd.f32 $-2.232672730e+02, v61;
	[tilespmem:v53+s20+$0x0] =	vst.idx.add.f32.msk $0xffff, v48  }
0x2ce: {  	v3 =	vshll.u32 v3, $0x5;
	vm10 =	vlt.f32 v57, v58;
	v4 =	vtrunc.f32 v4;
	v53 =	vld.idx.msk [tilespmem:v49+s13+$0x0], $0xffff  }
0x2cf: {  	v6 =	vsel vm0, $0xFFFFFFFF, v14;
	[tilespmem:v56+s20+$0x0] =	vst.idx.add.f32.msk $0xffff, v62;
	v4 =	vcvt.f32.s32 v4;
	v5 =	vtrunc.f32 v5  }
0x2d0: {  	s3 =	sadd.s32 $0x20, s3;
	v55 =	vadd.s32 v6, v52;
	v52 =	vor.u32 v2, v3;
	v2 =	vsub.f32 v54, v16  }
0x2d1: {  	v58 =	vld [tilespmem:s3+$0xFFFFFFF0];
	v5 =	vcvt.f32.s32 v5;
	v3 =	vshll.u32 v4, $0x5;
	v4 =	vsel vm10, $0xFFFFFFFF, v14  }
0x2d2: {  	v1 =	vor.u32 v1, v3;
	v3 =	vsub.f32 v50, v16;
	v57 =	vsub.f32 v50, v22  }
0x2d3: {  	vm11 =	vgt.s32 v5, $0x0;
	v49 =	vsub.f32 v50, v25;
	v48 =	vsub.f32 v50, v28  }
0x2d4: {  	v1 =	vadd.s32 v4, v1;
	v4 =	vnsel vm11, $0x0, v5;
	v5 =	vcvt.s32.f32 v2  }
0x2d5: {  	v6 =	vadd.s32 v9, v1;
	v4 =	vmin.u32 v4, $0x18;
	v7 =	vcvt.s32.f32 v3  }
0x2d6: {  	v1 =	vsub.f32 v50, v19;
	v0 =	vsub.f32 v58, v20;
	v5 =	vmul.f32 $2.157385240e-07, v5  }
0x2d7: {  	v15 =	vcvt.s32.f32 v57;
	v63 =	vcvt.s32.f32 v49;
	v8 =	vadd.s32 v11, v4  }
0x2d8: {  	v7 =	vmul.f32 $2.157385240e-07, v7;
	v0 =	vand.u32 $0x7FFFFFFF, v0;
	v5 =	vadd.f32 $-2.232672730e+02, v5  }
0x2d9: {  	v62 =	vmovc v51;
	v51 =	vmovc v42;
	v12 =	vcvt.s32.f32 v1;
	v42 =	vmul.f32 $2.157385240e-07, v63;
	v0 =	vmin.f32 v0, $2.300000000e+01  }
0x2da: {  	v7 =	vadd.f32 $-2.232672730e+02, v7;
	[tilespmem:v6+s20+$0x0] =	vst.idx.add.f32.msk $0xffff, v10;
	v6 =	vsub.f32 v41, v38;
	v5 =	vtrunc.f32 v5  }
0x2db: {  	v56 =	vsub.f32 v50, v31;
	v0 =	vtrunc.f32 v0;
	v5 =	vcvt.f32.s32 v5  }
0x2dc: {  	v10 =	vmul.f32 $2.157385240e-07, v12;
	v8 =	vld.idx.msk [tilespmem:v8+s13+$0x0], $0xffff;
	v7 =	vtrunc.f32 v7;
	v6 =	vand.u32 $0x7FFFFFFF, v6  }
0x2dd: {  	v7 =	vcvt.f32.s32 v7;
	v6 =	vmin.f32 v6, $2.300000000e+01;
	vm12 =	vgt.s32 v5, $0x0  }
0x2de: {  	v10 =	vadd.f32 $-2.232672730e+02, v10;
	v6 =	vtrunc.f32 v6;
	v5 =	vnsel vm12, $0x0, v5  }
0x2df: {  	v12 =	vmul.f32 $2.157385240e-07, v15;
	v41 =	vld [tilespmem:s3+$0x0];
	v6 =	vcvt.f32.s32 v6;
	v5 =	vmin.u32 v5, $0x18  }
0x2e0: {  	vm1 =	vgt.s32 v7, $0x0;
	v10 =	vtrunc.f32 v10;
	v15 =	vadd.s32 v11, v5  }
0x2e1: {  	vm13 =	vlt.f32 v59, v8;
	v8 =	vsub.f32 v54, v19;
	v6 =	vshll.u32 v6, $0x5  }
0x2e2: {  	v7 =	vnsel vm1, $0x0, v7;
	v59 =	vsel vm13, $0xFFFFFFFF, v14;
	v4 =	vor.u32 v4, v6  }
0x2e3: {  	v6 =	vmin.u32 v7, $0x18;
	v4 =	vadd.s32 v59, v4;
	v59 =	vcvt.s32.f32 v8  }
0x2e4: {  	v60 =	vsub.f32 v41, v17;
	v7 =	vcvt.f32.s32 v10;
	v10 =	vadd.s32 v11, v6  }
0x2e5: {  	v42 =	vadd.f32 $-2.232672730e+02, v42;
	v4 =	vadd.s32 v9, v4;
	v15 =	vld.idx.msk [tilespmem:v15+s13+$0x0], $0xffff;
	v59 =	vmul.f32 $2.157385240e-07, v59  }
0x2e6: {  	v61 =	vsub.f32 v58, v17;
	v0 =	vcvt.f32.s32 v0;
	v60 =	vand.u32 $0x7FFFFFFF, v60  }
0x2e7: {  	v42 =	vtrunc.f32 v42;
	v60 =	vmin.f32 v60, $2.300000000e+01;
	v59 =	vadd.f32 $-2.232672730e+02, v59  }
0x2e8: {  	v61 =	vand.u32 $0x7FFFFFFF, v61;
	v42 =	vcvt.f32.s32 v42;
	v60 =	vtrunc.f32 v60  }
0x2e9: {  	v12 =	vadd.f32 $-2.232672730e+02, v12;
	v60 =	vcvt.f32.s32 v60;
	v10 =	vld.idx.msk [tilespmem:v10+s13+$0x0], $0xffff;
	v59 =	vtrunc.f32 v59  }
0x2ea: {  	s1 =	sadd.s32 $0x20, s1;
	vm14 =	vgt.s32 v7, $0x0;
	[tilespmem:v4+s20+$0x0] =	vst.idx.add.f32.msk $0xffff, v40;
	v59 =	vcvt.f32.s32 v59;
	vm15 =	vlt.f32 v2, v15  }
0x2eb: {  	v4 =	vmin.f32 v61, $2.300000000e+01;
	v40 =	vld [tilespmem:s1+$0x0];
	v2 =	vshll.u32 v60, $0x5;
	v15 =	vsel vm15, v13, v9  }
0x2ec: {  	v4 =	vtrunc.f32 v4;
	vm4 =	vgt.s32 v59, $0x0;
	v2 =	vadd.s32 v2, v15  }
0x2ed: {  	v4 =	vcvt.f32.s32 v4;
	v15 =	vnsel vm4, $0x0, v59;
	v2 =	vadd.s32 v5, v2  }
0x2ee: {  	v7 =	vnsel vm14, $0x0, v7;
	vm5 =	vlt.f32 v3, v10;
	v5 =	vmin.u32 v15, $0x18  }
0x2ef: {  	v60 =	vld [tilespmem:s1+$0xFFFFFFF0];
	v3 =	vshll.u32 v4, $0x5;
	v10 =	vsel vm5, v13, v9;
	v4 =	vadd.s32 v11, v5  }
0x2f0: {  	v15 =	vsub.f32 v54, v22;
	v3 =	vadd.s32 v3, v10;
	v10 =	vmul.f32 v40, v18  }
0x2f1: {  	v12 =	vtrunc.f32 v12;
	v7 =	vmin.u32 v7, $0x18;
	v3 =	vadd.s32 v6, v3  }
0x2f2: {  	v63 =	vadd.s32 v11, v7;
	v61 =	vsub.f32 v41, v20;
	[tilespmem:v2+s20+$0x0] =	vst.idx.add.f32.msk $0xffff, v10;
	v2 =	vcvt.s32.f32 v15  }
0x2f3: {  	v0 =	vshll.u32 v0, $0x5;
	vm10 =	vgt.s32 v42, $0x0;
	v6 =	vcvt.f32.s32 v12  }
0x2f4: {  	v61 =	vand.u32 $0x7FFFFFFF, v61;
	v59 =	vmul.f32 v60, v18;
	v4 =	vld.idx.msk [tilespmem:v4+s13+$0x0], $0xffff;
	v2 =	vmul.f32 $2.157385240e-07, v2  }
0x2f5: {  	v12 =	vmul.f32 v60, v21;
	v10 =	vsub.f32 v58, v23;
	vm6 =	vgt.s32 v6, $0x0  }
0x2f6: {  	v6 =	vnsel vm6, $0x0, v6;
	[tilespmem:v3+s20+$0x0] =	vst.idx.add.f32.msk $0xffff, v59;
	v59 =	vmin.f32 v61, $2.300000000e+01;
	v2 =	vadd.f32 $-2.232672730e+02, v2  }
0x2f7: {  	v10 =	vand.u32 $0x7FFFFFFF, v10;
	v6 =	vmin.u32 v6, $0x18;
	v61 =	vld.idx.msk [tilespmem:v63+s13+$0x0], $0xffff;
	v59 =	vtrunc.f32 v59  }
0x2f8: {  	v10 =	vmin.f32 v10, $2.300000000e+01;
	v59 =	vcvt.f32.s32 v59;
	v2 =	vtrunc.f32 v2  }
0x2f9: {  	v10 =	vtrunc.f32 v10;
	vm7 =	vlt.f32 v8, v4;
	v2 =	vcvt.f32.s32 v2  }
0x2fa: {  	v4 =	vcvt.f32.s32 v10;
	v10 =	vshll.u32 v59, $0x5;
	v8 =	vsel vm7, $0xFFFFFFFF, v14  }
0x2fb: {  	v3 =	vadd.s32 v11, v6;
	v8 =	vadd.s32 v8, v10;
	vm8 =	vgt.s32 v2, $0x0  }
0x2fc: {  	v4 =	vshll.u32 v4, $0x5;
	vm9 =	vlt.f32 v1, v61;
	v5 =	vadd.s32 v5, v8  }
0x2fd: {  	v10 =	vcvt.s32.f32 v48;
	v2 =	vnsel vm8, $0x0, v2;
	v1 =	vadd.s32 v9, v5  }
0x2fe: {  	v63 =	vsub.f32 v58, v26;
	v4 =	vor.u32 v6, v4;
	v2 =	vmin.u32 v2, $0x18  }
0x2ff: {  	v5 =	vsel vm9, $0xFFFFFFFF, v14;
	v10 =	vmul.f32 $2.157385240e-07, v10;
	v6 =	vadd.s32 v11, v2  }
0x300: {  	v8 =	vmul.f32 v40, v21;
	v0 =	vadd.s32 v5, v0;
	v5 =	vsub.f32 v54, v25  }
0x301: {  	v0 =	vadd.s32 v7, v0;
	v7 =	vnsel vm10, $0x0, v42;
	v10 =	vadd.f32 $-2.232672730e+02, v10  }
0x302: {  	v0 =	vadd.s32 v9, v0;
	v61 =	vcvt.s32.f32 v5;
	[tilespmem:v1+s20+$0x0] =	vst.idx.add.f32.msk $0xffff, v8;
	v1 =	vsub.f32 v41, v23  }
0x303: {  	v59 =	vmul.f32 v60, v24;
	v7 =	vmin.u32 v7, $0x18;
	v10 =	vtrunc.f32 v10  }
0x304: {  	v8 =	vadd.s32 v11, v7;
	v42 =	vmul.f32 $2.157385240e-07, v61;
	v6 =	vld.idx.msk [tilespmem:v6+s13+$0x0], $0xffff;
	v1 =	vand.u32 $0x7FFFFFFF, v1  }
0x305: {  	v61 =	vand.u32 $0x7FFFFFFF, v63;
	v10 =	vcvt.f32.s32 v10;
	v1 =	vmin.f32 v1, $2.300000000e+01  }
0x306: {  	v63 =	vcvt.s32.f32 v56;
	v42 =	vadd.f32 $-2.232672730e+02, v42;
	v1 =	vtrunc.f32 v1  }
0x307: {  	vm14 =	vgt.s32 v10, $0x0;
	[tilespmem:v0+s20+$0x0] =	vst.idx.add.f32.msk $0xffff, v12;
	v0 =	vmul.f32 v60, v27;
	v13 =	vcvt.f32.s32 v1  }
0x308: {  	v12 =	vmin.f32 v61, $2.300000000e+01;
	v10 =	vnsel vm14, $0x0, v10;
	v3 =	vld.idx.msk [tilespmem:v3+s13+$0x0], $0xffff;
	v42 =	vtrunc.f32 v42  }
0x309: {  	v42 =	vcvt.f32.s32 v42;
	vm11 =	vlt.f32 v15, v6;
	v6 =	vshll.u32 v13, $0x5  }
0x30a: {  	v12 =	vtrunc.f32 v12;
	v13 =	vsel vm11, $0xFFFFFFFF, v14;
	v2 =	vor.u32 v2, v6  }
0x30b: {  	vm12 =	vgt.s32 v42, $0x0;
	v6 =	vcvt.f32.s32 v12;
	v2 =	vadd.s32 v13, v2  }
0x30c: {  	v12 =	vnsel vm12, $0x0, v42;
	v42 =	vmul.f32 $2.157385240e-07, v63;
	v2 =	vadd.s32 v9, v2  }
0x30d: {  	v12 =	vmin.u32 v12, $0x18;
	vm13 =	vlt.f32 v57, v3;
	v3 =	vshll.u32 v6, $0x5  }
0x30e: {  	v6 =	vadd.s32 v11, v12;
	v13 =	vsel vm13, $0xFFFFFFFF, v14;
	v3 =	vor.u32 v7, v3  }
0x30f: {  	v7 =	vsub.f32 v54, v28;
	v4 =	vadd.s32 v13, v4;
	v13 =	vmul.f32 v40, v24  }
0x310: {  	v61 =	vsub.f32 v58, v29;
	v10 =	vmin.u32 v10, $0x18;
	v1 =	vsub.f32 v50, v34  }
0x311: {  	v42 =	vadd.f32 $-2.232672730e+02, v42;
	v15 =	vcvt.s32.f32 v7;
	[tilespmem:v2+s20+$0x0] =	vst.idx.add.f32.msk $0xffff, v13;
	v2 =	vsub.f32 v41, v26  }
0x312: {  	v50 =	vsub.f32 v50, v37;
	vm11 =	vlt.f32 v46, v53;
	v4 =	vadd.s32 v9, v4  }
0x313: {  	v42 =	vtrunc.f32 v42;
	v15 =	vmul.f32 $2.157385240e-07, v15;
	v6 =	vld.idx.msk [tilespmem:v6+s13+$0x0], $0xffff;
	v2 =	vand.u32 $0x7FFFFFFF, v2  }
0x314: {  	v63 =	vadd.s32 v11, v10;
	v42 =	vcvt.f32.s32 v42;
	v2 =	vmin.f32 v2, $2.300000000e+01  }
0x315: {  	v13 =	vand.u32 $0x7FFFFFFF, v61;
	v15 =	vadd.f32 $-2.232672730e+02, v15;
	v2 =	vtrunc.f32 v2  }
0x316: {  	v57 =	vsub.f32 v54, v34;
	v13 =	vmin.f32 v13, $2.300000000e+01;
	v2 =	vcvt.f32.s32 v2  }
0x317: {  	vm6 =	vgt.s32 v42, $0x0;
	v13 =	vtrunc.f32 v13;
	[tilespmem:v4+s20+$0x0] =	vst.idx.add.f32.msk $0xffff, v59;
	v15 =	vtrunc.f32 v15  }
0x318: {  	v8 =	vld.idx.msk [tilespmem:v8+s13+$0x0], $0xffff;
	v15 =	vcvt.f32.s32 v15;
	vm15 =	vlt.f32 v5, v6;
	v2 =	vshll.u32 v2, $0x5  }
0x319: {  	v4 =	vsub.f32 v58, v32;
	v5 =	vsel vm15, $0xFFFFFFFF, v14;
	v2 =	vor.u32 v12, v2  }
0x31a: {  	v13 =	vcvt.f32.s32 v13;
	vm4 =	vgt.s32 v15, $0x0;
	v2 =	vadd.s32 v5, v2  }
0x31b: {  	v4 =	vand.u32 $0x7FFFFFFF, v4;
	v5 =	vnsel vm4, $0x0, v15;
	v2 =	vadd.s32 v9, v2  }
0x31c: {  	v4 =	vmin.f32 v4, $2.300000000e+01;
	v6 =	vshll.u32 v13, $0x5;
	v5 =	vmin.u32 v5, $0x18  }
0x31d: {  	v13 =	vsub.f32 v54, v31;
	vm5 =	vlt.f32 v49, v8;
	v8 =	vadd.s32 v11, v5  }
0x31e: {  	v6 =	vor.u32 v10, v6;
	v10 =	vsel vm5, $0xFFFFFFFF, v14;
	v15 =	vmul.f32 v40, v27  }
0x31f: {  	v4 =	vtrunc.f32 v4;
	v61 =	vcvt.s32.f32 v13;
	v3 =	vadd.s32 v10, v3  }
0x320: {  	v10 =	vcvt.s32.f32 v1;
	v3 =	vadd.s32 v9, v3;
	[tilespmem:v2+s20+$0x0] =	vst.idx.add.f32.msk $0xffff, v15;
	v2 =	vsub.f32 v41, v29  }
0x321: {  	v59 =	vsub.f32 v54, v37;
	v4 =	vcvt.f32.s32 v4;
	v49 =	vmul.f32 $2.157385240e-07, v61  }
0x322: {  	v12 =	vnsel vm6, $0x0, v42;
	v10 =	vmul.f32 $2.157385240e-07, v10;
	v8 =	vld.idx.msk [tilespmem:v8+s13+$0x0], $0xffff;
	v2 =	vand.u32 $0x7FFFFFFF, v2  }
0x323: {  	v42 =	vmul.f32 v60, v30;
	v49 =	vadd.f32 $-2.232672730e+02, v49;
	v2 =	vmin.f32 v2, $2.300000000e+01  }
0x324: {  	v12 =	vmin.u32 v12, $0x18;
	v10 =	vadd.f32 $-2.232672730e+02, v10;
	v2 =	vtrunc.f32 v2  }
0x325: {  	v4 =	vshll.u32 v4, $0x5;
	v49 =	vtrunc.f32 v49;
	[tilespmem:v3+s20+$0x0] =	vst.idx.add.f32.msk $0xffff, v0;
	v2 =	vcvt.f32.s32 v2  }
0x326: {  	v15 =	vadd.s32 v11, v12;
	v12 =	vor.u32 v12, v4;
	v3 =	vtrunc.f32 v10;
	v10 =	vld.idx.msk [tilespmem:v63+s13+$0x0], $0xffff  }
0x327: {  	v4 =	vcvt.f32.s32 v49;
	vm7 =	vlt.f32 v7, v8;
	v2 =	vshll.u32 v2, $0x5  }
0x328: {  	v0 =	vsub.f32 v58, v35;
	v7 =	vsel vm7, $0xFFFFFFFF, v14;
	v2 =	vor.u32 v5, v2  }
0x329: {  	v3 =	vcvt.f32.s32 v3;
	vm8 =	vgt.s32 v4, $0x0;
	v2 =	vadd.s32 v7, v2  }
0x32a: {  	v63 =	vcvt.s32.f32 v50;
	v4 =	vnsel vm8, $0x0, v4;
	v2 =	vadd.s32 v9, v2  }
0x32b: {  	v0 =	vand.u32 $0x7FFFFFFF, v0;
	v4 =	vmin.u32 v4, $0x18;
	vm10 =	vlt.f32 v48, v10  }
0x32c: {  	vm9 =	vgt.s32 v3, $0x0;
	v5 =	vadd.s32 v11, v4;
	v7 =	vsel vm10, $0xFFFFFFFF, v14  }
0x32d: {  	v0 =	vmin.f32 v0, $2.300000000e+01;
	v6 =	vadd.s32 v7, v6;
	v7 =	vmul.f32 v40, v30  }
0x32e: {  	v3 =	vnsel vm9, $0x0, v3;
	v8 =	vmul.f32 $2.157385240e-07, v63;
	v10 =	vcvt.s32.f32 v57  }
0x32f: {  	v0 =	vtrunc.f32 v0;
	v6 =	vadd.s32 v9, v6;
	[tilespmem:v2+s20+$0x0] =	vst.idx.add.f32.msk $0xffff, v7;
	v2 =	vsub.f32 v41, v32  }
0x330: {  	v3 =	vmin.u32 v3, $0x18;
	v7 =	vadd.f32 $-2.232672730e+02, v8;
	v8 =	vmul.f32 $2.157385240e-07, v10  }
0x331: {  	v46 =	vmovc v1;
	v0 =	vcvt.f32.s32 v0;
	v63 =	vsub.f32 v41, v35;
	v5 =	vld.idx.msk [tilespmem:v5+s13+$0x0], $0xffff;
	v1 =	vand.u32 $0x7FFFFFFF, v2  }
0x332: {  	v48 =	vmul.f32 v60, v33;
	v8 =	vadd.f32 $-2.232672730e+02, v8;
	v1 =	vmin.f32 v1, $2.300000000e+01  }
0x333: {  	v0 =	vshll.u32 v0, $0x5;
	v7 =	vtrunc.f32 v7;
	v1 =	vtrunc.f32 v1  }
0x334: {  	[tilespmem:v6+s20+$0x0] =	vst.idx.add.f32.msk $0xffff, v42;
	v2 =	vsel vm11, $0xFFFFFFFF, v14;
	v8 =	vtrunc.f32 v8;
	v1 =	vcvt.f32.s32 v1  }
0x335: {  	v6 =	vld.idx.msk [tilespmem:v15+s13+$0x0], $0xffff;
	v2 =	vadd.s32 v2, v45;
	v45 =	vor.u32 v3, v0;
	v8 =	vcvt.f32.s32 v8  }
0x336: {  	v2 =	vadd.s32 v9, v2;
	vm12 =	vlt.f32 v13, v5;
	v0 =	vshll.u32 v1, $0x5  }
0x337: {  	v1 =	vsel vm12, $0xFFFFFFFF, v14;
	vm13 =	vgt.s32 v8, $0x0;
	v0 =	vor.u32 v4, v0  }
0x338: {  	v7 =	vcvt.f32.s32 v7;
	v0 =	vadd.s32 v1, v0;
	v1 =	vnsel vm13, $0x0, v8  }
0x339: {  	s4 =	sadd.s32 $0x20, s4;
	v49 =	vadd.s32 v11, v3;
	v0 =	vadd.s32 v9, v0;
	v1 =	vmin.u32 v1, $0x18  }
0x33a: {  	p2 =	slt.u32 s4, s0;
	vm14 =	vgt.s32 v7, $0x0;
	vm15 =	vlt.f32 v56, v6;
	v5 =	vadd.s32 v11, v1  }
.Ltmp10:
0x33b: {  	v13 =	vld [tilespmem:$0x1FFB0];
	v3 =	vnsel vm14, $0x0, v7;
	v7 =	vmul.f32 v40, v33;
	v6 =	vsel vm15, $0xFFFFFFFF, v14;
	(pc) =	sbr.rel @p2 .LBB2_41-.Ltmp10, $4  }
0x33c: {  	[tilespmem:v2+s20+$0x0] =	vst.idx.add.f32.msk $0xffff, v43;
	v2 =	vmin.u32 v3, $0x18;
	v3 =	vadd.s32 v6, v12;
	v6 =	vsub.f32 v58, v38  }
0x33d: {  	v42 =	vmul.f32 v60, v39;
	v4 =	vld.idx.msk [tilespmem:v44+s13+$0x0], $0xffff;
	v53 =	vadd.s32 v9, v3;
	v3 =	vcvt.s32.f32 v59  }
0x33e: {  	v56 =	vadd.s32 v9, v55;
	v43 =	vmul.f32 v60, v36;
	v6 =	vand.u32 $0x7FFFFFFF, v6;
	[tilespmem:v0+s20+$0x0] =	vst.idx.add.f32.msk $0xffff, v7  }
0x33f: {  	s5 =	sadd.s32 $0x20, s5;
	v44 =	vadd.s32 v11, v2;
	v60 =	vmin.f32 v6, $2.300000000e+01;
	v61 =	vmul.f32 $2.157385240e-07, v3;
	v58 =	vld.idx.msk [tilespmem:v5+s13+$0x0], $0xffff  }
0x340: {  	v6 =	vmovc v62;
	v3 =	vmovc v47;
	v12 =	vmov v52;
	v52 =	vmov v51;
	v62 =	vmov v42  }
.LBB2_43:
0x341: {  	_ =	sdelay $0x2  }
0x342: {  	v0 =	vand.u32 $0x7FFFFFFF, v63  }
0x343: {  	v5 =	vadd.f32 $-2.232672730e+02, v61;
	[tilespmem:v53+s20+$0x0] =	vst.idx.add.f32.msk $0xffff, v48;
	v0 =	vmin.f32 v0, $2.300000000e+01  }
0x344: {  	v7 =	vld.idx.msk [tilespmem:v49+s13+$0x0], $0xffff;
	v0 =	vtrunc.f32 v0  }
0x345: {  	v5 =	vtrunc.f32 v5;
	v0 =	vcvt.f32.s32 v0  }
0x346: {  	v5 =	vcvt.f32.s32 v5  }
0x347: {  	vm0 =	vlt.f32 v57, v58;
	v0 =	vshll.u32 v0, $0x5  }
0x348: {  	v8 =	vsel vm0, $0xFFFFFFFF, v14;
	vm12 =	vgt.s32 v5, $0x0;
	v0 =	vor.u32 v1, v0  }
0x349: {  	v49 =	vnsel vm12, $0x0, v5;
	vm13 =	vlt.f32 v46, v7;
	v0 =	vadd.s32 v8, v0  }
0x34a: {  	v1 =	vmin.u32 v49, $0x18;
	v51 =	vsel vm13, $0xFFFFFFFF, v14;
	v0 =	vadd.s32 v9, v0  }
0x34b: {  	v53 =	vadd.s32 v11, v1;
	v5 =	vadd.s32 v51, v45  }
0x34c: {  	v5 =	vadd.s32 v9, v5  }
0x34d: {  	v8 =	vmul.f32 v40, v36  }
0x34e: {  	v10 =	vsub.f32 v41, v38  }
0x34f: {  	[tilespmem:v0+s20+$0x0] =	vst.idx.add.f32.msk $0xffff, v8  }
0x350: {  	v54 =	vand.u32 $0x7FFFFFFF, v10;
	v0 =	vld.idx.msk [tilespmem:v53+s13+$0x0], $0xffff  }
0x351: {  	v55 =	vtrunc.f32 v60;
	v7 =	vmin.f32 v54, $2.300000000e+01;
	[tilespmem:v5+s20+$0x0] =	vst.idx.add.f32.msk $0xffff, v43  }
0x352: {  	v57 =	vcvt.f32.s32 v55;
	v7 =	vtrunc.f32 v7;
	v8 =	vld.idx.msk [tilespmem:v44+s13+$0x0], $0xffff  }
0x353: {  	v58 =	vcvt.f32.s32 v7  }
0x354: {  	vm0 =	vlt.f32 @p0 v3, v4;
	v3 =	vshll.u32 v57, $0x5  }
0x355: {  	v2 =	vor.u32 v2, v3;
	vm14 =	vlt.f32 v59, v0;
	v59 =	vshll.u32 v58, $0x5  }
0x356: {  	v5 =	vsel @p0 vm0, $0xFFFFFFFF, v14;
	v60 =	vsel vm14, $0xFFFFFFFF, v14;
	v0 =	vor.u32 v1, v59  }
0x357: {  	v1 =	vadd.s32 @p0 v5, v12;
	vm15 =	vlt.f32 v50, v8;
	v0 =	vadd.s32 v60, v0  }
0x358: {  	v1 =	vadd.s32 @p0 v9, v1;
	v61 =	vsel vm15, $0xFFFFFFFF, v14;
	v0 =	vadd.s32 v9, v0  }
0x359: {  	v2 =	vadd.s32 v61, v2;
	v1 =	vpsel p0, v1, v0  }
0x35a: {  	v2 =	vadd.s32 v9, v2  }
0x35b: {  	v63 =	vmul.f32 v40, v39  }
0x35c: {  	[tilespmem:v56+s20+$0x0] =	vst.idx.add.f32.msk @p1 $0xffff, v6;
	v4 =	vmov @p0 v52  }
0x35d: {  	[tilespmem:v0+s20+$0x0] =	vst.idx.add.f32.msk $0xffff, v63;
	v0 =	vpsel p0, v4, v0  }
0x35e: {  	[tilespmem:v1+s20+$0x0] =	vst.idx.add.f32.msk @p0 $0xffff, v0  }
0x35f: {  	[tilespmem:v2+s20+$0x0] =	vst.idx.add.f32.msk $0xffff, v62  }
.LBB2_11:
0x360: {  	p0 =	sgt.u32 s0, $0x1FF  }
.Ltmp11:
0x361: {  	_ = 	snop;
	(pc) =	sbr.rel @p0 .LBB2_14-.Ltmp11, $1  }
0x362: {  	_ =	sdelay $0x3  }
0x363: {  	s0 =	sand.u32 $0xFFFFFFE0, s28  }
0x364: {  	s4 =	sand.u32 $0x3FFFFFE0, s28;
	s0 =	sadd.s32 s0, s26  }
0x365: {  	s1 =	sadd.s32 s4, s29;
	s3 =	sadd.s32 s4, s30;
	s4 =	sadd.s32 s4, s31  }
.LBB2_13:
0x366: {  	v40 =	vld [tilespmem:s4+$0x0];
	_ =	sdelay $0x4  }
0x367: {  	v0 =	vsub.f32 v40, v16;
	_ =	sdelay $0x1  }
0x368: {  	v1 =	vcvt.s32.f32 v0;
	_ =	sdelay $0x1  }
0x369: {  	v1 =	vmul.f32 $2.157385240e-07, v1;
	_ =	sdelay $0x1  }
0x36a: {  	v1 =	vadd.f32 $-2.232672730e+02, v1;
	_ =	sdelay $0x1  }
0x36b: {  	v1 =	vtrunc.f32 v1  }
0x36c: {  	v1 =	vcvt.f32.s32 v1;
	_ =	sdelay $0x1  }
0x36d: {  	vm0 =	vgt.s32 v1, $0x0  }
0x36e: {  	v2 =	vnsel vm0, $0x0, v1  }
0x36f: {  	v1 =	vld [tilespmem:s3+$0x0];
	v3 =	vmin.u32 v2, $0x18  }
0x370: {  	v4 =	vsub.f32 v40, v19;
	v2 =	vadd.s32 v11, v3;
	_ =	sdelay $0x1  }
0x371: {  	v5 =	vcvt.s32.f32 v4;
	_ =	sdelay $0x1  }
0x372: {  	v5 =	vmul.f32 $2.157385240e-07, v5;
	v6 =	vsub.f32 v1, v17  }
0x373: {  	v2 =	vld.idx.msk [tilespmem:v2+s13+$0x0], $0xffff  }
0x374: {  	v5 =	vadd.f32 $-2.232672730e+02, v5;
	v6 =	vand.u32 $0x7FFFFFFF, v6  }
0x375: {  	v6 =	vmin.f32 v6, $2.300000000e+01  }
0x376: {  	v5 =	vtrunc.f32 v5;
	v6 =	vtrunc.f32 v6  }
0x377: {  	v5 =	vcvt.f32.s32 v5;
	v6 =	vcvt.f32.s32 v6  }
0x378: {  	vm13 =	vlt.f32 v0, v2  }
0x379: {  	vm14 =	vgt.s32 v5, $0x0;
	v2 =	vld [tilespmem:s1+$0x0];
	v46 =	vshll.u32 v6, $0x5;
	v47 =	vsel vm13, v13, v9  }
0x37a: {  	v5 =	vnsel vm14, $0x0, v5;
	v0 =	vadd.s32 v46, v47  }
0x37b: {  	v48 =	vmin.u32 v5, $0x18;
	v0 =	vadd.s32 v3, v0  }
0x37c: {  	v5 =	vadd.s32 v11, v48  }
0x37d: {  	v49 =	vsub.f32 v40, v22  }
0x37e: {  	v7 =	vmul.f32 v2, v18  }
0x37f: {  	v8 =	vcvt.s32.f32 v49  }
0x380: {  	v50 =	vsub.f32 v1, v20;
	[tilespmem:v0+s20+$0x0] =	vst.idx.add.f32.msk $0xffff, v7  }
0x381: {  	v51 =	vmul.f32 $2.157385240e-07, v8;
	v5 =	vld.idx.msk [tilespmem:v5+s13+$0x0], $0xffff  }
0x382: {  	v0 =	vand.u32 $0x7FFFFFFF, v50  }
0x383: {  	v7 =	vadd.f32 $-2.232672730e+02, v51;
	v0 =	vmin.f32 v0, $2.300000000e+01  }
0x384: {  	v0 =	vtrunc.f32 v0  }
0x385: {  	v7 =	vtrunc.f32 v7;
	v0 =	vcvt.f32.s32 v0  }
0x386: {  	v52 =	vcvt.f32.s32 v7;
	vm15 =	vlt.f32 v4, v5  }
0x387: {  	v0 =	vshll.u32 v0, $0x5;
	v5 =	vsel vm15, $0xFFFFFFFF, v14  }
0x388: {  	vm4 =	vgt.s32 v52, $0x0;
	v0 =	vadd.s32 v5, v0  }
0x389: {  	v53 =	vnsel vm4, $0x0, v52;
	v0 =	vadd.s32 v48, v0  }
0x38a: {  	v3 =	vmin.u32 v53, $0x18;
	v0 =	vadd.s32 v9, v0  }
0x38b: {  	v55 =	vsub.f32 v40, v25;
	v54 =	vadd.s32 v11, v3;
	_ =	sdelay $0x1  }
0x38c: {  	v8 =	vcvt.s32.f32 v55;
	v56 =	vmul.f32 v2, v21  }
0x38d: {  	v10 =	vsub.f32 v1, v23  }
0x38e: {  	v57 =	vmul.f32 $2.157385240e-07, v8;
	[tilespmem:v0+s20+$0x0] =	vst.idx.add.f32.msk $0xffff, v56  }
0x38f: {  	v58 =	vand.u32 $0x7FFFFFFF, v10;
	v4 =	vld.idx.msk [tilespmem:v54+s13+$0x0], $0xffff  }
0x390: {  	v7 =	vmin.f32 v58, $2.300000000e+01;
	v0 =	vadd.f32 $-2.232672730e+02, v57  }
0x391: {  	v7 =	vtrunc.f32 v7  }
0x392: {  	v7 =	vcvt.f32.s32 v7;
	v0 =	vtrunc.f32 v0  }
0x393: {  	v0 =	vcvt.f32.s32 v0  }
0x394: {  	v59 =	vshll.u32 v7, $0x5;
	vm5 =	vlt.f32 v49, v4  }
0x395: {  	v3 =	vor.u32 v3, v59;
	vm6 =	vgt.s32 v0, $0x0;
	v6 =	vsel vm5, $0xFFFFFFFF, v14  }
0x396: {  	v0 =	vnsel vm6, $0x0, v0;
	v3 =	vadd.s32 v6, v3  }
0x397: {  	v0 =	vmin.u32 v0, $0x18;
	v3 =	vadd.s32 v9, v3  }
0x398: {  	v61 =	vsub.f32 v40, v28;
	v60 =	vadd.s32 v11, v0;
	_ =	sdelay $0x1  }
0x399: {  	v8 =	vcvt.s32.f32 v61;
	v62 =	vmul.f32 v2, v24  }
0x39a: {  	v10 =	vsub.f32 v1, v26  }
0x39b: {  	v63 =	vmul.f32 $2.157385240e-07, v8;
	[tilespmem:v3+s20+$0x0] =	vst.idx.add.f32.msk $0xffff, v62  }
0x39c: {  	v41 =	vand.u32 $0x7FFFFFFF, v10;
	v4 =	vld.idx.msk [tilespmem:v60+s13+$0x0], $0xffff  }
0x39d: {  	v7 =	vmin.f32 v41, $2.300000000e+01;
	v3 =	vadd.f32 $-2.232672730e+02, v63  }
0x39e: {  	v7 =	vtrunc.f32 v7  }
0x39f: {  	v7 =	vcvt.f32.s32 v7;
	v3 =	vtrunc.f32 v3  }
0x3a0: {  	v3 =	vcvt.f32.s32 v3  }
0x3a1: {  	v42 =	vshll.u32 v7, $0x5;
	vm7 =	vlt.f32 v55, v4  }
0x3a2: {  	v0 =	vor.u32 v0, v42;
	vm8 =	vgt.s32 v3, $0x0;
	v5 =	vsel vm7, $0xFFFFFFFF, v14  }
0x3a3: {  	v3 =	vnsel vm8, $0x0, v3;
	v0 =	vadd.s32 v5, v0  }
0x3a4: {  	v3 =	vmin.u32 v3, $0x18;
	v0 =	vadd.s32 v9, v0  }
0x3a5: {  	v44 =	vsub.f32 v40, v31;
	v43 =	vadd.s32 v11, v3;
	_ =	sdelay $0x1  }
0x3a6: {  	v8 =	vcvt.s32.f32 v44;
	v45 =	vmul.f32 v2, v27  }
0x3a7: {  	v10 =	vsub.f32 v1, v29  }
0x3a8: {  	v46 =	vmul.f32 $2.157385240e-07, v8;
	[tilespmem:v0+s20+$0x0] =	vst.idx.add.f32.msk $0xffff, v45  }
0x3a9: {  	v47 =	vand.u32 $0x7FFFFFFF, v10;
	v4 =	vld.idx.msk [tilespmem:v43+s13+$0x0], $0xffff  }
0x3aa: {  	v7 =	vmin.f32 v47, $2.300000000e+01;
	v0 =	vadd.f32 $-2.232672730e+02, v46  }
0x3ab: {  	v7 =	vtrunc.f32 v7  }
0x3ac: {  	v7 =	vcvt.f32.s32 v7;
	v0 =	vtrunc.f32 v0  }
0x3ad: {  	v0 =	vcvt.f32.s32 v0  }
0x3ae: {  	v48 =	vshll.u32 v7, $0x5;
	vm9 =	vlt.f32 v61, v4  }
0x3af: {  	v3 =	vor.u32 v3, v48;
	vm10 =	vgt.s32 v0, $0x0;
	v6 =	vsel vm9, $0xFFFFFFFF, v14  }
0x3b0: {  	v0 =	vnsel vm10, $0x0, v0;
	v3 =	vadd.s32 v6, v3  }
0x3b1: {  	v0 =	vmin.u32 v0, $0x18;
	v3 =	vadd.s32 v9, v3  }
0x3b2: {  	v50 =	vsub.f32 v40, v34;
	v49 =	vadd.s32 v11, v0;
	_ =	sdelay $0x1  }
0x3b3: {  	v51 =	vmul.f32 v2, v30;
	v8 =	vcvt.s32.f32 v50  }
0x3b4: {  	v10 =	vsub.f32 v1, v32  }
0x3b5: {  	v52 =	vmul.f32 $2.157385240e-07, v8;
	[tilespmem:v3+s20+$0x0] =	vst.idx.add.f32.msk $0xffff, v51  }
0x3b6: {  	v53 =	vand.u32 $0x7FFFFFFF, v10;
	v4 =	vld.idx.msk [tilespmem:v49+s13+$0x0], $0xffff  }
0x3b7: {  	v7 =	vmin.f32 v53, $2.300000000e+01;
	v3 =	vadd.f32 $-2.232672730e+02, v52  }
0x3b8: {  	v7 =	vtrunc.f32 v7  }
0x3b9: {  	v7 =	vcvt.f32.s32 v7;
	v3 =	vtrunc.f32 v3  }
0x3ba: {  	v3 =	vcvt.f32.s32 v3  }
0x3bb: {  	v54 =	vshll.u32 v7, $0x5;
	vm11 =	vlt.f32 v44, v4  }
0x3bc: {  	v0 =	vor.u32 v0, v54;
	vm12 =	vgt.s32 v3, $0x0;
	v5 =	vsel vm11, $0xFFFFFFFF, v14  }
0x3bd: {  	v3 =	vnsel vm12, $0x0, v3;
	v0 =	vadd.s32 v5, v0  }
0x3be: {  	v3 =	vmin.u32 v3, $0x18;
	v0 =	vadd.s32 v9, v0  }
0x3bf: {  	v56 =	vsub.f32 v40, v37;
	v55 =	vadd.s32 v11, v3;
	_ =	sdelay $0x1  }
0x3c0: {  	v57 =	vmul.f32 v2, v33;
	v8 =	vcvt.s32.f32 v56  }
0x3c1: {  	v10 =	vsub.f32 v1, v35  }
0x3c2: {  	v58 =	vmul.f32 $2.157385240e-07, v8;
	[tilespmem:v0+s20+$0x0] =	vst.idx.add.f32.msk $0xffff, v57  }
0x3c3: {  	v59 =	vand.u32 $0x7FFFFFFF, v10;
	v4 =	vld.idx.msk [tilespmem:v55+s13+$0x0], $0xffff  }
0x3c4: {  	v7 =	vmin.f32 v59, $2.300000000e+01;
	v0 =	vadd.f32 $-2.232672730e+02, v58  }
0x3c5: {  	v7 =	vtrunc.f32 v7  }
0x3c6: {  	v7 =	vcvt.f32.s32 v7;
	v0 =	vtrunc.f32 v0  }
0x3c7: {  	v0 =	vcvt.f32.s32 v0  }
0x3c8: {  	v60 =	vshll.u32 v7, $0x5;
	vm13 =	vlt.f32 v50, v4  }
0x3c9: {  	v3 =	vor.u32 v3, v60;
	vm14 =	vgt.s32 v0, $0x0;
	v6 =	vsel vm13, $0xFFFFFFFF, v14  }
0x3ca: {  	v0 =	vnsel vm14, $0x0, v0;
	v3 =	vadd.s32 v6, v3  }
0x3cb: {  	v0 =	vmin.u32 v0, $0x18;
	v3 =	vadd.s32 v9, v3  }
0x3cc: {  	v61 =	vadd.s32 v11, v0;
	_ =	sdelay $0x1  }
0x3cd: {  	v62 =	vmul.f32 v2, v36  }
0x3ce: {  	v1 =	vsub.f32 v1, v38  }
0x3cf: {  	[tilespmem:v3+s20+$0x0] =	vst.idx.add.f32.msk $0xffff, v62  }
0x3d0: {  	v1 =	vand.u32 $0x7FFFFFFF, v1;
	v3 =	vld.idx.msk [tilespmem:v61+s13+$0x0], $0xffff  }
0x3d1: {  	v1 =	vmin.f32 v1, $2.300000000e+01  }
0x3d2: {  	v1 =	vtrunc.f32 v1  }
0x3d3: {  	v1 =	vcvt.f32.s32 v1;
	_ =	sdelay $0x1  }
0x3d4: {  	v1 =	vshll.u32 v1, $0x5;
	vm15 =	vlt.f32 v56, v3  }
0x3d5: {  	v0 =	vor.u32 v0, v1;
	v3 =	vsel vm15, $0xFFFFFFFF, v14  }
0x3d6: {  	s0 =	sadd.s32 $0x10, s0;
	v0 =	vadd.s32 v3, v0  }
0x3d7: {  	p0 =	slt.u32 s0, $0x1F0;
	v0 =	vadd.s32 v9, v0  }
.Ltmp12:
0x3d8: {  	_ = 	snop;
	(pc) =	sbr.rel @p0 .LBB2_13-.Ltmp12, $3  }
0x3d9: {  	_ = 	snop  }
0x3da: {  	v63 =	vmul.f32 v2, v39;
	_ =	sdelay $0x1  }
0x3db: {  	s4 =	sadd.s32 $0x10, s4;
	s3 =	sadd.s32 $0x10, s3;
	s1 =	sadd.s32 $0x10, s1;
	[tilespmem:v0+s20+$0x0] =	vst.idx.add.f32.msk $0xffff, v63  }
.Ltmp13:
0x3dc: {  	_ = 	snop;
	(pc) =	sbr.rel .LBB2_14-.Ltmp13, $1  }
0x3dd: {  	_ =	sdelay $0x3  }
.LBB2_36:
.Ltmp14:
0x3de: {  	(pc) =	sbr.rel .LBB2_43-.Ltmp14, $2  }
0x3df: {  	_ =	sdelay $0x2  }
0x3e0: {  	_ = 	snop  }
.LBB2_38:
.Ltmp15:
0x3e1: {  	(pc) =	sbr.rel .LBB2_43-.Ltmp15, $2  }
0x3e2: {  	_ =	sdelay $0x2  }
0x3e3: {  	v3 =	vmovc v50;
	v52 =	vmovc v62;
	v50 =	vmov v47;
	v62 =	vmov v51;
	v46 =	vmov v54;
	v12 =	vld [tilespmem:$0x1FF00]  }
.LBB2_40:
.Ltmp16:
0x3e4: {  	(pc) =	sbr.rel .LBB2_43-.Ltmp16, $2  }
0x3e5: {  	_ =	sdelay $0x2  }
0x3e6: {  	v6 =	vmovc v62;
	v3 =	vmovc v47;
	v12 =	vmov v52;
	v52 =	vmov v51;
	v62 =	vmov v42  }
.LBB2_15:
0x3e7: {  	s0 =	simm.s32 $0x1F88  }
0x3e8: {  	v0 =	vld [tilespmem:s0+$0xFFFFE808]  }
0x3e9: {  	v1 =	vld [tilespmem:s0+$0xFFFFEB09]  }
0x3ea: {  	v2 =	vld [tilespmem:s0+$0xFFFFEAF9]  }
0x3eb: {  	v3 =	vld [tilespmem:s0+$0xFFFFEE0A]  }
0x3ec: {  	v4 =	vld [tilespmem:s0+$0xFFFFE7F8]  }
0x3ed: {  	v5 =	vld [tilespmem:s0+$0xFFFFF10B]  }
0x3ee: {  	v6 =	vld [tilespmem:s0+$0xFFFFEDFA];
	v0 =	vadd.f32 v1, v0  }
0x3ef: {  	v1 =	vld [tilespmem:s0+$0xFFFFF40C]  }
0x3f0: {  	v7 =	vld [tilespmem:s0+$0xFFFFF0FB];
	v0 =	vadd.f32 v3, v0  }
0x3f1: {  	v2 =	vadd.f32 v2, v4;
	v3 =	vld [tilespmem:s0+$0xFFFFF70D]  }
0x3f2: {  	v4 =	vld [tilespmem:s0+$0xFFFFF3FC];
	v0 =	vadd.f32 v5, v0  }
0x3f3: {  	v2 =	vadd.f32 v6, v2;
	v5 =	vld [tilespmem:s0+$0xFFFFFA0E]  }
0x3f4: {  	v6 =	vld [tilespmem:s0+$0xFFFFF6FD];
	v0 =	vadd.f32 v1, v0  }
0x3f5: {  	v1 =	vadd.f32 v7, v2;
	v2 =	vld [tilespmem:s0+$0xFFFFFD0F]  }
0x3f6: {  	v7 =	vld [tilespmem:s0+$0xFFFFF9FE];
	v0 =	vadd.f32 v3, v0  }
0x3f7: {  	v1 =	vadd.f32 v4, v1;
	v3 =	vld [tilespmem:s0+$0x10]  }
0x3f8: {  	v4 =	vld [tilespmem:s0+$0xFFFFFCFF];
	v0 =	vadd.f32 v5, v0  }
0x3f9: {  	v1 =	vadd.f32 v6, v1;
	v5 =	vld [tilespmem:s0+$0x311]  }
0x3fa: {  	v6 =	vld [tilespmem:s0+$0x0];
	v0 =	vadd.f32 v2, v0  }
0x3fb: {  	v1 =	vadd.f32 v7, v1;
	v2 =	vld [tilespmem:s0+$0x612]  }
0x3fc: {  	v7 =	vld [tilespmem:s0+$0x301];
	v0 =	vadd.f32 v3, v0  }
0x3fd: {  	v1 =	vadd.f32 v4, v1;
	v3 =	vld [tilespmem:s0+$0x913]  }
0x3fe: {  	v4 =	vld [tilespmem:s0+$0x602];
	v0 =	vadd.f32 v5, v0  }
0x3ff: {  	v1 =	vadd.f32 v6, v1;
	v5 =	vld [tilespmem:s0+$0xC14]  }
0x400: {  	v6 =	vld [tilespmem:s0+$0x903];
	v0 =	vadd.f32 v2, v0  }
0x401: {  	v1 =	vadd.f32 v7, v1;
	v7 =	vld [tilespmem:s0+$0xF15]  }
0x402: {  	v8 =	vld [tilespmem:s0+$0xC04];
	v0 =	vadd.f32 v3, v0  }
0x403: {  	v3 =	vadd.f32 v4, v1;
	v1 =	vld [tilespmem:s0+$0x1216]  }
0x404: {  	v2 =	vld [tilespmem:s0+$0xF05];
	v0 =	vadd.f32 v5, v0  }
0x405: {  	v5 =	vadd.f32 v6, v3;
	v3 =	vld [tilespmem:s0+$0x1517]  }
0x406: {  	v4 =	vld [tilespmem:s0+$0x1206];
	v16 =	vadd.f32 v7, v0  }
0x407: {  	s1 =	simm.s32 $0x0;
	s3 =	simm.s32 $0x1FA8;
	v6 =	vld [tilespmem:s0+$0x1507];
	v17 =	vadd.f32 v8, v5  }
.LBB2_16:
0x408: {  	v0 =	vld [tilespmem:s3+$0xFFFFE808];
	v1 =	vadd.f32 v1, v16  }
0x409: {  	s1 =	sadd.s32 $0x2, s1;
	v5 =	vld [tilespmem:s3+$0xFFFFEB09];
	v2 =	vadd.f32 v2, v17  }
0x40a: {  	p0 =	slt.u32 s1, $0x2E;
	v7 =	vld [tilespmem:s3+$0xFFFFEAF9];
	v1 =	vadd.f32 v3, v1  }
0x40b: {  	v3 =	vld [tilespmem:s3+$0xFFFFEE0A];
	v2 =	vadd.f32 v4, v2  }
0x40c: {  	v4 =	vld [tilespmem:s3+$0xFFFFE7F8];
	[tilespmem:s0+$0xFFFFE808] =	vst v1  }
0x40d: {  	v1 =	vld [tilespmem:s3+$0xFFFFF10B];
	v2 =	vadd.f32 v6, v2  }
0x40e: {  	v6 =	vld [tilespmem:s3+$0xFFFFEDFA];
	v0 =	vadd.f32 v5, v0  }
0x40f: {  	v5 =	vld [tilespmem:s3+$0xFFFFF40C];
	[tilespmem:s0+$0xFFFFE7F8] =	vst v2;
	s0 =	smov.u32 s3  }
0x410: {  	v2 =	vld [tilespmem:s3+$0xFFFFF0FB];
	v0 =	vadd.f32 v3, v0  }
0x411: {  	v3 =	vadd.f32 v7, v4;
	v4 =	vld [tilespmem:s3+$0xFFFFF70D]  }
0x412: {  	v7 =	vld [tilespmem:s3+$0xFFFFF3FC];
	v0 =	vadd.f32 v1, v0  }
0x413: {  	v1 =	vadd.f32 v6, v3;
	v3 =	vld [tilespmem:s3+$0xFFFFFA0E]  }
0x414: {  	v6 =	vld [tilespmem:s3+$0xFFFFF6FD];
	v0 =	vadd.f32 v5, v0  }
0x415: {  	v1 =	vadd.f32 v2, v1;
	v2 =	vld [tilespmem:s3+$0xFFFFFD0F]  }
0x416: {  	v5 =	vld [tilespmem:s3+$0xFFFFF9FE];
	v0 =	vadd.f32 v4, v0  }
0x417: {  	v1 =	vadd.f32 v7, v1;
	v4 =	vld [tilespmem:s3+$0x10]  }
0x418: {  	v7 =	vld [tilespmem:s3+$0xFFFFFCFF];
	v0 =	vadd.f32 v3, v0  }
0x419: {  	v1 =	vadd.f32 v6, v1;
	v3 =	vld [tilespmem:s3+$0x311]  }
0x41a: {  	v6 =	vld [tilespmem:s3+$0x0];
	v0 =	vadd.f32 v2, v0  }
0x41b: {  	v1 =	vadd.f32 v5, v1;
	v2 =	vld [tilespmem:s3+$0x612]  }
0x41c: {  	v5 =	vld [tilespmem:s3+$0x301];
	v0 =	vadd.f32 v4, v0  }
0x41d: {  	v1 =	vadd.f32 v7, v1;
	v4 =	vld [tilespmem:s3+$0x913]  }
0x41e: {  	v7 =	vld [tilespmem:s3+$0x602];
	v0 =	vadd.f32 v3, v0  }
0x41f: {  	v1 =	vadd.f32 v6, v1;
	v3 =	vld [tilespmem:s3+$0xC14]  }
0x420: {  	v6 =	vld [tilespmem:s3+$0x903];
	v0 =	vadd.f32 v2, v0  }
0x421: {  	v1 =	vadd.f32 v5, v1;
	v5 =	vld [tilespmem:s3+$0xF15]  }
0x422: {  	v8 =	vld [tilespmem:s3+$0xC04];
	v0 =	vadd.f32 v4, v0  }
.Ltmp17:
0x423: {  	v4 =	vadd.f32 v7, v1;
	v1 =	vld [tilespmem:s3+$0x1216];
	(pc) =	sbr.rel @p0 .LBB2_16-.Ltmp17, $4  }
0x424: {  	v2 =	vld [tilespmem:s3+$0xF05];
	v0 =	vadd.f32 v3, v0  }
0x425: {  	v6 =	vadd.f32 v6, v4;
	v3 =	vld [tilespmem:s3+$0x1517]  }
0x426: {  	v4 =	vld [tilespmem:s3+$0x1206];
	v16 =	vadd.f32 v5, v0  }
0x427: {  	s3 =	sadd.s32 $0x20, s3;
	v17 =	vadd.f32 v8, v6;
	v6 =	vld [tilespmem:s0+$0x1507]  }
0x428: {  	_ = 	snop  }
0x429: {  	v0 =	vadd.f32 v2, v17  }
0x42a: {  	v1 =	vadd.f32 v1, v16  }
0x42b: {  	v0 =	vadd.f32 v4, v0  }
0x42c: {  	v1 =	vadd.f32 v3, v1  }
0x42d: {  	v0 =	vadd.f32 v6, v0  }
0x42e: {  	[tilespmem:s0+$0xFFFFE808] =	vst v1  }
0x42f: {  	[tilespmem:s0+$0xFFFFE7F8] =	vst v0  }
0x430: {  	[hbm4b:s7+s15] =	stream.strided.scatter [tilespmem:s20], [sflag:$0x1], $0x300, s16, s15, $0x38;
	[tilespmem:$0x3B00] =	vst v63  }
0x431: {  	_ =	swait.ge [sflag:s14], $0x300  }
0x432: {  	[sflag:s14] =	ssyncset.done $0x0  }
0x433: {  	[sflag:s14] =	ssyncadd.s32 $0xFFFFFD00  }
0x434: {  	[tilespmem:s2], [sflag:$0x1] =	stream.strided.gather [hbm4b:s8+s15], $0x280, s16, s15, $0x38;
	[tilespmem:$0x3B00] =	vst v63  }
0x435: {  	_ =	swait.ge [sflag:s14], $0x280  }
0x436: {  	[sflag:s14] =	ssyncset.done $0x0  }
0x437: {  	[sflag:s14] =	ssyncadd.s32 $0xFFFFFD80  }
0x438: {  	[tilespmem:s17], [sflag:$0x1] =	stream.strided.gather [hbm4b:s9+s15], $0x280, s16, s15, $0x38;
	[tilespmem:$0x3B00] =	vst v63  }
0x439: {  	_ =	swait.ge [sflag:s14], $0x280  }
0x43a: {  	[sflag:s14] =	ssyncset.done $0x0  }
0x43b: {  	[sflag:s14] =	ssyncadd.s32 $0xFFFFFD80  }
0x43c: {  	[tilespmem:s18], [sflag:$0x1] =	stream.strided.gather [hbm4b:s10+s15], $0x280, s16, s15, $0x38;
	[tilespmem:$0x3B00] =	vst v63  }
0x43d: {  	_ =	swait.ge [sflag:s14], $0x280  }
0x43e: {  	[sflag:s14] =	ssyncset.done $0x0  }
0x43f: {  	s0 =	simm.s32 $0x7C0;
	v0 =	vimm.f32 $0.0e+00;
	[sflag:s14] =	ssyncadd.s32 $0xFFFFFD80  }
0x440: {  	[tilespmem:s0+$0xFFFFFFC0] =	vst v0  }
0x441: {  	[tilespmem:s0+$0x30] =	vst v0  }
0x442: {  	[tilespmem:s0+$0x20] =	vst v0  }
0x443: {  	[tilespmem:s0+$0x10] =	vst v0  }
0x444: {  	[tilespmem:s0+$0x0] =	vst v0  }
0x445: {  	[tilespmem:s0+$0xFFFFFFF0] =	vst v0  }
0x446: {  	[tilespmem:s0+$0xFFFFFFE0] =	vst v0  }
0x447: {  	v7 =	vld [tilespmem:$0x1FFC0]  }
0x448: {  	v8 =	vld [tilespmem:$0x1FFD0]  }
0x449: {  	v10 =	vld [tilespmem:$0x1FFE0]  }
0x44a: {  	s1 =	simm.s32 $0x0;
	v12 =	vld [tilespmem:$0x1FFF0]  }
.LBB2_18:
0x44b: {  	s1 =	sadd.s32 $0x8, s1;
	[tilespmem:s0+$0xFFFFFFD0] =	vst v0;
	s0 =	sadd.s32 $0x80, s0  }
0x44c: {  	[tilespmem:s0+$0xFFFFFFC0] =	vst v0;
	p0 =	slt.u32 s1, $0x2F8  }
0x44d: {  	[tilespmem:s0+$0x30] =	vst v0  }
.Ltmp18:
0x44e: {  	[tilespmem:s0+$0x20] =	vst v0;
	(pc) =	sbr.rel @p0 .LBB2_18-.Ltmp18, $4  }
0x44f: {  	[tilespmem:s0+$0x10] =	vst v0  }
0x450: {  	[tilespmem:s0+$0x0] =	vst v0  }
0x451: {  	[tilespmem:s0+$0xFFFFFFF0] =	vst v0  }
0x452: {  	[tilespmem:s0+$0xFFFFFFE0] =	vst v0  }
0x453: {  	[tilespmem:s0+$0xFFFFFFD0] =	vst v0;
	v1 =	vimm.f32 $0.0e+00  }
0x454: {  	s1 =	simm.s32 $0x0;
	[tilespmem:$0x3780] =	vst v1  }
0x455: {  	v2 =	vld [tilespmem:s1+$0x500]  }
0x456: {  	s0 =	simm.s32 $0x40;
	v3 =	vimm.f32 $0.0e+00;
	v4 =	vld [tilespmem:s1+$0x280]  }
.LBB2_20:
0x457: {  	_ = 	snop  }
0x458: {  	p0 =	sne.s32 s0, $0x800  }
.Ltmp19:
0x459: {  	_ = 	snop;
	(pc) =	sbr.rel @p0 .LBB2_20-.Ltmp19, $4  }
0x45a: {  	_ = 	snop  }
0x45b: {  	s1 =	sshra.s32 s0, $0x2;
	v0 =	vmul.f32 v4, v2  }
0x45c: {  	v1 =	vadd.f32 v2, v1;
	v2 =	vld [tilespmem:s1+$0x500]  }
0x45d: {  	s0 =	sadd.s32 $0x40, s0;
	v4 =	vld [tilespmem:s1+$0x280];
	v3 =	vadd.f32 v0, v3  }
0x45e: {  	_ =	sdelay $0x3  }
0x45f: {  	v0 =	vmul.f32 v4, v2;
	_ =	sdelay $0x1  }
0x460: {  	v0 =	vadd.f32 v0, v3;
	_ =	sdelay $0x1  }
0x461: {  	[tilespmem:$0x3800] =	vst v0  }
0x462: {  	v3 =	vld.idx.msk [tilespmem:v7+s19+$0x0], $0xffff;
	_ =	sdelay $0x4  }
0x463: {  	v0 =	vadd.f32 v3, v0;
	_ =	sdelay $0x1  }
0x464: {  	[tilespmem:$0x3800] =	vst v0  }
0x465: {  	v3 =	vld.idx.msk [tilespmem:v8+s19+$0x0], $0xffff;
	_ =	sdelay $0x4  }
0x466: {  	v0 =	vadd.f32 v3, v0;
	_ =	sdelay $0x1  }
0x467: {  	[tilespmem:$0x3800] =	vst v0  }
0x468: {  	v3 =	vld.idx.msk [tilespmem:v10+s19+$0x0], $0xffff;
	_ =	sdelay $0x4  }
0x469: {  	v0 =	vadd.f32 v3, v0  }
0x46a: {  	v1 =	vadd.f32 v2, v1  }
0x46b: {  	[tilespmem:$0x3800] =	vst v0  }
0x46c: {  	v2 =	vld.idx.msk [tilespmem:v12+s19+$0x0], $0xffff;
	[tilespmem:$0x3800] =	vst v1  }
0x46d: {  	v3 =	vld.idx.msk [tilespmem:v7+s19+$0x0], $0xffff;
	_ =	sdelay $0x4  }
0x46e: {  	v3 =	vadd.f32 v3, v1;
	_ =	sdelay $0x1  }
0x46f: {  	[tilespmem:$0x3800] =	vst v3  }
0x470: {  	v4 =	vld.idx.msk [tilespmem:v8+s19+$0x0], $0xffff;
	_ =	sdelay $0x4  }
0x471: {  	v3 =	vadd.f32 v4, v3;
	_ =	sdelay $0x1  }
0x472: {  	[tilespmem:$0x3800] =	vst v3  }
0x473: {  	v4 =	vld.idx.msk [tilespmem:v10+s19+$0x0], $0xffff;
	_ =	sdelay $0x4  }
0x474: {  	v3 =	vadd.f32 v4, v3;
	_ =	sdelay $0x1  }
0x475: {  	[tilespmem:$0x3800] =	vst v3  }
0x476: {  	v4 =	vld.idx.msk [tilespmem:v12+s19+$0x0], $0xffff;
	_ =	sdelay $0x4  }
0x477: {  	v3 =	vadd.f32 v4, v3;
	_ =	sdelay $0x1  }
0x478: {  	(erf) = vrcp.f32 v3;
	_ =	sdelay $0x5  }
0x479: {  	s0 =	simm.s32 $0x0  }
0x47a: {  	v3 =	vld [tilespmem:s0+$0x280]  }
0x47b: {  	v0 =	vadd.f32 v2, v0  }
0x47c: {  	v4 =	vld [tilespmem:s0+$0x500];
	v2 =	vpop (erf)  }
0x47d: {  	v2 =	vmul.f32 v2, v0;
	_ =	sdelay $0x1  }
0x47e: {  	v0 =	vsub.f32 v3, v2  }
0x47f: {  	s1 =	simm.s32 $0x10  }
0x480: {  	v5 =	vmul.f32 v0, v4;
	v4 =	vld [tilespmem:s1+$0x280];
	_ =	sdelay $0x1  }
0x481: {  	v6 =	vld [tilespmem:s1+$0x500]  }
0x482: {  	s0 =	simm.s32 $0x80;
	v3 =	vimm.f32 $0.0e+00;
	v16 =	vmul.f32 v5, v0  }
.LBB2_22:
0x483: {  	p0 =	sne.s32 s0, $0x800  }
.Ltmp20:
0x484: {  	s1 =	sshra.s32 s0, $0x2;
	s0 =	sadd.s32 $0x40, s0;
	v0 =	vsub.f32 v4, v2;
	v3 =	vadd.f32 v16, v3;
	(pc) =	sbr.rel @p0 .LBB2_22-.Ltmp20, $4  }
0x485: {  	v4 =	vld [tilespmem:s1+$0x280]  }
0x486: {  	v5 =	vmul.f32 v0, v6  }
0x487: {  	v6 =	vld [tilespmem:s1+$0x500]  }
0x488: {  	v16 =	vmul.f32 v5, v0  }
0x489: {  	_ = 	snop  }
0x48a: {  	v0 =	vsub.f32 v4, v2;
	_ =	sdelay $0x1  }
0x48b: {  	v2 =	vmul.f32 v0, v6;
	_ =	sdelay $0x1  }
0x48c: {  	v3 =	vadd.f32 v16, v3;
	v0 =	vmul.f32 v2, v0;
	_ =	sdelay $0x1  }
0x48d: {  	v0 =	vadd.f32 v0, v3;
	_ =	sdelay $0x1  }
0x48e: {  	[tilespmem:$0x3800] =	vst v0  }
0x48f: {  	v2 =	vld.idx.msk [tilespmem:v7+s19+$0x0], $0xffff;
	_ =	sdelay $0x4  }
0x490: {  	v0 =	vadd.f32 v2, v0;
	_ =	sdelay $0x1  }
0x491: {  	[tilespmem:$0x3800] =	vst v0  }
0x492: {  	v2 =	vld.idx.msk [tilespmem:v8+s19+$0x0], $0xffff;
	_ =	sdelay $0x4  }
0x493: {  	v0 =	vadd.f32 v2, v0;
	_ =	sdelay $0x1  }
0x494: {  	[tilespmem:$0x3800] =	vst v0  }
0x495: {  	v2 =	vld.idx.msk [tilespmem:v10+s19+$0x0], $0xffff;
	_ =	sdelay $0x4  }
0x496: {  	v0 =	vadd.f32 v2, v0;
	_ =	sdelay $0x1  }
0x497: {  	[tilespmem:$0x3800] =	vst v0  }
0x498: {  	v2 =	vld.idx.msk [tilespmem:v12+s19+$0x0], $0xffff;
	[tilespmem:$0x3800] =	vst v1  }
0x499: {  	v3 =	vld.idx.msk [tilespmem:v7+s19+$0x0], $0xffff;
	_ =	sdelay $0x4  }
0x49a: {  	v1 =	vadd.f32 v3, v1;
	_ =	sdelay $0x1  }
0x49b: {  	[tilespmem:$0x3800] =	vst v1  }
0x49c: {  	v3 =	vld.idx.msk [tilespmem:v8+s19+$0x0], $0xffff;
	_ =	sdelay $0x4  }
0x49d: {  	v1 =	vadd.f32 v3, v1;
	_ =	sdelay $0x1  }
0x49e: {  	[tilespmem:$0x3800] =	vst v1  }
0x49f: {  	v3 =	vld.idx.msk [tilespmem:v10+s19+$0x0], $0xffff;
	_ =	sdelay $0x4  }
0x4a0: {  	v1 =	vadd.f32 v3, v1;
	_ =	sdelay $0x1  }
0x4a1: {  	[tilespmem:$0x3800] =	vst v1  }
0x4a2: {  	v3 =	vld.idx.msk [tilespmem:v12+s19+$0x0], $0xffff;
	_ =	sdelay $0x4  }
0x4a3: {  	v1 =	vadd.f32 v3, v1;
	_ =	sdelay $0x1  }
0x4a4: {  	(erf) = vrcp.f32 v1;
	_ =	sdelay $0x7  }
0x4a5: {  	v0 =	vadd.f32 v2, v0  }
0x4a6: {  	v1 =	vpop (erf)  }
0x4a7: {  	v0 =	vmul.f32 v1, v0;
	_ =	sdelay $0x1  }
0x4a8: {  	v1 =	vshra.s32 v0, $0x1;
	v0 =	vmul.f32 $5.000000000e-01, v0  }
0x4a9: {  	v1 =	vsub.s32 $0x5F3759DF, v1  }
0x4aa: {  	v2 =	vmul.f32 v1, v0;
	_ =	sdelay $0x1  }
0x4ab: {  	v2 =	vmul.f32 v1, v2;
	_ =	sdelay $0x1  }
0x4ac: {  	v2 =	vsub.f32 $1.500000000e+00, v2;
	_ =	sdelay $0x1  }
0x4ad: {  	v1 =	vmul.f32 v1, v2;
	_ =	sdelay $0x1  }
0x4ae: {  	v2 =	vmul.f32 v1, v0;
	_ =	sdelay $0x1  }
0x4af: {  	v2 =	vmul.f32 v2, v1;
	_ =	sdelay $0x1  }
0x4b0: {  	v2 =	vsub.f32 $1.500000000e+00, v2;
	_ =	sdelay $0x1  }
0x4b1: {  	v1 =	vmul.f32 v2, v1;
	_ =	sdelay $0x1  }
0x4b2: {  	v0 =	vmul.f32 v1, v0;
	_ =	sdelay $0x1  }
0x4b3: {  	v0 =	vmul.f32 v0, v1;
	_ =	sdelay $0x1  }
0x4b4: {  	s0 =	simm.s32 $0x2A0;
	v0 =	vsub.f32 $1.500000000e+00, v0  }
0x4b5: {  	v2 =	vld [tilespmem:s0+$0xFFFFFFE0]  }
0x4b6: {  	v4 =	vld [tilespmem:s0+$0x10];
	v0 =	vmul.f32 v0, v1  }
0x4b7: {  	v5 =	vld [tilespmem:s0+$0x0]  }
0x4b8: {  	v1 =	vmul.f32 $8.000000000e+00, v0  }
0x4b9: {  	v0 =	vld [tilespmem:s0+$0xFFFFFFF0]  }
0x4ba: {  	s1 =	simm.s32 $0x2E0;
	v6 =	vmul.f32 v2, v1  }
0x4bb: {  	v3 =	vld [tilespmem:s1+$0xFFFFFFE0];
	v7 =	vmul.f32 v4, v1  }
0x4bc: {  	v2 =	vld [tilespmem:s1+$0x10];
	v5 =	vmul.f32 v5, v1;
	[tilespmem:s0+$0xFFFFFFE0] =	vst v6  }
0x4bd: {  	v4 =	vld [tilespmem:s1+$0x0];
	[tilespmem:s0+$0x10] =	vst v7  }
0x4be: {  	s3 =	simm.s32 $0x4;
	v6 =	vld [tilespmem:s1+$0xFFFFFFF0];
	[tilespmem:s0+$0x0] =	vst v5;
	v16 =	vmul.f32 v0, v1  }
.LBB2_24:
0x4bf: {  	s3 =	sadd.s32 $0x4, s3  }
0x4c0: {  	[tilespmem:s0+$0xFFFFFFF0] =	vst v16;
	s0 =	smov.u32 s1;
	p0 =	slt.u32 s3, $0x1C  }
.Ltmp21:
0x4c1: {  	s1 =	sadd.s32 $0x40, s1;
	v0 =	vmul.f32 v3, v1;
	(pc) =	sbr.rel @p0 .LBB2_24-.Ltmp21, $4  }
0x4c2: {  	v3 =	vld [tilespmem:s1+$0xFFFFFFE0];
	v5 =	vmul.f32 v2, v1  }
0x4c3: {  	v2 =	vld [tilespmem:s1+$0x10];
	[tilespmem:s0+$0xFFFFFFE0] =	vst v0;
	v0 =	vmul.f32 v4, v1  }
0x4c4: {  	v4 =	vld [tilespmem:s1+$0x0];
	v16 =	vmul.f32 v6, v1;
	[tilespmem:s0+$0x10] =	vst v5  }
0x4c5: {  	v6 =	vld [tilespmem:s1+$0xFFFFFFF0];
	[tilespmem:s0+$0x0] =	vst v0  }
0x4c6: {  	_ = 	snop  }
0x4c7: {  	v0 =	vmul.f32 v3, v1  }
0x4c8: {  	[tilespmem:s0+$0xFFFFFFF0] =	vst v16;
	v2 =	vmul.f32 v2, v1  }
0x4c9: {  	[tilespmem:s1+$0xFFFFFFE0] =	vst v0;
	v62 =	vmul.f32 v4, v1  }
0x4ca: {  	v63 =	vmul.f32 v6, v1;
	[tilespmem:s1+$0x10] =	vst v2  }
0x4cb: {  	[tilespmem:s1+$0x0] =	vst v62  }
0x4cc: {  	[tilespmem:s1+$0xFFFFFFF0] =	vst v63  }
0x4cd: {  	v0 =	vld [tilespmem:$0x480];
	_ =	sdelay $0x2  }
.Ltmp22:
0x4ce: {  	_ = 	snop;
	(pc) =	sbr.rel .LBB2_26-.Ltmp22, $4  }
0x4cf: {  	_ = 	snop  }
0x4d0: {  	s22 =	simm.s32 $0x0;
	s23 =	simm.s32 $0x21;
	s24 =	simm.s32 $0x2A1;
	v0 =	vmul.f32 v0, v1  }
0x4d1: {  	s25 =	simm.s32 $0x521;
	s26 =	simm.s32 $0x1;
	s28 =	simm.s32 $0x1F8  }
0x4d2: {  	s29 =	simm.s32 $0x511;
	s30 =	simm.s32 $0x291;
	s31 =	simm.s32 $0x11;
	[tilespmem:$0x480] =	vst v0  }
.LBB2_30:
0x4d3: {  	s22 =	sadd.s32 $0x1, s22  }
0x4d4: {  	p0 =	sne.s32 s22, $0x40  }
.Ltmp23:
0x4d5: {  	_ = 	snop;
	(pc) =	sbr.rel @!p0 .LBB2_31-.Ltmp23, $4  }
0x4d6: {  	_ = 	snop  }
0x4d7: {  	s23 =	sadd.s32 $0x8, s23;
	s24 =	sadd.s32 $0x8, s24  }
0x4d8: {  	s25 =	sadd.s32 $0x8, s25;
	s26 =	sadd.s32 $0x8, s26;
	s28 =	sadd.s32 $0xFFFFFFF8, s28  }
0x4d9: {  	s29 =	sadd.s32 $0x8, s29;
	s30 =	sadd.s32 $0x8, s30;
	s31 =	sadd.s32 $0x8, s31  }
.LBB2_26:
0x4da: {  	s0 =	sshll.u32 s22, $0x3  }
0x4db: {  	v0 =	vmov s0  }
0x4dc: {  	v0 =	vbroadcast v0, $0x0;
	_ =	sdelay $0x4  }
0x4dd: {  	v1 =	vld [tilespmem:s0+$0x1]  }
0x4de: {  	v17 =	vld.idx.msk [tilespmem:v0+s2+$0x0], $0xffff;
	_ =	sdelay $0x4  }
0x4df: {  	v2 =	vsub.f32 v1, v17  }
0x4e0: {  	s1 =	sor.u32 $0x1, s0  }
0x4e1: {  	v3 =	vmov s1;
	v4 =	vcvt.s32.f32 v2  }
0x4e2: {  	s5 =	sor.u32 $0x3, s0;
	v3 =	vbroadcast v3, $0x0  }
0x4e3: {  	v37 =	vmov s5;
	s5 =	sshllo.u32 s22, $0x3;
	v4 =	vmul.f32 $2.157385240e-07, v4  }
0x4e4: {  	s4 =	sor.u32 $0x2, s0;
	v43 =	vmov s5  }
0x4e5: {  	v40 =	vld [tilespmem:s0+$0x281];
	v5 =	vmov s4;
	v4 =	vadd.f32 $-2.232672730e+02, v4  }
0x4e6: {  	v5 =	vbroadcast v5, $0x0;
	v18 =	vld.idx.msk [tilespmem:v0+s17+$0x0], $0xffff  }
0x4e7: {  	s3 =	sor.u32 $0x5, s0;
	v19 =	vld.idx.msk [tilespmem:v0+s18+$0x0], $0xffff;
	v4 =	vtrunc.f32 v4  }
0x4e8: {  	v7 =	vmov s3;
	v20 =	vld.idx.msk [tilespmem:v3+s2+$0x0], $0xffff;
	v4 =	vcvt.f32.s32 v4  }
0x4e9: {  	v7 =	vbroadcast v7, $0x0;
	v0 =	vbroadcast v37, $0x0;
	v37 =	vld.idx.msk [tilespmem:v43+s2+$0x0], $0xffff  }
0x4ea: {  	v21 =	vld.idx.msk [tilespmem:v3+s17+$0x0], $0xffff;
	vm0 =	vgt.s32 v4, $0x0  }
0x4eb: {  	v22 =	vld.idx.msk [tilespmem:v3+s18+$0x0], $0xffff;
	v4 =	vnsel vm0, $0x0, v4  }
0x4ec: {  	s6 =	sor.u32 $0x4, s0;
	v23 =	vld.idx.msk [tilespmem:v5+s2+$0x0], $0xffff;
	v4 =	vmin.u32 v4, $0x18  }
0x4ed: {  	v38 =	vmov s6;
	v24 =	vld.idx.msk [tilespmem:v5+s17+$0x0], $0xffff;
	v6 =	vsub.f32 v1, v20;
	v39 =	vadd.s32 v11, v4  }
0x4ee: {  	v3 =	vbroadcast v38, $0x0;
	v25 =	vld.idx.msk [tilespmem:v5+s18+$0x0], $0xffff  }
0x4ef: {  	v32 =	vld.idx.msk [tilespmem:v7+s2+$0x0], $0xffff;
	v8 =	vcvt.s32.f32 v6  }
0x4f0: {  	v26 =	vld.idx.msk [tilespmem:v0+s2+$0x0], $0xffff  }
0x4f1: {  	v41 =	vsub.f32 v40, v18;
	v27 =	vld.idx.msk [tilespmem:v0+s17+$0x0], $0xffff;
	v8 =	vmul.f32 $2.157385240e-07, v8  }
0x4f2: {  	s4 =	sor.u32 $0x6, s0;
	v5 =	vld.idx.msk [tilespmem:v39+s13+$0x0], $0xffff  }
0x4f3: {  	v10 =	vmov s4;
	v28 =	vld.idx.msk [tilespmem:v0+s18+$0x0], $0xffff;
	v0 =	vand.u32 $0x7FFFFFFF, v41;
	v8 =	vadd.f32 $-2.232672730e+02, v8  }
0x4f4: {  	v10 =	vbroadcast v10, $0x0;
	v29 =	vld.idx.msk [tilespmem:v3+s2+$0x0], $0xffff;
	v0 =	vmin.f32 v0, $2.300000000e+01  }
0x4f5: {  	v30 =	vld.idx.msk [tilespmem:v3+s17+$0x0], $0xffff;
	v0 =	vtrunc.f32 v0;
	v42 =	vtrunc.f32 v8  }
0x4f6: {  	v54 =	vld.idx.msk [tilespmem:v3+s18+$0x0], $0xffff;
	v0 =	vcvt.f32.s32 v0;
	v3 =	vcvt.f32.s32 v42  }
0x4f7: {  	v31 =	vld.idx.msk [tilespmem:v7+s17+$0x0], $0xffff;
	vm13 =	vlt.f32 v2, v5  }
0x4f8: {  	v0 =	vshll.u32 v0, $0x5;
	vm14 =	vgt.s32 v3, $0x0;
	v2 =	vld [tilespmem:s0+$0x501];
	v5 =	vsel vm13, v13, v9  }
0x4f9: {  	v33 =	vld.idx.msk [tilespmem:v7+s18+$0x0], $0xffff;
	v3 =	vnsel vm14, $0x0, v3;
	v0 =	vadd.s32 v0, v5  }
0x4fa: {  	v38 =	vld.idx.msk [tilespmem:v43+s17+$0x0], $0xffff;
	v3 =	vmin.u32 v3, $0x18;
	v0 =	vadd.s32 v4, v0  }
0x4fb: {  	v34 =	vld.idx.msk [tilespmem:v10+s2+$0x0], $0xffff;
	v44 =	vadd.s32 v11, v3  }
0x4fc: {  	v35 =	vld.idx.msk [tilespmem:v10+s17+$0x0], $0xffff;
	v45 =	vsub.f32 v1, v23  }
0x4fd: {  	v36 =	vld.idx.msk [tilespmem:v10+s18+$0x0], $0xffff;
	v8 =	vmul.f32 v2, v19  }
0x4fe: {  	v46 =	vcvt.s32.f32 v45;
	v39 =	vld.idx.msk [tilespmem:v43+s18+$0x0], $0xffff  }
0x4ff: {  	v47 =	vsub.f32 v40, v21;
	[tilespmem:v0+s20+$0x0] =	vst.idx.add.f32.msk $0xffff, v8  }
0x500: {  	v7 =	vmul.f32 $2.157385240e-07, v46;
	v4 =	vld.idx.msk [tilespmem:v44+s13+$0x0], $0xffff  }
0x501: {  	v0 =	vand.u32 $0x7FFFFFFF, v47  }
0x502: {  	v7 =	vadd.f32 $-2.232672730e+02, v7;
	v0 =	vmin.f32 v0, $2.300000000e+01  }
0x503: {  	v0 =	vtrunc.f32 v0  }
0x504: {  	v7 =	vtrunc.f32 v7;
	v0 =	vcvt.f32.s32 v0  }
0x505: {  	v48 =	vcvt.f32.s32 v7;
	vm15 =	vlt.f32 v6, v4  }
0x506: {  	v0 =	vshll.u32 v0, $0x5;
	v6 =	vsel vm15, $0xFFFFFFFF, v14  }
0x507: {  	vm4 =	vgt.s32 v48, $0x0;
	v8 =	vld [tilespmem:$0x1FF40];
	v0 =	vadd.s32 v6, v0  }
0x508: {  	v49 =	vnsel vm4, $0x0, v48;
	v0 =	vadd.s32 v3, v0  }
0x509: {  	v3 =	vmin.u32 v49, $0x18;
	v0 =	vadd.s32 v9, v0  }
0x50a: {  	v52 =	vsub.f32 v1, v26;
	v50 =	vmul.f32 v2, v22;
	v51 =	vadd.s32 v11, v3;
	_ =	sdelay $0x1  }
0x50b: {  	v4 =	vmul.f32 v8, v50;
	v8 =	vcvt.s32.f32 v52  }
0x50c: {  	v10 =	vsub.f32 v40, v24  }
0x50d: {  	v53 =	vmul.f32 $2.157385240e-07, v8;
	[tilespmem:v0+s20+$0x0] =	vst.idx.add.f32.msk $0xffff, v4  }
0x50e: {  	v55 =	vand.u32 $0x7FFFFFFF, v10;
	v6 =	vld.idx.msk [tilespmem:v51+s13+$0x0], $0xffff  }
0x50f: {  	v4 =	vmin.f32 v55, $2.300000000e+01;
	v0 =	vadd.f32 $-2.232672730e+02, v53  }
0x510: {  	v4 =	vtrunc.f32 v4  }
0x511: {  	v4 =	vcvt.f32.s32 v4;
	v0 =	vtrunc.f32 v0  }
0x512: {  	v0 =	vcvt.f32.s32 v0  }
0x513: {  	v4 =	vshll.u32 v4, $0x5;
	vm5 =	vlt.f32 v45, v6  }
0x514: {  	v8 =	vld [tilespmem:$0x1FF50];
	v3 =	vor.u32 v3, v4;
	vm6 =	vgt.s32 v0, $0x0;
	v5 =	vsel vm5, $0xFFFFFFFF, v14  }
0x515: {  	v0 =	vnsel vm6, $0x0, v0;
	v3 =	vadd.s32 v5, v3  }
0x516: {  	v0 =	vmin.u32 v0, $0x18;
	v3 =	vadd.s32 v9, v3  }
0x517: {  	v58 =	vsub.f32 v1, v29;
	v56 =	vmul.f32 v2, v25;
	v57 =	vadd.s32 v11, v0;
	_ =	sdelay $0x1  }
0x518: {  	v4 =	vmul.f32 v8, v56;
	v8 =	vcvt.s32.f32 v58  }
0x519: {  	v10 =	vsub.f32 v40, v27  }
0x51a: {  	v59 =	vmul.f32 $2.157385240e-07, v8;
	[tilespmem:v3+s20+$0x0] =	vst.idx.add.f32.msk $0xffff, v4  }
0x51b: {  	v60 =	vand.u32 $0x7FFFFFFF, v10;
	v5 =	vld.idx.msk [tilespmem:v57+s13+$0x0], $0xffff  }
0x51c: {  	v4 =	vmin.f32 v60, $2.300000000e+01;
	v3 =	vadd.f32 $-2.232672730e+02, v59  }
0x51d: {  	v4 =	vtrunc.f32 v4  }
0x51e: {  	v4 =	vcvt.f32.s32 v4;
	v3 =	vtrunc.f32 v3  }
0x51f: {  	v3 =	vcvt.f32.s32 v3  }
0x520: {  	v4 =	vshll.u32 v4, $0x5;
	vm7 =	vlt.f32 v52, v5  }
0x521: {  	v8 =	vld [tilespmem:$0x1FF60];
	v0 =	vor.u32 v0, v4;
	vm8 =	vgt.s32 v3, $0x0;
	v5 =	vsel vm7, $0xFFFFFFFF, v14  }
0x522: {  	v3 =	vnsel vm8, $0x0, v3;
	v0 =	vadd.s32 v5, v0  }
0x523: {  	v3 =	vmin.u32 v3, $0x18;
	v0 =	vadd.s32 v9, v0  }
0x524: {  	v63 =	vsub.f32 v1, v32;
	v61 =	vmul.f32 v2, v28;
	v62 =	vadd.s32 v11, v3;
	_ =	sdelay $0x1  }
0x525: {  	v4 =	vmul.f32 v8, v61;
	v8 =	vcvt.s32.f32 v63  }
0x526: {  	v10 =	vsub.f32 v40, v30  }
0x527: {  	v41 =	vmul.f32 $2.157385240e-07, v8;
	[tilespmem:v0+s20+$0x0] =	vst.idx.add.f32.msk $0xffff, v4  }
0x528: {  	v42 =	vand.u32 $0x7FFFFFFF, v10;
	v5 =	vld.idx.msk [tilespmem:v62+s13+$0x0], $0xffff  }
0x529: {  	v4 =	vmin.f32 v42, $2.300000000e+01;
	v0 =	vadd.f32 $-2.232672730e+02, v41  }
0x52a: {  	v4 =	vtrunc.f32 v4  }
0x52b: {  	v4 =	vcvt.f32.s32 v4;
	v0 =	vtrunc.f32 v0  }
0x52c: {  	v0 =	vcvt.f32.s32 v0  }
0x52d: {  	v4 =	vshll.u32 v4, $0x5;
	vm9 =	vlt.f32 v58, v5  }
0x52e: {  	v8 =	vld [tilespmem:$0x1FF70];
	v3 =	vor.u32 v3, v4;
	vm10 =	vgt.s32 v0, $0x0;
	v5 =	vsel vm9, $0xFFFFFFFF, v14  }
0x52f: {  	v0 =	vnsel vm10, $0x0, v0;
	v3 =	vadd.s32 v5, v3  }
0x530: {  	v0 =	vmin.u32 v0, $0x18;
	v3 =	vadd.s32 v9, v3  }
0x531: {  	v43 =	vmul.f32 v2, v54;
	v45 =	vsub.f32 v1, v34;
	v44 =	vadd.s32 v11, v0;
	_ =	sdelay $0x1  }
0x532: {  	v4 =	vmul.f32 v8, v43;
	v8 =	vcvt.s32.f32 v45  }
0x533: {  	v10 =	vsub.f32 v40, v31  }
0x534: {  	v46 =	vmul.f32 $2.157385240e-07, v8;
	[tilespmem:v3+s20+$0x0] =	vst.idx.add.f32.msk $0xffff, v4  }
0x535: {  	v47 =	vand.u32 $0x7FFFFFFF, v10;
	v5 =	vld.idx.msk [tilespmem:v44+s13+$0x0], $0xffff  }
0x536: {  	v4 =	vmin.f32 v47, $2.300000000e+01;
	v3 =	vadd.f32 $-2.232672730e+02, v46  }
0x537: {  	v4 =	vtrunc.f32 v4  }
0x538: {  	v4 =	vcvt.f32.s32 v4;
	v3 =	vtrunc.f32 v3  }
0x539: {  	v3 =	vcvt.f32.s32 v3  }
0x53a: {  	v4 =	vshll.u32 v4, $0x5;
	vm11 =	vlt.f32 v63, v5  }
0x53b: {  	v50 =	vld [tilespmem:$0x1FF80];
	v0 =	vor.u32 v0, v4;
	vm12 =	vgt.s32 v3, $0x0;
	v5 =	vsel vm11, $0xFFFFFFFF, v14  }
0x53c: {  	v3 =	vnsel vm12, $0x0, v3;
	v0 =	vadd.s32 v5, v0  }
0x53d: {  	v3 =	vmin.u32 v3, $0x18;
	v0 =	vadd.s32 v9, v0  }
0x53e: {  	v48 =	vmul.f32 v2, v33;
	v1 =	vsub.f32 v1, v37;
	v49 =	vadd.s32 v11, v3;
	_ =	sdelay $0x1  }
0x53f: {  	v51 =	vcvt.s32.f32 v1;
	v4 =	vmul.f32 v50, v48  }
0x540: {  	v8 =	vsub.f32 v40, v35  }
0x541: {  	v52 =	vmul.f32 $2.157385240e-07, v51;
	[tilespmem:v0+s20+$0x0] =	vst.idx.add.f32.msk $0xffff, v4  }
0x542: {  	v53 =	vand.u32 $0x7FFFFFFF, v8;
	v5 =	vld.idx.msk [tilespmem:v49+s13+$0x0], $0xffff  }
0x543: {  	v4 =	vmin.f32 v53, $2.300000000e+01;
	v0 =	vadd.f32 $-2.232672730e+02, v52  }
0x544: {  	v4 =	vtrunc.f32 v4  }
0x545: {  	v4 =	vcvt.f32.s32 v4;
	v0 =	vtrunc.f32 v0  }
0x546: {  	v0 =	vcvt.f32.s32 v0  }
0x547: {  	v4 =	vshll.u32 v4, $0x5;
	vm13 =	vlt.f32 v45, v5  }
0x548: {  	v57 =	vld [tilespmem:$0x1FF90];
	v3 =	vor.u32 v3, v4;
	vm14 =	vgt.s32 v0, $0x0;
	v5 =	vsel vm13, $0xFFFFFFFF, v14  }
0x549: {  	v0 =	vnsel vm14, $0x0, v0;
	v3 =	vadd.s32 v5, v3  }
0x54a: {  	v0 =	vmin.u32 v0, $0x18;
	v3 =	vadd.s32 v9, v3  }
0x54b: {  	v55 =	vmul.f32 v2, v36;
	v56 =	vadd.s32 v11, v0;
	_ =	sdelay $0x1  }
0x54c: {  	v4 =	vmul.f32 v57, v55  }
0x54d: {  	v58 =	vsub.f32 v40, v38  }
0x54e: {  	[tilespmem:v3+s20+$0x0] =	vst.idx.add.f32.msk $0xffff, v4  }
0x54f: {  	v59 =	vand.u32 $0x7FFFFFFF, v58;
	v4 =	vld.idx.msk [tilespmem:v56+s13+$0x0], $0xffff  }
0x550: {  	v3 =	vmin.f32 v59, $2.300000000e+01  }
0x551: {  	v3 =	vtrunc.f32 v3  }
0x552: {  	v3 =	vcvt.f32.s32 v3;
	_ =	sdelay $0x1  }
0x553: {  	v60 =	vshll.u32 v3, $0x5;
	vm15 =	vlt.f32 v1, v4  }
0x554: {  	s6 =	ssub.s32 $0x1F8, s0;
	v63 =	vld [tilespmem:$0x1FFA0];
	v0 =	vor.u32 v0, v60;
	v61 =	vsel vm15, $0xFFFFFFFF, v14  }
0x555: {  	s3 =	sand.u32 $0x1E0, s6;
	v0 =	vadd.s32 v61, v0  }
0x556: {  	p0 =	seq.s32 s3, $0x0;
	v0 =	vadd.s32 v9, v0  }
.Ltmp24:
0x557: {  	v62 =	vmul.f32 v2, v39;
	(pc) =	sbr.rel @p0 .LBB2_27-.Ltmp24, $4  }
0x558: {  	_ = 	snop  }
0x559: {  	v1 =	vmul.f32 v63, v62  }
0x55a: {  	s1 =	sadd.s32 $0x11, s0  }
0x55b: {  	s0 =	sadd.s32 s1, s3;
	[tilespmem:v0+s20+$0x0] =	vst.idx.add.f32.msk $0xffff, v1  }
0x55c: {  	v42 =	vld [tilespmem:s23+$0x0];
	_ =	sdelay $0x1  }
0x55d: {  	v48 =	vld [tilespmem:s23+$0xFFFFFFF0];
	_ =	sdelay $0x2  }
0x55e: {  	v41 =	vld [tilespmem:s24+$0x0];
	v0 =	vsub.f32 v42, v17  }
0x55f: {  	v44 =	vld [tilespmem:s24+$0xFFFFFFF0]  }
0x560: {  	v3 =	vsub.f32 v48, v17;
	v1 =	vcvt.s32.f32 v0  }
0x561: {  	v4 =	vsub.f32 v48, v20;
	v45 =	vsub.f32 v48, v29  }
0x562: {  	v12 =	vsub.f32 v42, v20;
	v2 =	vcvt.s32.f32 v3;
	v1 =	vmul.f32 $2.157385240e-07, v1  }
0x563: {  	v43 =	vsub.f32 v48, v32;
	v46 =	vsub.f32 v41, v18  }
0x564: {  	v47 =	vsub.f32 v44, v18;
	v2 =	vmul.f32 $2.157385240e-07, v2;
	v1 =	vadd.f32 $-2.232672730e+02, v1  }
0x565: {  	v49 =	vsub.f32 v44, v21;
	v57 =	vsub.f32 v44, v24  }
0x566: {  	v5 =	vcvt.s32.f32 v4;
	v6 =	vadd.f32 $-2.232672730e+02, v2;
	v1 =	vtrunc.f32 v1  }
0x567: {  	v58 =	vsub.f32 v41, v21;
	v15 =	vcvt.s32.f32 v12;
	v7 =	vcvt.f32.s32 v1  }
0x568: {  	v46 =	vand.u32 $0x7FFFFFFF, v46;
	v47 =	vand.u32 $0x7FFFFFFF, v47;
	v6 =	vtrunc.f32 v6  }
0x569: {  	v46 =	vmin.f32 v46, $2.300000000e+01;
	v6 =	vcvt.f32.s32 v6;
	vm0 =	vgt.s32 v7, $0x0  }
0x56a: {  	v47 =	vmin.f32 v47, $2.300000000e+01;
	v5 =	vmul.f32 $2.157385240e-07, v5;
	v7 =	vnsel vm0, $0x0, v7  }
0x56b: {  	v15 =	vmul.f32 $2.157385240e-07, v15;
	vm15 =	vgt.s32 v6, $0x0;
	v7 =	vmin.u32 v7, $0x18  }
0x56c: {  	v2 =	vsub.f32 v48, v23;
	v6 =	vnsel vm15, $0x0, v6;
	v10 =	vadd.s32 v11, v7  }
0x56d: {  	v46 =	vtrunc.f32 v46;
	v60 =	vtrunc.f32 v47;
	v6 =	vmin.u32 v6, $0x18  }
0x56e: {  	v47 =	vld [tilespmem:s25+$0xFFFFFFF0];
	v5 =	vadd.f32 $-2.232672730e+02, v5;
	v8 =	vcvt.s32.f32 v2;
	v40 =	vadd.s32 v11, v6  }
0x56f: {  	v53 =	vsub.f32 v44, v30;
	v46 =	vcvt.f32.s32 v46;
	v15 =	vadd.f32 $-2.232672730e+02, v15  }
0x570: {  	v5 =	vtrunc.f32 v5;
	v1 =	vsub.f32 v48, v26;
	v8 =	vmul.f32 $2.157385240e-07, v8  }
0x571: {  	v59 =	vand.u32 $0x7FFFFFFF, v49;
	v15 =	vtrunc.f32 v15;
	v5 =	vcvt.f32.s32 v5;
	v10 =	vld.idx.msk [tilespmem:v10+s13+$0x0], $0xffff  }
0x572: {  	v16 =	vmovc v13;
	v15 =	vcvt.f32.s32 v15;
	v13 =	vcvt.s32.f32 v1;
	v8 =	vadd.f32 $-2.232672730e+02, v8  }
0x573: {  	v49 =	vcvt.f32.s32 v60;
	v56 =	vmul.f32 v47, v19;
	vm4 =	vgt.s32 v5, $0x0;
	v51 =	vld.idx.msk [tilespmem:v40+s13+$0x0], $0xffff  }
0x574: {  	vm6 =	vgt.s32 v15, $0x0;
	v13 =	vmul.f32 $2.157385240e-07, v13;
	v8 =	vtrunc.f32 v8  }
0x575: {  	v5 =	vnsel vm4, $0x0, v5;
	v15 =	vnsel vm6, $0x0, v15;
	v8 =	vcvt.f32.s32 v8  }
0x576: {  	v5 =	vmin.u32 v5, $0x18;
	v13 =	vadd.f32 $-2.232672730e+02, v13;
	vm5 =	vlt.f32 v0, v10  }
0x577: {  	vm8 =	vgt.s32 v8, $0x0;
	v40 =	vld [tilespmem:s25+$0x0];
	v10 =	vshll.u32 v46, $0x5;
	v61 =	vsel vm5, v16, v9  }
0x578: {  	vm7 =	vlt.f32 v3, v51;
	v3 =	vshll.u32 v49, $0x5;
	v10 =	vadd.s32 v10, v61  }
0x579: {  	v62 =	vsel vm7, v16, v9;
	v7 =	vadd.s32 v7, v10;
	v10 =	vmin.u32 v15, $0x18  }
0x57a: {  	v13 =	vtrunc.f32 v13;
	v3 =	vadd.s32 v3, v62;
	v15 =	vadd.s32 v11, v10  }
0x57b: {  	v13 =	vcvt.f32.s32 v13;
	v51 =	vsub.f32 v42, v23;
	v3 =	vadd.s32 v6, v3  }
0x57c: {  	v50 =	vadd.s32 v11, v5;
	v8 =	vnsel vm8, $0x0, v8;
	v63 =	vmul.f32 v40, v19  }
0x57d: {  	v8 =	vmin.u32 v8, $0x18;
	vm12 =	vgt.s32 v13, $0x0;
	v52 =	vcvt.s32.f32 v51  }
0x57e: {  	v55 =	vnsel vm12, $0x0, v13;
	v0 =	vmin.f32 v59, $2.300000000e+01;
	v13 =	vmul.f32 v40, v22;
	[tilespmem:v7+s20+$0x0] =	vst.idx.add.f32.msk $0xffff, v63  }
0x57f: {  	v49 =	vand.u32 $0x7FFFFFFF, v58;
	v0 =	vtrunc.f32 v0;
	v52 =	vmul.f32 $2.157385240e-07, v52;
	v15 =	vld.idx.msk [tilespmem:v15+s13+$0x0], $0xffff  }
0x580: {  	v49 =	vmin.f32 v49, $2.300000000e+01;
	v0 =	vcvt.f32.s32 v0;
	v7 =	vand.u32 $0x7FFFFFFF, v57;
	[tilespmem:v3+s20+$0x0] =	vst.idx.add.f32.msk $0xffff, v56  }
0x581: {  	v59 =	vtrunc.f32 v49;
	v52 =	vadd.f32 $-2.232672730e+02, v52;
	v60 =	vld.idx.msk [tilespmem:v50+s13+$0x0], $0xffff;
	v7 =	vmin.f32 v7, $2.300000000e+01  }
0x582: {  	v62 =	vsub.f32 v44, v27;
	v46 =	vcvt.f32.s32 v59;
	v7 =	vtrunc.f32 v7  }
0x583: {  	v0 =	vshll.u32 v0, $0x5;
	v61 =	vtrunc.f32 v52;
	v7 =	vcvt.f32.s32 v7  }
0x584: {  	v46 =	vshll.u32 v46, $0x5;
	vm9 =	vlt.f32 v12, v15;
	v12 =	vcvt.f32.s32 v61  }
0x585: {  	v3 =	vadd.s32 v11, v8;
	v7 =	vshll.u32 v7, $0x5;
	v15 =	vsel vm9, $0xFFFFFFFF, v14  }
0x586: {  	vm11 =	vlt.f32 v4, v60;
	v15 =	vadd.s32 v15, v46;
	vm10 =	vgt.s32 v12, $0x0  }
0x587: {  	v7 =	vor.u32 v8, v7;
	v10 =	vadd.s32 v10, v15;
	v12 =	vnsel vm10, $0x0, v12  }
0x588: {  	v63 =	vadd.s32 v9, v10;
	v10 =	vmin.u32 v12, $0x18;
	v12 =	vsel vm11, $0xFFFFFFFF, v14  }
0x589: {  	v8 =	vadd.s32 v11, v10;
	v0 =	vadd.s32 v12, v0;
	v12 =	vsub.f32 v42, v26  }
0x58a: {  	v6 =	vmul.f32 v47, v22;
	v59 =	vand.u32 $0x7FFFFFFF, v62;
	v57 =	vsub.f32 v41, v24  }
0x58b: {  	v15 =	vcvt.s32.f32 v45;
	v0 =	vadd.s32 v5, v0;
	v56 =	vcvt.s32.f32 v12  }
0x58c: {  	v52 =	vmul.f32 v47, v25;
	v60 =	vcvt.s32.f32 v43;
	v0 =	vadd.s32 v9, v0  }
0x58d: {  	v58 =	vand.u32 $0x7FFFFFFF, v57;
	[tilespmem:v63+s20+$0x0] =	vst.idx.add.f32.msk $0xffff, v13;
	v13 =	vmul.f32 $2.157385240e-07, v15;
	v15 =	vmul.f32 $2.157385240e-07, v56  }
0x58e: {  	v57 =	vand.u32 $0x7FFFFFFF, v53;
	v61 =	vmin.f32 v59, $2.300000000e+01;
	v46 =	vmin.f32 v58, $2.300000000e+01;
	v8 =	vld.idx.msk [tilespmem:v8+s13+$0x0], $0xffff  }
0x58f: {  	v50 =	vmul.f32 $2.157385240e-07, v60;
	v46 =	vtrunc.f32 v46;
	v15 =	vadd.f32 $-2.232672730e+02, v15  }
0x590: {  	v58 =	vsub.f32 v44, v31;
	v62 =	vcvt.f32.s32 v46;
	v46 =	vsub.f32 v48, v34  }
0x591: {  	v5 =	vmin.u32 v55, $0x18;
	v13 =	vadd.f32 $-2.232672730e+02, v13;
	[tilespmem:v0+s20+$0x0] =	vst.idx.add.f32.msk $0xffff, v6;
	v15 =	vtrunc.f32 v15  }
0x592: {  	v50 =	vadd.f32 $-2.232672730e+02, v50;
	v4 =	vadd.s32 v11, v5;
	v3 =	vld.idx.msk [tilespmem:v3+s13+$0x0], $0xffff;
	v15 =	vcvt.f32.s32 v15  }
0x593: {  	vm13 =	vlt.f32 v51, v8;
	v8 =	vtrunc.f32 v13;
	v13 =	vshll.u32 v62, $0x5  }
0x594: {  	v6 =	vtrunc.f32 v61;
	v63 =	vsel vm13, $0xFFFFFFFF, v14;
	v10 =	vor.u32 v10, v13  }
0x595: {  	v6 =	vcvt.f32.s32 v6;
	vm14 =	vgt.s32 v15, $0x0;
	v10 =	vadd.s32 v63, v10  }
0x596: {  	v56 =	vsub.f32 v41, v27;
	v13 =	vnsel vm14, $0x0, v15;
	v10 =	vadd.s32 v9, v10  }
0x597: {  	v13 =	vmin.u32 v13, $0x18;
	vm15 =	vlt.f32 v2, v3;
	v2 =	vshll.u32 v6, $0x5  }
0x598: {  	v3 =	vadd.s32 v11, v13;
	v2 =	vor.u32 v5, v2;
	v5 =	vsub.f32 v42, v29  }
0x599: {  	v55 =	vmul.f32 v40, v25;
	v49 =	vand.u32 $0x7FFFFFFF, v56;
	v51 =	vsel vm15, $0xFFFFFFFF, v14  }
0x59a: {  	v49 =	vmin.f32 v49, $2.300000000e+01;
	v6 =	vadd.s32 v51, v7;
	v15 =	vcvt.s32.f32 v5  }
0x59b: {  	v59 =	vtrunc.f32 v50;
	v49 =	vtrunc.f32 v49;
	v6 =	vadd.s32 v9, v6  }
0x59c: {  	v61 =	vsub.f32 v42, v32;
	v8 =	vcvt.f32.s32 v8;
	[tilespmem:v10+s20+$0x0] =	vst.idx.add.f32.msk $0xffff, v55;
	v15 =	vmul.f32 $2.157385240e-07, v15  }
0x59d: {  	v50 =	vsub.f32 v48, v37;
	v0 =	vmul.f32 v47, v28;
	v49 =	vcvt.f32.s32 v49;
	v3 =	vld.idx.msk [tilespmem:v3+s13+$0x0], $0xffff  }
0x59e: {  	v62 =	vcvt.s32.f32 v61;
	vm4 =	vgt.s32 v8, $0x0;
	v15 =	vadd.f32 $-2.232672730e+02, v15  }
0x59f: {  	v63 =	vmul.f32 v47, v54;
	v8 =	vnsel vm4, $0x0, v8;
	v7 =	vmin.f32 v57, $2.300000000e+01  }
0x5a0: {  	v8 =	vmin.u32 v8, $0x18;
	v7 =	vtrunc.f32 v7;
	[tilespmem:v6+s20+$0x0] =	vst.idx.add.f32.msk $0xffff, v52;
	v15 =	vtrunc.f32 v15  }
0x5a1: {  	v57 =	vsub.f32 v42, v34;
	v7 =	vcvt.f32.s32 v7;
	v4 =	vld.idx.msk [tilespmem:v4+s13+$0x0], $0xffff;
	v15 =	vcvt.f32.s32 v15  }
0x5a2: {  	v10 =	vadd.s32 v11, v8;
	vm5 =	vlt.f32 v12, v3;
	v12 =	vshll.u32 v49, $0x5  }
0x5a3: {  	v60 =	vsel vm5, $0xFFFFFFFF, v14;
	v12 =	vor.u32 v13, v12;
	vm6 =	vgt.s32 v15, $0x0  }
0x5a4: {  	v7 =	vshll.u32 v7, $0x5;
	v12 =	vadd.s32 v60, v12;
	v13 =	vnsel vm6, $0x0, v15  }
0x5a5: {  	v7 =	vor.u32 v8, v7;
	v8 =	vadd.s32 v9, v12;
	v12 =	vmin.u32 v13, $0x18  }
0x5a6: {  	v6 =	vand.u32 $0x7FFFFFFF, v58;
	vm7 =	vlt.f32 v1, v4;
	v1 =	vadd.s32 v11, v12  }
0x5a7: {  	v52 =	vsub.f32 v41, v30;
	v58 =	vcvt.s32.f32 v50;
	v13 =	vsel vm7, $0xFFFFFFFF, v14  }
0x5a8: {  	v6 =	vmin.f32 v6, $2.300000000e+01;
	v2 =	vadd.s32 v13, v2;
	v13 =	vmul.f32 v40, v28  }
0x5a9: {  	v6 =	vtrunc.f32 v6;
	v15 =	vcvt.s32.f32 v46;
	v2 =	vadd.s32 v9, v2  }
0x5aa: {  	v53 =	vand.u32 $0x7FFFFFFF, v52;
	v3 =	vcvt.f32.s32 v59;
	[tilespmem:v8+s20+$0x0] =	vst.idx.add.f32.msk $0xffff, v13;
	v8 =	vmul.f32 $2.157385240e-07, v62  }
0x5ab: {  	v48 =	vmin.f32 v53, $2.300000000e+01;
	v6 =	vcvt.f32.s32 v6;
	v15 =	vmul.f32 $2.157385240e-07, v15;
	v1 =	vld.idx.msk [tilespmem:v1+s13+$0x0], $0xffff  }
0x5ac: {  	v48 =	vtrunc.f32 v48;
	vm1 =	vgt.s32 v3, $0x0;
	v8 =	vadd.f32 $-2.232672730e+02, v8  }
0x5ad: {  	v6 =	vshll.u32 v6, $0x5;
	v3 =	vnsel vm1, $0x0, v3;
	v15 =	vadd.f32 $-2.232672730e+02, v15  }
0x5ae: {  	v3 =	vmin.u32 v3, $0x18;
	[tilespmem:v2+s20+$0x0] =	vst.idx.add.f32.msk $0xffff, v0;
	v2 =	vcvt.f32.s32 v48;
	v8 =	vtrunc.f32 v8  }
0x5af: {  	v13 =	vadd.s32 v11, v3;
	v15 =	vtrunc.f32 v15;
	v10 =	vld.idx.msk [tilespmem:v10+s13+$0x0], $0xffff;
	v8 =	vcvt.f32.s32 v8  }
0x5b0: {  	v3 =	vor.u32 v3, v6;
	vm8 =	vlt.f32 v5, v1;
	v1 =	vshll.u32 v2, $0x5  }
0x5b1: {  	v2 =	vsel vm8, $0xFFFFFFFF, v14;
	v1 =	vor.u32 v12, v1;
	vm9 =	vgt.s32 v8, $0x0  }
0x5b2: {  	v6 =	vmul.f32 $2.157385240e-07, v58;
	v1 =	vadd.s32 v2, v1;
	v2 =	vnsel vm9, $0x0, v8  }
0x5b3: {  	v15 =	vcvt.f32.s32 v15;
	v1 =	vadd.s32 v9, v1;
	v2 =	vmin.u32 v2, $0x18  }
0x5b4: {  	v6 =	vadd.f32 $-2.232672730e+02, v6;
	vm11 =	vlt.f32 v45, v10;
	v55 =	vadd.s32 v11, v2  }
0x5b5: {  	v0 =	vsub.f32 v44, v35;
	vm10 =	vgt.s32 v15, $0x0;
	v10 =	vsel vm11, $0xFFFFFFFF, v14  }
0x5b6: {  	v12 =	vcvt.s32.f32 v57;
	v7 =	vadd.s32 v10, v7;
	v10 =	vmul.f32 v40, v54  }
0x5b7: {  	v8 =	vnsel vm10, $0x0, v15;
	v15 =	vsub.f32 v41, v31;
	v7 =	vadd.s32 v9, v7  }
0x5b8: {  	v48 =	vmul.f32 v47, v33;
	v0 =	vand.u32 $0x7FFFFFFF, v0;
	[tilespmem:v1+s20+$0x0] =	vst.idx.add.f32.msk $0xffff, v10;
	v1 =	vmul.f32 $2.157385240e-07, v12  }
0x5b9: {  	v6 =	vtrunc.f32 v6;
	v0 =	vmin.f32 v0, $2.300000000e+01;
	v10 =	vand.u32 $0x7FFFFFFF, v15;
	v5 =	vld.idx.msk [tilespmem:v55+s13+$0x0], $0xffff  }
0x5ba: {  	v0 =	vtrunc.f32 v0;
	v10 =	vmin.f32 v10, $2.300000000e+01;
	v1 =	vadd.f32 $-2.232672730e+02, v1  }
0x5bb: {  	v0 =	vcvt.f32.s32 v0;
	v10 =	vtrunc.f32 v10  }
0x5bc: {  	v62 =	vsub.f32 v44, v38;
	[tilespmem:v7+s20+$0x0] =	vst.idx.add.f32.msk $0xffff, v63;
	v59 =	vcvt.f32.s32 v10;
	v1 =	vtrunc.f32 v1  }
0x5bd: {  	v6 =	vcvt.f32.s32 v6;
	v8 =	vmin.u32 v8, $0x18;
	v10 =	vld.idx.msk [tilespmem:v13+s13+$0x0], $0xffff;
	v1 =	vcvt.f32.s32 v1  }
0x5be: {  	v0 =	vshll.u32 v0, $0x5;
	v60 =	vshll.u32 v59, $0x5;
	vm12 =	vlt.f32 v61, v5  }
0x5bf: {  	v2 =	vor.u32 v2, v60;
	v5 =	vsel vm12, $0xFFFFFFFF, v14;
	vm13 =	vgt.s32 v1, $0x0  }
0x5c0: {  	v45 =	vor.u32 v8, v0;
	v0 =	vadd.s32 v5, v2;
	v1 =	vnsel vm13, $0x0, v1  }
0x5c1: {  	s4 =	sadd.s32 $0x20, s1;
	vm14 =	vgt.s32 v6, $0x0;
	v0 =	vadd.s32 v9, v0;
	v1 =	vmin.u32 v1, $0x18  }
0x5c2: {  	p2 =	slt.u32 s4, s0;
	v49 =	vadd.s32 v11, v8;
	vm15 =	vlt.f32 v43, v10;
	v4 =	vadd.s32 v11, v1  }
.Ltmp25:
0x5c3: {  	v63 =	vmul.f32 v40, v33;
	v59 =	vsub.f32 v42, v37;
	v61 =	vsel vm15, $0xFFFFFFFF, v14;
	(pc) =	sbr.rel @!p2 .LBB2_45-.Ltmp25, $4  }
0x5c4: {  	v42 =	vmul.f32 v47, v39;
	v2 =	vnsel vm14, $0x0, v6;
	v3 =	vadd.s32 v61, v3  }
0x5c5: {  	v5 =	vand.u32 $0x7FFFFFFF, v62;
	v53 =	vadd.s32 v9, v3;
	v3 =	vcvt.s32.f32 v59  }
0x5c6: {  	v43 =	vmul.f32 v47, v36;
	v2 =	vmin.u32 v2, $0x18;
	v60 =	vmin.f32 v5, $2.300000000e+01;
	[tilespmem:v0+s20+$0x0] =	vst.idx.add.f32.msk $0xffff, v63  }
0x5c7: {  	s3 =	sadd.s32 $0x20, s23;
	p0 =	por $0x0, $0x0;
	p1 =	por $0x0, $0x0;
	v44 =	vadd.s32 v11, v2;
	v63 =	vsub.f32 v41, v35;
	v61 =	vmul.f32 $2.157385240e-07, v3;
	v58 =	vld.idx.msk [tilespmem:v4+s13+$0x0], $0xffff  }
0x5c8: {  	v0 =	vtrunc.f32 v60;
	v47 =	vld [tilespmem:s3+$0xFFFFFFF0]  }
0x5c9: {  	v51 =	vld [tilespmem:s3+$0x0];
	v3 =	vand.u32 $0x7FFFFFFF, v63;
	v0 =	vcvt.f32.s32 v0  }
0x5ca: {  	[tilespmem:$0x1FE60] =	vst v37;
	v37 =	vmov v36;
	v4 =	vadd.f32 $-2.232672730e+02, v61;
	v3 =	vmin.f32 v3, $2.300000000e+01  }
0x5cb: {  	v10 =	vmul.f32 v40, v37;
	v3 =	vtrunc.f32 v3;
	v0 =	vshll.u32 v0, $0x5  }
0x5cc: {  	v4 =	vtrunc.f32 v4;
	v3 =	vcvt.f32.s32 v3;
	v0 =	vor.u32 v2, v0  }
0x5cd: {  	vm0 =	vlt.f32 v57, v58;
	[tilespmem:$0x1FE40] =	vst v0;
	v0 =	vcvt.f32.s32 v4;
	v5 =	vsub.f32 v47, v17  }
0x5ce: {  	v4 =	vsel vm0, $0xFFFFFFFF, v14;
	v2 =	vshll.u32 v3, $0x5;
	v3 =	vsub.f32 v51, v17  }
0x5cf: {  	v1 =	vor.u32 v1, v2;
	vm11 =	vgt.s32 v0, $0x0;
	v7 =	vcvt.s32.f32 v5  }
0x5d0: {  	v1 =	vadd.s32 v4, v1;
	v0 =	vnsel vm11, $0x0, v0;
	v4 =	vcvt.s32.f32 v3  }
0x5d1: {  	v52 =	vsub.f32 v47, v23;
	v6 =	vadd.s32 v9, v1;
	v0 =	vmin.u32 v0, $0x18  }
0x5d2: {  	v2 =	vmovc v39;
	v39 =	vmovc v38;
	v38 =	vmov v34;
	v7 =	vmul.f32 $2.157385240e-07, v7;
	v4 =	vmul.f32 $2.157385240e-07, v4  }
0x5d3: {  	v34 =	vmovc v54;
	v54 =	vsub.f32 v47, v20;
	v1 =	vsub.f32 v47, v26;
	v8 =	vadd.s32 v11, v0  }
0x5d4: {  	[tilespmem:$0x1FE50] =	vst v35;
	v13 =	vcvt.s32.f32 v52;
	v7 =	vadd.f32 $-2.232672730e+02, v7;
	v4 =	vadd.f32 $-2.232672730e+02, v4  }
0x5d5: {  	[tilespmem:$0x1FE70] =	vst v1;
	v12 =	vcvt.s32.f32 v54;
	v15 =	vcvt.s32.f32 v1  }
0x5d6: {  	s1 =	sadd.s32 $0x20, s24;
	v7 =	vtrunc.f32 v7;
	[tilespmem:v6+s20+$0x0] =	vst.idx.add.f32.msk $0xffff, v10;
	v6 =	vsub.f32 v41, v39;
	v4 =	vtrunc.f32 v4  }
0x5d7: {  	v56 =	vld [tilespmem:s1+$0xFFFFFFF0];
	v15 =	vmul.f32 $2.157385240e-07, v15;
	v4 =	vcvt.f32.s32 v4  }
0x5d8: {  	v10 =	vmul.f32 $2.157385240e-07, v12;
	v7 =	vcvt.f32.s32 v7;
	v8 =	vld.idx.msk [tilespmem:v8+s13+$0x0], $0xffff;
	v6 =	vand.u32 $0x7FFFFFFF, v6  }
0x5d9: {  	v12 =	vmul.f32 $2.157385240e-07, v13;
	v6 =	vmin.f32 v6, $2.300000000e+01;
	vm12 =	vgt.s32 v4, $0x0  }
0x5da: {  	v10 =	vadd.f32 $-2.232672730e+02, v10;
	v6 =	vtrunc.f32 v6;
	v4 =	vnsel vm12, $0x0, v4  }
0x5db: {  	vm1 =	vgt.s32 v7, $0x0;
	v6 =	vcvt.f32.s32 v6;
	v4 =	vmin.u32 v4, $0x18  }
0x5dc: {  	v41 =	vld [tilespmem:s1+$0x0];
	v7 =	vnsel vm1, $0x0, v7;
	v55 =	vsub.f32 v56, v18;
	v13 =	vadd.s32 v11, v4  }
0x5dd: {  	vm13 =	vlt.f32 v59, v8;
	v8 =	vsub.f32 v51, v20;
	v6 =	vshll.u32 v6, $0x5  }
0x5de: {  	v10 =	vtrunc.f32 v10;
	v62 =	vsel vm13, $0xFFFFFFFF, v14;
	v0 =	vor.u32 v0, v6  }
0x5df: {  	v6 =	vmin.u32 v7, $0x18;
	v63 =	vcvt.s32.f32 v8;
	v0 =	vadd.s32 v62, v0  }
0x5e0: {  	v7 =	vcvt.f32.s32 v10;
	v10 =	vadd.s32 v11, v6;
	v0 =	vadd.s32 v9, v0  }
0x5e1: {  	v35 =	vmul.f32 $2.157385240e-07, v63;
	[tilespmem:$0x1FE90] =	vst v0;
	v0 =	vadd.f32 $-2.232672730e+02, v12;
	v12 =	vsub.f32 v41, v18  }
0x5e2: {  	v15 =	vadd.f32 $-2.232672730e+02, v15;
	v57 =	vsub.f32 v56, v21;
	v55 =	vand.u32 $0x7FFFFFFF, v55;
	v13 =	vld.idx.msk [tilespmem:v13+s13+$0x0], $0xffff  }
0x5e3: {  	v1 =	vld [tilespmem:$0x1FFB0];
	v60 =	vmin.f32 v55, $2.300000000e+01;
	v35 =	vadd.f32 $-2.232672730e+02, v35;
	v12 =	vand.u32 $0x7FFFFFFF, v12  }
0x5e4: {  	v59 =	vmul.f32 v40, v2;
	v55 =	vtrunc.f32 v60;
	v12 =	vmin.f32 v12, $2.300000000e+01  }
0x5e5: {  	v61 =	vand.u32 $0x7FFFFFFF, v57;
	v40 =	vtrunc.f32 v35;
	v12 =	vtrunc.f32 v12  }
0x5e6: {  	vm14 =	vgt.s32 v7, $0x0;
	v10 =	vld.idx.msk [tilespmem:v10+s13+$0x0], $0xffff;
	v58 =	vcvt.f32.s32 v40;
	v12 =	vcvt.f32.s32 v12  }
0x5e7: {  	s5 =	sadd.s32 $0x20, s25;
	v55 =	vcvt.f32.s32 v55;
	v7 =	vnsel vm14, $0x0, v7;
	vm15 =	vlt.f32 v3, v13  }
0x5e8: {  	v40 =	vld [tilespmem:s5+$0x0];
	vm4 =	vgt.s32 v58, $0x0;
	v12 =	vshll.u32 v12, $0x5;
	v13 =	vsel vm15, v1, v9  }
0x5e9: {  	v0 =	vtrunc.f32 v0;
	v12 =	vadd.s32 v12, v13;
	v13 =	vnsel vm4, $0x0, v58  }
0x5ea: {  	v0 =	vcvt.f32.s32 v0;
	v4 =	vadd.s32 v4, v12;
	v12 =	vmin.u32 v13, $0x18  }
0x5eb: {  	v3 =	vmin.f32 v61, $2.300000000e+01;
	vm5 =	vlt.f32 v5, v10;
	v10 =	vadd.s32 v11, v12  }
0x5ec: {  	v60 =	vld [tilespmem:s5+$0xFFFFFFF0];
	v61 =	vsub.f32 v51, v23;
	v5 =	vshll.u32 v55, $0x5;
	v13 =	vsel vm5, v1, v9  }
0x5ed: {  	v7 =	vmin.u32 v7, $0x18;
	v35 =	vmul.f32 v40, v19;
	v5 =	vadd.s32 v5, v13  }
0x5ee: {  	vm6 =	vgt.s32 v0, $0x0;
	v57 =	vcvt.s32.f32 v61;
	v5 =	vadd.s32 v6, v5  }
0x5ef: {  	v62 =	vadd.s32 v11, v7;
	v0 =	vnsel vm6, $0x0, v0;
	v58 =	vsub.f32 v41, v21;
	[tilespmem:v4+s20+$0x0] =	vst.idx.add.f32.msk $0xffff, v35  }
0x5f0: {  	v3 =	vtrunc.f32 v3;
	v0 =	vmin.u32 v0, $0x18;
	v63 =	vmul.f32 $2.157385240e-07, v57;
	v10 =	vld.idx.msk [tilespmem:v10+s13+$0x0], $0xffff  }
0x5f1: {  	v3 =	vcvt.f32.s32 v3;
	v13 =	vmul.f32 v60, v19;
	v55 =	vand.u32 $0x7FFFFFFF, v58  }
0x5f2: {  	v55 =	vmin.f32 v55, $2.300000000e+01;
	v63 =	vadd.f32 $-2.232672730e+02, v63;
	v4 =	vsub.f32 v56, v24  }
0x5f3: {  	v3 =	vshll.u32 v3, $0x5;
	[tilespmem:v5+s20+$0x0] =	vst.idx.add.f32.msk $0xffff, v13;
	v13 =	vtrunc.f32 v15;
	v15 =	vtrunc.f32 v55  }
0x5f4: {  	v57 =	vtrunc.f32 v63;
	v4 =	vand.u32 $0x7FFFFFFF, v4;
	v35 =	vld.idx.msk [tilespmem:v62+s13+$0x0], $0xffff;
	v15 =	vcvt.f32.s32 v15  }
0x5f5: {  	v5 =	vadd.s32 v11, v0;
	vm7 =	vlt.f32 v8, v10;
	v8 =	vcvt.f32.s32 v57  }
0x5f6: {  	v4 =	vmin.f32 v4, $2.300000000e+01;
	v15 =	vshll.u32 v15, $0x5;
	v10 =	vsel vm7, $0xFFFFFFFF, v14  }
0x5f7: {  	v4 =	vtrunc.f32 v4;
	v10 =	vadd.s32 v10, v15;
	vm8 =	vgt.s32 v8, $0x0  }
0x5f8: {  	v4 =	vcvt.f32.s32 v4;
	v10 =	vadd.s32 v12, v10;
	v8 =	vnsel vm8, $0x0, v8  }
0x5f9: {  	vm9 =	vlt.f32 v54, v35;
	v10 =	vadd.s32 v9, v10;
	v8 =	vmin.u32 v8, $0x18  }
0x5fa: {  	v4 =	vshll.u32 v4, $0x5;
	v12 =	vsel vm9, $0xFFFFFFFF, v14;
	v15 =	vadd.s32 v11, v8  }
0x5fb: {  	v0 =	vor.u32 v0, v4;
	v4 =	vsub.f32 v51, v26;
	v3 =	vadd.s32 v12, v3  }
0x5fc: {  	v3 =	vadd.s32 v7, v3;
	v7 =	vmul.f32 v40, v22  }
0x5fd: {  	v62 =	vcvt.s32.f32 v4  }
0x5fe: {  	v13 =	vcvt.f32.s32 v13;
	v3 =	vadd.s32 v9, v3;
	[tilespmem:v10+s20+$0x0] =	vst.idx.add.f32.msk $0xffff, v7;
	v7 =	vsub.f32 v41, v24  }
0x5ff: {  	v36 =	vmovc v33;
	v33 =	vsub.f32 v47, v32;
	v58 =	vsub.f32 v56, v27;
	v54 =	vmul.f32 $2.157385240e-07, v62;
	v15 =	vld.idx.msk [tilespmem:v15+s13+$0x0], $0xffff  }
0x600: {  	v6 =	vmul.f32 v60, v22;
	vm10 =	vgt.s32 v13, $0x0;
	v7 =	vand.u32 $0x7FFFFFFF, v7  }
0x601: {  	v12 =	vnsel vm10, $0x0, v13;
	v54 =	vadd.f32 $-2.232672730e+02, v54;
	v7 =	vmin.f32 v7, $2.300000000e+01  }
0x602: {  	v35 =	vand.u32 $0x7FFFFFFF, v58;
	v12 =	vmin.u32 v12, $0x18;
	v7 =	vtrunc.f32 v7  }
0x603: {  	v62 =	vtrunc.f32 v54;
	[tilespmem:v3+s20+$0x0] =	vst.idx.add.f32.msk $0xffff, v6;
	v3 =	vmin.f32 v35, $2.300000000e+01;
	v7 =	vcvt.f32.s32 v7  }
0x604: {  	v5 =	vld.idx.msk [tilespmem:v5+s13+$0x0], $0xffff;
	v3 =	vtrunc.f32 v3;
	vm11 =	vlt.f32 v61, v15;
	v15 =	vcvt.f32.s32 v62  }
0x605: {  	v55 =	vadd.s32 v11, v12;
	v3 =	vcvt.f32.s32 v3;
	v7 =	vshll.u32 v7, $0x5  }
0x606: {  	v54 =	vmovc v34;
	v34 =	vmovc v38;
	v61 =	vsel vm11, $0xFFFFFFFF, v14;
	v7 =	vor.u32 v8, v7;
	vm12 =	vgt.s32 v15, $0x0  }
0x607: {  	v38 =	vmovc v39;
	v39 =	vmovc v2;
	v2 =	vshll.u32 v3, $0x5;
	v7 =	vadd.s32 v61, v7;
	v8 =	vnsel vm12, $0x0, v15  }
0x608: {  	v2 =	vor.u32 v12, v2;
	v7 =	vadd.s32 v9, v7;
	v8 =	vmin.u32 v8, $0x18  }
0x609: {  	v12 =	vsub.f32 v51, v29;
	vm13 =	vlt.f32 v52, v5;
	v3 =	vadd.s32 v11, v8  }
0x60a: {  	v16 =	vsub.f32 v47, v29;
	v63 =	vcvt.s32.f32 v33;
	v5 =	vsel vm13, $0xFFFFFFFF, v14  }
0x60b: {  	v58 =	vmovc v33;
	v35 =	vld [tilespmem:$0x1FE50];
	v15 =	vcvt.s32.f32 v12;
	v0 =	vadd.s32 v5, v0;
	v5 =	vmul.f32 v40, v25  }
0x60c: {  	v33 =	vmovc v36;
	v36 =	vmovc v37;
	v13 =	vcvt.s32.f32 v16;
	v37 =	vld [tilespmem:$0x1FE60];
	v61 =	vsub.f32 v41, v27;
	v0 =	vadd.s32 v9, v0  }
0x60d: {  	[tilespmem:v7+s20+$0x0] =	vst.idx.add.f32.msk $0xffff, v5;
	v7 =	vmul.f32 $2.157385240e-07, v15  }
0x60e: {  	v13 =	vmul.f32 $2.157385240e-07, v13;
	v15 =	vand.u32 $0x7FFFFFFF, v61;
	v3 =	vld.idx.msk [tilespmem:v3+s13+$0x0], $0xffff  }
0x60f: {  	v10 =	vmul.f32 v60, v25;
	v15 =	vmin.f32 v15, $2.300000000e+01;
	v7 =	vadd.f32 $-2.232672730e+02, v7  }
0x610: {  	v13 =	vadd.f32 $-2.232672730e+02, v13;
	v15 =	vtrunc.f32 v15  }
0x611: {  	[tilespmem:v0+s20+$0x0] =	vst.idx.add.f32.msk $0xffff, v10;
	v10 =	vcvt.f32.s32 v15;
	v7 =	vtrunc.f32 v7  }
0x612: {  	v13 =	vtrunc.f32 v13;
	v7 =	vcvt.f32.s32 v7  }
0x613: {  	v13 =	vcvt.f32.s32 v13;
	vm15 =	vlt.f32 v4, v3;
	v3 =	vshll.u32 v10, $0x5  }
0x614: {  	v15 =	vld.idx.msk [tilespmem:v55+s13+$0x0], $0xffff;
	v4 =	vsel vm15, $0xFFFFFFFF, v14;
	v3 =	vor.u32 v8, v3;
	vm4 =	vgt.s32 v7, $0x0  }
0x615: {  	v6 =	vsub.f32 v56, v30;
	v3 =	vadd.s32 v4, v3;
	v4 =	vnsel vm4, $0x0, v7;
	v7 =	vld [tilespmem:$0x1FE70]  }
0x616: {  	vm14 =	vgt.s32 v13, $0x0  }
0x617: {  	v13 =	vnsel vm14, $0x0, v13;
	v52 =	vmul.f32 $2.157385240e-07, v63;
	v5 =	vand.u32 $0x7FFFFFFF, v6  }
0x618: {  	v1 =	vsub.f32 v47, v34;
	v13 =	vmin.u32 v13, $0x18;
	v5 =	vmin.f32 v5, $2.300000000e+01  }
0x619: {  	v6 =	vadd.s32 v11, v13;
	v61 =	vadd.f32 $-2.232672730e+02, v52;
	v5 =	vtrunc.f32 v5  }
0x61a: {  	v52 =	vsub.f32 v56, v31;
	v5 =	vcvt.f32.s32 v5;
	vm5 =	vlt.f32 v7, v15  }
0x61b: {  	v3 =	vadd.s32 v9, v3;
	v4 =	vmin.u32 v4, $0x18;
	v8 =	vsel vm5, $0xFFFFFFFF, v14  }
0x61c: {  	v0 =	vtrunc.f32 v61;
	v7 =	vadd.s32 v11, v4;
	v2 =	vadd.s32 v8, v2  }
0x61d: {  	v5 =	vshll.u32 v5, $0x5;
	v10 =	vsub.f32 v51, v32;
	v2 =	vadd.s32 v9, v2  }
0x61e: {  	v61 =	vsub.f32 v41, v30;
	v5 =	vor.u32 v13, v5;
	v13 =	vmul.f32 v40, v28  }
0x61f: {  	v55 =	vand.u32 $0x7FFFFFFF, v52;
	v0 =	vcvt.f32.s32 v0;
	[tilespmem:$0x1FE80] =	vst v1;
	v52 =	vcvt.s32.f32 v10  }
0x620: {  	v57 =	vmul.f32 v60, v28;
	v61 =	vand.u32 $0x7FFFFFFF, v61;
	[tilespmem:v3+s20+$0x0] =	vst.idx.add.f32.msk $0xffff, v13;
	v8 =	vcvt.s32.f32 v1  }
0x621: {  	vm6 =	vgt.s32 v0, $0x0;
	v52 =	vmul.f32 $2.157385240e-07, v52;
	v3 =	vmin.f32 v55, $2.300000000e+01;
	v7 =	vld.idx.msk [tilespmem:v7+s13+$0x0], $0xffff  }
0x622: {  	v0 =	vnsel vm6, $0x0, v0;
	v3 =	vtrunc.f32 v3;
	v8 =	vmul.f32 $2.157385240e-07, v8;
	[tilespmem:v2+s20+$0x0] =	vst.idx.add.f32.msk $0xffff, v57  }
0x623: {  	v0 =	vmin.u32 v0, $0x18;
	v55 =	vmin.f32 v61, $2.300000000e+01;
	v3 =	vcvt.f32.s32 v3;
	v6 =	vld.idx.msk [tilespmem:v6+s13+$0x0], $0xffff  }
0x624: {  	v52 =	vadd.f32 $-2.232672730e+02, v52;
	v55 =	vtrunc.f32 v55;
	v8 =	vadd.f32 $-2.232672730e+02, v8  }
0x625: {  	v13 =	vadd.s32 v11, v0;
	v2 =	vshll.u32 v3, $0x5;
	v3 =	vcvt.f32.s32 v55  }
0x626: {  	v1 =	vtrunc.f32 v8;
	v8 =	vtrunc.f32 v52;
	v0 =	vor.u32 v0, v2  }
0x627: {  	v2 =	vcvt.f32.s32 v8;
	vm7 =	vlt.f32 v12, v7;
	v3 =	vshll.u32 v3, $0x5  }
0x628: {  	[tilespmem:v53+s20+$0x0] =	vst.idx.add.f32.msk $0xffff, v48;
	v8 =	vsel vm7, $0xFFFFFFFF, v14;
	v3 =	vor.u32 v4, v3;
	vm10 =	vlt.f32 v16, v6  }
0x629: {  	vm8 =	vgt.s32 v2, $0x0;
	v4 =	vld.idx.msk [tilespmem:v49+s13+$0x0], $0xffff;
	v3 =	vadd.s32 v8, v3;
	v8 =	vsel vm10, $0xFFFFFFFF, v14  }
0x62a: {  	v2 =	vnsel vm8, $0x0, v2;
	v3 =	vadd.s32 v9, v3;
	v5 =	vadd.s32 v8, v5  }
0x62b: {  	v57 =	vsub.f32 v51, v34;
	v2 =	vmin.u32 v2, $0x18;
	v5 =	vadd.s32 v9, v5  }
0x62c: {  	v6 =	vadd.s32 v11, v2  }
0x62d: {  	v47 =	vsub.f32 v47, v37;
	v12 =	vcvt.s32.f32 v57;
	v8 =	vmul.f32 v40, v54  }
0x62e: {  	v63 =	vsub.f32 v41, v31;
	v15 =	vmul.f32 v60, v54;
	vm11 =	vlt.f32 v46, v4  }
0x62f: {  	v7 =	vcvt.s32.f32 v47;
	[tilespmem:v3+s20+$0x0] =	vst.idx.add.f32.msk $0xffff, v8;
	v8 =	vmul.f32 $2.157385240e-07, v12;
	v12 =	vsel vm11, $0xFFFFFFFF, v14  }
0x630: {  	[tilespmem:v5+s20+$0x0] =	vst.idx.add.f32.msk $0xffff, v15;
	v5 =	vadd.s32 v12, v45  }
0x631: {  	v7 =	vmul.f32 $2.157385240e-07, v7;
	v4 =	vld.idx.msk [tilespmem:v6+s13+$0x0], $0xffff;
	v6 =	vand.u32 $0x7FFFFFFF, v63;
	v5 =	vadd.s32 v9, v5  }
0x632: {  	v61 =	vsub.f32 v56, v35;
	v1 =	vcvt.f32.s32 v1;
	v6 =	vmin.f32 v6, $2.300000000e+01  }
0x633: {  	v7 =	vadd.f32 $-2.232672730e+02, v7;
	v6 =	vtrunc.f32 v6  }
0x634: {  	v62 =	vand.u32 $0x7FFFFFFF, v61;
	vm9 =	vgt.s32 v1, $0x0;
	v6 =	vcvt.f32.s32 v6  }
0x635: {  	v1 =	vnsel vm9, $0x0, v1;
	v7 =	vtrunc.f32 v7;
	v8 =	vadd.f32 $-2.232672730e+02, v8  }
0x636: {  	v3 =	vmin.f32 v62, $2.300000000e+01;
	vm12 =	vlt.f32 v10, v4;
	v4 =	vshll.u32 v6, $0x5;
	[tilespmem:v5+s20+$0x0] =	vst.idx.add.f32.msk $0xffff, v43  }
0x637: {  	v3 =	vtrunc.f32 v3;
	v8 =	vtrunc.f32 v8;
	v2 =	vor.u32 v2, v4;
	v4 =	vld [tilespmem:$0x1FE90]  }
0x638: {  	v1 =	vmin.u32 v1, $0x18;
	v3 =	vcvt.f32.s32 v3;
	v8 =	vcvt.f32.s32 v8  }
0x639: {  	v49 =	vadd.s32 v11, v1;
	v7 =	vcvt.f32.s32 v7;
	v12 =	vld.idx.msk [tilespmem:v13+s13+$0x0], $0xffff  }
0x63a: {  	v3 =	vshll.u32 v3, $0x5;
	v6 =	vsel vm12, $0xFFFFFFFF, v14;
	vm13 =	vgt.s32 v8, $0x0  }
0x63b: {  	v45 =	vor.u32 v1, v3;
	v1 =	vadd.s32 v6, v2;
	v2 =	vnsel vm13, $0x0, v8  }
0x63c: {  	v3 =	vadd.s32 v9, v1;
	v1 =	vmin.u32 v2, $0x18  }
0x63d: {  	s4 =	sadd.s32 $0x20, s4;
	vm14 =	vgt.s32 v7, $0x0;
	v5 =	vadd.s32 v11, v1  }
0x63e: {  	p2 =	slt.u32 s4, s0;
	v48 =	vmul.f32 v60, v33;
	v2 =	vnsel vm14, $0x0, v7;
	vm15 =	vlt.f32 v58, v12  }
.Ltmp26:
0x63f: {  	v7 =	vmul.f32 v40, v33;
	[tilespmem:v4+s20+$0x0] =	vst.idx.add.f32.msk $0xffff, v59;
	v4 =	vsel vm15, $0xFFFFFFFF, v14;
	v59 =	vsub.f32 v51, v37;
	(pc) =	sbr.rel @!p2 .LBB2_47-.Ltmp26, $4  }
0x640: {  	v63 =	vsub.f32 v41, v35;
	v6 =	vsub.f32 v56, v38;
	v0 =	vadd.s32 v4, v0  }
0x641: {  	v43 =	vmul.f32 v60, v36;
	[tilespmem:v3+s20+$0x0] =	vst.idx.add.f32.msk $0xffff, v7;
	v53 =	vadd.s32 v9, v0;
	v0 =	vcvt.s32.f32 v59  }
0x642: {  	v2 =	vmin.u32 v2, $0x18;
	v6 =	vand.u32 $0x7FFFFFFF, v6;
	v58 =	vld.idx.msk [tilespmem:v5+s13+$0x0], $0xffff;
	v51 =	vmul.f32 v60, v39  }
0x643: {  	s6 =	sadd.s32 $0x20, s3;
	p0 =	por $0x1, $0x1;
	v60 =	vmin.f32 v6, $2.300000000e+01;
	v4 =	vld.idx.msk [tilespmem:v44+s13+$0x0], $0xffff;
	v44 =	vadd.s32 v11, v2;
	v61 =	vmul.f32 $2.157385240e-07, v0  }
0x644: {  	v0 =	vtrunc.f32 v60  }
0x645: {  	v0 =	vcvt.f32.s32 v0;
	_ =	sdelay $0x1  }
0x646: {  	v56 =	vld [tilespmem:s6+$0x0];
	v0 =	vshll.u32 v0, $0x5  }
0x647: {  	v52 =	vor.u32 v2, v0;
	v2 =	vld [tilespmem:$0x1FE40]  }
0x648: {  	v3 =	vand.u32 $0x7FFFFFFF, v63;
	vm0 =	vlt.f32 v50, v4;
	v4 =	vadd.f32 $-2.232672730e+02, v61;
	v50 =	vld [tilespmem:s6+$0xFFFFFFF0]  }
0x649: {  	v3 =	vmin.f32 v3, $2.300000000e+01  }
0x64a: {  	v41 =	vsub.f32 v41, v38;
	v3 =	vtrunc.f32 v3;
	v4 =	vtrunc.f32 v4  }
0x64b: {  	v3 =	vcvt.f32.s32 v3;
	v5 =	vsel vm0, $0xFFFFFFFF, v14;
	v0 =	vcvt.f32.s32 v4  }
0x64c: {  	vm10 =	vlt.f32 v57, v58;
	v4 =	vsub.f32 v56, v17;
	v2 =	vadd.s32 v5, v2  }
0x64d: {  	vm11 =	vgt.s32 v0, $0x0;
	v5 =	vsub.f32 v50, v17;
	[tilespmem:$0x1FE30] =	vst v2;
	v2 =	vshll.u32 v3, $0x5  }
0x64e: {  	v3 =	vsel vm10, $0xFFFFFFFF, v14;
	v0 =	vnsel vm11, $0x0, v0;
	v1 =	vor.u32 v1, v2  }
0x64f: {  	s3 =	sadd.s32 $0x20, s1;
	v7 =	vcvt.s32.f32 v5;
	v1 =	vadd.s32 v3, v1;
	v3 =	vcvt.s32.f32 v4  }
0x650: {  	v55 =	vsub.f32 v50, v20;
	v0 =	vmin.u32 v0, $0x18;
	v60 =	vld [tilespmem:s3+$0xFFFFFFF0];
	v6 =	vadd.s32 v9, v1  }
0x651: {  	v8 =	vadd.s32 v11, v0;
	v7 =	vmul.f32 $2.157385240e-07, v7;
	v3 =	vmul.f32 $2.157385240e-07, v3  }
0x652: {  	v10 =	vmul.f32 v40, v36;
	v57 =	vsub.f32 v50, v23;
	v58 =	vsub.f32 v50, v26  }
0x653: {  	v12 =	vcvt.s32.f32 v55;
	v7 =	vadd.f32 $-2.232672730e+02, v7;
	v3 =	vadd.f32 $-2.232672730e+02, v3  }
0x654: {  	v61 =	vsub.f32 v50, v29;
	v13 =	vcvt.s32.f32 v57;
	v15 =	vcvt.s32.f32 v58  }
0x655: {  	v46 =	vsub.f32 v60, v18;
	v7 =	vtrunc.f32 v7;
	[tilespmem:v6+s20+$0x0] =	vst.idx.add.f32.msk $0xffff, v10;
	v3 =	vtrunc.f32 v3  }
0x656: {  	v6 =	vmul.f32 $2.157385240e-07, v12;
	v10 =	vand.u32 $0x7FFFFFFF, v41;
	v8 =	vld.idx.msk [tilespmem:v8+s13+$0x0], $0xffff;
	v3 =	vcvt.f32.s32 v3  }
0x657: {  	v7 =	vcvt.f32.s32 v7;
	v12 =	vmul.f32 $2.157385240e-07, v13;
	v10 =	vmin.f32 v10, $2.300000000e+01  }
0x658: {  	v6 =	vadd.f32 $-2.232672730e+02, v6;
	v10 =	vtrunc.f32 v10;
	vm12 =	vgt.s32 v3, $0x0  }
0x659: {  	vm1 =	vgt.s32 v7, $0x0;
	v10 =	vcvt.f32.s32 v10;
	v3 =	vnsel vm12, $0x0, v3  }
0x65a: {  	v2 =	vadd.f32 $-2.232672730e+02, v12;
	v12 =	vmul.f32 $2.157385240e-07, v15;
	v3 =	vmin.u32 v3, $0x18  }
0x65b: {  	v41 =	vld [tilespmem:s3+$0x0];
	vm13 =	vlt.f32 v59, v8;
	v8 =	vshll.u32 v10, $0x5;
	v10 =	vsub.f32 v56, v20  }
0x65c: {  	v7 =	vnsel vm1, $0x0, v7;
	v6 =	vtrunc.f32 v6;
	v13 =	vadd.s32 v11, v3  }
0x65d: {  	v59 =	vsel vm13, $0xFFFFFFFF, v14;
	v0 =	vor.u32 v0, v8;
	v63 =	vcvt.s32.f32 v10  }
0x65e: {  	v7 =	vmin.u32 v7, $0x18;
	v2 =	vtrunc.f32 v2;
	v0 =	vadd.s32 v59, v0  }
0x65f: {  	v6 =	vcvt.f32.s32 v6;
	v0 =	vadd.s32 v9, v0;
	v59 =	vmul.f32 $2.157385240e-07, v63  }
0x660: {  	v15 =	vsub.f32 v41, v18;
	v8 =	vadd.s32 v11, v7;
	[tilespmem:$0x1FE10] =	vst v0;
	v0 =	vmul.f32 v40, v39  }
0x661: {  	v40 =	vadd.f32 $-2.232672730e+02, v59;
	v59 =	vand.u32 $0x7FFFFFFF, v46;
	v46 =	vsub.f32 v60, v21  }
0x662: {  	v62 =	vsub.f32 v50, v32;
	v12 =	vadd.f32 $-2.232672730e+02, v12;
	v2 =	vcvt.f32.s32 v2;
	v13 =	vld.idx.msk [tilespmem:v13+s13+$0x0], $0xffff  }
0x663: {  	vm14 =	vgt.s32 v6, $0x0;
	v15 =	vand.u32 $0x7FFFFFFF, v15;
	v63 =	vand.u32 $0x7FFFFFFF, v46;
	v46 =	vld [tilespmem:$0x1FFB0]  }
0x664: {  	vm6 =	vgt.s32 v2, $0x0;
	v6 =	vnsel vm14, $0x0, v6;
	v15 =	vmin.f32 v15, $2.300000000e+01  }
0x665: {  	v2 =	vnsel vm6, $0x0, v2;
	v15 =	vtrunc.f32 v15;
	[tilespmem:$0x1FE20] =	vst v0;
	v40 =	vtrunc.f32 v40  }
0x666: {  	v6 =	vmin.u32 v6, $0x18;
	v15 =	vcvt.f32.s32 v15;
	v8 =	vld.idx.msk [tilespmem:v8+s13+$0x0], $0xffff;
	v0 =	vcvt.f32.s32 v40  }
0x667: {  	s1 =	sadd.s32 $0x20, s5;
	v2 =	vmin.u32 v2, $0x18;
	v59 =	vmin.f32 v59, $2.300000000e+01;
	vm15 =	vlt.f32 v4, v13  }
0x668: {  	v40 =	vld [tilespmem:s1+$0x0];
	v4 =	vshll.u32 v15, $0x5;
	vm4 =	vgt.s32 v0, $0x0;
	v13 =	vsel vm15, v46, v9  }
0x669: {  	v59 =	vtrunc.f32 v59;
	v0 =	vnsel vm4, $0x0, v0;
	v4 =	vadd.s32 v4, v13  }
0x66a: {  	v15 =	vcvt.f32.s32 v59;
	v0 =	vmin.u32 v0, $0x18;
	v3 =	vadd.s32 v3, v4  }
0x66b: {  	v16 =	vmovc v39;
	v1 =	vmin.f32 v63, $2.300000000e+01;
	vm5 =	vlt.f32 v5, v8;
	v5 =	vadd.s32 v11, v0  }
0x66c: {  	v39 =	vmovc v38;
	v38 =	vmovc v36;
	v63 =	vld [tilespmem:s1+$0xFFFFFFF0];
	v8 =	vsel vm5, v46, v9;
	v13 =	vsub.f32 v56, v23;
	v4 =	vshll.u32 v15, $0x5  }
0x66d: {  	v36 =	vmovc v35;
	v35 =	vmovc v34;
	v1 =	vtrunc.f32 v1;
	v4 =	vadd.s32 v4, v8;
	v8 =	vmul.f32 v40, v19  }
0x66e: {  	v34 =	vmovc v33;
	v33 =	vmovc v31;
	v1 =	vcvt.f32.s32 v1;
	v59 =	vcvt.s32.f32 v13;
	v4 =	vadd.s32 v7, v4  }
0x66f: {  	v31 =	vmov v54;
	v54 =	vadd.s32 v11, v6;
	[tilespmem:v3+s20+$0x0] =	vst.idx.add.f32.msk $0xffff, v8;
	v8 =	vsub.f32 v41, v21  }
0x670: {  	v1 =	vshll.u32 v1, $0x5;
	v59 =	vmul.f32 $2.157385240e-07, v59;
	v3 =	vsub.f32 v60, v24;
	v5 =	vld.idx.msk [tilespmem:v5+s13+$0x0], $0xffff  }
0x671: {  	v46 =	vmul.f32 v63, v22;
	v15 =	vmul.f32 v63, v19;
	v8 =	vand.u32 $0x7FFFFFFF, v8  }
0x672: {  	v59 =	vadd.f32 $-2.232672730e+02, v59;
	v3 =	vand.u32 $0x7FFFFFFF, v3;
	v8 =	vmin.f32 v8, $2.300000000e+01  }
0x673: {  	[tilespmem:v4+s20+$0x0] =	vst.idx.add.f32.msk $0xffff, v15;
	v4 =	vtrunc.f32 v12;
	v3 =	vmin.f32 v3, $2.300000000e+01;
	v8 =	vtrunc.f32 v8  }
0x674: {  	v7 =	vadd.s32 v11, v2;
	v12 =	vld.idx.msk [tilespmem:v54+s13+$0x0], $0xffff;
	v3 =	vtrunc.f32 v3;
	v8 =	vcvt.f32.s32 v8  }
0x675: {  	v59 =	vtrunc.f32 v59;
	v3 =	vcvt.f32.s32 v3;
	vm7 =	vlt.f32 v10, v5  }
0x676: {  	v5 =	vcvt.f32.s32 v59;
	v10 =	vsel vm7, $0xFFFFFFFF, v14;
	v8 =	vshll.u32 v8, $0x5  }
0x677: {  	v15 =	vsub.f32 v60, v27;
	v4 =	vcvt.f32.s32 v4;
	v8 =	vadd.s32 v10, v8  }
0x678: {  	v3 =	vshll.u32 v3, $0x5;
	vm8 =	vgt.s32 v5, $0x0;
	v0 =	vadd.s32 v0, v8  }
0x679: {  	vm9 =	vlt.f32 v55, v12;
	v5 =	vnsel vm8, $0x0, v5;
	v0 =	vadd.s32 v9, v0  }
0x67a: {  	v2 =	vor.u32 v2, v3;
	v8 =	vsel vm9, $0xFFFFFFFF, v14;
	v5 =	vmin.u32 v5, $0x18  }
0x67b: {  	v1 =	vadd.s32 v8, v1;
	v8 =	vsub.f32 v56, v26;
	v3 =	vadd.s32 v11, v5  }
0x67c: {  	v54 =	vmul.f32 v63, v25;
	v1 =	vadd.s32 v6, v1;
	v6 =	vmul.f32 v40, v22  }
0x67d: {  	v15 =	vand.u32 $0x7FFFFFFF, v15;
	v1 =	vadd.s32 v9, v1;
	v12 =	vcvt.s32.f32 v8  }
0x67e: {  	vm10 =	vgt.s32 v4, $0x0;
	v15 =	vmin.f32 v15, $2.300000000e+01;
	[tilespmem:v0+s20+$0x0] =	vst.idx.add.f32.msk $0xffff, v6;
	v0 =	vsub.f32 v41, v24  }
0x67f: {  	v4 =	vnsel vm10, $0x0, v4;
	v10 =	vcvt.s32.f32 v61;
	v12 =	vmul.f32 $2.157385240e-07, v12  }
0x680: {  	v59 =	vmul.f32 v63, v28;
	v15 =	vtrunc.f32 v15;
	v3 =	vld.idx.msk [tilespmem:v3+s13+$0x0], $0xffff;
	v0 =	vand.u32 $0x7FFFFFFF, v0  }
0x681: {  	v10 =	vmul.f32 $2.157385240e-07, v10;
	v12 =	vadd.f32 $-2.232672730e+02, v12;
	v0 =	vmin.f32 v0, $2.300000000e+01  }
0x682: {  	v4 =	vmin.u32 v4, $0x18;
	v55 =	vcvt.s32.f32 v62;
	[tilespmem:v1+s20+$0x0] =	vst.idx.add.f32.msk $0xffff, v46;
	v0 =	vtrunc.f32 v0  }
0x683: {  	v10 =	vadd.f32 $-2.232672730e+02, v10;
	v12 =	vtrunc.f32 v12;
	v7 =	vld.idx.msk [tilespmem:v7+s13+$0x0], $0xffff;
	v0 =	vcvt.f32.s32 v0  }
0x684: {  	v6 =	vadd.s32 v11, v4;
	v1 =	vsub.f32 v60, v30;
	v12 =	vcvt.f32.s32 v12  }
0x685: {  	vm11 =	vlt.f32 v13, v3;
	v3 =	vtrunc.f32 v10;
	v0 =	vshll.u32 v0, $0x5  }
0x686: {  	vm12 =	vgt.s32 v12, $0x0;
	v10 =	vsel vm11, $0xFFFFFFFF, v14;
	v0 =	vor.u32 v5, v0  }
0x687: {  	v3 =	vcvt.f32.s32 v3;
	v5 =	vcvt.f32.s32 v15;
	v0 =	vadd.s32 v10, v0  }
0x688: {  	vm13 =	vlt.f32 v57, v7;
	v10 =	vnsel vm12, $0x0, v12;
	v0 =	vadd.s32 v9, v0  }
0x689: {  	v12 =	vsel vm13, $0xFFFFFFFF, v14;
	v10 =	vmin.u32 v10, $0x18;
	v5 =	vshll.u32 v5, $0x5  }
0x68a: {  	v7 =	vadd.s32 v11, v10;
	v4 =	vor.u32 v4, v5;
	v5 =	vsub.f32 v56, v29  }
0x68b: {  	v15 =	vmul.f32 $2.157385240e-07, v55;
	v2 =	vadd.s32 v12, v2;
	v12 =	vmul.f32 v40, v25  }
0x68c: {  	v57 =	vsub.f32 v41, v27;
	v2 =	vadd.s32 v9, v2;
	v13 =	vcvt.s32.f32 v5  }
0x68d: {  	v46 =	vsub.f32 v50, v35;
	vm14 =	vgt.s32 v3, $0x0;
	[tilespmem:v0+s20+$0x0] =	vst.idx.add.f32.msk $0xffff, v12;
	v0 =	vand.u32 $0x7FFFFFFF, v1  }
0x68e: {  	v12 =	vmul.f32 $2.157385240e-07, v13;
	v13 =	vadd.f32 $-2.232672730e+02, v15;
	v15 =	vand.u32 $0x7FFFFFFF, v57  }
0x68f: {  	v3 =	vnsel vm14, $0x0, v3;
	v7 =	vld.idx.msk [tilespmem:v7+s13+$0x0], $0xffff;
	v0 =	vmin.f32 v0, $2.300000000e+01;
	v15 =	vmin.f32 v15, $2.300000000e+01  }
0x690: {  	v0 =	vtrunc.f32 v0;
	v12 =	vadd.f32 $-2.232672730e+02, v12;
	v15 =	vtrunc.f32 v15  }
0x691: {  	v3 =	vmin.u32 v3, $0x18;
	[tilespmem:v2+s20+$0x0] =	vst.idx.add.f32.msk $0xffff, v54;
	v13 =	vtrunc.f32 v13;
	v2 =	vcvt.f32.s32 v15  }
0x692: {  	v1 =	vadd.s32 v11, v3;
	v6 =	vld.idx.msk [tilespmem:v6+s13+$0x0], $0xffff;
	v0 =	vcvt.f32.s32 v0;
	v12 =	vtrunc.f32 v12  }
0x693: {  	v57 =	vsub.f32 v60, v33;
	v13 =	vcvt.f32.s32 v13;
	v12 =	vcvt.f32.s32 v12  }
0x694: {  	v2 =	vshll.u32 v2, $0x5;
	v0 =	vshll.u32 v0, $0x5;
	vm15 =	vlt.f32 v8, v7  }
0x695: {  	v2 =	vor.u32 v10, v2;
	v7 =	vsel vm15, $0xFFFFFFFF, v14;
	vm4 =	vgt.s32 v12, $0x0  }
0x696: {  	v0 =	vor.u32 v3, v0;
	v2 =	vadd.s32 v7, v2;
	v7 =	vnsel vm4, $0x0, v12  }
0x697: {  	vm5 =	vlt.f32 v58, v6;
	v2 =	vadd.s32 v9, v2;
	v3 =	vmin.u32 v7, $0x18  }
0x698: {  	v15 =	vand.u32 $0x7FFFFFFF, v57;
	v7 =	vsel vm5, $0xFFFFFFFF, v14;
	v6 =	vadd.s32 v11, v3  }
0x699: {  	vm6 =	vgt.s32 v13, $0x0;
	v10 =	vsub.f32 v56, v32;
	v4 =	vadd.s32 v7, v4  }
0x69a: {  	v12 =	vmul.f32 v40, v28;
	v7 =	vcvt.s32.f32 v46;
	v4 =	vadd.s32 v9, v4  }
0x69b: {  	v8 =	vnsel vm6, $0x0, v13;
	v58 =	vsub.f32 v41, v30;
	v57 =	vcvt.s32.f32 v10  }
0x69c: {  	v8 =	vmin.u32 v8, $0x18;
	v7 =	vmul.f32 $2.157385240e-07, v7;
	[tilespmem:v2+s20+$0x0] =	vst.idx.add.f32.msk $0xffff, v12;
	v2 =	vmin.f32 v15, $2.300000000e+01  }
0x69d: {  	v15 =	vmul.f32 $2.157385240e-07, v57;
	v57 =	vand.u32 $0x7FFFFFFF, v58;
	v6 =	vld.idx.msk [tilespmem:v6+s13+$0x0], $0xffff;
	v2 =	vtrunc.f32 v2  }
0x69e: {  	v7 =	vadd.f32 $-2.232672730e+02, v7;
	v54 =	vmin.f32 v57, $2.300000000e+01;
	v2 =	vcvt.f32.s32 v2  }
0x69f: {  	v12 =	vadd.s32 v11, v8;
	v15 =	vadd.f32 $-2.232672730e+02, v15;
	v54 =	vtrunc.f32 v54;
	[tilespmem:v4+s20+$0x0] =	vst.idx.add.f32.msk $0xffff, v59  }
0x6a0: {  	v7 =	vtrunc.f32 v7;
	v4 =	vcvt.f32.s32 v54;
	v1 =	vld.idx.msk [tilespmem:v1+s13+$0x0], $0xffff;
	v2 =	vshll.u32 v2, $0x5  }
0x6a1: {  	v15 =	vtrunc.f32 v15;
	v8 =	vor.u32 v8, v2;
	v2 =	vcvt.f32.s32 v7  }
0x6a2: {  	v7 =	vcvt.f32.s32 v15;
	v4 =	vshll.u32 v4, $0x5;
	vm7 =	vlt.f32 v5, v6  }
0x6a3: {  	[tilespmem:v53+s20+$0x0] =	vst.idx.add.f32.msk $0xffff, v48;
	v50 =	vsub.f32 v50, v37;
	v3 =	vor.u32 v3, v4;
	v5 =	vsel vm7, $0xFFFFFFFF, v14  }
0x6a4: {  	v13 =	vmul.f32 v63, v31;
	vm8 =	vgt.s32 v7, $0x0;
	v3 =	vadd.s32 v5, v3;
	v5 =	vld.idx.msk [tilespmem:v49+s13+$0x0], $0xffff  }
0x6a5: {  	v15 =	vcvt.s32.f32 v50;
	v4 =	vnsel vm8, $0x0, v7;
	vm10 =	vlt.f32 v61, v1;
	v61 =	vld [tilespmem:$0x1FE80]  }
0x6a6: {  	v3 =	vadd.s32 v9, v3;
	v4 =	vmin.u32 v4, $0x18;
	v6 =	vsel vm10, $0xFFFFFFFF, v14  }
0x6a7: {  	v57 =	vsub.f32 v56, v35;
	v1 =	vadd.s32 v11, v4;
	v0 =	vadd.s32 v6, v0  }
0x6a8: {  	v59 =	vsub.f32 v41, v33;
	v7 =	vmul.f32 $2.157385240e-07, v15;
	v0 =	vadd.s32 v9, v0  }
0x6a9: {  	v15 =	vcvt.s32.f32 v57;
	v6 =	vmul.f32 v40, v31  }
0x6aa: {  	vm11 =	vlt.f32 v61, v5;
	v5 =	vadd.f32 $-2.232672730e+02, v7;
	v7 =	vand.u32 $0x7FFFFFFF, v59  }
0x6ab: {  	[tilespmem:v3+s20+$0x0] =	vst.idx.add.f32.msk $0xffff, v6;
	v6 =	vmul.f32 $2.157385240e-07, v15;
	v15 =	vsel vm11, $0xFFFFFFFF, v14;
	v7 =	vmin.f32 v7, $2.300000000e+01  }
0x6ac: {  	v55 =	vsub.f32 v60, v36;
	v1 =	vld.idx.msk [tilespmem:v1+s13+$0x0], $0xffff;
	v7 =	vtrunc.f32 v7;
	v15 =	vadd.s32 v15, v45  }
0x6ad: {  	v6 =	vadd.f32 $-2.232672730e+02, v6;
	[tilespmem:v0+s20+$0x0] =	vst.idx.add.f32.msk $0xffff, v13;
	v0 =	vcvt.f32.s32 v7;
	v7 =	vadd.s32 v9, v15;
	_ =	sdelay $0x1  }
0x6ae: {  	v58 =	vand.u32 $0x7FFFFFFF, v55;
	vm9 =	vgt.s32 v2, $0x0;
	v6 =	vtrunc.f32 v6  }
0x6af: {  	v2 =	vnsel vm9, $0x0, v2;
	v3 =	vmin.f32 v58, $2.300000000e+01;
	v6 =	vcvt.f32.s32 v6  }
0x6b0: {  	v3 =	vtrunc.f32 v3;
	v12 =	vld.idx.msk [tilespmem:v12+s13+$0x0], $0xffff;
	v0 =	vshll.u32 v0, $0x5;
	vm12 =	vlt.f32 v10, v1  }
0x6b1: {  	v0 =	vor.u32 v4, v0;
	v1 =	vsel vm12, $0xFFFFFFFF, v14;
	vm13 =	vgt.s32 v6, $0x0;
	[tilespmem:v7+s20+$0x0] =	vst.idx.add.f32.msk $0xffff, v43  }
0x6b2: {  	v5 =	vtrunc.f32 v5;
	v0 =	vadd.s32 v1, v0;
	v1 =	vnsel vm13, $0x0, v6;
	v6 =	vld [tilespmem:$0x1FE10]  }
0x6b3: {  	v2 =	vmin.u32 v2, $0x18;
	v3 =	vcvt.f32.s32 v3;
	v5 =	vcvt.f32.s32 v5  }
0x6b4: {  	v49 =	vadd.s32 v11, v2;
	v0 =	vadd.s32 v9, v0  }
0x6b5: {  	v3 =	vshll.u32 v3, $0x5;
	vm14 =	vgt.s32 v5, $0x0;
	vm15 =	vlt.f32 v62, v12;
	v10 =	vld [tilespmem:$0x1FE20]  }
0x6b6: {  	v45 =	vor.u32 v2, v3;
	v2 =	vnsel vm14, $0x0, v5;
	v5 =	vsel vm15, $0xFFFFFFFF, v14  }
0x6b7: {  	v5 =	vadd.s32 v5, v8;
	v8 =	vmul.f32 v40, v34;
	_ =	sdelay $0x1  }
0x6b8: {  	[tilespmem:v0+s20+$0x0] =	vst.idx.add.f32.msk $0xffff, v8  }
0x6b9: {  	s4 =	sadd.s32 $0x20, s4;
	v1 =	vmin.u32 v1, $0x18;
	[tilespmem:v6+s20+$0x0] =	vst.idx.add.f32.msk $0xffff, v10  }
0x6ba: {  	p2 =	slt.u32 s4, s0;
	v3 =	vadd.s32 v11, v1;
	v0 =	vld [tilespmem:$0x1FE30]  }
.Ltmp27:
0x6bb: {  	v48 =	vmul.f32 v63, v34;
	v59 =	vsub.f32 v56, v37;
	(pc) =	sbr.rel @!p2 .LBB2_49-.Ltmp27, $4  }
0x6bc: {  	v2 =	vmin.u32 v2, $0x18;
	v43 =	vmul.f32 v63, v38;
	v7 =	vsub.f32 v60, v39  }
0x6bd: {  	v4 =	vld.idx.msk [tilespmem:v44+s13+$0x0], $0xffff;
	v44 =	vadd.s32 v11, v2;
	v53 =	vadd.s32 v9, v5;
	v5 =	vcvt.s32.f32 v59  }
0x6be: {  	v7 =	vand.u32 $0x7FFFFFFF, v7;
	v6 =	vmul.f32 v63, v16;
	v63 =	vsub.f32 v41, v36  }
0x6bf: {  	s5 =	sadd.s32 $0x20, s6;
	p1 =	por $0x1, $0x1;
	v60 =	vmin.f32 v7, $2.300000000e+01;
	v61 =	vmul.f32 $2.157385240e-07, v5;
	v58 =	vld.idx.msk [tilespmem:v3+s13+$0x0], $0xffff;
	v56 =	vadd.s32 v9, v0  }
.LBB2_50:
0x6c0: {  	v0 =	vtrunc.f32 v60;
	v3 =	vand.u32 $0x7FFFFFFF, v63  }
0x6c1: {  	v0 =	vcvt.f32.s32 v0;
	v3 =	vmin.f32 v3, $2.300000000e+01  }
0x6c2: {  	v54 =	vld [tilespmem:s5+$0x0];
	v3 =	vtrunc.f32 v3;
	vm0 =	vlt.f32 v47, v4;
	v4 =	vadd.f32 $-2.232672730e+02, v61  }
0x6c3: {  	v0 =	vshll.u32 v0, $0x5;
	v47 =	vmov v50;
	v50 =	vld [tilespmem:s5+$0xFFFFFFF0];
	v3 =	vcvt.f32.s32 v3  }
0x6c4: {  	vm10 =	vlt.f32 v57, v58;
	v5 =	vsel vm0, $0xFFFFFFFF, v14;
	v4 =	vtrunc.f32 v4  }
0x6c5: {  	v55 =	vadd.s32 v5, v52;
	v52 =	vor.u32 v2, v0;
	v2 =	vshll.u32 v3, $0x5  }
0x6c6: {  	v3 =	vsel vm10, $0xFFFFFFFF, v14;
	v4 =	vcvt.f32.s32 v4;
	v1 =	vor.u32 v1, v2  }
0x6c7: {  	v0 =	vsub.f32 v54, v17;
	v1 =	vadd.s32 v3, v1  }
0x6c8: {  	[tilespmem:v53+s20+$0x0] =	vst.idx.add.f32.msk $0xffff, v48;
	vm11 =	vgt.s32 v4, $0x0;
	v2 =	vsub.f32 v50, v17;
	v5 =	vadd.s32 v9, v1  }
0x6c9: {  	v8 =	vmul.f32 v40, v38;
	v53 =	vld.idx.msk [tilespmem:v49+s13+$0x0], $0xffff;
	v3 =	vnsel vm11, $0x0, v4;
	v4 =	vcvt.s32.f32 v0  }
0x6ca: {  	[tilespmem:v56+s20+$0x0] =	vst.idx.add.f32.msk $0xffff, v42;
	v42 =	vmovc v51;
	v51 =	vmov v6;
	v3 =	vmin.u32 v3, $0x18;
	v6 =	vcvt.s32.f32 v2  }
0x6cb: {  	v1 =	vsub.f32 v50, v20;
	v7 =	vadd.s32 v11, v3;
	v4 =	vmul.f32 $2.157385240e-07, v4  }
0x6cc: {  	v57 =	vsub.f32 v50, v23;
	v49 =	vsub.f32 v50, v26;
	v6 =	vmul.f32 $2.157385240e-07, v6  }
0x6cd: {  	v10 =	vcvt.s32.f32 v1;
	v4 =	vadd.f32 $-2.232672730e+02, v4;
	[tilespmem:v5+s20+$0x0] =	vst.idx.add.f32.msk $0xffff, v8;
	v5 =	vsub.f32 v41, v39  }
0x6ce: {  	v12 =	vcvt.s32.f32 v57;
	v13 =	vcvt.s32.f32 v49;
	v6 =	vadd.f32 $-2.232672730e+02, v6  }
0x6cf: {  	v8 =	vmul.f32 $2.157385240e-07, v10;
	v4 =	vtrunc.f32 v4;
	v5 =	vand.u32 $0x7FFFFFFF, v5  }
0x6d0: {  	v7 =	vld.idx.msk [tilespmem:v7+s13+$0x0], $0xffff;
	v6 =	vtrunc.f32 v6;
	v4 =	vcvt.f32.s32 v4;
	v5 =	vmin.f32 v5, $2.300000000e+01  }
0x6d1: {  	v8 =	vadd.f32 $-2.232672730e+02, v8;
	v6 =	vcvt.f32.s32 v6;
	v5 =	vtrunc.f32 v5  }
0x6d2: {  	v10 =	vmul.f32 $2.157385240e-07, v12;
	vm12 =	vgt.s32 v4, $0x0;
	v5 =	vcvt.f32.s32 v5  }
0x6d3: {  	s3 =	sadd.s32 $0x20, s3;
	v8 =	vtrunc.f32 v8;
	vm1 =	vgt.s32 v6, $0x0;
	v4 =	vnsel vm12, $0x0, v4  }
0x6d4: {  	v58 =	vld [tilespmem:s3+$0xFFFFFFF0];
	v6 =	vnsel vm1, $0x0, v6;
	v4 =	vmin.u32 v4, $0x18;
	v5 =	vshll.u32 v5, $0x5  }
0x6d5: {  	v41 =	vld [tilespmem:s3+$0x0];
	v12 =	vadd.s32 v11, v4;
	vm13 =	vlt.f32 v59, v7;
	v7 =	vsub.f32 v54, v20  }
0x6d6: {  	v3 =	vor.u32 v3, v5;
	v5 =	vmin.u32 v6, $0x18;
	v15 =	vsel vm13, $0xFFFFFFFF, v14  }
0x6d7: {  	v6 =	vcvt.f32.s32 v8;
	v8 =	vadd.s32 v11, v5;
	v3 =	vadd.s32 v15, v3  }
0x6d8: {  	v13 =	vmul.f32 $2.157385240e-07, v13;
	v3 =	vadd.s32 v9, v3  }
0x6d9: {  	v48 =	vsub.f32 v50, v29;
	v60 =	vsub.f32 v58, v18;
	v15 =	vcvt.s32.f32 v7  }
0x6da: {  	v40 =	vmul.f32 v40, v16;
	v13 =	vadd.f32 $-2.232672730e+02, v13;
	v59 =	vsub.f32 v41, v18  }
0x6db: {  	v62 =	vsub.f32 v58, v21;
	v60 =	vand.u32 $0x7FFFFFFF, v60;
	v15 =	vmul.f32 $2.157385240e-07, v15;
	v12 =	vld.idx.msk [tilespmem:v12+s13+$0x0], $0xffff  }
0x6dc: {  	v10 =	vadd.f32 $-2.232672730e+02, v10;
	v13 =	vtrunc.f32 v13;
	v59 =	vand.u32 $0x7FFFFFFF, v59;
	v8 =	vld.idx.msk [tilespmem:v8+s13+$0x0], $0xffff  }
0x6dd: {  	vm14 =	vgt.s32 v6, $0x0;
	v59 =	vmin.f32 v59, $2.300000000e+01;
	v15 =	vadd.f32 $-2.232672730e+02, v15;
	[tilespmem:v3+s20+$0x0] =	vst.idx.add.f32.msk $0xffff, v40  }
0x6de: {  	v3 =	vmin.f32 v60, $2.300000000e+01;
	v60 =	vtrunc.f32 v59;
	v59 =	vand.u32 $0x7FFFFFFF, v62;
	v62 =	vld [tilespmem:$0x1FFB0]  }
0x6df: {  	v10 =	vtrunc.f32 v10;
	v13 =	vcvt.f32.s32 v13;
	v6 =	vnsel vm14, $0x0, v6  }
0x6e0: {  	v6 =	vmin.u32 v6, $0x18;
	v15 =	vtrunc.f32 v15;
	v60 =	vcvt.f32.s32 v60  }
0x6e1: {  	v61 =	vadd.s32 v11, v6;
	v15 =	vcvt.f32.s32 v15;
	v3 =	vtrunc.f32 v3  }
0x6e2: {  	s1 =	sadd.s32 $0x20, s1;
	vm15 =	vlt.f32 v0, v12;
	v3 =	vcvt.f32.s32 v3;
	v0 =	vshll.u32 v60, $0x5  }
0x6e3: {  	v40 =	vld [tilespmem:s1+$0x0];
	vm4 =	vgt.s32 v15, $0x0;
	vm5 =	vlt.f32 v2, v8;
	v12 =	vsel vm15, v62, v9  }
0x6e4: {  	v2 =	vshll.u32 v3, $0x5;
	v0 =	vadd.s32 v0, v12;
	v12 =	vnsel vm4, $0x0, v15  }
0x6e5: {  	v60 =	vld [tilespmem:s1+$0xFFFFFFF0];
	v8 =	vsel vm5, v62, v9;
	v0 =	vadd.s32 v4, v0;
	v4 =	vmin.u32 v12, $0x18  }
0x6e6: {  	v59 =	vmin.f32 v59, $2.300000000e+01;
	v2 =	vadd.s32 v2, v8;
	v3 =	vadd.s32 v11, v4  }
0x6e7: {  	v62 =	vsub.f32 v41, v21;
	v15 =	vtrunc.f32 v59;
	v2 =	vadd.s32 v5, v2  }
0x6e8: {  	v8 =	vmul.f32 v40, v19;
	v12 =	vcvt.f32.s32 v15;
	v15 =	vsub.f32 v54, v23  }
0x6e9: {  	v56 =	vsub.f32 v50, v32;
	vm10 =	vgt.s32 v13, $0x0;
	v5 =	vcvt.f32.s32 v10  }
0x6ea: {  	v62 =	vand.u32 $0x7FFFFFFF, v62;
	v59 =	vmul.f32 v60, v19;
	[tilespmem:v0+s20+$0x0] =	vst.idx.add.f32.msk $0xffff, v8;
	v0 =	vcvt.s32.f32 v15  }
0x6eb: {  	v10 =	vmul.f32 v60, v22;
	vm6 =	vgt.s32 v5, $0x0;
	v8 =	vsub.f32 v58, v24;
	v3 =	vld.idx.msk [tilespmem:v3+s13+$0x0], $0xffff  }
0x6ec: {  	v12 =	vshll.u32 v12, $0x5;
	v5 =	vnsel vm6, $0x0, v5;
	[tilespmem:v2+s20+$0x0] =	vst.idx.add.f32.msk $0xffff, v59;
	v0 =	vmul.f32 $2.157385240e-07, v0  }
0x6ed: {  	v5 =	vmin.u32 v5, $0x18;
	v59 =	vmin.f32 v62, $2.300000000e+01;
	v61 =	vld.idx.msk [tilespmem:v61+s13+$0x0], $0xffff;
	v8 =	vand.u32 $0x7FFFFFFF, v8  }
0x6ee: {  	v59 =	vtrunc.f32 v59;
	v8 =	vmin.f32 v8, $2.300000000e+01;
	v0 =	vadd.f32 $-2.232672730e+02, v0  }
0x6ef: {  	v2 =	vadd.s32 v11, v5;
	v59 =	vcvt.f32.s32 v59;
	v8 =	vtrunc.f32 v8  }
0x6f0: {  	v0 =	vtrunc.f32 v0;
	vm7 =	vlt.f32 v7, v3;
	v3 =	vcvt.f32.s32 v8  }
0x6f1: {  	v8 =	vshll.u32 v59, $0x5;
	v0 =	vcvt.f32.s32 v0;
	v7 =	vsel vm7, $0xFFFFFFFF, v14  }
0x6f2: {  	v62 =	vsub.f32 v58, v27;
	vm9 =	vlt.f32 v1, v61;
	v7 =	vadd.s32 v7, v8  }
0x6f3: {  	v3 =	vshll.u32 v3, $0x5;
	vm8 =	vgt.s32 v0, $0x0;
	v4 =	vadd.s32 v4, v7  }
0x6f4: {  	v3 =	vor.u32 v5, v3;
	v0 =	vnsel vm8, $0x0, v0;
	v1 =	vadd.s32 v9, v4  }
0x6f5: {  	v7 =	vsub.f32 v54, v26;
	v4 =	vsel vm9, $0xFFFFFFFF, v14;
	v0 =	vmin.u32 v0, $0x18  }
0x6f6: {  	v4 =	vadd.s32 v4, v12;
	v12 =	vcvt.s32.f32 v48;
	v5 =	vadd.s32 v11, v0  }
0x6f7: {  	v8 =	vmul.f32 v40, v22;
	v4 =	vadd.s32 v6, v4;
	v6 =	vnsel vm10, $0x0, v13  }
0x6f8: {  	v13 =	vcvt.s32.f32 v7;
	v4 =	vadd.s32 v9, v4;
	v12 =	vmul.f32 $2.157385240e-07, v12  }
0x6f9: {  	v59 =	vmul.f32 v60, v25;
	[tilespmem:v1+s20+$0x0] =	vst.idx.add.f32.msk $0xffff, v8;
	v1 =	vsub.f32 v41, v24  }
0x6fa: {  	v61 =	vand.u32 $0x7FFFFFFF, v62;
	v13 =	vmul.f32 $2.157385240e-07, v13;
	v12 =	vadd.f32 $-2.232672730e+02, v12  }
0x6fb: {  	v62 =	vcvt.s32.f32 v56;
	v6 =	vmin.u32 v6, $0x18;
	v5 =	vld.idx.msk [tilespmem:v5+s13+$0x0], $0xffff;
	v1 =	vand.u32 $0x7FFFFFFF, v1  }
0x6fc: {  	v13 =	vadd.f32 $-2.232672730e+02, v13;
	v12 =	vtrunc.f32 v12;
	v1 =	vmin.f32 v1, $2.300000000e+01  }
0x6fd: {  	v8 =	vadd.s32 v11, v6;
	[tilespmem:v4+s20+$0x0] =	vst.idx.add.f32.msk $0xffff, v10;
	v4 =	vmul.f32 v60, v28;
	v1 =	vtrunc.f32 v1  }
0x6fe: {  	v10 =	vmin.f32 v61, $2.300000000e+01;
	v13 =	vtrunc.f32 v13;
	v63 =	vcvt.f32.s32 v1  }
0x6ff: {  	v61 =	vsub.f32 v58, v30;
	v12 =	vcvt.f32.s32 v12;
	v2 =	vld.idx.msk [tilespmem:v2+s13+$0x0], $0xffff;
	v13 =	vcvt.f32.s32 v13  }
0x700: {  	v10 =	vtrunc.f32 v10;
	vm11 =	vlt.f32 v15, v5;
	v5 =	vshll.u32 v63, $0x5  }
0x701: {  	vm12 =	vgt.s32 v13, $0x0;
	v15 =	vsel vm11, $0xFFFFFFFF, v14;
	v0 =	vor.u32 v0, v5  }
0x702: {  	v5 =	vcvt.f32.s32 v10;
	v10 =	vnsel vm12, $0x0, v13;
	v0 =	vadd.s32 v15, v0  }
0x703: {  	vm14 =	vgt.s32 v12, $0x0;
	v10 =	vmin.u32 v10, $0x18;
	v0 =	vadd.s32 v9, v0  }
0x704: {  	vm13 =	vlt.f32 v57, v2;
	v57 =	vmul.f32 $2.157385240e-07, v62;
	v2 =	vshll.u32 v5, $0x5  }
0x705: {  	v5 =	vadd.s32 v11, v10;
	v13 =	vsel vm13, $0xFFFFFFFF, v14;
	v2 =	vor.u32 v6, v2  }
0x706: {  	v6 =	vsub.f32 v54, v29;
	v3 =	vadd.s32 v13, v3;
	v13 =	vmul.f32 v40, v25  }
0x707: {  	v1 =	vsub.f32 v50, v35;
	v50 =	vsub.f32 v50, v37;
	v12 =	vnsel vm14, $0x0, v12  }
0x708: {  	v57 =	vadd.f32 $-2.232672730e+02, v57;
	v15 =	vcvt.s32.f32 v6;
	[tilespmem:v0+s20+$0x0] =	vst.idx.add.f32.msk $0xffff, v13;
	v0 =	vsub.f32 v41, v27  }
0x709: {  	v12 =	vmin.u32 v12, $0x18;
	vm11 =	vlt.f32 v46, v53;
	v3 =	vadd.s32 v9, v3  }
0x70a: {  	v57 =	vtrunc.f32 v57;
	v15 =	vmul.f32 $2.157385240e-07, v15;
	v5 =	vld.idx.msk [tilespmem:v5+s13+$0x0], $0xffff;
	v0 =	vand.u32 $0x7FFFFFFF, v0  }
0x70b: {  	v57 =	vcvt.f32.s32 v57;
	v13 =	vand.u32 $0x7FFFFFFF, v61;
	v0 =	vmin.f32 v0, $2.300000000e+01  }
0x70c: {  	v61 =	vadd.s32 v11, v12;
	v15 =	vadd.f32 $-2.232672730e+02, v15;
	v0 =	vtrunc.f32 v0  }
0x70d: {  	v13 =	vmin.f32 v13, $2.300000000e+01;
	vm6 =	vgt.s32 v57, $0x0;
	v0 =	vcvt.f32.s32 v0  }
0x70e: {  	v13 =	vtrunc.f32 v13;
	[tilespmem:v3+s20+$0x0] =	vst.idx.add.f32.msk $0xffff, v59;
	v3 =	vsub.f32 v58, v33;
	v15 =	vtrunc.f32 v15  }
0x70f: {  	v8 =	vld.idx.msk [tilespmem:v8+s13+$0x0], $0xffff;
	v15 =	vcvt.f32.s32 v15;
	vm15 =	vlt.f32 v7, v5;
	v0 =	vshll.u32 v0, $0x5  }
0x710: {  	v59 =	vmul.f32 v60, v31;
	v5 =	vsel vm15, $0xFFFFFFFF, v14;
	v0 =	vor.u32 v10, v0  }
0x711: {  	v13 =	vcvt.f32.s32 v13;
	vm4 =	vgt.s32 v15, $0x0;
	v0 =	vadd.s32 v5, v0  }
0x712: {  	v3 =	vand.u32 $0x7FFFFFFF, v3;
	v5 =	vnsel vm4, $0x0, v15;
	v0 =	vadd.s32 v9, v0  }
0x713: {  	v3 =	vmin.f32 v3, $2.300000000e+01;
	v7 =	vshll.u32 v13, $0x5;
	v5 =	vmin.u32 v5, $0x18  }
0x714: {  	v13 =	vsub.f32 v54, v32;
	vm5 =	vlt.f32 v49, v8;
	v8 =	vadd.s32 v11, v5  }
0x715: {  	v3 =	vtrunc.f32 v3;
	v10 =	vsel vm5, $0xFFFFFFFF, v14;
	v15 =	vmul.f32 v40, v28  }
0x716: {  	v7 =	vor.u32 v12, v7;
	v63 =	vcvt.s32.f32 v13;
	v2 =	vadd.s32 v10, v2  }
0x717: {  	v10 =	vcvt.s32.f32 v1;
	v2 =	vadd.s32 v9, v2;
	[tilespmem:v0+s20+$0x0] =	vst.idx.add.f32.msk $0xffff, v15;
	v0 =	vsub.f32 v41, v30  }
0x718: {  	v12 =	vnsel vm6, $0x0, v57;
	v3 =	vcvt.f32.s32 v3;
	v57 =	vsub.f32 v54, v35  }
0x719: {  	v49 =	vmul.f32 $2.157385240e-07, v63;
	v10 =	vmul.f32 $2.157385240e-07, v10;
	v8 =	vld.idx.msk [tilespmem:v8+s13+$0x0], $0xffff;
	v0 =	vand.u32 $0x7FFFFFFF, v0  }
0x71a: {  	v12 =	vmin.u32 v12, $0x18;
	v3 =	vshll.u32 v3, $0x5;
	v0 =	vmin.f32 v0, $2.300000000e+01  }
0x71b: {  	v49 =	vadd.f32 $-2.232672730e+02, v49;
	v10 =	vadd.f32 $-2.232672730e+02, v10;
	v0 =	vtrunc.f32 v0  }
0x71c: {  	v3 =	vor.u32 v12, v3;
	v63 =	vsub.f32 v41, v36;
	[tilespmem:v2+s20+$0x0] =	vst.idx.add.f32.msk $0xffff, v4;
	v0 =	vcvt.f32.s32 v0  }
0x71d: {  	v49 =	vtrunc.f32 v49;
	v15 =	vadd.s32 v11, v12;
	v4 =	vtrunc.f32 v10;
	v10 =	vld.idx.msk [tilespmem:v61+s13+$0x0], $0xffff  }
0x71e: {  	v12 =	vcvt.f32.s32 v49;
	vm7 =	vlt.f32 v6, v8;
	v0 =	vshll.u32 v0, $0x5  }
0x71f: {  	v2 =	vsub.f32 v58, v36;
	v6 =	vsel vm7, $0xFFFFFFFF, v14;
	v0 =	vor.u32 v5, v0  }
0x720: {  	v4 =	vcvt.f32.s32 v4;
	vm8 =	vgt.s32 v12, $0x0;
	v0 =	vadd.s32 v6, v0  }
0x721: {  	v61 =	vcvt.s32.f32 v50;
	v5 =	vnsel vm8, $0x0, v12;
	v0 =	vadd.s32 v9, v0  }
0x722: {  	v2 =	vand.u32 $0x7FFFFFFF, v2;
	vm10 =	vlt.f32 v48, v10;
	v5 =	vmin.u32 v5, $0x18  }
0x723: {  	vm9 =	vgt.s32 v4, $0x0;
	v8 =	vsel vm10, $0xFFFFFFFF, v14;
	v6 =	vadd.s32 v11, v5  }
0x724: {  	v2 =	vmin.f32 v2, $2.300000000e+01;
	v7 =	vadd.s32 v8, v7;
	v8 =	vmul.f32 v40, v31  }
0x725: {  	v10 =	vmul.f32 $2.157385240e-07, v61;
	v12 =	vcvt.s32.f32 v57;
	v7 =	vadd.s32 v9, v7  }
0x726: {  	v46 =	vmovc v1;
	v4 =	vnsel vm9, $0x0, v4;
	v1 =	vtrunc.f32 v2;
	[tilespmem:v0+s20+$0x0] =	vst.idx.add.f32.msk $0xffff, v8;
	v0 =	vsub.f32 v41, v33  }
0x727: {  	v2 =	vsel vm11, $0xFFFFFFFF, v14;
	v8 =	vadd.f32 $-2.232672730e+02, v10;
	v10 =	vmul.f32 $2.157385240e-07, v12  }
0x728: {  	v4 =	vmin.u32 v4, $0x18;
	v1 =	vcvt.f32.s32 v1;
	v6 =	vld.idx.msk [tilespmem:v6+s13+$0x0], $0xffff;
	v0 =	vand.u32 $0x7FFFFFFF, v0  }
0x729: {  	v2 =	vadd.s32 v2, v45;
	v10 =	vadd.f32 $-2.232672730e+02, v10;
	v0 =	vmin.f32 v0, $2.300000000e+01  }
0x72a: {  	v48 =	vmul.f32 v60, v34;
	v49 =	vadd.s32 v11, v4;
	[tilespmem:v7+s20+$0x0] =	vst.idx.add.f32.msk $0xffff, v59;
	v0 =	vtrunc.f32 v0  }
0x72b: {  	v1 =	vshll.u32 v1, $0x5;
	v7 =	vld.idx.msk [tilespmem:v15+s13+$0x0], $0xffff;
	v10 =	vtrunc.f32 v10;
	v0 =	vcvt.f32.s32 v0  }
0x72c: {  	v2 =	vadd.s32 v9, v2;
	v45 =	vor.u32 v4, v1;
	v10 =	vcvt.f32.s32 v10  }
0x72d: {  	v8 =	vtrunc.f32 v8;
	vm12 =	vlt.f32 v13, v6;
	v0 =	vshll.u32 v0, $0x5  }
0x72e: {  	v1 =	vsel vm12, $0xFFFFFFFF, v14;
	vm13 =	vgt.s32 v10, $0x0;
	v0 =	vor.u32 v5, v0  }
0x72f: {  	v8 =	vcvt.f32.s32 v8;
	v0 =	vadd.s32 v1, v0;
	v1 =	vnsel vm13, $0x0, v10  }
0x730: {  	s4 =	sadd.s32 $0x20, s4;
	vm15 =	vlt.f32 v56, v7;
	v0 =	vadd.s32 v9, v0;
	v1 =	vmin.u32 v1, $0x18  }
0x731: {  	p2 =	slt.u32 s4, s0;
	vm14 =	vgt.s32 v8, $0x0;
	v6 =	vsel vm15, $0xFFFFFFFF, v14;
	v7 =	vadd.s32 v11, v1  }
.Ltmp28:
0x732: {  	v59 =	vsub.f32 v54, v37;
	v5 =	vnsel vm14, $0x0, v8;
	v3 =	vadd.s32 v6, v3;
	(pc) =	sbr.rel @p2 .LBB2_50-.Ltmp28, $4  }
0x733: {  	[tilespmem:v2+s20+$0x0] =	vst.idx.add.f32.msk $0xffff, v43;
	v8 =	vmul.f32 v40, v34;
	v2 =	vmin.u32 v5, $0x18;
	v5 =	vsub.f32 v58, v39  }
0x734: {  	v43 =	vmul.f32 v60, v38;
	v4 =	vld.idx.msk [tilespmem:v44+s13+$0x0], $0xffff;
	v53 =	vadd.s32 v9, v3;
	v3 =	vcvt.s32.f32 v59  }
0x735: {  	v56 =	vadd.s32 v9, v55;
	v6 =	vmul.f32 v60, v16;
	v5 =	vand.u32 $0x7FFFFFFF, v5;
	[tilespmem:v0+s20+$0x0] =	vst.idx.add.f32.msk $0xffff, v8  }
0x736: {  	s5 =	sadd.s32 $0x20, s5;
	v44 =	vadd.s32 v11, v2;
	v61 =	vmul.f32 $2.157385240e-07, v3;
	v60 =	vmin.f32 v5, $2.300000000e+01;
	v58 =	vld.idx.msk [tilespmem:v7+s13+$0x0], $0xffff  }
0x737: {  	v62 =	vmov v42;
	v3 =	vmov v47;
	v10 =	vmov v52  }
0x738: {  	v52 =	vmovc v51;
	v42 =	vmovc v6;
	v54 =	vmov v31;
	v31 =	vmov v33;
	v33 =	vmov v34  }
0x739: {  	v34 =	vmovc v35;
	v35 =	vmovc v36;
	v36 =	vmov v38;
	v38 =	vmov v39;
	v39 =	vmov v16  }
.LBB2_52:
0x73a: {  	_ =	sdelay $0x2  }
0x73b: {  	v0 =	vand.u32 $0x7FFFFFFF, v63  }
0x73c: {  	v5 =	vadd.f32 $-2.232672730e+02, v61;
	[tilespmem:v53+s20+$0x0] =	vst.idx.add.f32.msk $0xffff, v48;
	v0 =	vmin.f32 v0, $2.300000000e+01  }
0x73d: {  	v6 =	vld.idx.msk [tilespmem:v49+s13+$0x0], $0xffff;
	v0 =	vtrunc.f32 v0  }
0x73e: {  	v5 =	vtrunc.f32 v5;
	v0 =	vcvt.f32.s32 v0  }
0x73f: {  	v5 =	vcvt.f32.s32 v5  }
0x740: {  	vm0 =	vlt.f32 v57, v58;
	v0 =	vshll.u32 v0, $0x5  }
0x741: {  	v7 =	vsel vm0, $0xFFFFFFFF, v14;
	vm12 =	vgt.s32 v5, $0x0;
	v0 =	vor.u32 v1, v0  }
0x742: {  	vm13 =	vlt.f32 v46, v6;
	v0 =	vadd.s32 v7, v0;
	v7 =	vnsel vm12, $0x0, v5  }
0x743: {  	v47 =	vsel vm13, $0xFFFFFFFF, v14;
	v0 =	vadd.s32 v9, v0;
	v1 =	vmin.u32 v7, $0x18  }
0x744: {  	v5 =	vadd.s32 v47, v45;
	v48 =	vadd.s32 v11, v1  }
0x745: {  	v5 =	vadd.s32 v9, v5  }
0x746: {  	v49 =	vmul.f32 v40, v36  }
0x747: {  	v8 =	vsub.f32 v41, v38  }
0x748: {  	[tilespmem:v0+s20+$0x0] =	vst.idx.add.f32.msk $0xffff, v49  }
0x749: {  	v51 =	vand.u32 $0x7FFFFFFF, v8;
	v0 =	vld.idx.msk [tilespmem:v48+s13+$0x0], $0xffff  }
0x74a: {  	v53 =	vtrunc.f32 v60;
	v6 =	vmin.f32 v51, $2.300000000e+01;
	[tilespmem:v5+s20+$0x0] =	vst.idx.add.f32.msk $0xffff, v43  }
0x74b: {  	v57 =	vcvt.f32.s32 v53;
	v6 =	vtrunc.f32 v6;
	v55 =	vld.idx.msk [tilespmem:v44+s13+$0x0], $0xffff  }
0x74c: {  	v58 =	vcvt.f32.s32 v6  }
0x74d: {  	vm0 =	vlt.f32 @p0 v3, v4;
	v3 =	vshll.u32 v57, $0x5  }
0x74e: {  	v2 =	vor.u32 v2, v3;
	vm14 =	vlt.f32 v59, v0;
	v59 =	vshll.u32 v58, $0x5  }
0x74f: {  	v5 =	vsel @p0 vm0, $0xFFFFFFFF, v14;
	v60 =	vsel vm14, $0xFFFFFFFF, v14;
	v0 =	vor.u32 v1, v59  }
0x750: {  	v1 =	vadd.s32 @p0 v5, v10;
	vm15 =	vlt.f32 v50, v55;
	v0 =	vadd.s32 v60, v0  }
0x751: {  	v1 =	vadd.s32 @p0 v9, v1;
	v61 =	vsel vm15, $0xFFFFFFFF, v14;
	v0 =	vadd.s32 v9, v0  }
0x752: {  	v2 =	vadd.s32 v61, v2;
	v1 =	vpsel p0, v1, v0  }
0x753: {  	v2 =	vadd.s32 v9, v2  }
0x754: {  	v63 =	vmul.f32 v40, v39  }
0x755: {  	[tilespmem:v56+s20+$0x0] =	vst.idx.add.f32.msk @p1 $0xffff, v62;
	v4 =	vmov @p0 v52  }
0x756: {  	[tilespmem:v0+s20+$0x0] =	vst.idx.add.f32.msk $0xffff, v63;
	v0 =	vpsel p0, v4, v0  }
0x757: {  	[tilespmem:v1+s20+$0x0] =	vst.idx.add.f32.msk @p0 $0xffff, v0  }
0x758: {  	[tilespmem:v2+s20+$0x0] =	vst.idx.add.f32.msk $0xffff, v42  }
0x759: {  	v13 =	vld [tilespmem:$0x1FFB0]  }
.LBB2_27:
0x75a: {  	p0 =	sgt.u32 s0, $0x1FF  }
.Ltmp29:
0x75b: {  	_ = 	snop;
	(pc) =	sbr.rel @p0 .LBB2_30-.Ltmp29, $1  }
0x75c: {  	_ =	sdelay $0x3  }
0x75d: {  	s0 =	sand.u32 $0xFFFFFFE0, s28  }
0x75e: {  	s4 =	sand.u32 $0x3FFFFFE0, s28;
	s0 =	sadd.s32 s0, s26  }
0x75f: {  	s1 =	sadd.s32 s4, s29;
	s3 =	sadd.s32 s4, s30;
	s4 =	sadd.s32 s4, s31  }
.LBB2_29:
0x760: {  	v40 =	vld [tilespmem:s4+$0x0];
	_ =	sdelay $0x4  }
0x761: {  	v0 =	vsub.f32 v40, v17;
	_ =	sdelay $0x1  }
0x762: {  	v1 =	vcvt.s32.f32 v0;
	_ =	sdelay $0x1  }
0x763: {  	v1 =	vmul.f32 $2.157385240e-07, v1;
	_ =	sdelay $0x1  }
0x764: {  	v1 =	vadd.f32 $-2.232672730e+02, v1;
	_ =	sdelay $0x1  }
0x765: {  	v1 =	vtrunc.f32 v1  }
0x766: {  	v1 =	vcvt.f32.s32 v1;
	_ =	sdelay $0x1  }
0x767: {  	vm0 =	vgt.s32 v1, $0x0  }
0x768: {  	v2 =	vnsel vm0, $0x0, v1  }
0x769: {  	v1 =	vld [tilespmem:s3+$0x0];
	v3 =	vmin.u32 v2, $0x18  }
0x76a: {  	v4 =	vsub.f32 v40, v20;
	v2 =	vadd.s32 v11, v3;
	_ =	sdelay $0x1  }
0x76b: {  	v5 =	vcvt.s32.f32 v4;
	_ =	sdelay $0x1  }
0x76c: {  	v5 =	vmul.f32 $2.157385240e-07, v5;
	v6 =	vsub.f32 v1, v18  }
0x76d: {  	v2 =	vld.idx.msk [tilespmem:v2+s13+$0x0], $0xffff  }
0x76e: {  	v5 =	vadd.f32 $-2.232672730e+02, v5;
	v6 =	vand.u32 $0x7FFFFFFF, v6  }
0x76f: {  	v6 =	vmin.f32 v6, $2.300000000e+01  }
0x770: {  	v5 =	vtrunc.f32 v5;
	v6 =	vtrunc.f32 v6  }
0x771: {  	v5 =	vcvt.f32.s32 v5;
	v6 =	vcvt.f32.s32 v6  }
0x772: {  	vm13 =	vlt.f32 v0, v2  }
0x773: {  	vm14 =	vgt.s32 v5, $0x0;
	v2 =	vld [tilespmem:s1+$0x0];
	v44 =	vshll.u32 v6, $0x5;
	v45 =	vsel vm13, v13, v9  }
0x774: {  	v5 =	vnsel vm14, $0x0, v5;
	v0 =	vadd.s32 v44, v45  }
0x775: {  	v46 =	vmin.u32 v5, $0x18;
	v0 =	vadd.s32 v3, v0  }
0x776: {  	v5 =	vadd.s32 v11, v46  }
0x777: {  	v47 =	vsub.f32 v40, v23  }
0x778: {  	v7 =	vmul.f32 v2, v19  }
0x779: {  	v8 =	vcvt.s32.f32 v47  }
0x77a: {  	v48 =	vsub.f32 v1, v21;
	[tilespmem:v0+s20+$0x0] =	vst.idx.add.f32.msk $0xffff, v7  }
0x77b: {  	v49 =	vmul.f32 $2.157385240e-07, v8;
	v5 =	vld.idx.msk [tilespmem:v5+s13+$0x0], $0xffff  }
0x77c: {  	v0 =	vand.u32 $0x7FFFFFFF, v48  }
0x77d: {  	v7 =	vadd.f32 $-2.232672730e+02, v49;
	v0 =	vmin.f32 v0, $2.300000000e+01  }
0x77e: {  	v0 =	vtrunc.f32 v0  }
0x77f: {  	v7 =	vtrunc.f32 v7;
	v0 =	vcvt.f32.s32 v0  }
0x780: {  	v50 =	vcvt.f32.s32 v7;
	vm15 =	vlt.f32 v4, v5  }
0x781: {  	v0 =	vshll.u32 v0, $0x5;
	v5 =	vsel vm15, $0xFFFFFFFF, v14  }
0x782: {  	vm4 =	vgt.s32 v50, $0x0;
	v0 =	vadd.s32 v5, v0  }
0x783: {  	v51 =	vnsel vm4, $0x0, v50;
	v0 =	vadd.s32 v46, v0  }
0x784: {  	v3 =	vmin.u32 v51, $0x18;
	v0 =	vadd.s32 v9, v0  }
0x785: {  	v53 =	vsub.f32 v40, v26;
	v52 =	vadd.s32 v11, v3;
	_ =	sdelay $0x1  }
0x786: {  	v8 =	vcvt.s32.f32 v53;
	v55 =	vmul.f32 v2, v22  }
0x787: {  	v10 =	vsub.f32 v1, v24  }
0x788: {  	v56 =	vmul.f32 $2.157385240e-07, v8;
	[tilespmem:v0+s20+$0x0] =	vst.idx.add.f32.msk $0xffff, v55  }
0x789: {  	v57 =	vand.u32 $0x7FFFFFFF, v10;
	v4 =	vld.idx.msk [tilespmem:v52+s13+$0x0], $0xffff  }
0x78a: {  	v7 =	vmin.f32 v57, $2.300000000e+01;
	v0 =	vadd.f32 $-2.232672730e+02, v56  }
0x78b: {  	v7 =	vtrunc.f32 v7  }
0x78c: {  	v7 =	vcvt.f32.s32 v7;
	v0 =	vtrunc.f32 v0  }
0x78d: {  	v0 =	vcvt.f32.s32 v0  }
0x78e: {  	v58 =	vshll.u32 v7, $0x5;
	vm5 =	vlt.f32 v47, v4  }
0x78f: {  	v3 =	vor.u32 v3, v58;
	vm6 =	vgt.s32 v0, $0x0;
	v6 =	vsel vm5, $0xFFFFFFFF, v14  }
0x790: {  	v0 =	vnsel vm6, $0x0, v0;
	v3 =	vadd.s32 v6, v3  }
0x791: {  	v0 =	vmin.u32 v0, $0x18;
	v3 =	vadd.s32 v9, v3  }
0x792: {  	v60 =	vsub.f32 v40, v29;
	v59 =	vadd.s32 v11, v0;
	_ =	sdelay $0x1  }
0x793: {  	v8 =	vcvt.s32.f32 v60;
	v61 =	vmul.f32 v2, v25  }
0x794: {  	v10 =	vsub.f32 v1, v27  }
0x795: {  	v62 =	vmul.f32 $2.157385240e-07, v8;
	[tilespmem:v3+s20+$0x0] =	vst.idx.add.f32.msk $0xffff, v61  }
0x796: {  	v63 =	vand.u32 $0x7FFFFFFF, v10;
	v4 =	vld.idx.msk [tilespmem:v59+s13+$0x0], $0xffff  }
0x797: {  	v7 =	vmin.f32 v63, $2.300000000e+01;
	v3 =	vadd.f32 $-2.232672730e+02, v62  }
0x798: {  	v7 =	vtrunc.f32 v7  }
0x799: {  	v7 =	vcvt.f32.s32 v7;
	v3 =	vtrunc.f32 v3  }
0x79a: {  	v3 =	vcvt.f32.s32 v3  }
0x79b: {  	v41 =	vshll.u32 v7, $0x5;
	vm7 =	vlt.f32 v53, v4  }
0x79c: {  	v0 =	vor.u32 v0, v41;
	vm8 =	vgt.s32 v3, $0x0;
	v5 =	vsel vm7, $0xFFFFFFFF, v14  }
0x79d: {  	v3 =	vnsel vm8, $0x0, v3;
	v0 =	vadd.s32 v5, v0  }
0x79e: {  	v3 =	vmin.u32 v3, $0x18;
	v0 =	vadd.s32 v9, v0  }
0x79f: {  	v43 =	vsub.f32 v40, v32;
	v42 =	vadd.s32 v11, v3;
	_ =	sdelay $0x1  }
0x7a0: {  	v8 =	vcvt.s32.f32 v43;
	v44 =	vmul.f32 v2, v28  }
0x7a1: {  	v10 =	vsub.f32 v1, v30  }
0x7a2: {  	v45 =	vmul.f32 $2.157385240e-07, v8;
	[tilespmem:v0+s20+$0x0] =	vst.idx.add.f32.msk $0xffff, v44  }
0x7a3: {  	v46 =	vand.u32 $0x7FFFFFFF, v10;
	v4 =	vld.idx.msk [tilespmem:v42+s13+$0x0], $0xffff  }
0x7a4: {  	v7 =	vmin.f32 v46, $2.300000000e+01;
	v0 =	vadd.f32 $-2.232672730e+02, v45  }
0x7a5: {  	v7 =	vtrunc.f32 v7  }
0x7a6: {  	v7 =	vcvt.f32.s32 v7;
	v0 =	vtrunc.f32 v0  }
0x7a7: {  	v0 =	vcvt.f32.s32 v0  }
0x7a8: {  	v47 =	vshll.u32 v7, $0x5;
	vm9 =	vlt.f32 v60, v4  }
0x7a9: {  	v3 =	vor.u32 v3, v47;
	vm10 =	vgt.s32 v0, $0x0;
	v6 =	vsel vm9, $0xFFFFFFFF, v14  }
0x7aa: {  	v0 =	vnsel vm10, $0x0, v0;
	v3 =	vadd.s32 v6, v3  }
0x7ab: {  	v0 =	vmin.u32 v0, $0x18;
	v3 =	vadd.s32 v9, v3  }
0x7ac: {  	v49 =	vsub.f32 v40, v34;
	v48 =	vadd.s32 v11, v0;
	_ =	sdelay $0x1  }
0x7ad: {  	v8 =	vcvt.s32.f32 v49;
	v50 =	vmul.f32 v2, v54  }
0x7ae: {  	v10 =	vsub.f32 v1, v31  }
0x7af: {  	v51 =	vmul.f32 $2.157385240e-07, v8;
	[tilespmem:v3+s20+$0x0] =	vst.idx.add.f32.msk $0xffff, v50  }
0x7b0: {  	v52 =	vand.u32 $0x7FFFFFFF, v10;
	v4 =	vld.idx.msk [tilespmem:v48+s13+$0x0], $0xffff  }
0x7b1: {  	v7 =	vmin.f32 v52, $2.300000000e+01;
	v3 =	vadd.f32 $-2.232672730e+02, v51  }
0x7b2: {  	v7 =	vtrunc.f32 v7  }
0x7b3: {  	v7 =	vcvt.f32.s32 v7;
	v3 =	vtrunc.f32 v3  }
0x7b4: {  	v3 =	vcvt.f32.s32 v3  }
0x7b5: {  	v53 =	vshll.u32 v7, $0x5;
	vm11 =	vlt.f32 v43, v4  }
0x7b6: {  	v0 =	vor.u32 v0, v53;
	vm12 =	vgt.s32 v3, $0x0;
	v5 =	vsel vm11, $0xFFFFFFFF, v14  }
0x7b7: {  	v3 =	vnsel vm12, $0x0, v3;
	v0 =	vadd.s32 v5, v0  }
0x7b8: {  	v3 =	vmin.u32 v3, $0x18;
	v0 =	vadd.s32 v9, v0  }
0x7b9: {  	v56 =	vsub.f32 v40, v37;
	v55 =	vadd.s32 v11, v3;
	_ =	sdelay $0x1  }
0x7ba: {  	v57 =	vmul.f32 v2, v33;
	v8 =	vcvt.s32.f32 v56  }
0x7bb: {  	v10 =	vsub.f32 v1, v35  }
0x7bc: {  	v58 =	vmul.f32 $2.157385240e-07, v8;
	[tilespmem:v0+s20+$0x0] =	vst.idx.add.f32.msk $0xffff, v57  }
0x7bd: {  	v59 =	vand.u32 $0x7FFFFFFF, v10;
	v4 =	vld.idx.msk [tilespmem:v55+s13+$0x0], $0xffff  }
0x7be: {  	v7 =	vmin.f32 v59, $2.300000000e+01;
	v0 =	vadd.f32 $-2.232672730e+02, v58  }
0x7bf: {  	v7 =	vtrunc.f32 v7  }
0x7c0: {  	v7 =	vcvt.f32.s32 v7;
	v0 =	vtrunc.f32 v0  }
0x7c1: {  	v0 =	vcvt.f32.s32 v0  }
0x7c2: {  	v60 =	vshll.u32 v7, $0x5;
	vm13 =	vlt.f32 v49, v4  }
0x7c3: {  	v3 =	vor.u32 v3, v60;
	vm14 =	vgt.s32 v0, $0x0;
	v6 =	vsel vm13, $0xFFFFFFFF, v14  }
0x7c4: {  	v0 =	vnsel vm14, $0x0, v0;
	v3 =	vadd.s32 v6, v3  }
0x7c5: {  	v0 =	vmin.u32 v0, $0x18;
	v3 =	vadd.s32 v9, v3  }
0x7c6: {  	v61 =	vadd.s32 v11, v0;
	_ =	sdelay $0x1  }
0x7c7: {  	v62 =	vmul.f32 v2, v36  }
0x7c8: {  	v1 =	vsub.f32 v1, v38  }
0x7c9: {  	[tilespmem:v3+s20+$0x0] =	vst.idx.add.f32.msk $0xffff, v62  }
0x7ca: {  	v1 =	vand.u32 $0x7FFFFFFF, v1;
	v3 =	vld.idx.msk [tilespmem:v61+s13+$0x0], $0xffff  }
0x7cb: {  	v1 =	vmin.f32 v1, $2.300000000e+01  }
0x7cc: {  	v1 =	vtrunc.f32 v1  }
0x7cd: {  	v1 =	vcvt.f32.s32 v1;
	_ =	sdelay $0x1  }
0x7ce: {  	v1 =	vshll.u32 v1, $0x5;
	vm15 =	vlt.f32 v56, v3  }
0x7cf: {  	v0 =	vor.u32 v0, v1;
	v3 =	vsel vm15, $0xFFFFFFFF, v14  }
0x7d0: {  	s0 =	sadd.s32 $0x10, s0;
	v0 =	vadd.s32 v3, v0  }
0x7d1: {  	p0 =	slt.u32 s0, $0x1F0;
	v0 =	vadd.s32 v9, v0  }
.Ltmp30:
0x7d2: {  	_ = 	snop;
	(pc) =	sbr.rel @p0 .LBB2_29-.Ltmp30, $3  }
0x7d3: {  	_ = 	snop  }
0x7d4: {  	v63 =	vmul.f32 v2, v39;
	_ =	sdelay $0x1  }
0x7d5: {  	s4 =	sadd.s32 $0x10, s4;
	s3 =	sadd.s32 $0x10, s3;
	s1 =	sadd.s32 $0x10, s1;
	[tilespmem:v0+s20+$0x0] =	vst.idx.add.f32.msk $0xffff, v63  }
.Ltmp31:
0x7d6: {  	_ = 	snop;
	(pc) =	sbr.rel .LBB2_30-.Ltmp31, $1  }
0x7d7: {  	_ =	sdelay $0x3  }
.LBB2_45:
.Ltmp32:
0x7d8: {  	(pc) =	sbr.rel .LBB2_52-.Ltmp32, $2  }
0x7d9: {  	_ =	sdelay $0x2  }
0x7da: {  	_ = 	snop  }
.LBB2_47:
.Ltmp33:
0x7db: {  	(pc) =	sbr.rel .LBB2_52-.Ltmp33, $3  }
0x7dc: {  	_ =	sdelay $0x1  }
0x7dd: {  	v46 =	vld [tilespmem:$0x1FE80]  }
0x7de: {  	v3 =	vmovc v50;
	v52 =	vmov v42;
	v50 =	vmov v47;
	v42 =	vmov v51;
	v10 =	vld [tilespmem:$0x1FE40]  }
.LBB2_49:
.Ltmp34:
0x7df: {  	(pc) =	sbr.rel .LBB2_52-.Ltmp34, $4  }
0x7e0: {  	_ = 	snop  }
0x7e1: {  	v62 =	vmov v42;
	v3 =	vmov v47;
	v10 =	vmov v52  }
0x7e2: {  	v52 =	vmovc v51;
	v42 =	vmovc v6;
	v54 =	vmov v31;
	v31 =	vmov v33;
	v33 =	vmov v34  }
0x7e3: {  	v34 =	vmovc v35;
	v35 =	vmovc v36;
	v36 =	vmov v38;
	v38 =	vmov v39;
	v39 =	vmov v16  }
.LBB2_31:
0x7e4: {  	s0 =	simm.s32 $0x1F88  }
0x7e5: {  	v0 =	vld [tilespmem:s0+$0xFFFFE808]  }
0x7e6: {  	v1 =	vld [tilespmem:s0+$0xFFFFEB09]  }
0x7e7: {  	v2 =	vld [tilespmem:s0+$0xFFFFEAF9]  }
0x7e8: {  	v3 =	vld [tilespmem:s0+$0xFFFFEE0A]  }
0x7e9: {  	v4 =	vld [tilespmem:s0+$0xFFFFE7F8]  }
0x7ea: {  	v5 =	vld [tilespmem:s0+$0xFFFFF10B]  }
0x7eb: {  	v6 =	vld [tilespmem:s0+$0xFFFFEDFA];
	v0 =	vadd.f32 v1, v0  }
0x7ec: {  	v1 =	vld [tilespmem:s0+$0xFFFFF40C]  }
0x7ed: {  	v7 =	vld [tilespmem:s0+$0xFFFFF0FB];
	v0 =	vadd.f32 v3, v0  }
0x7ee: {  	v2 =	vadd.f32 v2, v4;
	v3 =	vld [tilespmem:s0+$0xFFFFF70D]  }
0x7ef: {  	v4 =	vld [tilespmem:s0+$0xFFFFF3FC];
	v0 =	vadd.f32 v5, v0  }
0x7f0: {  	v2 =	vadd.f32 v6, v2;
	v5 =	vld [tilespmem:s0+$0xFFFFFA0E]  }
0x7f1: {  	v6 =	vld [tilespmem:s0+$0xFFFFF6FD];
	v0 =	vadd.f32 v1, v0  }
0x7f2: {  	v1 =	vadd.f32 v7, v2;
	v2 =	vld [tilespmem:s0+$0xFFFFFD0F]  }
0x7f3: {  	v7 =	vld [tilespmem:s0+$0xFFFFF9FE];
	v0 =	vadd.f32 v3, v0  }
0x7f4: {  	v1 =	vadd.f32 v4, v1;
	v3 =	vld [tilespmem:s0+$0x10]  }
0x7f5: {  	v4 =	vld [tilespmem:s0+$0xFFFFFCFF];
	v0 =	vadd.f32 v5, v0  }
0x7f6: {  	v1 =	vadd.f32 v6, v1;
	v5 =	vld [tilespmem:s0+$0x311]  }
0x7f7: {  	v6 =	vld [tilespmem:s0+$0x0];
	v0 =	vadd.f32 v2, v0  }
0x7f8: {  	v1 =	vadd.f32 v7, v1;
	v2 =	vld [tilespmem:s0+$0x612]  }
0x7f9: {  	v7 =	vld [tilespmem:s0+$0x301];
	v0 =	vadd.f32 v3, v0  }
0x7fa: {  	v1 =	vadd.f32 v4, v1;
	v3 =	vld [tilespmem:s0+$0x913]  }
0x7fb: {  	v4 =	vld [tilespmem:s0+$0x602];
	v0 =	vadd.f32 v5, v0  }
0x7fc: {  	v1 =	vadd.f32 v6, v1;
	v5 =	vld [tilespmem:s0+$0xC14]  }
0x7fd: {  	v6 =	vld [tilespmem:s0+$0x903];
	v0 =	vadd.f32 v2, v0  }
0x7fe: {  	v1 =	vadd.f32 v7, v1;
	v7 =	vld [tilespmem:s0+$0xF15]  }
0x7ff: {  	v8 =	vld [tilespmem:s0+$0xC04];
	v0 =	vadd.f32 v3, v0  }
0x800: {  	v3 =	vadd.f32 v4, v1;
	v1 =	vld [tilespmem:s0+$0x1216]  }
0x801: {  	v2 =	vld [tilespmem:s0+$0xF05];
	v0 =	vadd.f32 v5, v0  }
0x802: {  	v5 =	vadd.f32 v6, v3;
	v3 =	vld [tilespmem:s0+$0x1517]  }
0x803: {  	v4 =	vld [tilespmem:s0+$0x1206];
	v16 =	vadd.f32 v7, v0  }
0x804: {  	s1 =	simm.s32 $0x0;
	s3 =	simm.s32 $0x1FA8;
	v6 =	vld [tilespmem:s0+$0x1507];
	v17 =	vadd.f32 v8, v5  }
.LBB2_32:
0x805: {  	v0 =	vld [tilespmem:s3+$0xFFFFE808];
	v1 =	vadd.f32 v1, v16  }
0x806: {  	s1 =	sadd.s32 $0x2, s1;
	v5 =	vld [tilespmem:s3+$0xFFFFEB09];
	v2 =	vadd.f32 v2, v17  }
0x807: {  	p0 =	slt.u32 s1, $0x2E;
	v7 =	vld [tilespmem:s3+$0xFFFFEAF9];
	v1 =	vadd.f32 v3, v1  }
0x808: {  	v3 =	vld [tilespmem:s3+$0xFFFFEE0A];
	v2 =	vadd.f32 v4, v2  }
0x809: {  	v4 =	vld [tilespmem:s3+$0xFFFFE7F8];
	[tilespmem:s0+$0xFFFFE808] =	vst v1  }
0x80a: {  	v1 =	vld [tilespmem:s3+$0xFFFFF10B];
	v2 =	vadd.f32 v6, v2  }
0x80b: {  	v6 =	vld [tilespmem:s3+$0xFFFFEDFA];
	v0 =	vadd.f32 v5, v0  }
0x80c: {  	v5 =	vld [tilespmem:s3+$0xFFFFF40C];
	[tilespmem:s0+$0xFFFFE7F8] =	vst v2;
	s0 =	smov.u32 s3  }
0x80d: {  	v2 =	vld [tilespmem:s3+$0xFFFFF0FB];
	v0 =	vadd.f32 v3, v0  }
0x80e: {  	v3 =	vadd.f32 v7, v4;
	v4 =	vld [tilespmem:s3+$0xFFFFF70D]  }
0x80f: {  	v7 =	vld [tilespmem:s3+$0xFFFFF3FC];
	v0 =	vadd.f32 v1, v0  }
0x810: {  	v1 =	vadd.f32 v6, v3;
	v3 =	vld [tilespmem:s3+$0xFFFFFA0E]  }
0x811: {  	v6 =	vld [tilespmem:s3+$0xFFFFF6FD];
	v0 =	vadd.f32 v5, v0  }
0x812: {  	v1 =	vadd.f32 v2, v1;
	v2 =	vld [tilespmem:s3+$0xFFFFFD0F]  }
0x813: {  	v5 =	vld [tilespmem:s3+$0xFFFFF9FE];
	v0 =	vadd.f32 v4, v0  }
0x814: {  	v1 =	vadd.f32 v7, v1;
	v4 =	vld [tilespmem:s3+$0x10]  }
0x815: {  	v7 =	vld [tilespmem:s3+$0xFFFFFCFF];
	v0 =	vadd.f32 v3, v0  }
0x816: {  	v1 =	vadd.f32 v6, v1;
	v3 =	vld [tilespmem:s3+$0x311]  }
0x817: {  	v6 =	vld [tilespmem:s3+$0x0];
	v0 =	vadd.f32 v2, v0  }
0x818: {  	v1 =	vadd.f32 v5, v1;
	v2 =	vld [tilespmem:s3+$0x612]  }
0x819: {  	v5 =	vld [tilespmem:s3+$0x301];
	v0 =	vadd.f32 v4, v0  }
0x81a: {  	v1 =	vadd.f32 v7, v1;
	v4 =	vld [tilespmem:s3+$0x913]  }
0x81b: {  	v7 =	vld [tilespmem:s3+$0x602];
	v0 =	vadd.f32 v3, v0  }
0x81c: {  	v1 =	vadd.f32 v6, v1;
	v3 =	vld [tilespmem:s3+$0xC14]  }
0x81d: {  	v6 =	vld [tilespmem:s3+$0x903];
	v0 =	vadd.f32 v2, v0  }
0x81e: {  	v1 =	vadd.f32 v5, v1;
	v5 =	vld [tilespmem:s3+$0xF15]  }
0x81f: {  	v8 =	vld [tilespmem:s3+$0xC04];
	v0 =	vadd.f32 v4, v0  }
.Ltmp35:
0x820: {  	v4 =	vadd.f32 v7, v1;
	v1 =	vld [tilespmem:s3+$0x1216];
	(pc) =	sbr.rel @p0 .LBB2_32-.Ltmp35, $4  }
0x821: {  	v2 =	vld [tilespmem:s3+$0xF05];
	v0 =	vadd.f32 v3, v0  }
0x822: {  	v6 =	vadd.f32 v6, v4;
	v3 =	vld [tilespmem:s3+$0x1517]  }
0x823: {  	v4 =	vld [tilespmem:s3+$0x1206];
	v16 =	vadd.f32 v5, v0  }
0x824: {  	s3 =	sadd.s32 $0x20, s3;
	v17 =	vadd.f32 v8, v6;
	v6 =	vld [tilespmem:s0+$0x1507]  }
0x825: {  	_ = 	snop  }
0x826: {  	v0 =	vadd.f32 v2, v17  }
0x827: {  	v1 =	vadd.f32 v1, v16  }
0x828: {  	v0 =	vadd.f32 v4, v0  }
0x829: {  	v1 =	vadd.f32 v3, v1  }
0x82a: {  	v0 =	vadd.f32 v6, v0  }
0x82b: {  	s21 =	sadd.s32 $0x1, s21;
	[tilespmem:s0+$0xFFFFE808] =	vst v1  }
0x82c: {  	p0 =	sne.s32 s21, s12;
	[tilespmem:s0+$0xFFFFE7F8] =	vst v0  }
0x82d: {  	[hbm4b:s11+s15] =	stream.strided.scatter [tilespmem:s20], [sflag:$0x1], $0x300, s16, s15, $0x38;
	[tilespmem:$0x3B00] =	vst v63  }
.Ltmp36:
0x82e: {  	_ =	swait.ge [sflag:s14], $0x300;
	(pc) =	sbr.rel @p0 .LBB2_1-.Ltmp36, $4  }
0x82f: {  	v8 =	vld [tilespmem:$0x1FFC0]  }
0x830: {  	v5 =	vld [tilespmem:$0x1FFD0]  }
0x831: {  	[sflag:s14] =	ssyncset.done $0x0;
	v7 =	vld [tilespmem:$0x1FFE0]  }
0x832: {  	v0 =	vimm.f32 $0.0e+00;
	v10 =	vld [tilespmem:$0x1FFF0];
	[sflag:s14] =	ssyncadd.s32 $0xFFFFFD00  }
0x833: {  	_ =	sfence.sel $0x180000  }
0x834: {  	[bflag:$0x0] =	sbarrier.arrive $0xFFFF  }
0x835: {  	_ =	strace $0x90000047  }
0x836: {  	s0 =	stileid.u32;
	[bflag:$0x2] =	sbarrier.arrive $0xFFFF  }
0x837: {  	p0 =	sne.s32 s0, $0x0;
	s0 =	rddreg [dreg:$0x3]  }
0x838: {  	s0 =	sadd.s32 @!p0 $0x100000, s0  }
0x839: {  	[sflag:s0] =	ssyncadd.tile.s32 @!p0 $0x1;
	_ =	shalt  }
.Lfunc_end2:
_tile_overlayer_lowered:
.L_overlay_start_2:
0x83a: {  	(tag) =	ssettag $0x2  }
0x83b: {  	s0 =	rddreg [dreg:$0x0];
	s2 =	stileid.u32  }
0x83c: {  	s1 =	rddreg [dreg:$0x1];
	p0 =	sne.s32 s2, $0x0  }
0x83d: {  	s3 =	rddreg [dreg:$0x2];
	[bflag:$0x3] =	sbarrier.arrive $0xFFFF;
	s2 =	simm.s32 @!p0 $0x1C01  }
0x83e: {  	[timem:s3], [sflag:s2] =	dma.local @!p0 [hbm:s0], s1  }
0x83f: {  	s0 =	simm.s32 @!p0 $0x1  }
0x840: {  	_ =	swait.ge @!p0 [sflag:s0], s1  }
0x841: {  	s1 =	ssub.s32 @!p0 $0x0, s1;
	[sflag:s0] =	ssyncset.done @!p0 $0x0  }
0x842: {  	[sflag:s0] =	ssyncadd.s32 @!p0 s1  }
0x843: {  	[bflag:$0x3] =	sbarrier.arrive $0xFFFF  }
0x844: {  	_ =	shalt  }

</sc_bundles>
